<compile_context>
chip_gen: v7x
topology: tpu7x:2x2x1
jax: 0.10.2.dev20260603
libtpu: 0.0.44.dev20260713+nightly
codegen_flags: <defaults>
</compile_context>

<pallas_src>
import functools

import jax
import jax.numpy as jnp
from jax import lax
from jax.experimental import pallas as pl
from jax.experimental.pallas import tpu as pltpu
from jax.experimental.pallas import tpu_sc as plsc

N_USER = 25000
N_ITEM = 25000
N = N_USER + N_ITEM
E = 800000
D = 64
B = 4096
L = 16

NC = 2
NS = 16
NW = NC * NS

E_PAD = 819200
EPT = E_PAD // NW
CH = 3200
NCHUNK = EPT // CH
FULLG = CH // (4 * L)
CH_BUF = CH
NPAR = 2
CMP = CH + 128
BLK = 128
NSLOT = 8320
STRIPE = NSLOT // NS
BPT = B // NW

_mesh = plsc.VectorSubcoreMesh(core_axis_name="c", subcore_axis_name="s")
_cparams = pltpu.CompilerParams(needs_layout_passes=False,
                                use_tc_tiling_on_sc=False)


@functools.partial(
    pl.kernel,
    out_type=(
        jax.ShapeDtypeStruct((NSLOT, D), jnp.float32),
        jax.ShapeDtypeStruct((NSLOT, D), jnp.float32),
        jax.ShapeDtypeStruct((B,), jnp.int32),
        jax.ShapeDtypeStruct((B,), jnp.int32),
    ),
    mesh=_mesh,
    compiler_params=_cparams,
    scratch_types=[
        pltpu.VMEM((N,), jnp.int32),
        pltpu.VMEM((B // NS,), jnp.int32),
        pltpu.VMEM((CH_BUF,), jnp.int32),
        pltpu.VMEM((CH_BUF,), jnp.int32),
        pltpu.VMEM((CH_BUF,), jnp.float32),
        pltpu.VMEM((CMP,), jnp.int32),
        pltpu.VMEM((CMP,), jnp.int32),
        pltpu.VMEM((CMP,), jnp.float32),
        [pltpu.VMEM((BLK, D), jnp.float32)] * NPAR,
        [pltpu.VMEM((BLK,), jnp.int32)] * NPAR,
        pltpu.VMEM((B // NS,), jnp.int32),
        pltpu.VMEM_SHARED((NSLOT, D), jnp.float32),
        pltpu.SemaphoreType.DMA,
        pltpu.SemaphoreType.DMA,
        [pltpu.SemaphoreType.DMA] * NPAR,
        [pltpu.SemaphoreType.DMA] * NPAR,
    ],
)
def _propagate(user_hbm, item_hbm, ego_hbm, row_hbm, col_hbm, val_hbm,
               neg1_hbm, acc0_hbm, acc1_hbm, slu_hbm, sli_hbm,
               row_map_v, uidx_v, row_v, col_v, val_v,
               slot_c, col_c, val_c, stage_b, sidx_b, slb_v,
               acc_s, sem_ld, sem_init, sem_g, sem_s):
    c = lax.axis_index("c")
    s = lax.axis_index("s")
    lin = c * NS + s
    iota = lax.iota(jnp.int32, L)
    zi = jnp.zeros((L,), jnp.int32)
    zf = jnp.zeros((L,), jnp.float32)

    init_cp = pltpu.async_copy(neg1_hbm, row_map_v, sem_init)

    def _early_loads():
        base0 = lin * EPT
        pltpu.async_copy(row_hbm.at[pl.ds(base0, CH)],
                         row_v.at[pl.ds(0, CH)], sem_ld)
        pltpu.async_copy(col_hbm.at[pl.ds(base0, CH)],
                         col_v.at[pl.ds(0, CH)], sem_ld)
        pltpu.async_copy(val_hbm.at[pl.ds(base0, CH)],
                         val_v.at[pl.ds(0, CH)], sem_ld)
    _early_loads()

    def _zrow(r, _):
        for k in range(D // L):
            stage_b[0][r, pl.ds(k * L, L)] = zf
        return 0
    lax.fori_loop(0, BLK, _zrow, 0)
    r0 = s * STRIPE
    for i in range(STRIPE // BLK):
        pltpu.sync_copy(stage_b[0], acc_s.at[pl.ds(r0 + i * BLK, BLK)])
    rem = STRIPE % BLK
    if rem:
        pltpu.sync_copy(stage_b[0].at[pl.ds(0, rem)],
                        acc_s.at[pl.ds(r0 + (STRIPE // BLK) * BLK, rem)])

    init_cp.wait()
    pieces = [(0, 2048), (2048, 2048)]

    for src_hbm, soff in ((user_hbm, 0), (item_hbm, N_USER)):
        for (pb, pn) in pieces:
            pltpu.sync_copy(src_hbm.at[pl.ds(pb, pn)],
                            slot_c.at[pl.ds(0, pn)])
            slot0 = (B if soff else 0) + pb

            def _scat(j, _):
                idx = slot_c[pl.ds(j * L, L)] + soff
                plsc.store_scatter(row_map_v, [idx], slot0 + j * L + iota)
                return 0
            lax.fori_loop(0, pn // L, _scat, 0)

    @pl.when(c == 0)
    def _emit_slots():
        base = s * (B // NS)

        for (src_hbm, soff, out_hbm) in ((user_hbm, 0, slu_hbm),
                                         (item_hbm, N_USER, sli_hbm)):
            pltpu.sync_copy(src_hbm.at[pl.ds(base, B // NS)], uidx_v)

            def _lu(j, _):
                idx = uidx_v[pl.ds(j * L, L)] + soff
                slb_v[pl.ds(j * L, L)] = plsc.load_gather(row_map_v, [idx])
                return 0
            lax.fori_loop(0, B // NS // L, _lu, 0)
            pltpu.sync_copy(slb_v, out_hbm.at[pl.ds(base, B // NS)])

    plsc.subcore_barrier()

    def _start_loads(ch):
        base = lin * EPT + ch * CH
        pltpu.async_copy(row_hbm.at[pl.ds(base, CH)],
                         row_v.at[pl.ds(0, CH)], sem_ld)
        pltpu.async_copy(col_hbm.at[pl.ds(base, CH)],
                         col_v.at[pl.ds(0, CH)], sem_ld)
        pltpu.async_copy(val_hbm.at[pl.ds(base, CH)],
                         val_v.at[pl.ds(0, CH)], sem_ld)

    def _wait_loads():
        for buf in (row_v, col_v, val_v):
            pltpu.make_async_copy(row_hbm.at[pl.ds(0, CH)],
                                  buf.at[pl.ds(0, CH)], sem_ld).wait()

    def _gather_blk(blk, p):
        pltpu.async_copy(ego_hbm.at[col_c.at[pl.ds(blk * BLK, BLK)]],
                         stage_b[p], sem_g[p])

    def _chunk(ch, _):
        _wait_loads()

        def _compact(j, cnt):
            for h in range(4):
                sl = pl.ds(j * 4 * L + h * L, L)
                slots = plsc.load_gather(row_map_v, [row_v[sl]])
                m = slots >= 0
                dst = pl.ds(cnt, L)
                plsc.store_compressed(slot_c.at[dst], slots, mask=m)
                plsc.store_compressed(col_c.at[dst], col_v[sl], mask=m)
                plsc.store_compressed(val_c.at[dst], val_v[sl], mask=m)
                cnt = cnt + jnp.sum(m.astype(jnp.int32))
            return cnt
        cnt = lax.fori_loop(0, FULLG, _compact, jnp.int32(0))

        @pl.when(ch + 1 < NCHUNK)
        def _pref():
            _start_loads(ch + 1)

        for k in range(BLK // L):
            padp = cnt + k * L + iota
            plsc.store_scatter(slot_c, [padp], zi)
            plsc.store_scatter(col_c, [padp], zi)
            plsc.store_scatter(val_c, [padp], zf)

        nb = (cnt + BLK - 1) // BLK

        def _wait_scat(p):
            pltpu.make_async_copy(stage_b[p], acc_s.at[pl.ds(0, BLK)],
                                  sem_s[p]).wait()

        for q in range(NPAR - 1):
            @pl.when(q < nb)
            def _pro():
                _gather_blk(q, q)

        def _do_block(blk, p):
            b0 = blk * BLK

            def _cpidx(j, _):
                sl = pl.ds(j * L, L)
                sidx_b[p][sl] = slot_c[pl.ds(b0 + j * L, L)]
                return 0
            lax.fori_loop(0, BLK // L, _cpidx, 0)
            pltpu.make_async_copy(ego_hbm.at[pl.ds(0, BLK)],
                                  stage_b[p], sem_g[p]).wait()

            def _scale(e2, _):
                for h in range(2):
                    e = e2 * 2 + h
                    vv = plsc.load_gather(
                        val_c, [jnp.full((L,), b0 + e, jnp.int32)])
                    for k in range(D // L):
                        sl = pl.ds(k * L, L)
                        stage_b[p][e, sl] = stage_b[p][e, sl] * vv
                return 0
            lax.fori_loop(0, BLK // 2, _scale, 0)
            pltpu.async_copy(stage_b[p], acc_s.at[sidx_b[p]], sem_s[p],
                             add=True)

        def _blk_outer0(ob, _):
            for pb in range(NPAR):
                blk = ob * NPAR + pb
                pn = (pb + NPAR - 1) % NPAR

                @pl.when(blk < nb)
                def _():
                    @pl.when(blk + NPAR - 1 < nb)
                    def _():
                        @pl.when(blk >= 1)
                        def _():
                            _wait_scat(pn)
                        _gather_blk(blk + NPAR - 1, pn)
                    _do_block(blk, pb)
            return 0
        lax.fori_loop(0, (nb + NPAR - 1) // NPAR, _blk_outer0, 0)

        for q in range(NPAR):
            @pl.when(nb >= q + 1)
            def _drain():
                _wait_scat(q)
        return 0
    lax.fori_loop(0, NCHUNK, _chunk, 0)

    plsc.subcore_barrier()

    @pl.when(c == 0)
    def _dump0():
        pltpu.sync_copy(acc_s.at[pl.ds(r0, STRIPE)], acc0_hbm.at[pl.ds(r0, STRIPE)])

    @pl.when(c == 1)
    def _dump1():
        pltpu.sync_copy(acc_s.at[pl.ds(r0, STRIPE)], acc1_hbm.at[pl.ds(r0, STRIPE)])


@functools.partial(
    pl.kernel,
    out_type=jax.ShapeDtypeStruct((B,), jnp.float32),
    mesh=_mesh,
    compiler_params=_cparams,
    scratch_types=[
        pltpu.VMEM((BPT,), jnp.int32),
        pltpu.VMEM((BPT,), jnp.int32),
        pltpu.VMEM((BPT,), jnp.int32),
        pltpu.VMEM((BPT,), jnp.int32),
        pltpu.VMEM((BPT, D), jnp.float32),
        pltpu.VMEM((BPT, D), jnp.float32),
        pltpu.VMEM((BPT, D), jnp.float32),
        pltpu.VMEM((BPT, D), jnp.float32),
        pltpu.VMEM((BPT, D), jnp.float32),
        pltpu.VMEM((BPT, D), jnp.float32),
        pltpu.VMEM((BPT,), jnp.float32),
        pltpu.SemaphoreType.DMA,
    ],
)
def _score(user_hbm, item_hbm, ego_hbm, acc0_hbm, acc1_hbm, slu_hbm, sli_hbm,
           out_hbm, u_v, i2_v, su_v, si_v, eu_v, ei_v, a0u_v, a1u_v,
           a0i_v, a1i_v, sc_v, sem):
    c = lax.axis_index("c")
    s = lax.axis_index("s")
    lin = c * NS + s
    b0 = lin * BPT
    iota = lax.iota(jnp.int32, L)

    pltpu.sync_copy(user_hbm.at[pl.ds(b0, BPT)], u_v)
    pltpu.sync_copy(item_hbm.at[pl.ds(b0, BPT)], i2_v)
    pltpu.sync_copy(slu_hbm.at[pl.ds(b0, BPT)], su_v)
    pltpu.sync_copy(sli_hbm.at[pl.ds(b0, BPT)], si_v)

    def _shift(j, _):
        sl = pl.ds(j * L, L)
        i2_v[sl] = i2_v[sl] + N_USER
        return 0
    lax.fori_loop(0, BPT // L, _shift, 0)

    cps = [
        pltpu.async_copy(ego_hbm.at[u_v], eu_v, sem),
        pltpu.async_copy(ego_hbm.at[i2_v], ei_v, sem),
        pltpu.async_copy(acc0_hbm.at[su_v], a0u_v, sem),
        pltpu.async_copy(acc1_hbm.at[su_v], a1u_v, sem),
        pltpu.async_copy(acc0_hbm.at[si_v], a0i_v, sem),
        pltpu.async_copy(acc1_hbm.at[si_v], a1i_v, sem),
    ]
    for cp in cps:
        cp.wait()

    qt = jnp.float32(0.25)
    tq = jnp.float32(0.75)

    def _group(g, _):
        bb = g * L + iota
        acc = jnp.zeros((L,), jnp.float32)
        for d in range(D):
            dd = jnp.full((L,), d, jnp.int32)
            eu = plsc.load_gather(eu_v, [bb, dd])
            ei = plsc.load_gather(ei_v, [bb, dd])
            squ = plsc.load_gather(a0u_v, [bb, dd]) + plsc.load_gather(a1u_v, [bb, dd])
            sqi = plsc.load_gather(a0i_v, [bb, dd]) + plsc.load_gather(a1i_v, [bb, dd])
            au = qt * eu + tq * squ
            ai = qt * ei + tq * sqi
            acc = acc + au * ai
        sc_v[pl.ds(g * L, L)] = acc
        return 0
    lax.fori_loop(0, BPT // L, _group, 0)

    pltpu.sync_copy(sc_v, out_hbm.at[pl.ds(b0, BPT)])


def kernel(user, item, emb_user, emb_item, adj_row, adj_col, adj_val):
    ego = jnp.concatenate([emb_user, emb_item], axis=0)
    pad = E_PAD - E
    rows = jnp.concatenate([adj_row, jnp.zeros((pad,), jnp.int32)])
    cols = jnp.concatenate([adj_col, jnp.zeros((pad,), jnp.int32)])
    vals = jnp.concatenate([adj_val, jnp.zeros((pad,), jnp.float32)])
    neg1 = jnp.full((N,), -1, jnp.int32)
    acc0, acc1, slots_u, slots_i = _propagate(user, item, ego, rows,
                                              cols, vals, neg1)
    return _score(user, item, ego, acc0, acc1, slots_u, slots_i)

# --- scband reference (transcript-rebuilt; emitter-appended) ---
"""Pipeline reference for scband-light-10952166605431 (READ-ONLY COPY).

The authoritative reference and input builder live on the scoring server;
editing this copy changes nothing except your own understanding.
"""

import jax, jax.numpy as jnp
import numpy as np

N_USER = 25000
N_ITEM = 25000
N = N_USER + N_ITEM
E = 800000
D = 64
B = 4096
N_LAYERS = 3


def setup_inputs(seed: int = 0) -> dict:
    key = jax.random.key(seed)
    k1, k2, k3, k4, k5, k6, k7 = jax.random.split(key, 7)
    user = jax.random.randint(k1, (B,), 0, N_USER, dtype=jnp.int32)
    item = jax.random.randint(k2, (B,), 0, N_ITEM, dtype=jnp.int32)
    emb_user = jax.random.normal(k3, (N_USER, D), dtype=jnp.float32) * 0.1
    emb_item = jax.random.normal(k4, (N_ITEM, D), dtype=jnp.float32) * 0.1
    adj_row = jax.random.randint(k5, (E,), 0, N, dtype=jnp.int32)
    adj_col = jax.random.randint(k6, (E,), 0, N, dtype=jnp.int32)
    # stand-in for symmetric-normalized adjacency values (1/sqrt(d_i d_j))
    adj_val = jax.random.uniform(k7, (E,), dtype=jnp.float32) * 0.05
    return {
        "user": user,
        "item": item,
        "emb_user": emb_user,
        "emb_item": emb_item,
        "adj_row": adj_row,
        "adj_col": adj_col,
        "adj_val": adj_val,
    }


def reference(user, item, emb_user, emb_item, adj_row, adj_col, adj_val):
    # LIGHT.computer(): ego embeddings, then N_LAYERS sparse propagations.
    # NOTE: faithful to the source, ego_embeddings is NOT updated inside the
    # loop, so every layer computes A_hat @ ego (same result each layer).
    ego = jnp.concatenate([emb_user, emb_item], axis=0)
    all_emb = [ego]
    for _ in range(N_LAYERS):
        gathered = adj_val[:, None] * jnp.take(ego, adj_col, axis=0)
        side = jax.ops.segment_sum(gathered, adj_row, num_segments=N)
        all_emb.append(side)
    stacked = jnp.stack(all_emb, axis=1)
    all_e = jnp.mean(stacked, axis=1)
    all_users = all_e[:N_USER]
    all_items = all_e[N_USER:]
    user_emb = jnp.take(all_users, user, axis=0)
    item_emb = jnp.take(all_items, item, axis=0)
    score = jnp.sum(user_emb * item_emb, axis=1)
    return score

if __name__ == "__main__":
    import jax
    _d = setup_inputs()
    print(jax.jit(kernel)(*tuple(_d.values())))

</pallas_src>

<mosaic_0001>
#map = affine_map<(d0, d1) -> (0)>
#map1 = affine_map<(d0, d1) -> (0, 0)>
module attributes {stable_mosaic.version = 14 : i64} {
  func.func @_propagate(%arg0: i32, %arg1: i32, %arg2: memref<4096xi32, #tpu.memory_space<hbm>>, %arg3: memref<4096xi32, #tpu.memory_space<hbm>>, %arg4: memref<50000x64xf32, #tpu.memory_space<hbm>>, %arg5: memref<819200xi32, #tpu.memory_space<hbm>>, %arg6: memref<819200xi32, #tpu.memory_space<hbm>>, %arg7: memref<819200xf32, #tpu.memory_space<hbm>>, %arg8: memref<50000xi32, #tpu.memory_space<hbm>>, %arg9: memref<8320x64xf32, #tpu.memory_space<hbm>>, %arg10: memref<8320x64xf32, #tpu.memory_space<hbm>>, %arg11: memref<4096xi32, #tpu.memory_space<hbm>>, %arg12: memref<4096xi32, #tpu.memory_space<hbm>>, %arg13: memref<50000xi32, #tpu.memory_space<vmem>>, %arg14: memref<256xi32, #tpu.memory_space<vmem>>, %arg15: memref<3200xi32, #tpu.memory_space<vmem>>, %arg16: memref<3200xi32, #tpu.memory_space<vmem>>, %arg17: memref<3200xf32, #tpu.memory_space<vmem>>, %arg18: memref<3328xi32, #tpu.memory_space<vmem>>, %arg19: memref<3328xi32, #tpu.memory_space<vmem>>, %arg20: memref<3328xf32, #tpu.memory_space<vmem>>, %arg21: memref<128x64xf32, #tpu.memory_space<vmem>>, %arg22: memref<128x64xf32, #tpu.memory_space<vmem>>, %arg23: memref<128xi32, #tpu.memory_space<vmem>>, %arg24: memref<128xi32, #tpu.memory_space<vmem>>, %arg25: memref<256xi32, #tpu.memory_space<vmem>>, %arg26: memref<8320x64xf32, #tpu.memory_space<vmem_shared>>, %arg27: memref<!tpu.dma_semaphore, #tpu.memory_space<semaphore_mem>>, %arg28: memref<!tpu.dma_semaphore, #tpu.memory_space<semaphore_mem>>, %arg29: memref<!tpu.dma_semaphore, #tpu.memory_space<semaphore_mem>>, %arg30: memref<!tpu.dma_semaphore, #tpu.memory_space<semaphore_mem>>, %arg31: memref<!tpu.dma_semaphore, #tpu.memory_space<semaphore_mem>>, %arg32: memref<!tpu.dma_semaphore, #tpu.memory_space<semaphore_mem>>) attributes {dimension_semantics = [#tpu.dimension_semantics<core_parallel>, #tpu.dimension_semantics<subcore_parallel>], iteration_bounds = array<i64: 2, 16>, scalar_prefetch = 0 : i64, scratch_operands = 20 : i64, tpu.core_type = #tpu.core_type<sc_vector_subcore>, window_params = [{transform_indices = #map}, {transform_indices = #map}, {transform_indices = #map1}, {transform_indices = #map}, {transform_indices = #map}, {transform_indices = #map}, {transform_indices = #map}, {transform_indices = #map1}, {transform_indices = #map1}, {transform_indices = #map}, {transform_indices = #map}]} {
    %mul3A = arith.constant 16 : i32
    %mul3A_0 = arith.muli %arg0, %mul3A : i32
    %add3A = arith.addi %mul3A_0, %arg1 : i32
    %iota3A = tpu.iota {dimensions = array<i32: 0>} : vector<16xi32>
    %broadcast_in_dim3A = arith.constant 0 : i32
    %broadcast_in_dim3A_1 = vector.broadcast %broadcast_in_dim3A : i32 to vector<16xi32>
    %broadcast_in_dim3A_2 = arith.constant 0.000000e+00 : f32
    %broadcast_in_dim3A_3 = vector.broadcast %broadcast_in_dim3A_2 : f32 to vector<16xf32>
    tpu.enqueue_dma source(%arg8 : memref<50000xi32, #tpu.memory_space<hbm>>) target(%arg13 : memref<50000xi32, #tpu.memory_space<vmem>>) target_semaphore(%arg28 : memref<!tpu.dma_semaphore, #tpu.memory_space<semaphore_mem>>)
    %mul3A_4 = arith.constant 25600 : i32
    %mul3A_5 = arith.muli %add3A, %mul3A_4 : i32
    %dma_start3A = arith.constant 0 : i32
    %dma_start3A_6 = tpu.memref_slice %arg15[%dma_start3A] : memref<3200xi32, #tpu.memory_space<vmem>> -> memref<3200xi32, #tpu.memory_space<vmem>>
    %dma_start3A_7 = tpu.memref_slice %arg5[%mul3A_5] : memref<819200xi32, #tpu.memory_space<hbm>> -> memref<3200xi32, #tpu.memory_space<hbm>>
    %dma_start3A_8 = arith.constant 0 : i32
    %dma_start3A_9 = tpu.memref_slice %arg15[%dma_start3A_8] : memref<3200xi32, #tpu.memory_space<vmem>> -> memref<3200xi32, #tpu.memory_space<vmem>>
    %dma_start3A_10 = tpu.memref_slice %arg5[%mul3A_5] : memref<819200xi32, #tpu.memory_space<hbm>> -> memref<3200xi32, #tpu.memory_space<hbm>>
    tpu.enqueue_dma source(%dma_start3A_10 : memref<3200xi32, #tpu.memory_space<hbm>>) target(%dma_start3A_9 : memref<3200xi32, #tpu.memory_space<vmem>>) target_semaphore(%arg27 : memref<!tpu.dma_semaphore, #tpu.memory_space<semaphore_mem>>)
    %dma_start3A_11 = arith.constant 0 : i32
    %dma_start3A_12 = tpu.memref_slice %arg16[%dma_start3A_11] : memref<3200xi32, #tpu.memory_space<vmem>> -> memref<3200xi32, #tpu.memory_space<vmem>>
    %dma_start3A_13 = tpu.memref_slice %arg6[%mul3A_5] : memref<819200xi32, #tpu.memory_space<hbm>> -> memref<3200xi32, #tpu.memory_space<hbm>>
    %dma_start3A_14 = arith.constant 0 : i32
    %dma_start3A_15 = tpu.memref_slice %arg16[%dma_start3A_14] : memref<3200xi32, #tpu.memory_space<vmem>> -> memref<3200xi32, #tpu.memory_space<vmem>>
    %dma_start3A_16 = tpu.memref_slice %arg6[%mul3A_5] : memref<819200xi32, #tpu.memory_space<hbm>> -> memref<3200xi32, #tpu.memory_space<hbm>>
    tpu.enqueue_dma source(%dma_start3A_16 : memref<3200xi32, #tpu.memory_space<hbm>>) target(%dma_start3A_15 : memref<3200xi32, #tpu.memory_space<vmem>>) target_semaphore(%arg27 : memref<!tpu.dma_semaphore, #tpu.memory_space<semaphore_mem>>)
    %dma_start3A_17 = arith.constant 0 : i32
    %dma_start3A_18 = tpu.memref_slice %arg17[%dma_start3A_17] : memref<3200xf32, #tpu.memory_space<vmem>> -> memref<3200xf32, #tpu.memory_space<vmem>>
    %dma_start3A_19 = tpu.memref_slice %arg7[%mul3A_5] : memref<819200xf32, #tpu.memory_space<hbm>> -> memref<3200xf32, #tpu.memory_space<hbm>>
    %dma_start3A_20 = arith.constant 0 : i32
    %dma_start3A_21 = tpu.memref_slice %arg17[%dma_start3A_20] : memref<3200xf32, #tpu.memory_space<vmem>> -> memref<3200xf32, #tpu.memory_space<vmem>>
    %dma_start3A_22 = tpu.memref_slice %arg7[%mul3A_5] : memref<819200xf32, #tpu.memory_space<hbm>> -> memref<3200xf32, #tpu.memory_space<hbm>>
    tpu.enqueue_dma source(%dma_start3A_22 : memref<3200xf32, #tpu.memory_space<hbm>>) target(%dma_start3A_21 : memref<3200xf32, #tpu.memory_space<vmem>>) target_semaphore(%arg27 : memref<!tpu.dma_semaphore, #tpu.memory_space<semaphore_mem>>)
    %scan3A = arith.constant 0 : i32
    %scan3A_23 = arith.constant 0 : i32
    %scan3A_24 = arith.constant 128 : i32
    %scan3A_25 = arith.addi %scan3A_23, %scan3A_24 : i32
    %scan3A_26 = arith.constant 1 : i32
    %scan3A_27 = scf.for %scan3A_89 = %scan3A_23 to %scan3A_25 step %scan3A_26 iter_args(%scan3A_90 = %scan3A) -> (i32)  : i32 {
      %swap3A = arith.index_cast %scan3A_89 : i32 to index
      %swap3A_91 = arith.constant 0 : index
      %swap3A_92 = tpu.vector_load %arg21[%swap3A, %swap3A_91] {strides = array<i32>} : memref<128x64xf32, #tpu.memory_space<vmem>>, vector<16xf32>,
      tpu.vector_store %arg21[%swap3A, %swap3A_91], %broadcast_in_dim3A_3 {strides = array<i32>} : memref<128x64xf32, #tpu.memory_space<vmem>>, vector<16xf32>,
      %swap3A_93 = arith.index_cast %scan3A_89 : i32 to index
      %swap3A_94 = arith.constant 16 : index
      %swap3A_95 = tpu.vector_load %arg21[%swap3A_93, %swap3A_94] {strides = array<i32>} : memref<128x64xf32, #tpu.memory_space<vmem>>, vector<16xf32>,
      tpu.vector_store %arg21[%swap3A_93, %swap3A_94], %broadcast_in_dim3A_3 {strides = array<i32>} : memref<128x64xf32, #tpu.memory_space<vmem>>, vector<16xf32>,
      %swap3A_96 = arith.index_cast %scan3A_89 : i32 to index
      %swap3A_97 = arith.constant 32 : index
      %swap3A_98 = tpu.vector_load %arg21[%swap3A_96, %swap3A_97] {strides = array<i32>} : memref<128x64xf32, #tpu.memory_space<vmem>>, vector<16xf32>,
      tpu.vector_store %arg21[%swap3A_96, %swap3A_97], %broadcast_in_dim3A_3 {strides = array<i32>} : memref<128x64xf32, #tpu.memory_space<vmem>>, vector<16xf32>,
      %swap3A_99 = arith.index_cast %scan3A_89 : i32 to index
      %swap3A_100 = arith.constant 48 : index
      %swap3A_101 = tpu.vector_load %arg21[%swap3A_99, %swap3A_100] {strides = array<i32>} : memref<128x64xf32, #tpu.memory_space<vmem>>, vector<16xf32>,
      tpu.vector_store %arg21[%swap3A_99, %swap3A_100], %broadcast_in_dim3A_3 {strides = array<i32>} : memref<128x64xf32, #tpu.memory_space<vmem>>, vector<16xf32>,
      %scan3A_102 = arith.constant 0 : i32
      scf.yield %scan3A_102 : i32
    }
    %scan3A_28 = arith.constant 128 : i32
    %mul3A_29 = arith.constant 520 : i32
    %mul3A_30 = arith.muli %arg1, %mul3A_29 : i32
    %add3A_31 = arith.constant 0 : i32
    %add3A_32 = arith.addi %mul3A_30, %add3A_31 : i32
    "tpu.region"() ({
      %run_scoped3A = tpu.sem_alloc : memref<!tpu.dma_semaphore, #tpu.memory_space<semaphore_mem>>
      %dma_start3A_89 = arith.constant 0 : i32
      %dma_start3A_90 = tpu.memref_slice %arg26[%add3A_32, %dma_start3A_89] : memref<8320x64xf32, #tpu.memory_space<vmem_shared>> -> memref<128x64xf32, #tpu.memory_space<vmem_shared>>
      %dma_start3A_91 = arith.constant 0 : i32
      %dma_start3A_92 = tpu.memref_slice %arg26[%add3A_32, %dma_start3A_91] : memref<8320x64xf32, #tpu.memory_space<vmem_shared>> -> memref<128x64xf32, #tpu.memory_space<vmem_shared>>
      tpu.enqueue_dma source(%arg21 : memref<128x64xf32, #tpu.memory_space<vmem>>) target(%dma_start3A_92 : memref<128x64xf32, #tpu.memory_space<vmem_shared>>) target_semaphore(%run_scoped3A : memref<!tpu.dma_semaphore, #tpu.memory_space<semaphore_mem>>)
      %dma_wait3A = arith.constant 0 : i32
      %dma_wait3A_93 = tpu.memref_slice %arg26[%add3A_32, %dma_wait3A] : memref<8320x64xf32, #tpu.memory_space<vmem_shared>> -> memref<128x64xf32, #tpu.memory_space<vmem_shared>>
      %dma_wait3A_94 = arith.constant 0 : i32
      %dma_wait3A_95 = tpu.memref_slice %arg26[%add3A_32, %dma_wait3A_94] : memref<8320x64xf32, #tpu.memory_space<vmem_shared>> -> memref<128x64xf32, #tpu.memory_space<vmem_shared>>
      tpu.wait_dma2 semaphore(%run_scoped3A : memref<!tpu.dma_semaphore, #tpu.memory_space<semaphore_mem>>) src(%arg21 : memref<128x64xf32, #tpu.memory_space<vmem>>) dst(%dma_wait3A_95 : memref<128x64xf32, #tpu.memory_space<vmem_shared>>)
      tpu.yield
    }) : () -> ()
    %add3A_33 = arith.constant 128 : i32
    %add3A_34 = arith.addi %mul3A_30, %add3A_33 : i32
    "tpu.region"() ({
      %run_scoped3A = tpu.sem_alloc : memref<!tpu.dma_semaphore, #tpu.memory_space<semaphore_mem>>
      %dma_start3A_89 = arith.constant 0 : i32
      %dma_start3A_90 = tpu.memref_slice %arg26[%add3A_34, %dma_start3A_89] : memref<8320x64xf32, #tpu.memory_space<vmem_shared>> -> memref<128x64xf32, #tpu.memory_space<vmem_shared>>
      %dma_start3A_91 = arith.constant 0 : i32
      %dma_start3A_92 = tpu.memref_slice %arg26[%add3A_34, %dma_start3A_91] : memref<8320x64xf32, #tpu.memory_space<vmem_shared>> -> memref<128x64xf32, #tpu.memory_space<vmem_shared>>
      tpu.enqueue_dma source(%arg21 : memref<128x64xf32, #tpu.memory_space<vmem>>) target(%dma_start3A_92 : memref<128x64xf32, #tpu.memory_space<vmem_shared>>) target_semaphore(%run_scoped3A : memref<!tpu.dma_semaphore, #tpu.memory_space<semaphore_mem>>)
      %dma_wait3A = arith.constant 0 : i32
      %dma_wait3A_93 = tpu.memref_slice %arg26[%add3A_34, %dma_wait3A] : memref<8320x64xf32, #tpu.memory_space<vmem_shared>> -> memref<128x64xf32, #tpu.memory_space<vmem_shared>>
      %dma_wait3A_94 = arith.constant 0 : i32
      %dma_wait3A_95 = tpu.memref_slice %arg26[%add3A_34, %dma_wait3A_94] : memref<8320x64xf32, #tpu.memory_space<vmem_shared>> -> memref<128x64xf32, #tpu.memory_space<vmem_shared>>
      tpu.wait_dma2 semaphore(%run_scoped3A : memref<!tpu.dma_semaphore, #tpu.memory_space<semaphore_mem>>) src(%arg21 : memref<128x64xf32, #tpu.memory_space<vmem>>) dst(%dma_wait3A_95 : memref<128x64xf32, #tpu.memory_space<vmem_shared>>)
      tpu.yield
    }) : () -> ()
    %add3A_35 = arith.constant 256 : i32
    %add3A_36 = arith.addi %mul3A_30, %add3A_35 : i32
    "tpu.region"() ({
      %run_scoped3A = tpu.sem_alloc : memref<!tpu.dma_semaphore, #tpu.memory_space<semaphore_mem>>
      %dma_start3A_89 = arith.constant 0 : i32
      %dma_start3A_90 = tpu.memref_slice %arg26[%add3A_36, %dma_start3A_89] : memref<8320x64xf32, #tpu.memory_space<vmem_shared>> -> memref<128x64xf32, #tpu.memory_space<vmem_shared>>
      %dma_start3A_91 = arith.constant 0 : i32
      %dma_start3A_92 = tpu.memref_slice %arg26[%add3A_36, %dma_start3A_91] : memref<8320x64xf32, #tpu.memory_space<vmem_shared>> -> memref<128x64xf32, #tpu.memory_space<vmem_shared>>
      tpu.enqueue_dma source(%arg21 : memref<128x64xf32, #tpu.memory_space<vmem>>) target(%dma_start3A_92 : memref<128x64xf32, #tpu.memory_space<vmem_shared>>) target_semaphore(%run_scoped3A : memref<!tpu.dma_semaphore, #tpu.memory_space<semaphore_mem>>)
      %dma_wait3A = arith.constant 0 : i32
      %dma_wait3A_93 = tpu.memref_slice %arg26[%add3A_36, %dma_wait3A] : memref<8320x64xf32, #tpu.memory_space<vmem_shared>> -> memref<128x64xf32, #tpu.memory_space<vmem_shared>>
      %dma_wait3A_94 = arith.constant 0 : i32
      %dma_wait3A_95 = tpu.memref_slice %arg26[%add3A_36, %dma_wait3A_94] : memref<8320x64xf32, #tpu.memory_space<vmem_shared>> -> memref<128x64xf32, #tpu.memory_space<vmem_shared>>
      tpu.wait_dma2 semaphore(%run_scoped3A : memref<!tpu.dma_semaphore, #tpu.memory_space<semaphore_mem>>) src(%arg21 : memref<128x64xf32, #tpu.memory_space<vmem>>) dst(%dma_wait3A_95 : memref<128x64xf32, #tpu.memory_space<vmem_shared>>)
      tpu.yield
    }) : () -> ()
    %add3A_37 = arith.constant 384 : i32
    %add3A_38 = arith.addi %mul3A_30, %add3A_37 : i32
    "tpu.region"() ({
      %run_scoped3A = tpu.sem_alloc : memref<!tpu.dma_semaphore, #tpu.memory_space<semaphore_mem>>
      %dma_start3A_89 = arith.constant 0 : i32
      %dma_start3A_90 = tpu.memref_slice %arg26[%add3A_38, %dma_start3A_89] : memref<8320x64xf32, #tpu.memory_space<vmem_shared>> -> memref<128x64xf32, #tpu.memory_space<vmem_shared>>
      %dma_start3A_91 = arith.constant 0 : i32
      %dma_start3A_92 = tpu.memref_slice %arg26[%add3A_38, %dma_start3A_91] : memref<8320x64xf32, #tpu.memory_space<vmem_shared>> -> memref<128x64xf32, #tpu.memory_space<vmem_shared>>
      tpu.enqueue_dma source(%arg21 : memref<128x64xf32, #tpu.memory_space<vmem>>) target(%dma_start3A_92 : memref<128x64xf32, #tpu.memory_space<vmem_shared>>) target_semaphore(%run_scoped3A : memref<!tpu.dma_semaphore, #tpu.memory_space<semaphore_mem>>)
      %dma_wait3A = arith.constant 0 : i32
      %dma_wait3A_93 = tpu.memref_slice %arg26[%add3A_38, %dma_wait3A] : memref<8320x64xf32, #tpu.memory_space<vmem_shared>> -> memref<128x64xf32, #tpu.memory_space<vmem_shared>>
      %dma_wait3A_94 = arith.constant 0 : i32
      %dma_wait3A_95 = tpu.memref_slice %arg26[%add3A_38, %dma_wait3A_94] : memref<8320x64xf32, #tpu.memory_space<vmem_shared>> -> memref<128x64xf32, #tpu.memory_space<vmem_shared>>
      tpu.wait_dma2 semaphore(%run_scoped3A : memref<!tpu.dma_semaphore, #tpu.memory_space<semaphore_mem>>) src(%arg21 : memref<128x64xf32, #tpu.memory_space<vmem>>) dst(%dma_wait3A_95 : memref<128x64xf32, #tpu.memory_space<vmem_shared>>)
      tpu.yield
    }) : () -> ()
    %add3A_39 = arith.constant 512 : i32
    %add3A_40 = arith.addi %mul3A_30, %add3A_39 : i32
    "tpu.region"() ({
      %run_scoped3A = tpu.sem_alloc : memref<!tpu.dma_semaphore, #tpu.memory_space<semaphore_mem>>
      %dma_start3A_89 = arith.constant 0 : i32
      %dma_start3A_90 = arith.constant 0 : i32
      %dma_start3A_91 = tpu.memref_slice %arg21[%dma_start3A_89, %dma_start3A_90] : memref<128x64xf32, #tpu.memory_space<vmem>> -> memref<8x64xf32, #tpu.memory_space<vmem>>
      %dma_start3A_92 = arith.constant 0 : i32
      %dma_start3A_93 = tpu.memref_slice %arg26[%add3A_40, %dma_start3A_92] : memref<8320x64xf32, #tpu.memory_space<vmem_shared>> -> memref<8x64xf32, #tpu.memory_space<vmem_shared>>
      %dma_start3A_94 = arith.constant 0 : i32
      %dma_start3A_95 = tpu.memref_slice %arg26[%add3A_40, %dma_start3A_94] : memref<8320x64xf32, #tpu.memory_space<vmem_shared>> -> memref<8x64xf32, #tpu.memory_space<vmem_shared>>
      %dma_start3A_96 = arith.constant 0 : i32
      %dma_start3A_97 = arith.constant 0 : i32
      %dma_start3A_98 = tpu.memref_slice %arg21[%dma_start3A_96, %dma_start3A_97] : memref<128x64xf32, #tpu.memory_space<vmem>> -> memref<8x64xf32, #tpu.memory_space<vmem>>
      tpu.enqueue_dma source(%dma_start3A_98 : memref<8x64xf32, #tpu.memory_space<vmem>>) target(%dma_start3A_95 : memref<8x64xf32, #tpu.memory_space<vmem_shared>>) target_semaphore(%run_scoped3A : memref<!tpu.dma_semaphore, #tpu.memory_space<semaphore_mem>>)
      %dma_wait3A = arith.constant 0 : i32
      %dma_wait3A_99 = arith.constant 0 : i32
      %dma_wait3A_100 = tpu.memref_slice %arg21[%dma_wait3A, %dma_wait3A_99] : memref<128x64xf32, #tpu.memory_space<vmem>> -> memref<8x64xf32, #tpu.memory_space<vmem>>
      %dma_wait3A_101 = arith.constant 0 : i32
      %dma_wait3A_102 = tpu.memref_slice %arg26[%add3A_40, %dma_wait3A_101] : memref<8320x64xf32, #tpu.memory_space<vmem_shared>> -> memref<8x64xf32, #tpu.memory_space<vmem_shared>>
      %dma_wait3A_103 = arith.constant 0 : i32
      %dma_wait3A_104 = tpu.memref_slice %arg26[%add3A_40, %dma_wait3A_103] : memref<8320x64xf32, #tpu.memory_space<vmem_shared>> -> memref<8x64xf32, #tpu.memory_space<vmem_shared>>
      %dma_wait3A_105 = arith.constant 0 : i32
      %dma_wait3A_106 = arith.constant 0 : i32
      %dma_wait3A_107 = tpu.memref_slice %arg21[%dma_wait3A_105, %dma_wait3A_106] : memref<128x64xf32, #tpu.memory_space<vmem>> -> memref<8x64xf32, #tpu.memory_space<vmem>>
      tpu.wait_dma2 semaphore(%run_scoped3A : memref<!tpu.dma_semaphore, #tpu.memory_space<semaphore_mem>>) src(%dma_wait3A_107 : memref<8x64xf32, #tpu.memory_space<vmem>>) dst(%dma_wait3A_104 : memref<8x64xf32, #tpu.memory_space<vmem_shared>>)
      tpu.yield
    }) : () -> ()
    tpu.wait_dma2 semaphore(%arg28 : memref<!tpu.dma_semaphore, #tpu.memory_space<semaphore_mem>>) src(%arg8 : memref<50000xi32, #tpu.memory_space<hbm>>) dst(%arg13 : memref<50000xi32, #tpu.memory_space<vmem>>)
    "tpu.region"() ({
      %run_scoped3A = tpu.sem_alloc : memref<!tpu.dma_semaphore, #tpu.memory_space<semaphore_mem>>
      %dma_start3A_89 = arith.constant 0 : i32
      %dma_start3A_90 = tpu.memref_slice %arg18[%dma_start3A_89] : memref<3328xi32, #tpu.memory_space<vmem>> -> memref<2048xi32, #tpu.memory_space<vmem>>
      %dma_start3A_91 = arith.constant 0 : i32
      %dma_start3A_92 = tpu.memref_slice %arg2[%dma_start3A_91] : memref<4096xi32, #tpu.memory_space<hbm>> -> memref<2048xi32, #tpu.memory_space<hbm>>
      %dma_start3A_93 = arith.constant 0 : i32
      %dma_start3A_94 = tpu.memref_slice %arg18[%dma_start3A_93] : memref<3328xi32, #tpu.memory_space<vmem>> -> memref<2048xi32, #tpu.memory_space<vmem>>
      %dma_start3A_95 = arith.constant 0 : i32
      %dma_start3A_96 = tpu.memref_slice %arg2[%dma_start3A_95] : memref<4096xi32, #tpu.memory_space<hbm>> -> memref<2048xi32, #tpu.memory_space<hbm>>
      tpu.enqueue_dma source(%dma_start3A_96 : memref<2048xi32, #tpu.memory_space<hbm>>) target(%dma_start3A_94 : memref<2048xi32, #tpu.memory_space<vmem>>) target_semaphore(%run_scoped3A : memref<!tpu.dma_semaphore, #tpu.memory_space<semaphore_mem>>)
      %dma_wait3A = arith.constant 0 : i32
      %dma_wait3A_97 = tpu.memref_slice %arg18[%dma_wait3A] : memref<3328xi32, #tpu.memory_space<vmem>> -> memref<2048xi32, #tpu.memory_space<vmem>>
      %dma_wait3A_98 = arith.constant 0 : i32
      %dma_wait3A_99 = tpu.memref_slice %arg2[%dma_wait3A_98] : memref<4096xi32, #tpu.memory_space<hbm>> -> memref<2048xi32, #tpu.memory_space<hbm>>
      %dma_wait3A_100 = arith.constant 0 : i32
      %dma_wait3A_101 = tpu.memref_slice %arg18[%dma_wait3A_100] : memref<3328xi32, #tpu.memory_space<vmem>> -> memref<2048xi32, #tpu.memory_space<vmem>>
      %dma_wait3A_102 = arith.constant 0 : i32
      %dma_wait3A_103 = tpu.memref_slice %arg2[%dma_wait3A_102] : memref<4096xi32, #tpu.memory_space<hbm>> -> memref<2048xi32, #tpu.memory_space<hbm>>
      tpu.wait_dma2 semaphore(%run_scoped3A : memref<!tpu.dma_semaphore, #tpu.memory_space<semaphore_mem>>) src(%dma_wait3A_103 : memref<2048xi32, #tpu.memory_space<hbm>>) dst(%dma_wait3A_101 : memref<2048xi32, #tpu.memory_space<vmem>>)
      tpu.yield
    }) : () -> ()
    %scan3A_41 = arith.constant 0 : i32
    %scan3A_42 = arith.constant 0 : i32
    %scan3A_43 = arith.constant 128 : i32
    %scan3A_44 = arith.addi %scan3A_42, %scan3A_43 : i32
    %scan3A_45 = arith.constant 1 : i32
    %scan3A_46 = scf.for %scan3A_89 = %scan3A_42 to %scan3A_44 step %scan3A_45 iter_args(%scan3A_90 = %scan3A_41) -> (i32)  : i32 {
      %mul3A_91 = arith.constant 16 : i32
      %mul3A_92 = arith.muli %scan3A_89, %mul3A_91 : i32
      %get3A = arith.index_cast %mul3A_92 : i32 to index
      %get3A_93 = tpu.vector_load %arg18[%get3A] {strides = array<i32>} : memref<3328xi32, #tpu.memory_space<vmem>>, vector<16xi32>,
      %add3A_94 = arith.constant 0 : i32
      %add3A_95 = vector.broadcast %add3A_94 : i32 to vector<16xi32>
      %add3A_96 = arith.addi %get3A_93, %add3A_95 : vector<16xi32>
      %mul3A_97 = arith.constant 16 : i32
      %mul3A_98 = arith.muli %scan3A_89, %mul3A_97 : i32
      %add3A_99 = arith.constant 0 : i32
      %add3A_100 = arith.addi %add3A_99, %mul3A_98 : i32
      %add3A_101 = vector.broadcast %add3A_100 : i32 to vector<16xi32>
      %add3A_102 = arith.addi %add3A_101, %iota3A : vector<16xi32>
      tpu.vector_store_idx %arg13[%add3A_96], %add3A_102 : memref<50000xi32, #tpu.memory_space<vmem>>[vector<16xi32>], vector<16xi32>,
      %scan3A_103 = arith.constant 0 : i32
      scf.yield %scan3A_103 : i32
    }
    %scan3A_47 = arith.constant 128 : i32
    "tpu.region"() ({
      %run_scoped3A = tpu.sem_alloc : memref<!tpu.dma_semaphore, #tpu.memory_space<semaphore_mem>>
      %dma_start3A_89 = arith.constant 0 : i32
      %dma_start3A_90 = tpu.memref_slice %arg18[%dma_start3A_89] : memref<3328xi32, #tpu.memory_space<vmem>> -> memref<2048xi32, #tpu.memory_space<vmem>>
      %dma_start3A_91 = arith.constant 2048 : i32
      %dma_start3A_92 = tpu.memref_slice %arg2[%dma_start3A_91] : memref<4096xi32, #tpu.memory_space<hbm>> -> memref<2048xi32, #tpu.memory_space<hbm>>
      %dma_start3A_93 = arith.constant 0 : i32
      %dma_start3A_94 = tpu.memref_slice %arg18[%dma_start3A_93] : memref<3328xi32, #tpu.memory_space<vmem>> -> memref<2048xi32, #tpu.memory_space<vmem>>
      %dma_start3A_95 = arith.constant 2048 : i32
      %dma_start3A_96 = tpu.memref_slice %arg2[%dma_start3A_95] : memref<4096xi32, #tpu.memory_space<hbm>> -> memref<2048xi32, #tpu.memory_space<hbm>>
      tpu.enqueue_dma source(%dma_start3A_96 : memref<2048xi32, #tpu.memory_space<hbm>>) target(%dma_start3A_94 : memref<2048xi32, #tpu.memory_space<vmem>>) target_semaphore(%run_scoped3A : memref<!tpu.dma_semaphore, #tpu.memory_space<semaphore_mem>>)
      %dma_wait3A = arith.constant 0 : i32
      %dma_wait3A_97 = tpu.memref_slice %arg18[%dma_wait3A] : memref<3328xi32, #tpu.memory_space<vmem>> -> memref<2048xi32, #tpu.memory_space<vmem>>
      %dma_wait3A_98 = arith.constant 2048 : i32
      %dma_wait3A_99 = tpu.memref_slice %arg2[%dma_wait3A_98] : memref<4096xi32, #tpu.memory_space<hbm>> -> memref<2048xi32, #tpu.memory_space<hbm>>
      %dma_wait3A_100 = arith.constant 0 : i32
      %dma_wait3A_101 = tpu.memref_slice %arg18[%dma_wait3A_100] : memref<3328xi32, #tpu.memory_space<vmem>> -> memref<2048xi32, #tpu.memory_space<vmem>>
      %dma_wait3A_102 = arith.constant 2048 : i32
      %dma_wait3A_103 = tpu.memref_slice %arg2[%dma_wait3A_102] : memref<4096xi32, #tpu.memory_space<hbm>> -> memref<2048xi32, #tpu.memory_space<hbm>>
      tpu.wait_dma2 semaphore(%run_scoped3A : memref<!tpu.dma_semaphore, #tpu.memory_space<semaphore_mem>>) src(%dma_wait3A_103 : memref<2048xi32, #tpu.memory_space<hbm>>) dst(%dma_wait3A_101 : memref<2048xi32, #tpu.memory_space<vmem>>)
      tpu.yield
    }) : () -> ()
    %scan3A_48 = arith.constant 0 : i32
    %scan3A_49 = arith.constant 0 : i32
    %scan3A_50 = arith.constant 128 : i32
    %scan3A_51 = arith.addi %scan3A_49, %scan3A_50 : i32
    %scan3A_52 = arith.constant 1 : i32
    %scan3A_53 = scf.for %scan3A_89 = %scan3A_49 to %scan3A_51 step %scan3A_52 iter_args(%scan3A_90 = %scan3A_48) -> (i32)  : i32 {
      %mul3A_91 = arith.constant 16 : i32
      %mul3A_92 = arith.muli %scan3A_89, %mul3A_91 : i32
      %get3A = arith.index_cast %mul3A_92 : i32 to index
      %get3A_93 = tpu.vector_load %arg18[%get3A] {strides = array<i32>} : memref<3328xi32, #tpu.memory_space<vmem>>, vector<16xi32>,
      %add3A_94 = arith.constant 0 : i32
      %add3A_95 = vector.broadcast %add3A_94 : i32 to vector<16xi32>
      %add3A_96 = arith.addi %get3A_93, %add3A_95 : vector<16xi32>
      %mul3A_97 = arith.constant 16 : i32
      %mul3A_98 = arith.muli %scan3A_89, %mul3A_97 : i32
      %add3A_99 = arith.constant 2048 : i32
      %add3A_100 = arith.addi %add3A_99, %mul3A_98 : i32
      %add3A_101 = vector.broadcast %add3A_100 : i32 to vector<16xi32>
      %add3A_102 = arith.addi %add3A_101, %iota3A : vector<16xi32>
      tpu.vector_store_idx %arg13[%add3A_96], %add3A_102 : memref<50000xi32, #tpu.memory_space<vmem>>[vector<16xi32>], vector<16xi32>,
      %scan3A_103 = arith.constant 0 : i32
      scf.yield %scan3A_103 : i32
    }
    %scan3A_54 = arith.constant 128 : i32
    "tpu.region"() ({
      %run_scoped3A = tpu.sem_alloc : memref<!tpu.dma_semaphore, #tpu.memory_space<semaphore_mem>>
      %dma_start3A_89 = arith.constant 0 : i32
      %dma_start3A_90 = tpu.memref_slice %arg18[%dma_start3A_89] : memref<3328xi32, #tpu.memory_space<vmem>> -> memref<2048xi32, #tpu.memory_space<vmem>>
      %dma_start3A_91 = arith.constant 0 : i32
      %dma_start3A_92 = tpu.memref_slice %arg3[%dma_start3A_91] : memref<4096xi32, #tpu.memory_space<hbm>> -> memref<2048xi32, #tpu.memory_space<hbm>>
      %dma_start3A_93 = arith.constant 0 : i32
      %dma_start3A_94 = tpu.memref_slice %arg18[%dma_start3A_93] : memref<3328xi32, #tpu.memory_space<vmem>> -> memref<2048xi32, #tpu.memory_space<vmem>>
      %dma_start3A_95 = arith.constant 0 : i32
      %dma_start3A_96 = tpu.memref_slice %arg3[%dma_start3A_95] : memref<4096xi32, #tpu.memory_space<hbm>> -> memref<2048xi32, #tpu.memory_space<hbm>>
      tpu.enqueue_dma source(%dma_start3A_96 : memref<2048xi32, #tpu.memory_space<hbm>>) target(%dma_start3A_94 : memref<2048xi32, #tpu.memory_space<vmem>>) target_semaphore(%run_scoped3A : memref<!tpu.dma_semaphore, #tpu.memory_space<semaphore_mem>>)
      %dma_wait3A = arith.constant 0 : i32
      %dma_wait3A_97 = tpu.memref_slice %arg18[%dma_wait3A] : memref<3328xi32, #tpu.memory_space<vmem>> -> memref<2048xi32, #tpu.memory_space<vmem>>
      %dma_wait3A_98 = arith.constant 0 : i32
      %dma_wait3A_99 = tpu.memref_slice %arg3[%dma_wait3A_98] : memref<4096xi32, #tpu.memory_space<hbm>> -> memref<2048xi32, #tpu.memory_space<hbm>>
      %dma_wait3A_100 = arith.constant 0 : i32
      %dma_wait3A_101 = tpu.memref_slice %arg18[%dma_wait3A_100] : memref<3328xi32, #tpu.memory_space<vmem>> -> memref<2048xi32, #tpu.memory_space<vmem>>
      %dma_wait3A_102 = arith.constant 0 : i32
      %dma_wait3A_103 = tpu.memref_slice %arg3[%dma_wait3A_102] : memref<4096xi32, #tpu.memory_space<hbm>> -> memref<2048xi32, #tpu.memory_space<hbm>>
      tpu.wait_dma2 semaphore(%run_scoped3A : memref<!tpu.dma_semaphore, #tpu.memory_space<semaphore_mem>>) src(%dma_wait3A_103 : memref<2048xi32, #tpu.memory_space<hbm>>) dst(%dma_wait3A_101 : memref<2048xi32, #tpu.memory_space<vmem>>)
      tpu.yield
    }) : () -> ()
    %scan3A_55 = arith.constant 0 : i32
    %scan3A_56 = arith.constant 0 : i32
    %scan3A_57 = arith.constant 128 : i32
    %scan3A_58 = arith.addi %scan3A_56, %scan3A_57 : i32
    %scan3A_59 = arith.constant 1 : i32
    %scan3A_60 = scf.for %scan3A_89 = %scan3A_56 to %scan3A_58 step %scan3A_59 iter_args(%scan3A_90 = %scan3A_55) -> (i32)  : i32 {
      %mul3A_91 = arith.constant 16 : i32
      %mul3A_92 = arith.muli %scan3A_89, %mul3A_91 : i32
      %get3A = arith.index_cast %mul3A_92 : i32 to index
      %get3A_93 = tpu.vector_load %arg18[%get3A] {strides = array<i32>} : memref<3328xi32, #tpu.memory_space<vmem>>, vector<16xi32>,
      %add3A_94 = arith.constant 25000 : i32
      %add3A_95 = vector.broadcast %add3A_94 : i32 to vector<16xi32>
      %add3A_96 = arith.addi %get3A_93, %add3A_95 : vector<16xi32>
      %mul3A_97 = arith.constant 16 : i32
      %mul3A_98 = arith.muli %scan3A_89, %mul3A_97 : i32
      %add3A_99 = arith.constant 4096 : i32
      %add3A_100 = arith.addi %add3A_99, %mul3A_98 : i32
      %add3A_101 = vector.broadcast %add3A_100 : i32 to vector<16xi32>
      %add3A_102 = arith.addi %add3A_101, %iota3A : vector<16xi32>
      tpu.vector_store_idx %arg13[%add3A_96], %add3A_102 : memref<50000xi32, #tpu.memory_space<vmem>>[vector<16xi32>], vector<16xi32>,
      %scan3A_103 = arith.constant 0 : i32
      scf.yield %scan3A_103 : i32
    }
    %scan3A_61 = arith.constant 128 : i32
    "tpu.region"() ({
      %run_scoped3A = tpu.sem_alloc : memref<!tpu.dma_semaphore, #tpu.memory_space<semaphore_mem>>
      %dma_start3A_89 = arith.constant 0 : i32
      %dma_start3A_90 = tpu.memref_slice %arg18[%dma_start3A_89] : memref<3328xi32, #tpu.memory_space<vmem>> -> memref<2048xi32, #tpu.memory_space<vmem>>
      %dma_start3A_91 = arith.constant 2048 : i32
      %dma_start3A_92 = tpu.memref_slice %arg3[%dma_start3A_91] : memref<4096xi32, #tpu.memory_space<hbm>> -> memref<2048xi32, #tpu.memory_space<hbm>>
      %dma_start3A_93 = arith.constant 0 : i32
      %dma_start3A_94 = tpu.memref_slice %arg18[%dma_start3A_93] : memref<3328xi32, #tpu.memory_space<vmem>> -> memref<2048xi32, #tpu.memory_space<vmem>>
      %dma_start3A_95 = arith.constant 2048 : i32
      %dma_start3A_96 = tpu.memref_slice %arg3[%dma_start3A_95] : memref<4096xi32, #tpu.memory_space<hbm>> -> memref<2048xi32, #tpu.memory_space<hbm>>
      tpu.enqueue_dma source(%dma_start3A_96 : memref<2048xi32, #tpu.memory_space<hbm>>) target(%dma_start3A_94 : memref<2048xi32, #tpu.memory_space<vmem>>) target_semaphore(%run_scoped3A : memref<!tpu.dma_semaphore, #tpu.memory_space<semaphore_mem>>)
      %dma_wait3A = arith.constant 0 : i32
      %dma_wait3A_97 = tpu.memref_slice %arg18[%dma_wait3A] : memref<3328xi32, #tpu.memory_space<vmem>> -> memref<2048xi32, #tpu.memory_space<vmem>>
      %dma_wait3A_98 = arith.constant 2048 : i32
      %dma_wait3A_99 = tpu.memref_slice %arg3[%dma_wait3A_98] : memref<4096xi32, #tpu.memory_space<hbm>> -> memref<2048xi32, #tpu.memory_space<hbm>>
      %dma_wait3A_100 = arith.constant 0 : i32
      %dma_wait3A_101 = tpu.memref_slice %arg18[%dma_wait3A_100] : memref<3328xi32, #tpu.memory_space<vmem>> -> memref<2048xi32, #tpu.memory_space<vmem>>
      %dma_wait3A_102 = arith.constant 2048 : i32
      %dma_wait3A_103 = tpu.memref_slice %arg3[%dma_wait3A_102] : memref<4096xi32, #tpu.memory_space<hbm>> -> memref<2048xi32, #tpu.memory_space<hbm>>
      tpu.wait_dma2 semaphore(%run_scoped3A : memref<!tpu.dma_semaphore, #tpu.memory_space<semaphore_mem>>) src(%dma_wait3A_103 : memref<2048xi32, #tpu.memory_space<hbm>>) dst(%dma_wait3A_101 : memref<2048xi32, #tpu.memory_space<vmem>>)
      tpu.yield
    }) : () -> ()
    %scan3A_62 = arith.constant 0 : i32
    %scan3A_63 = arith.constant 0 : i32
    %scan3A_64 = arith.constant 128 : i32
    %scan3A_65 = arith.addi %scan3A_63, %scan3A_64 : i32
    %scan3A_66 = arith.constant 1 : i32
    %scan3A_67 = scf.for %scan3A_89 = %scan3A_63 to %scan3A_65 step %scan3A_66 iter_args(%scan3A_90 = %scan3A_62) -> (i32)  : i32 {
      %mul3A_91 = arith.constant 16 : i32
      %mul3A_92 = arith.muli %scan3A_89, %mul3A_91 : i32
      %get3A = arith.index_cast %mul3A_92 : i32 to index
      %get3A_93 = tpu.vector_load %arg18[%get3A] {strides = array<i32>} : memref<3328xi32, #tpu.memory_space<vmem>>, vector<16xi32>,
      %add3A_94 = arith.constant 25000 : i32
      %add3A_95 = vector.broadcast %add3A_94 : i32 to vector<16xi32>
      %add3A_96 = arith.addi %get3A_93, %add3A_95 : vector<16xi32>
      %mul3A_97 = arith.constant 16 : i32
      %mul3A_98 = arith.muli %scan3A_89, %mul3A_97 : i32
      %add3A_99 = arith.constant 6144 : i32
      %add3A_100 = arith.addi %add3A_99, %mul3A_98 : i32
      %add3A_101 = vector.broadcast %add3A_100 : i32 to vector<16xi32>
      %add3A_102 = arith.addi %add3A_101, %iota3A : vector<16xi32>
      tpu.vector_store_idx %arg13[%add3A_96], %add3A_102 : memref<50000xi32, #tpu.memory_space<vmem>>[vector<16xi32>], vector<16xi32>,
      %scan3A_103 = arith.constant 0 : i32
      scf.yield %scan3A_103 : i32
    }
    %scan3A_68 = arith.constant 128 : i32
    %eq3A = arith.constant 0 : i32
    %eq3A_69 = arith.cmpi eq, %arg0, %eq3A : i32
    %convert_element_type3A = arith.extui %eq3A_69 : i1 to i32
    %cond3A = arith.constant 0 : i32
    %cond3A_70 = arith.cmpi ne, %convert_element_type3A, %cond3A : i32
    scf.if %cond3A_70 {
      %mul3A_89 = arith.constant 256 : i32
      %mul3A_90 = arith.muli %arg1, %mul3A_89 : i32
      "tpu.region"() ({
        %run_scoped3A = tpu.sem_alloc : memref<!tpu.dma_semaphore, #tpu.memory_space<semaphore_mem>>
        %dma_start3A_105 = tpu.memref_slice %arg2[%mul3A_90] : memref<4096xi32, #tpu.memory_space<hbm>> -> memref<256xi32, #tpu.memory_space<hbm>>
        %dma_start3A_106 = tpu.memref_slice %arg2[%mul3A_90] : memref<4096xi32, #tpu.memory_space<hbm>> -> memref<256xi32, #tpu.memory_space<hbm>>
        tpu.enqueue_dma source(%dma_start3A_106 : memref<256xi32, #tpu.memory_space<hbm>>) target(%arg14 : memref<256xi32, #tpu.memory_space<vmem>>) target_semaphore(%run_scoped3A : memref<!tpu.dma_semaphore, #tpu.memory_space<semaphore_mem>>)
        %dma_wait3A = tpu.memref_slice %arg2[%mul3A_90] : memref<4096xi32, #tpu.memory_space<hbm>> -> memref<256xi32, #tpu.memory_space<hbm>>
        %dma_wait3A_107 = tpu.memref_slice %arg2[%mul3A_90] : memref<4096xi32, #tpu.memory_space<hbm>> -> memref<256xi32, #tpu.memory_space<hbm>>
        tpu.wait_dma2 semaphore(%run_scoped3A : memref<!tpu.dma_semaphore, #tpu.memory_space<semaphore_mem>>) src(%dma_wait3A_107 : memref<256xi32, #tpu.memory_space<hbm>>) dst(%arg14 : memref<256xi32, #tpu.memory_space<vmem>>)
        tpu.yield
      }) : () -> ()
      %scan3A_91 = arith.constant 0 : i32
      %scan3A_92 = arith.constant 0 : i32
      %scan3A_93 = arith.constant 16 : i32
      %scan3A_94 = arith.addi %scan3A_92, %scan3A_93 : i32
      %scan3A_95 = arith.constant 1 : i32
      %scan3A_96 = scf.for %scan3A_105 = %scan3A_92 to %scan3A_94 step %scan3A_95 iter_args(%scan3A_106 = %scan3A_91) -> (i32)  : i32 {
        %mul3A_107 = arith.constant 16 : i32
        %mul3A_108 = arith.muli %scan3A_105, %mul3A_107 : i32
        %get3A = arith.index_cast %mul3A_108 : i32 to index
        %get3A_109 = tpu.vector_load %arg14[%get3A] {strides = array<i32>} : memref<256xi32, #tpu.memory_space<vmem>>, vector<16xi32>,
        %add3A_110 = arith.constant 0 : i32
        %add3A_111 = vector.broadcast %add3A_110 : i32 to vector<16xi32>
        %add3A_112 = arith.addi %get3A_109, %add3A_111 : vector<16xi32>
        %gather3A = tpu.vector_load_idx %arg13[%add3A_112] : memref<50000xi32, #tpu.memory_space<vmem>>[vector<16xi32>], vector<16xi32>,
        %mul3A_113 = arith.constant 16 : i32
        %mul3A_114 = arith.muli %scan3A_105, %mul3A_113 : i32
        %swap3A = arith.index_cast %mul3A_114 : i32 to index
        %swap3A_115 = tpu.vector_load %arg25[%swap3A] {strides = array<i32>} : memref<256xi32, #tpu.memory_space<vmem>>, vector<16xi32>,
        tpu.vector_store %arg25[%swap3A], %gather3A {strides = array<i32>} : memref<256xi32, #tpu.memory_space<vmem>>, vector<16xi32>,
        %scan3A_116 = arith.constant 0 : i32
        scf.yield %scan3A_116 : i32
      }
      %scan3A_97 = arith.constant 16 : i32
      "tpu.region"() ({
        %run_scoped3A = tpu.sem_alloc : memref<!tpu.dma_semaphore, #tpu.memory_space<semaphore_mem>>
        %dma_start3A_105 = tpu.memref_slice %arg11[%mul3A_90] : memref<4096xi32, #tpu.memory_space<hbm>> -> memref<256xi32, #tpu.memory_space<hbm>>
        %dma_start3A_106 = tpu.memref_slice %arg11[%mul3A_90] : memref<4096xi32, #tpu.memory_space<hbm>> -> memref<256xi32, #tpu.memory_space<hbm>>
        tpu.enqueue_dma source(%arg25 : memref<256xi32, #tpu.memory_space<vmem>>) target(%dma_start3A_106 : memref<256xi32, #tpu.memory_space<hbm>>) target_semaphore(%run_scoped3A : memref<!tpu.dma_semaphore, #tpu.memory_space<semaphore_mem>>)
        %dma_wait3A = tpu.memref_slice %arg11[%mul3A_90] : memref<4096xi32, #tpu.memory_space<hbm>> -> memref<256xi32, #tpu.memory_space<hbm>>
        %dma_wait3A_107 = tpu.memref_slice %arg11[%mul3A_90] : memref<4096xi32, #tpu.memory_space<hbm>> -> memref<256xi32, #tpu.memory_space<hbm>>
        tpu.wait_dma2 semaphore(%run_scoped3A : memref<!tpu.dma_semaphore, #tpu.memory_space<semaphore_mem>>) src(%arg25 : memref<256xi32, #tpu.memory_space<vmem>>) dst(%dma_wait3A_107 : memref<256xi32, #tpu.memory_space<hbm>>)
        tpu.yield
      }) : () -> ()
      "tpu.region"() ({
        %run_scoped3A = tpu.sem_alloc : memref<!tpu.dma_semaphore, #tpu.memory_space<semaphore_mem>>
        %dma_start3A_105 = tpu.memref_slice %arg3[%mul3A_90] : memref<4096xi32, #tpu.memory_space<hbm>> -> memref<256xi32, #tpu.memory_space<hbm>>
        %dma_start3A_106 = tpu.memref_slice %arg3[%mul3A_90] : memref<4096xi32, #tpu.memory_space<hbm>> -> memref<256xi32, #tpu.memory_space<hbm>>
        tpu.enqueue_dma source(%dma_start3A_106 : memref<256xi32, #tpu.memory_space<hbm>>) target(%arg14 : memref<256xi32, #tpu.memory_space<vmem>>) target_semaphore(%run_scoped3A : memref<!tpu.dma_semaphore, #tpu.memory_space<semaphore_mem>>)
        %dma_wait3A = tpu.memref_slice %arg3[%mul3A_90] : memref<4096xi32, #tpu.memory_space<hbm>> -> memref<256xi32, #tpu.memory_space<hbm>>
        %dma_wait3A_107 = tpu.memref_slice %arg3[%mul3A_90] : memref<4096xi32, #tpu.memory_space<hbm>> -> memref<256xi32, #tpu.memory_space<hbm>>
        tpu.wait_dma2 semaphore(%run_scoped3A : memref<!tpu.dma_semaphore, #tpu.memory_space<semaphore_mem>>) src(%dma_wait3A_107 : memref<256xi32, #tpu.memory_space<hbm>>) dst(%arg14 : memref<256xi32, #tpu.memory_space<vmem>>)
        tpu.yield
      }) : () -> ()
      %scan3A_98 = arith.constant 0 : i32
      %scan3A_99 = arith.constant 0 : i32
      %scan3A_100 = arith.constant 16 : i32
      %scan3A_101 = arith.addi %scan3A_99, %scan3A_100 : i32
      %scan3A_102 = arith.constant 1 : i32
      %scan3A_103 = scf.for %scan3A_105 = %scan3A_99 to %scan3A_101 step %scan3A_102 iter_args(%scan3A_106 = %scan3A_98) -> (i32)  : i32 {
        %mul3A_107 = arith.constant 16 : i32
        %mul3A_108 = arith.muli %scan3A_105, %mul3A_107 : i32
        %get3A = arith.index_cast %mul3A_108 : i32 to index
        %get3A_109 = tpu.vector_load %arg14[%get3A] {strides = array<i32>} : memref<256xi32, #tpu.memory_space<vmem>>, vector<16xi32>,
        %add3A_110 = arith.constant 25000 : i32
        %add3A_111 = vector.broadcast %add3A_110 : i32 to vector<16xi32>
        %add3A_112 = arith.addi %get3A_109, %add3A_111 : vector<16xi32>
        %gather3A = tpu.vector_load_idx %arg13[%add3A_112] : memref<50000xi32, #tpu.memory_space<vmem>>[vector<16xi32>], vector<16xi32>,
        %mul3A_113 = arith.constant 16 : i32
        %mul3A_114 = arith.muli %scan3A_105, %mul3A_113 : i32
        %swap3A = arith.index_cast %mul3A_114 : i32 to index
        %swap3A_115 = tpu.vector_load %arg25[%swap3A] {strides = array<i32>} : memref<256xi32, #tpu.memory_space<vmem>>, vector<16xi32>,
        tpu.vector_store %arg25[%swap3A], %gather3A {strides = array<i32>} : memref<256xi32, #tpu.memory_space<vmem>>, vector<16xi32>,
        %scan3A_116 = arith.constant 0 : i32
        scf.yield %scan3A_116 : i32
      }
      %scan3A_104 = arith.constant 16 : i32
      "tpu.region"() ({
        %run_scoped3A = tpu.sem_alloc : memref<!tpu.dma_semaphore, #tpu.memory_space<semaphore_mem>>
        %dma_start3A_105 = tpu.memref_slice %arg12[%mul3A_90] : memref<4096xi32, #tpu.memory_space<hbm>> -> memref<256xi32, #tpu.memory_space<hbm>>
        %dma_start3A_106 = tpu.memref_slice %arg12[%mul3A_90] : memref<4096xi32, #tpu.memory_space<hbm>> -> memref<256xi32, #tpu.memory_space<hbm>>
        tpu.enqueue_dma source(%arg25 : memref<256xi32, #tpu.memory_space<vmem>>) target(%dma_start3A_106 : memref<256xi32, #tpu.memory_space<hbm>>) target_semaphore(%run_scoped3A : memref<!tpu.dma_semaphore, #tpu.memory_space<semaphore_mem>>)
        %dma_wait3A = tpu.memref_slice %arg12[%mul3A_90] : memref<4096xi32, #tpu.memory_space<hbm>> -> memref<256xi32, #tpu.memory_space<hbm>>
        %dma_wait3A_107 = tpu.memref_slice %arg12[%mul3A_90] : memref<4096xi32, #tpu.memory_space<hbm>> -> memref<256xi32, #tpu.memory_space<hbm>>
        tpu.wait_dma2 semaphore(%run_scoped3A : memref<!tpu.dma_semaphore, #tpu.memory_space<semaphore_mem>>) src(%arg25 : memref<256xi32, #tpu.memory_space<vmem>>) dst(%dma_wait3A_107 : memref<256xi32, #tpu.memory_space<hbm>>)
        tpu.yield
      }) : () -> ()
    } else {
    }
    %barrier3A = arith.constant 0 : index
    tpu.barrier barrier_id(%barrier3A)
    %scan3A_71 = arith.constant 0 : i32
    %scan3A_72 = arith.constant 0 : i32
    %scan3A_73 = arith.constant 8 : i32
    %scan3A_74 = arith.addi %scan3A_72, %scan3A_73 : i32
    %scan3A_75 = arith.constant 1 : i32
    %scan3A_76 = scf.for %scan3A_89 = %scan3A_72 to %scan3A_74 step %scan3A_75 iter_args(%scan3A_90 = %scan3A_71) -> (i32)  : i32 {
      %dma_wait3A = arith.constant 0 : i32
      %dma_wait3A_91 = tpu.memref_slice %arg15[%dma_wait3A] : memref<3200xi32, #tpu.memory_space<vmem>> -> memref<3200xi32, #tpu.memory_space<vmem>>
      %dma_wait3A_92 = arith.constant 0 : i32
      %dma_wait3A_93 = tpu.memref_slice %arg5[%dma_wait3A_92] : memref<819200xi32, #tpu.memory_space<hbm>> -> memref<3200xi32, #tpu.memory_space<hbm>>
      %dma_wait3A_94 = arith.constant 0 : i32
      %dma_wait3A_95 = tpu.memref_slice %arg15[%dma_wait3A_94] : memref<3200xi32, #tpu.memory_space<vmem>> -> memref<3200xi32, #tpu.memory_space<vmem>>
      %dma_wait3A_96 = arith.constant 0 : i32
      %dma_wait3A_97 = tpu.memref_slice %arg5[%dma_wait3A_96] : memref<819200xi32, #tpu.memory_space<hbm>> -> memref<3200xi32, #tpu.memory_space<hbm>>
      tpu.wait_dma2 semaphore(%arg27 : memref<!tpu.dma_semaphore, #tpu.memory_space<semaphore_mem>>) src(%dma_wait3A_97 : memref<3200xi32, #tpu.memory_space<hbm>>) dst(%dma_wait3A_95 : memref<3200xi32, #tpu.memory_space<vmem>>)
      %dma_wait3A_98 = arith.constant 0 : i32
      %dma_wait3A_99 = tpu.memref_slice %arg16[%dma_wait3A_98] : memref<3200xi32, #tpu.memory_space<vmem>> -> memref<3200xi32, #tpu.memory_space<vmem>>
      %dma_wait3A_100 = arith.constant 0 : i32
      %dma_wait3A_101 = tpu.memref_slice %arg5[%dma_wait3A_100] : memref<819200xi32, #tpu.memory_space<hbm>> -> memref<3200xi32, #tpu.memory_space<hbm>>
      %dma_wait3A_102 = arith.constant 0 : i32
      %dma_wait3A_103 = tpu.memref_slice %arg16[%dma_wait3A_102] : memref<3200xi32, #tpu.memory_space<vmem>> -> memref<3200xi32, #tpu.memory_space<vmem>>
      %dma_wait3A_104 = arith.constant 0 : i32
      %dma_wait3A_105 = tpu.memref_slice %arg5[%dma_wait3A_104] : memref<819200xi32, #tpu.memory_space<hbm>> -> memref<3200xi32, #tpu.memory_space<hbm>>
      tpu.wait_dma2 semaphore(%arg27 : memref<!tpu.dma_semaphore, #tpu.memory_space<semaphore_mem>>) src(%dma_wait3A_105 : memref<3200xi32, #tpu.memory_space<hbm>>) dst(%dma_wait3A_103 : memref<3200xi32, #tpu.memory_space<vmem>>)
      %dma_wait3A_106 = arith.constant 0 : i32
      %dma_wait3A_107 = tpu.memref_slice %arg17[%dma_wait3A_106] : memref<3200xf32, #tpu.memory_space<vmem>> -> memref<3200xf32, #tpu.memory_space<vmem>>
      %dma_wait3A_108 = arith.constant 0 : i32
      %dma_wait3A_109 = tpu.memref_slice %arg5[%dma_wait3A_108] : memref<819200xi32, #tpu.memory_space<hbm>> -> memref<3200xi32, #tpu.memory_space<hbm>>
      %dma_wait3A_110 = arith.constant 0 : i32
      %dma_wait3A_111 = tpu.memref_slice %arg17[%dma_wait3A_110] : memref<3200xf32, #tpu.memory_space<vmem>> -> memref<3200xf32, #tpu.memory_space<vmem>>
      %dma_wait3A_112 = arith.constant 0 : i32
      %dma_wait3A_113 = tpu.memref_slice %arg5[%dma_wait3A_112] : memref<819200xi32, #tpu.memory_space<hbm>> -> memref<3200xi32, #tpu.memory_space<hbm>>
      tpu.wait_dma2 semaphore(%arg27 : memref<!tpu.dma_semaphore, #tpu.memory_space<semaphore_mem>>) src(%dma_wait3A_113 : memref<3200xi32, #tpu.memory_space<hbm>>) dst(%dma_wait3A_111 : memref<3200xf32, #tpu.memory_space<vmem>>)
      %scan3A_114 = arith.constant 0 : i32
      %scan3A_115 = arith.constant 0 : i32
      %scan3A_116 = arith.constant 50 : i32
      %scan3A_117 = arith.addi %scan3A_115, %scan3A_116 : i32
      %scan3A_118 = arith.constant 1 : i32
      %scan3A_119 = scf.for %scan3A_232 = %scan3A_115 to %scan3A_117 step %scan3A_118 iter_args(%scan3A_233 = %scan3A_114) -> (i32)  : i32 {
        %mul3A_234 = arith.constant 4 : i32
        %mul3A_235 = arith.muli %scan3A_232, %mul3A_234 : i32
        %mul3A_236 = arith.constant 16 : i32
        %mul3A_237 = arith.muli %mul3A_235, %mul3A_236 : i32
        %add3A_238 = arith.constant 0 : i32
        %add3A_239 = arith.addi %mul3A_237, %add3A_238 : i32
        %get3A = arith.index_cast %add3A_239 : i32 to index
        %get3A_240 = tpu.vector_load %arg15[%get3A] {strides = array<i32>} : memref<3200xi32, #tpu.memory_space<vmem>>, vector<16xi32>,
        %gather3A = tpu.vector_load_idx %arg13[%get3A_240] : memref<50000xi32, #tpu.memory_space<vmem>>[vector<16xi32>], vector<16xi32>,
        %ge3A_241 = arith.constant 0 : i32
        %ge3A_242 = vector.broadcast %ge3A_241 : i32 to vector<16xi32>
        %ge3A_243 = arith.cmpi sge, %gather3A, %ge3A_242 : vector<16xi32>
        %swap3A = arith.index_cast %scan3A_233 : i32 to index
        %swap3A_244 = tpu.vector_load %arg18[%swap3A] masked %ge3A_243 {strides = array<i32>} : memref<3328xi32, #tpu.memory_space<vmem>>, vector<16xi32>, vector<16xi1>
        tpu.vector_store %arg18[%swap3A], %gather3A masked %ge3A_243 {strides = array<i32>} : memref<3328xi32, #tpu.memory_space<vmem>>, vector<16xi32>, vector<16xi1>
        %get3A_245 = arith.index_cast %add3A_239 : i32 to index
        %get3A_246 = tpu.vector_load %arg16[%get3A_245] {strides = array<i32>} : memref<3200xi32, #tpu.memory_space<vmem>>, vector<16xi32>,
        %swap3A_247 = arith.index_cast %scan3A_233 : i32 to index
        %swap3A_248 = tpu.vector_load %arg19[%swap3A_247] masked %ge3A_243 {strides = array<i32>} : memref<3328xi32, #tpu.memory_space<vmem>>, vector<16xi32>, vector<16xi1>
        tpu.vector_store %arg19[%swap3A_247], %get3A_246 masked %ge3A_243 {strides = array<i32>} : memref<3328xi32, #tpu.memory_space<vmem>>, vector<16xi32>, vector<16xi1>
        %get3A_249 = arith.index_cast %add3A_239 : i32 to index
        %get3A_250 = tpu.vector_load %arg17[%get3A_249] {strides = array<i32>} : memref<3200xf32, #tpu.memory_space<vmem>>, vector<16xf32>,
        %swap3A_251 = arith.index_cast %scan3A_233 : i32 to index
        %swap3A_252 = tpu.vector_load %arg20[%swap3A_251] masked %ge3A_243 {strides = array<i32>} : memref<3328xf32, #tpu.memory_space<vmem>>, vector<16xf32>, vector<16xi1>
        tpu.vector_store %arg20[%swap3A_251], %get3A_250 masked %ge3A_243 {strides = array<i32>} : memref<3328xf32, #tpu.memory_space<vmem>>, vector<16xf32>, vector<16xi1>
        %convert_element_type3A_253 = arith.extui %ge3A_243 : vector<16xi1> to vector<16xi32>
        %reduce_sum3A = arith.constant true
        %reduce_sum3A_254 = vector.broadcast %reduce_sum3A : i1 to vector<16xi1>
        %reduce_sum3A_255 = tpu.scan <sum>, %convert_element_type3A_253 masked %reduce_sum3A_254 : vector<16xi32>, vector<16xi1> -> vector<16xi32>
        %reduce_sum3A_256 = vector.extract %reduce_sum3A_255[15] : i32 from vector<16xi32>
        %add3A_257 = arith.addi %scan3A_233, %reduce_sum3A_256 : i32
        %mul3A_258 = arith.constant 4 : i32
        %mul3A_259 = arith.muli %scan3A_232, %mul3A_258 : i32
        %mul3A_260 = arith.constant 16 : i32
        %mul3A_261 = arith.muli %mul3A_259, %mul3A_260 : i32
        %add3A_262 = arith.constant 16 : i32
        %add3A_263 = arith.addi %mul3A_261, %add3A_262 : i32
        %get3A_264 = arith.index_cast %add3A_263 : i32 to index
        %get3A_265 = tpu.vector_load %arg15[%get3A_264] {strides = array<i32>} : memref<3200xi32, #tpu.memory_space<vmem>>, vector<16xi32>,
        %gather3A_266 = tpu.vector_load_idx %arg13[%get3A_265] : memref<50000xi32, #tpu.memory_space<vmem>>[vector<16xi32>], vector<16xi32>,
        %ge3A_267 = arith.constant 0 : i32
        %ge3A_268 = vector.broadcast %ge3A_267 : i32 to vector<16xi32>
        %ge3A_269 = arith.cmpi sge, %gather3A_266, %ge3A_268 : vector<16xi32>
        %swap3A_270 = arith.index_cast %add3A_257 : i32 to index
        %swap3A_271 = tpu.vector_load %arg18[%swap3A_270] masked %ge3A_269 {strides = array<i32>} : memref<3328xi32, #tpu.memory_space<vmem>>, vector<16xi32>, vector<16xi1>
        tpu.vector_store %arg18[%swap3A_270], %gather3A_266 masked %ge3A_269 {strides = array<i32>} : memref<3328xi32, #tpu.memory_space<vmem>>, vector<16xi32>, vector<16xi1>
        %get3A_272 = arith.index_cast %add3A_263 : i32 to index
        %get3A_273 = tpu.vector_load %arg16[%get3A_272] {strides = array<i32>} : memref<3200xi32, #tpu.memory_space<vmem>>, vector<16xi32>,
        %swap3A_274 = arith.index_cast %add3A_257 : i32 to index
        %swap3A_275 = tpu.vector_load %arg19[%swap3A_274] masked %ge3A_269 {strides = array<i32>} : memref<3328xi32, #tpu.memory_space<vmem>>, vector<16xi32>, vector<16xi1>
        tpu.vector_store %arg19[%swap3A_274], %get3A_273 masked %ge3A_269 {strides = array<i32>} : memref<3328xi32, #tpu.memory_space<vmem>>, vector<16xi32>, vector<16xi1>
        %get3A_276 = arith.index_cast %add3A_263 : i32 to index
        %get3A_277 = tpu.vector_load %arg17[%get3A_276] {strides = array<i32>} : memref<3200xf32, #tpu.memory_space<vmem>>, vector<16xf32>,
        %swap3A_278 = arith.index_cast %add3A_257 : i32 to index
        %swap3A_279 = tpu.vector_load %arg20[%swap3A_278] masked %ge3A_269 {strides = array<i32>} : memref<3328xf32, #tpu.memory_space<vmem>>, vector<16xf32>, vector<16xi1>
        tpu.vector_store %arg20[%swap3A_278], %get3A_277 masked %ge3A_269 {strides = array<i32>} : memref<3328xf32, #tpu.memory_space<vmem>>, vector<16xf32>, vector<16xi1>
        %convert_element_type3A_280 = arith.extui %ge3A_269 : vector<16xi1> to vector<16xi32>
        %reduce_sum3A_281 = arith.constant true
        %reduce_sum3A_282 = vector.broadcast %reduce_sum3A_281 : i1 to vector<16xi1>
        %reduce_sum3A_283 = tpu.scan <sum>, %convert_element_type3A_280 masked %reduce_sum3A_282 : vector<16xi32>, vector<16xi1> -> vector<16xi32>
        %reduce_sum3A_284 = vector.extract %reduce_sum3A_283[15] : i32 from vector<16xi32>
        %add3A_285 = arith.addi %add3A_257, %reduce_sum3A_284 : i32
        %mul3A_286 = arith.constant 4 : i32
        %mul3A_287 = arith.muli %scan3A_232, %mul3A_286 : i32
        %mul3A_288 = arith.constant 16 : i32
        %mul3A_289 = arith.muli %mul3A_287, %mul3A_288 : i32
        %add3A_290 = arith.constant 32 : i32
        %add3A_291 = arith.addi %mul3A_289, %add3A_290 : i32
        %get3A_292 = arith.index_cast %add3A_291 : i32 to index
        %get3A_293 = tpu.vector_load %arg15[%get3A_292] {strides = array<i32>} : memref<3200xi32, #tpu.memory_space<vmem>>, vector<16xi32>,
        %gather3A_294 = tpu.vector_load_idx %arg13[%get3A_293] : memref<50000xi32, #tpu.memory_space<vmem>>[vector<16xi32>], vector<16xi32>,
        %ge3A_295 = arith.constant 0 : i32
        %ge3A_296 = vector.broadcast %ge3A_295 : i32 to vector<16xi32>
        %ge3A_297 = arith.cmpi sge, %gather3A_294, %ge3A_296 : vector<16xi32>
        %swap3A_298 = arith.index_cast %add3A_285 : i32 to index
        %swap3A_299 = tpu.vector_load %arg18[%swap3A_298] masked %ge3A_297 {strides = array<i32>} : memref<3328xi32, #tpu.memory_space<vmem>>, vector<16xi32>, vector<16xi1>
        tpu.vector_store %arg18[%swap3A_298], %gather3A_294 masked %ge3A_297 {strides = array<i32>} : memref<3328xi32, #tpu.memory_space<vmem>>, vector<16xi32>, vector<16xi1>
        %get3A_300 = arith.index_cast %add3A_291 : i32 to index
        %get3A_301 = tpu.vector_load %arg16[%get3A_300] {strides = array<i32>} : memref<3200xi32, #tpu.memory_space<vmem>>, vector<16xi32>,
        %swap3A_302 = arith.index_cast %add3A_285 : i32 to index
        %swap3A_303 = tpu.vector_load %arg19[%swap3A_302] masked %ge3A_297 {strides = array<i32>} : memref<3328xi32, #tpu.memory_space<vmem>>, vector<16xi32>, vector<16xi1>
        tpu.vector_store %arg19[%swap3A_302], %get3A_301 masked %ge3A_297 {strides = array<i32>} : memref<3328xi32, #tpu.memory_space<vmem>>, vector<16xi32>, vector<16xi1>
        %get3A_304 = arith.index_cast %add3A_291 : i32 to index
        %get3A_305 = tpu.vector_load %arg17[%get3A_304] {strides = array<i32>} : memref<3200xf32, #tpu.memory_space<vmem>>, vector<16xf32>,
        %swap3A_306 = arith.index_cast %add3A_285 : i32 to index
        %swap3A_307 = tpu.vector_load %arg20[%swap3A_306] masked %ge3A_297 {strides = array<i32>} : memref<3328xf32, #tpu.memory_space<vmem>>, vector<16xf32>, vector<16xi1>
        tpu.vector_store %arg20[%swap3A_306], %get3A_305 masked %ge3A_297 {strides = array<i32>} : memref<3328xf32, #tpu.memory_space<vmem>>, vector<16xf32>, vector<16xi1>
        %convert_element_type3A_308 = arith.extui %ge3A_297 : vector<16xi1> to vector<16xi32>
        %reduce_sum3A_309 = arith.constant true
        %reduce_sum3A_310 = vector.broadcast %reduce_sum3A_309 : i1 to vector<16xi1>
        %reduce_sum3A_311 = tpu.scan <sum>, %convert_element_type3A_308 masked %reduce_sum3A_310 : vector<16xi32>, vector<16xi1> -> vector<16xi32>
        %reduce_sum3A_312 = vector.extract %reduce_sum3A_311[15] : i32 from vector<16xi32>
        %add3A_313 = arith.addi %add3A_285, %reduce_sum3A_312 : i32
        %mul3A_314 = arith.constant 4 : i32
        %mul3A_315 = arith.muli %scan3A_232, %mul3A_314 : i32
        %mul3A_316 = arith.constant 16 : i32
        %mul3A_317 = arith.muli %mul3A_315, %mul3A_316 : i32
        %add3A_318 = arith.constant 48 : i32
        %add3A_319 = arith.addi %mul3A_317, %add3A_318 : i32
        %get3A_320 = arith.index_cast %add3A_319 : i32 to index
        %get3A_321 = tpu.vector_load %arg15[%get3A_320] {strides = array<i32>} : memref<3200xi32, #tpu.memory_space<vmem>>, vector<16xi32>,
        %gather3A_322 = tpu.vector_load_idx %arg13[%get3A_321] : memref<50000xi32, #tpu.memory_space<vmem>>[vector<16xi32>], vector<16xi32>,
        %ge3A_323 = arith.constant 0 : i32
        %ge3A_324 = vector.broadcast %ge3A_323 : i32 to vector<16xi32>
        %ge3A_325 = arith.cmpi sge, %gather3A_322, %ge3A_324 : vector<16xi32>
        %swap3A_326 = arith.index_cast %add3A_313 : i32 to index
        %swap3A_327 = tpu.vector_load %arg18[%swap3A_326] masked %ge3A_325 {strides = array<i32>} : memref<3328xi32, #tpu.memory_space<vmem>>, vector<16xi32>, vector<16xi1>
        tpu.vector_store %arg18[%swap3A_326], %gather3A_322 masked %ge3A_325 {strides = array<i32>} : memref<3328xi32, #tpu.memory_space<vmem>>, vector<16xi32>, vector<16xi1>
        %get3A_328 = arith.index_cast %add3A_319 : i32 to index
        %get3A_329 = tpu.vector_load %arg16[%get3A_328] {strides = array<i32>} : memref<3200xi32, #tpu.memory_space<vmem>>, vector<16xi32>,
        %swap3A_330 = arith.index_cast %add3A_313 : i32 to index
        %swap3A_331 = tpu.vector_load %arg19[%swap3A_330] masked %ge3A_325 {strides = array<i32>} : memref<3328xi32, #tpu.memory_space<vmem>>, vector<16xi32>, vector<16xi1>
        tpu.vector_store %arg19[%swap3A_330], %get3A_329 masked %ge3A_325 {strides = array<i32>} : memref<3328xi32, #tpu.memory_space<vmem>>, vector<16xi32>, vector<16xi1>
        %get3A_332 = arith.index_cast %add3A_319 : i32 to index
        %get3A_333 = tpu.vector_load %arg17[%get3A_332] {strides = array<i32>} : memref<3200xf32, #tpu.memory_space<vmem>>, vector<16xf32>,
        %swap3A_334 = arith.index_cast %add3A_313 : i32 to index
        %swap3A_335 = tpu.vector_load %arg20[%swap3A_334] masked %ge3A_325 {strides = array<i32>} : memref<3328xf32, #tpu.memory_space<vmem>>, vector<16xf32>, vector<16xi1>
        tpu.vector_store %arg20[%swap3A_334], %get3A_333 masked %ge3A_325 {strides = array<i32>} : memref<3328xf32, #tpu.memory_space<vmem>>, vector<16xf32>, vector<16xi1>
        %convert_element_type3A_336 = arith.extui %ge3A_325 : vector<16xi1> to vector<16xi32>
        %reduce_sum3A_337 = arith.constant true
        %reduce_sum3A_338 = vector.broadcast %reduce_sum3A_337 : i1 to vector<16xi1>
        %reduce_sum3A_339 = tpu.scan <sum>, %convert_element_type3A_336 masked %reduce_sum3A_338 : vector<16xi32>, vector<16xi1> -> vector<16xi32>
        %reduce_sum3A_340 = vector.extract %reduce_sum3A_339[15] : i32 from vector<16xi32>
        %add3A_341 = arith.addi %add3A_313, %reduce_sum3A_340 : i32
        scf.yield %add3A_341 : i32
      }
      %scan3A_120 = arith.constant 50 : i32
      %add3A_121 = arith.constant 1 : i32
      %add3A_122 = arith.addi %scan3A_89, %add3A_121 : i32
      %lt3A = arith.constant 8 : i32
      %lt3A_123 = arith.cmpi slt, %add3A_122, %lt3A : i32
      %convert_element_type3A_124 = arith.extui %lt3A_123 : i1 to i32
      %cond3A_125 = arith.constant 0 : i32
      %cond3A_126 = arith.cmpi ne, %convert_element_type3A_124, %cond3A_125 : i32
      scf.if %cond3A_126 {
        %add3A_232 = arith.constant 1 : i32
        %add3A_233 = arith.addi %scan3A_89, %add3A_232 : i32
        %mul3A_234 = arith.constant 25600 : i32
        %mul3A_235 = arith.muli %add3A, %mul3A_234 : i32
        %mul3A_236 = arith.constant 3200 : i32
        %mul3A_237 = arith.muli %add3A_233, %mul3A_236 : i32
        %add3A_238 = arith.addi %mul3A_235, %mul3A_237 : i32
        %dma_start3A_239 = arith.constant 0 : i32
        %dma_start3A_240 = tpu.memref_slice %arg15[%dma_start3A_239] : memref<3200xi32, #tpu.memory_space<vmem>> -> memref<3200xi32, #tpu.memory_space<vmem>>
        %dma_start3A_241 = tpu.memref_slice %arg5[%add3A_238] : memref<819200xi32, #tpu.memory_space<hbm>> -> memref<3200xi32, #tpu.memory_space<hbm>>
        %dma_start3A_242 = arith.constant 0 : i32
        %dma_start3A_243 = tpu.memref_slice %arg15[%dma_start3A_242] : memref<3200xi32, #tpu.memory_space<vmem>> -> memref<3200xi32, #tpu.memory_space<vmem>>
        %dma_start3A_244 = tpu.memref_slice %arg5[%add3A_238] : memref<819200xi32, #tpu.memory_space<hbm>> -> memref<3200xi32, #tpu.memory_space<hbm>>
        tpu.enqueue_dma source(%dma_start3A_244 : memref<3200xi32, #tpu.memory_space<hbm>>) target(%dma_start3A_243 : memref<3200xi32, #tpu.memory_space<vmem>>) target_semaphore(%arg27 : memref<!tpu.dma_semaphore, #tpu.memory_space<semaphore_mem>>)
        %dma_start3A_245 = arith.constant 0 : i32
        %dma_start3A_246 = tpu.memref_slice %arg16[%dma_start3A_245] : memref<3200xi32, #tpu.memory_space<vmem>> -> memref<3200xi32, #tpu.memory_space<vmem>>
        %dma_start3A_247 = tpu.memref_slice %arg6[%add3A_238] : memref<819200xi32, #tpu.memory_space<hbm>> -> memref<3200xi32, #tpu.memory_space<hbm>>
        %dma_start3A_248 = arith.constant 0 : i32
        %dma_start3A_249 = tpu.memref_slice %arg16[%dma_start3A_248] : memref<3200xi32, #tpu.memory_space<vmem>> -> memref<3200xi32, #tpu.memory_space<vmem>>
        %dma_start3A_250 = tpu.memref_slice %arg6[%add3A_238] : memref<819200xi32, #tpu.memory_space<hbm>> -> memref<3200xi32, #tpu.memory_space<hbm>>
        tpu.enqueue_dma source(%dma_start3A_250 : memref<3200xi32, #tpu.memory_space<hbm>>) target(%dma_start3A_249 : memref<3200xi32, #tpu.memory_space<vmem>>) target_semaphore(%arg27 : memref<!tpu.dma_semaphore, #tpu.memory_space<semaphore_mem>>)
        %dma_start3A_251 = arith.constant 0 : i32
        %dma_start3A_252 = tpu.memref_slice %arg17[%dma_start3A_251] : memref<3200xf32, #tpu.memory_space<vmem>> -> memref<3200xf32, #tpu.memory_space<vmem>>
        %dma_start3A_253 = tpu.memref_slice %arg7[%add3A_238] : memref<819200xf32, #tpu.memory_space<hbm>> -> memref<3200xf32, #tpu.memory_space<hbm>>
        %dma_start3A_254 = arith.constant 0 : i32
        %dma_start3A_255 = tpu.memref_slice %arg17[%dma_start3A_254] : memref<3200xf32, #tpu.memory_space<vmem>> -> memref<3200xf32, #tpu.memory_space<vmem>>
        %dma_start3A_256 = tpu.memref_slice %arg7[%add3A_238] : memref<819200xf32, #tpu.memory_space<hbm>> -> memref<3200xf32, #tpu.memory_space<hbm>>
        tpu.enqueue_dma source(%dma_start3A_256 : memref<3200xf32, #tpu.memory_space<hbm>>) target(%dma_start3A_255 : memref<3200xf32, #tpu.memory_space<vmem>>) target_semaphore(%arg27 : memref<!tpu.dma_semaphore, #tpu.memory_space<semaphore_mem>>)
      } else {
      }
      %add3A_127 = arith.constant 0 : i32
      %add3A_128 = arith.addi %scan3A_119, %add3A_127 : i32
      %add3A_129 = vector.broadcast %add3A_128 : i32 to vector<16xi32>
      %add3A_130 = arith.addi %add3A_129, %iota3A : vector<16xi32>
      tpu.vector_store_idx %arg18[%add3A_130], %broadcast_in_dim3A_1 : memref<3328xi32, #tpu.memory_space<vmem>>[vector<16xi32>], vector<16xi32>,
      tpu.vector_store_idx %arg19[%add3A_130], %broadcast_in_dim3A_1 : memref<3328xi32, #tpu.memory_space<vmem>>[vector<16xi32>], vector<16xi32>,
      tpu.vector_store_idx %arg20[%add3A_130], %broadcast_in_dim3A_3 : memref<3328xf32, #tpu.memory_space<vmem>>[vector<16xi32>], vector<16xf32>,
      %add3A_131 = arith.constant 16 : i32
      %add3A_132 = arith.addi %scan3A_119, %add3A_131 : i32
      %add3A_133 = vector.broadcast %add3A_132 : i32 to vector<16xi32>
      %add3A_134 = arith.addi %add3A_133, %iota3A : vector<16xi32>
      tpu.vector_store_idx %arg18[%add3A_134], %broadcast_in_dim3A_1 : memref<3328xi32, #tpu.memory_space<vmem>>[vector<16xi32>], vector<16xi32>,
      tpu.vector_store_idx %arg19[%add3A_134], %broadcast_in_dim3A_1 : memref<3328xi32, #tpu.memory_space<vmem>>[vector<16xi32>], vector<16xi32>,
      tpu.vector_store_idx %arg20[%add3A_134], %broadcast_in_dim3A_3 : memref<3328xf32, #tpu.memory_space<vmem>>[vector<16xi32>], vector<16xf32>,
      %add3A_135 = arith.constant 32 : i32
      %add3A_136 = arith.addi %scan3A_119, %add3A_135 : i32
      %add3A_137 = vector.broadcast %add3A_136 : i32 to vector<16xi32>
      %add3A_138 = arith.addi %add3A_137, %iota3A : vector<16xi32>
      tpu.vector_store_idx %arg18[%add3A_138], %broadcast_in_dim3A_1 : memref<3328xi32, #tpu.memory_space<vmem>>[vector<16xi32>], vector<16xi32>,
      tpu.vector_store_idx %arg19[%add3A_138], %broadcast_in_dim3A_1 : memref<3328xi32, #tpu.memory_space<vmem>>[vector<16xi32>], vector<16xi32>,
      tpu.vector_store_idx %arg20[%add3A_138], %broadcast_in_dim3A_3 : memref<3328xf32, #tpu.memory_space<vmem>>[vector<16xi32>], vector<16xf32>,
      %add3A_139 = arith.constant 48 : i32
      %add3A_140 = arith.addi %scan3A_119, %add3A_139 : i32
      %add3A_141 = vector.broadcast %add3A_140 : i32 to vector<16xi32>
      %add3A_142 = arith.addi %add3A_141, %iota3A : vector<16xi32>
      tpu.vector_store_idx %arg18[%add3A_142], %broadcast_in_dim3A_1 : memref<3328xi32, #tpu.memory_space<vmem>>[vector<16xi32>], vector<16xi32>,
      tpu.vector_store_idx %arg19[%add3A_142], %broadcast_in_dim3A_1 : memref<3328xi32, #tpu.memory_space<vmem>>[vector<16xi32>], vector<16xi32>,
      tpu.vector_store_idx %arg20[%add3A_142], %broadcast_in_dim3A_3 : memref<3328xf32, #tpu.memory_space<vmem>>[vector<16xi32>], vector<16xf32>,
      %add3A_143 = arith.constant 64 : i32
      %add3A_144 = arith.addi %scan3A_119, %add3A_143 : i32
      %add3A_145 = vector.broadcast %add3A_144 : i32 to vector<16xi32>
      %add3A_146 = arith.addi %add3A_145, %iota3A : vector<16xi32>
      tpu.vector_store_idx %arg18[%add3A_146], %broadcast_in_dim3A_1 : memref<3328xi32, #tpu.memory_space<vmem>>[vector<16xi32>], vector<16xi32>,
      tpu.vector_store_idx %arg19[%add3A_146], %broadcast_in_dim3A_1 : memref<3328xi32, #tpu.memory_space<vmem>>[vector<16xi32>], vector<16xi32>,
      tpu.vector_store_idx %arg20[%add3A_146], %broadcast_in_dim3A_3 : memref<3328xf32, #tpu.memory_space<vmem>>[vector<16xi32>], vector<16xf32>,
      %add3A_147 = arith.constant 80 : i32
      %add3A_148 = arith.addi %scan3A_119, %add3A_147 : i32
      %add3A_149 = vector.broadcast %add3A_148 : i32 to vector<16xi32>
      %add3A_150 = arith.addi %add3A_149, %iota3A : vector<16xi32>
      tpu.vector_store_idx %arg18[%add3A_150], %broadcast_in_dim3A_1 : memref<3328xi32, #tpu.memory_space<vmem>>[vector<16xi32>], vector<16xi32>,
      tpu.vector_store_idx %arg19[%add3A_150], %broadcast_in_dim3A_1 : memref<3328xi32, #tpu.memory_space<vmem>>[vector<16xi32>], vector<16xi32>,
      tpu.vector_store_idx %arg20[%add3A_150], %broadcast_in_dim3A_3 : memref<3328xf32, #tpu.memory_space<vmem>>[vector<16xi32>], vector<16xf32>,
      %add3A_151 = arith.constant 96 : i32
      %add3A_152 = arith.addi %scan3A_119, %add3A_151 : i32
      %add3A_153 = vector.broadcast %add3A_152 : i32 to vector<16xi32>
      %add3A_154 = arith.addi %add3A_153, %iota3A : vector<16xi32>
      tpu.vector_store_idx %arg18[%add3A_154], %broadcast_in_dim3A_1 : memref<3328xi32, #tpu.memory_space<vmem>>[vector<16xi32>], vector<16xi32>,
      tpu.vector_store_idx %arg19[%add3A_154], %broadcast_in_dim3A_1 : memref<3328xi32, #tpu.memory_space<vmem>>[vector<16xi32>], vector<16xi32>,
      tpu.vector_store_idx %arg20[%add3A_154], %broadcast_in_dim3A_3 : memref<3328xf32, #tpu.memory_space<vmem>>[vector<16xi32>], vector<16xf32>,
      %add3A_155 = arith.constant 112 : i32
      %add3A_156 = arith.addi %scan3A_119, %add3A_155 : i32
      %add3A_157 = vector.broadcast %add3A_156 : i32 to vector<16xi32>
      %add3A_158 = arith.addi %add3A_157, %iota3A : vector<16xi32>
      tpu.vector_store_idx %arg18[%add3A_158], %broadcast_in_dim3A_1 : memref<3328xi32, #tpu.memory_space<vmem>>[vector<16xi32>], vector<16xi32>,
      tpu.vector_store_idx %arg19[%add3A_158], %broadcast_in_dim3A_1 : memref<3328xi32, #tpu.memory_space<vmem>>[vector<16xi32>], vector<16xi32>,
      tpu.vector_store_idx %arg20[%add3A_158], %broadcast_in_dim3A_3 : memref<3328xf32, #tpu.memory_space<vmem>>[vector<16xi32>], vector<16xf32>,
      %add3A_159 = arith.constant 128 : i32
      %add3A_160 = arith.addi %scan3A_119, %add3A_159 : i32
      %sub3A = arith.constant 1 : i32
      %sub3A_161 = arith.subi %add3A_160, %sub3A : i32
      %jit3A = arith.constant 128 : i32
      %div3A = arith.divsi %sub3A_161, %jit3A : i32
      %sign3A = arith.constant 0 : i32
      %sign3A_162 = arith.cmpi sgt, %sub3A_161, %sign3A : i32
      %sign3A_163 = arith.extui %sign3A_162 : i1 to i32
      %sign3A_164 = arith.constant 0 : i32
      %sign3A_165 = arith.cmpi slt, %sub3A_161, %sign3A_164 : i32
      %sign3A_166 = arith.extui %sign3A_165 : i1 to i32
      %sign3A_167 = arith.subi %sign3A_163, %sign3A_166 : i32
      %sign3A_168 = arith.constant 0 : i32
      %sign3A_169 = arith.cmpi sgt, %jit3A, %sign3A_168 : i32
      %sign3A_170 = arith.extui %sign3A_169 : i1 to i32
      %sign3A_171 = arith.constant 0 : i32
      %sign3A_172 = arith.cmpi slt, %jit3A, %sign3A_171 : i32
      %sign3A_173 = arith.extui %sign3A_172 : i1 to i32
      %sign3A_174 = arith.subi %sign3A_170, %sign3A_173 : i32
      %ne3A = arith.cmpi ne, %sign3A_167, %sign3A_174 : i32
      %rem3A = arith.remsi %sub3A_161, %jit3A : i32
      %ne3A_175 = arith.constant 0 : i32
      %ne3A_176 = arith.cmpi ne, %rem3A, %ne3A_175 : i32
      %and3A = arith.andi %ne3A, %ne3A_176 : i1
      %sub3A_177 = arith.constant 1 : i32
      %sub3A_178 = arith.subi %div3A, %sub3A_177 : i32
      %select_n3A = arith.select %and3A, %sub3A_178, %div3A : i32
      %gt3A = arith.constant 0 : i32
      %gt3A_179 = arith.cmpi sgt, %select_n3A, %gt3A : i32
      %convert_element_type3A_180 = arith.extui %gt3A_179 : i1 to i32
      %cond3A_181 = arith.constant 0 : i32
      %cond3A_182 = arith.cmpi ne, %convert_element_type3A_180, %cond3A_181 : i32
      scf.if %cond3A_182 {
        %dma_start3A_232 = arith.constant 0 : i32
        %dma_start3A_233 = tpu.memref_slice %arg19[%dma_start3A_232] : memref<3328xi32, #tpu.memory_space<vmem>> -> memref<128xi32, #tpu.memory_space<vmem>>
        %dma_start3A_234 = arith.constant 0 : i32
        %dma_start3A_235 = arith.constant 0 : i32
        %dma_start3A_236 = tpu.memref_slice %arg4[%dma_start3A_234, %dma_start3A_235] : memref<50000x64xf32, #tpu.memory_space<hbm>> -> memref<50000x64xf32, #tpu.memory_space<hbm>>
        tpu.enqueue_indirect_dma source(%dma_start3A_236 : memref<50000x64xf32, #tpu.memory_space<hbm>>) target(%arg21 : memref<128x64xf32, #tpu.memory_space<vmem>>) offsets(%dma_start3A_233 : memref<128xi32, #tpu.memory_space<vmem>>) semaphore(%arg29 : memref<!tpu.dma_semaphore, #tpu.memory_space<semaphore_mem>>)
      } else {
      }
      %add3A_183 = arith.constant 2 : i32
      %add3A_184 = arith.addi %select_n3A, %add3A_183 : i32
      %sub3A_185 = arith.constant 1 : i32
      %sub3A_186 = arith.subi %add3A_184, %sub3A_185 : i32
      %jit3A_187 = arith.constant 2 : i32
      %div3A_188 = arith.divsi %sub3A_186, %jit3A_187 : i32
      %sign3A_189 = arith.constant 0 : i32
      %sign3A_190 = arith.cmpi sgt, %sub3A_186, %sign3A_189 : i32
      %sign3A_191 = arith.extui %sign3A_190 : i1 to i32
      %sign3A_192 = arith.constant 0 : i32
      %sign3A_193 = arith.cmpi slt, %sub3A_186, %sign3A_192 : i32
      %sign3A_194 = arith.extui %sign3A_193 : i1 to i32
      %sign3A_195 = arith.subi %sign3A_191, %sign3A_194 : i32
      %sign3A_196 = arith.constant 0 : i32
      %sign3A_197 = arith.cmpi sgt, %jit3A_187, %sign3A_196 : i32
      %sign3A_198 = arith.extui %sign3A_197 : i1 to i32
      %sign3A_199 = arith.constant 0 : i32
      %sign3A_200 = arith.cmpi slt, %jit3A_187, %sign3A_199 : i32
      %sign3A_201 = arith.extui %sign3A_200 : i1 to i32
      %sign3A_202 = arith.subi %sign3A_198, %sign3A_201 : i32
      %ne3A_203 = arith.cmpi ne, %sign3A_195, %sign3A_202 : i32
      %rem3A_204 = arith.remsi %sub3A_186, %jit3A_187 : i32
      %ne3A_205 = arith.constant 0 : i32
      %ne3A_206 = arith.cmpi ne, %rem3A_204, %ne3A_205 : i32
      %and3A_207 = arith.andi %ne3A_203, %ne3A_206 : i1
      %sub3A_208 = arith.constant 1 : i32
      %sub3A_209 = arith.subi %div3A_188, %sub3A_208 : i32
      %select_n3A_210 = arith.select %and3A_207, %sub3A_209, %div3A_188 : i32
      %while3A = arith.constant 0 : i32
      %while3A_211 = arith.constant 0 : i32
      %while3A_212 = arith.subi %select_n3A_210, %while3A : i32
      %while3A_213 = arith.addi %while3A, %while3A_212 : i32
      %while3A_214 = arith.constant 1 : i32
      %while3A_215 = arith.divsi %while3A_212, %while3A_214 : i32
      %while3A_216 = arith.muli %while3A_215, %while3A_214 : i32
      %while3A_217 = arith.addi %while3A, %while3A_216 : i32
      %while3A_218 = arith.constant 1 : i32
      %while3A_219 = scf.for %while3A_232 = %while3A to %while3A_217 step %while3A_218 iter_args(%while3A_233 = %while3A_211) -> (i32)  : i32 {
        %mul3A_234 = arith.constant 2 : i32
        %mul3A_235 = arith.muli %while3A_232, %mul3A_234 : i32
        %add3A_236 = arith.constant 0 : i32
        %add3A_237 = arith.addi %mul3A_235, %add3A_236 : i32
        %lt3A_238 = arith.cmpi slt, %add3A_237, %select_n3A : i32
        %convert_element_type3A_239 = arith.extui %lt3A_238 : i1 to i32
        %cond3A_240 = arith.constant 0 : i32
        %cond3A_241 = arith.cmpi ne, %convert_element_type3A_239, %cond3A_240 : i32
        scf.if %cond3A_241 {
          %add3A_251 = arith.constant 2 : i32
          %add3A_252 = arith.addi %add3A_237, %add3A_251 : i32
          %sub3A_253 = arith.constant 1 : i32
          %sub3A_254 = arith.subi %add3A_252, %sub3A_253 : i32
          %lt3A_255 = arith.cmpi slt, %sub3A_254, %select_n3A : i32
          %convert_element_type3A_256 = arith.extui %lt3A_255 : i1 to i32
          %cond3A_257 = arith.constant 0 : i32
          %cond3A_258 = arith.cmpi ne, %convert_element_type3A_256, %cond3A_257 : i32
          scf.if %cond3A_258 {
            %ge3A_284 = arith.constant 1 : i32
            %ge3A_285 = arith.cmpi sge, %add3A_237, %ge3A_284 : i32
            %convert_element_type3A_286 = arith.extui %ge3A_285 : i1 to i32
            %cond3A_287 = arith.constant 0 : i32
            %cond3A_288 = arith.cmpi ne, %convert_element_type3A_286, %cond3A_287 : i32
            scf.if %cond3A_288 {
              %dma_wait3A_299 = arith.constant 0 : i32
              %dma_wait3A_300 = arith.constant 0 : i32
              %dma_wait3A_301 = tpu.memref_slice %arg26[%dma_wait3A_299, %dma_wait3A_300] : memref<8320x64xf32, #tpu.memory_space<vmem_shared>> -> memref<128x64xf32, #tpu.memory_space<vmem_shared>>
              %dma_wait3A_302 = arith.constant 0 : i32
              %dma_wait3A_303 = arith.constant 0 : i32
              %dma_wait3A_304 = tpu.memref_slice %arg26[%dma_wait3A_302, %dma_wait3A_303] : memref<8320x64xf32, #tpu.memory_space<vmem_shared>> -> memref<128x64xf32, #tpu.memory_space<vmem_shared>>
              tpu.wait_dma2 semaphore(%arg32 : memref<!tpu.dma_semaphore, #tpu.memory_space<semaphore_mem>>) src(%arg22 : memref<128x64xf32, #tpu.memory_space<vmem>>) dst(%dma_wait3A_304 : memref<128x64xf32, #tpu.memory_space<vmem_shared>>)
            } else {
            }
            %add3A_289 = arith.constant 2 : i32
            %add3A_290 = arith.addi %add3A_237, %add3A_289 : i32
            %sub3A_291 = arith.constant 1 : i32
            %sub3A_292 = arith.subi %add3A_290, %sub3A_291 : i32
            %mul3A_293 = arith.constant 128 : i32
            %mul3A_294 = arith.muli %sub3A_292, %mul3A_293 : i32
            %dma_start3A_295 = tpu.memref_slice %arg19[%mul3A_294] : memref<3328xi32, #tpu.memory_space<vmem>> -> memref<128xi32, #tpu.memory_space<vmem>>
            %dma_start3A_296 = arith.constant 0 : i32
            %dma_start3A_297 = arith.constant 0 : i32
            %dma_start3A_298 = tpu.memref_slice %arg4[%dma_start3A_296, %dma_start3A_297] : memref<50000x64xf32, #tpu.memory_space<hbm>> -> memref<50000x64xf32, #tpu.memory_space<hbm>>
            tpu.enqueue_indirect_dma source(%dma_start3A_298 : memref<50000x64xf32, #tpu.memory_space<hbm>>) target(%arg22 : memref<128x64xf32, #tpu.memory_space<vmem>>) offsets(%dma_start3A_295 : memref<128xi32, #tpu.memory_space<vmem>>) semaphore(%arg30 : memref<!tpu.dma_semaphore, #tpu.memory_space<semaphore_mem>>)
          } else {
          }
          %mul3A_259 = arith.constant 128 : i32
          %mul3A_260 = arith.muli %add3A_237, %mul3A_259 : i32
          %scan3A_261 = arith.constant 0 : i32
          %scan3A_262 = arith.constant 0 : i32
          %scan3A_263 = arith.constant 8 : i32
          %scan3A_264 = arith.addi %scan3A_262, %scan3A_263 : i32
          %scan3A_265 = arith.constant 1 : i32
          %scan3A_266 = scf.for %scan3A_284 = %scan3A_262 to %scan3A_264 step %scan3A_265 iter_args(%scan3A_285 = %scan3A_261) -> (i32)  : i32 {
            %mul3A_286 = arith.constant 16 : i32
            %mul3A_287 = arith.muli %scan3A_284, %mul3A_286 : i32
            %mul3A_288 = arith.constant 16 : i32
            %mul3A_289 = arith.muli %scan3A_284, %mul3A_288 : i32
            %add3A_290 = arith.addi %mul3A_260, %mul3A_289 : i32
            %get3A = arith.index_cast %add3A_290 : i32 to index
            %get3A_291 = tpu.vector_load %arg18[%get3A] {strides = array<i32>} : memref<3328xi32, #tpu.memory_space<vmem>>, vector<16xi32>,
            %swap3A = arith.index_cast %mul3A_287 : i32 to index
            %swap3A_292 = tpu.vector_load %arg23[%swap3A] {strides = array<i32>} : memref<128xi32, #tpu.memory_space<vmem>>, vector<16xi32>,
            tpu.vector_store %arg23[%swap3A], %get3A_291 {strides = array<i32>} : memref<128xi32, #tpu.memory_space<vmem>>, vector<16xi32>,
            %scan3A_293 = arith.constant 0 : i32
            scf.yield %scan3A_293 : i32
          }
          %scan3A_267 = arith.constant 8 : i32
          %dma_wait3A_268 = arith.constant 0 : i32
          %dma_wait3A_269 = arith.constant 0 : i32
          %dma_wait3A_270 = tpu.memref_slice %arg4[%dma_wait3A_268, %dma_wait3A_269] : memref<50000x64xf32, #tpu.memory_space<hbm>> -> memref<128x64xf32, #tpu.memory_space<hbm>>
          %dma_wait3A_271 = arith.constant 0 : i32
          %dma_wait3A_272 = arith.constant 0 : i32
          %dma_wait3A_273 = tpu.memref_slice %arg4[%dma_wait3A_271, %dma_wait3A_272] : memref<50000x64xf32, #tpu.memory_space<hbm>> -> memref<128x64xf32, #tpu.memory_space<hbm>>
          tpu.wait_dma2 semaphore(%arg29 : memref<!tpu.dma_semaphore, #tpu.memory_space<semaphore_mem>>) src(%dma_wait3A_273 : memref<128x64xf32, #tpu.memory_space<hbm>>) dst(%arg21 : memref<128x64xf32, #tpu.memory_space<vmem>>)
          %scan3A_274 = arith.constant 0 : i32
          %scan3A_275 = arith.constant 0 : i32
          %scan3A_276 = arith.constant 64 : i32
          %scan3A_277 = arith.addi %scan3A_275, %scan3A_276 : i32
          %scan3A_278 = arith.constant 1 : i32
          %scan3A_279 = scf.for %scan3A_284 = %scan3A_275 to %scan3A_277 step %scan3A_278 iter_args(%scan3A_285 = %scan3A_274) -> (i32)  : i32 {
            %mul3A_286 = arith.constant 2 : i32
            %mul3A_287 = arith.muli %scan3A_284, %mul3A_286 : i32
            %add3A_288 = arith.constant 0 : i32
            %add3A_289 = arith.addi %mul3A_287, %add3A_288 : i32
            %add3A_290 = arith.addi %mul3A_260, %add3A_289 : i32
            %broadcast_in_dim3A_291 = vector.broadcast %add3A_290 : i32 to vector<16xi32>
            %gather3A = tpu.vector_load_idx %arg20[%broadcast_in_dim3A_291] : memref<3328xf32, #tpu.memory_space<vmem>>[vector<16xi32>], vector<16xf32>,
            %get3A = arith.index_cast %add3A_289 : i32 to index
            %get3A_292 = arith.constant 0 : index
            %get3A_293 = tpu.vector_load %arg21[%get3A, %get3A_292] {strides = array<i32>} : memref<128x64xf32, #tpu.memory_space<vmem>>, vector<16xf32>,
            %mul3A_294 = arith.mulf %get3A_293, %gather3A : vector<16xf32>
            %swap3A = arith.index_cast %add3A_289 : i32 to index
            %swap3A_295 = arith.constant 0 : index
            %swap3A_296 = tpu.vector_load %arg21[%swap3A, %swap3A_295] {strides = array<i32>} : memref<128x64xf32, #tpu.memory_space<vmem>>, vector<16xf32>,
            tpu.vector_store %arg21[%swap3A, %swap3A_295], %mul3A_294 {strides = array<i32>} : memref<128x64xf32, #tpu.memory_space<vmem>>, vector<16xf32>,
            %get3A_297 = arith.index_cast %add3A_289 : i32 to index
            %get3A_298 = arith.constant 16 : index
            %get3A_299 = tpu.vector_load %arg21[%get3A_297, %get3A_298] {strides = array<i32>} : memref<128x64xf32, #tpu.memory_space<vmem>>, vector<16xf32>,
            %mul3A_300 = arith.mulf %get3A_299, %gather3A : vector<16xf32>
            %swap3A_301 = arith.index_cast %add3A_289 : i32 to index
            %swap3A_302 = arith.constant 16 : index
            %swap3A_303 = tpu.vector_load %arg21[%swap3A_301, %swap3A_302] {strides = array<i32>} : memref<128x64xf32, #tpu.memory_space<vmem>>, vector<16xf32>,
            tpu.vector_store %arg21[%swap3A_301, %swap3A_302], %mul3A_300 {strides = array<i32>} : memref<128x64xf32, #tpu.memory_space<vmem>>, vector<16xf32>,
            %get3A_304 = arith.index_cast %add3A_289 : i32 to index
            %get3A_305 = arith.constant 32 : index
            %get3A_306 = tpu.vector_load %arg21[%get3A_304, %get3A_305] {strides = array<i32>} : memref<128x64xf32, #tpu.memory_space<vmem>>, vector<16xf32>,
            %mul3A_307 = arith.mulf %get3A_306, %gather3A : vector<16xf32>
            %swap3A_308 = arith.index_cast %add3A_289 : i32 to index
            %swap3A_309 = arith.constant 32 : index
            %swap3A_310 = tpu.vector_load %arg21[%swap3A_308, %swap3A_309] {strides = array<i32>} : memref<128x64xf32, #tpu.memory_space<vmem>>, vector<16xf32>,
            tpu.vector_store %arg21[%swap3A_308, %swap3A_309], %mul3A_307 {strides = array<i32>} : memref<128x64xf32, #tpu.memory_space<vmem>>, vector<16xf32>,
            %get3A_311 = arith.index_cast %add3A_289 : i32 to index
            %get3A_312 = arith.constant 48 : index
            %get3A_313 = tpu.vector_load %arg21[%get3A_311, %get3A_312] {strides = array<i32>} : memref<128x64xf32, #tpu.memory_space<vmem>>, vector<16xf32>,
            %mul3A_314 = arith.mulf %get3A_313, %gather3A : vector<16xf32>
            %swap3A_315 = arith.index_cast %add3A_289 : i32 to index
            %swap3A_316 = arith.constant 48 : index
            %swap3A_317 = tpu.vector_load %arg21[%swap3A_315, %swap3A_316] {strides = array<i32>} : memref<128x64xf32, #tpu.memory_space<vmem>>, vector<16xf32>,
            tpu.vector_store %arg21[%swap3A_315, %swap3A_316], %mul3A_314 {strides = array<i32>} : memref<128x64xf32, #tpu.memory_space<vmem>>, vector<16xf32>,
            %mul3A_318 = arith.constant 2 : i32
            %mul3A_319 = arith.muli %scan3A_284, %mul3A_318 : i32
            %add3A_320 = arith.constant 1 : i32
            %add3A_321 = arith.addi %mul3A_319, %add3A_320 : i32
            %add3A_322 = arith.addi %mul3A_260, %add3A_321 : i32
            %broadcast_in_dim3A_323 = vector.broadcast %add3A_322 : i32 to vector<16xi32>
            %gather3A_324 = tpu.vector_load_idx %arg20[%broadcast_in_dim3A_323] : memref<3328xf32, #tpu.memory_space<vmem>>[vector<16xi32>], vector<16xf32>,
            %get3A_325 = arith.index_cast %add3A_321 : i32 to index
            %get3A_326 = arith.constant 0 : index
            %get3A_327 = tpu.vector_load %arg21[%get3A_325, %get3A_326] {strides = array<i32>} : memref<128x64xf32, #tpu.memory_space<vmem>>, vector<16xf32>,
            %mul3A_328 = arith.mulf %get3A_327, %gather3A_324 : vector<16xf32>
            %swap3A_329 = arith.index_cast %add3A_321 : i32 to index
            %swap3A_330 = arith.constant 0 : index
            %swap3A_331 = tpu.vector_load %arg21[%swap3A_329, %swap3A_330] {strides = array<i32>} : memref<128x64xf32, #tpu.memory_space<vmem>>, vector<16xf32>,
            tpu.vector_store %arg21[%swap3A_329, %swap3A_330], %mul3A_328 {strides = array<i32>} : memref<128x64xf32, #tpu.memory_space<vmem>>, vector<16xf32>,
            %get3A_332 = arith.index_cast %add3A_321 : i32 to index
            %get3A_333 = arith.constant 16 : index
            %get3A_334 = tpu.vector_load %arg21[%get3A_332, %get3A_333] {strides = array<i32>} : memref<128x64xf32, #tpu.memory_space<vmem>>, vector<16xf32>,
            %mul3A_335 = arith.mulf %get3A_334, %gather3A_324 : vector<16xf32>
            %swap3A_336 = arith.index_cast %add3A_321 : i32 to index
            %swap3A_337 = arith.constant 16 : index
            %swap3A_338 = tpu.vector_load %arg21[%swap3A_336, %swap3A_337] {strides = array<i32>} : memref<128x64xf32, #tpu.memory_space<vmem>>, vector<16xf32>,
            tpu.vector_store %arg21[%swap3A_336, %swap3A_337], %mul3A_335 {strides = array<i32>} : memref<128x64xf32, #tpu.memory_space<vmem>>, vector<16xf32>,
            %get3A_339 = arith.index_cast %add3A_321 : i32 to index
            %get3A_340 = arith.constant 32 : index
            %get3A_341 = tpu.vector_load %arg21[%get3A_339, %get3A_340] {strides = array<i32>} : memref<128x64xf32, #tpu.memory_space<vmem>>, vector<16xf32>,
            %mul3A_342 = arith.mulf %get3A_341, %gather3A_324 : vector<16xf32>
            %swap3A_343 = arith.index_cast %add3A_321 : i32 to index
            %swap3A_344 = arith.constant 32 : index
            %swap3A_345 = tpu.vector_load %arg21[%swap3A_343, %swap3A_344] {strides = array<i32>} : memref<128x64xf32, #tpu.memory_space<vmem>>, vector<16xf32>,
            tpu.vector_store %arg21[%swap3A_343, %swap3A_344], %mul3A_342 {strides = array<i32>} : memref<128x64xf32, #tpu.memory_space<vmem>>, vector<16xf32>,
            %get3A_346 = arith.index_cast %add3A_321 : i32 to index
            %get3A_347 = arith.constant 48 : index
            %get3A_348 = tpu.vector_load %arg21[%get3A_346, %get3A_347] {strides = array<i32>} : memref<128x64xf32, #tpu.memory_space<vmem>>, vector<16xf32>,
            %mul3A_349 = arith.mulf %get3A_348, %gather3A_324 : vector<16xf32>
            %swap3A_350 = arith.index_cast %add3A_321 : i32 to index
            %swap3A_351 = arith.constant 48 : index
            %swap3A_352 = tpu.vector_load %arg21[%swap3A_350, %swap3A_351] {strides = array<i32>} : memref<128x64xf32, #tpu.memory_space<vmem>>, vector<16xf32>,
            tpu.vector_store %arg21[%swap3A_350, %swap3A_351], %mul3A_349 {strides = array<i32>} : memref<128x64xf32, #tpu.memory_space<vmem>>, vector<16xf32>,
            %scan3A_353 = arith.constant 0 : i32
            scf.yield %scan3A_353 : i32
          }
          %scan3A_280 = arith.constant 64 : i32
          %dma_start3A_281 = arith.constant 0 : i32
          %dma_start3A_282 = arith.constant 0 : i32
          %dma_start3A_283 = tpu.memref_slice %arg26[%dma_start3A_281, %dma_start3A_282] : memref<8320x64xf32, #tpu.memory_space<vmem_shared>> -> memref<8320x64xf32, #tpu.memory_space<vmem_shared>>
          tpu.enqueue_indirect_dma source(%arg21 : memref<128x64xf32, #tpu.memory_space<vmem>>) target(%dma_start3A_283 : memref<8320x64xf32, #tpu.memory_space<vmem_shared>>) offsets(%arg23 : memref<128xi32, #tpu.memory_space<vmem>>) semaphore(%arg31 : memref<!tpu.dma_semaphore, #tpu.memory_space<semaphore_mem>>) {add = true}
        } else {
        }
        %mul3A_242 = arith.constant 2 : i32
        %mul3A_243 = arith.muli %while3A_232, %mul3A_242 : i32
        %add3A_244 = arith.constant 1 : i32
        %add3A_245 = arith.addi %mul3A_243, %add3A_244 : i32
        %lt3A_246 = arith.cmpi slt, %add3A_245, %select_n3A : i32
        %convert_element_type3A_247 = arith.extui %lt3A_246 : i1 to i32
        %cond3A_248 = arith.constant 0 : i32
        %cond3A_249 = arith.cmpi ne, %convert_element_type3A_247, %cond3A_248 : i32
        scf.if %cond3A_249 {
          %add3A_251 = arith.constant 2 : i32
          %add3A_252 = arith.addi %add3A_245, %add3A_251 : i32
          %sub3A_253 = arith.constant 1 : i32
          %sub3A_254 = arith.subi %add3A_252, %sub3A_253 : i32
          %lt3A_255 = arith.cmpi slt, %sub3A_254, %select_n3A : i32
          %convert_element_type3A_256 = arith.extui %lt3A_255 : i1 to i32
          %cond3A_257 = arith.constant 0 : i32
          %cond3A_258 = arith.cmpi ne, %convert_element_type3A_256, %cond3A_257 : i32
          scf.if %cond3A_258 {
            %ge3A_284 = arith.constant 1 : i32
            %ge3A_285 = arith.cmpi sge, %add3A_245, %ge3A_284 : i32
            %convert_element_type3A_286 = arith.extui %ge3A_285 : i1 to i32
            %cond3A_287 = arith.constant 0 : i32
            %cond3A_288 = arith.cmpi ne, %convert_element_type3A_286, %cond3A_287 : i32
            scf.if %cond3A_288 {
              %dma_wait3A_299 = arith.constant 0 : i32
              %dma_wait3A_300 = arith.constant 0 : i32
              %dma_wait3A_301 = tpu.memref_slice %arg26[%dma_wait3A_299, %dma_wait3A_300] : memref<8320x64xf32, #tpu.memory_space<vmem_shared>> -> memref<128x64xf32, #tpu.memory_space<vmem_shared>>
              %dma_wait3A_302 = arith.constant 0 : i32
              %dma_wait3A_303 = arith.constant 0 : i32
              %dma_wait3A_304 = tpu.memref_slice %arg26[%dma_wait3A_302, %dma_wait3A_303] : memref<8320x64xf32, #tpu.memory_space<vmem_shared>> -> memref<128x64xf32, #tpu.memory_space<vmem_shared>>
              tpu.wait_dma2 semaphore(%arg31 : memref<!tpu.dma_semaphore, #tpu.memory_space<semaphore_mem>>) src(%arg21 : memref<128x64xf32, #tpu.memory_space<vmem>>) dst(%dma_wait3A_304 : memref<128x64xf32, #tpu.memory_space<vmem_shared>>)
            } else {
            }
            %add3A_289 = arith.constant 2 : i32
            %add3A_290 = arith.addi %add3A_245, %add3A_289 : i32
            %sub3A_291 = arith.constant 1 : i32
            %sub3A_292 = arith.subi %add3A_290, %sub3A_291 : i32
            %mul3A_293 = arith.constant 128 : i32
            %mul3A_294 = arith.muli %sub3A_292, %mul3A_293 : i32
            %dma_start3A_295 = tpu.memref_slice %arg19[%mul3A_294] : memref<3328xi32, #tpu.memory_space<vmem>> -> memref<128xi32, #tpu.memory_space<vmem>>
            %dma_start3A_296 = arith.constant 0 : i32
            %dma_start3A_297 = arith.constant 0 : i32
            %dma_start3A_298 = tpu.memref_slice %arg4[%dma_start3A_296, %dma_start3A_297] : memref<50000x64xf32, #tpu.memory_space<hbm>> -> memref<50000x64xf32, #tpu.memory_space<hbm>>
            tpu.enqueue_indirect_dma source(%dma_start3A_298 : memref<50000x64xf32, #tpu.memory_space<hbm>>) target(%arg21 : memref<128x64xf32, #tpu.memory_space<vmem>>) offsets(%dma_start3A_295 : memref<128xi32, #tpu.memory_space<vmem>>) semaphore(%arg29 : memref<!tpu.dma_semaphore, #tpu.memory_space<semaphore_mem>>)
          } else {
          }
          %mul3A_259 = arith.constant 128 : i32
          %mul3A_260 = arith.muli %add3A_245, %mul3A_259 : i32
          %scan3A_261 = arith.constant 0 : i32
          %scan3A_262 = arith.constant 0 : i32
          %scan3A_263 = arith.constant 8 : i32
          %scan3A_264 = arith.addi %scan3A_262, %scan3A_263 : i32
          %scan3A_265 = arith.constant 1 : i32
          %scan3A_266 = scf.for %scan3A_284 = %scan3A_262 to %scan3A_264 step %scan3A_265 iter_args(%scan3A_285 = %scan3A_261) -> (i32)  : i32 {
            %mul3A_286 = arith.constant 16 : i32
            %mul3A_287 = arith.muli %scan3A_284, %mul3A_286 : i32
            %mul3A_288 = arith.constant 16 : i32
            %mul3A_289 = arith.muli %scan3A_284, %mul3A_288 : i32
            %add3A_290 = arith.addi %mul3A_260, %mul3A_289 : i32
            %get3A = arith.index_cast %add3A_290 : i32 to index
            %get3A_291 = tpu.vector_load %arg18[%get3A] {strides = array<i32>} : memref<3328xi32, #tpu.memory_space<vmem>>, vector<16xi32>,
            %swap3A = arith.index_cast %mul3A_287 : i32 to index
            %swap3A_292 = tpu.vector_load %arg24[%swap3A] {strides = array<i32>} : memref<128xi32, #tpu.memory_space<vmem>>, vector<16xi32>,
            tpu.vector_store %arg24[%swap3A], %get3A_291 {strides = array<i32>} : memref<128xi32, #tpu.memory_space<vmem>>, vector<16xi32>,
            %scan3A_293 = arith.constant 0 : i32
            scf.yield %scan3A_293 : i32
          }
          %scan3A_267 = arith.constant 8 : i32
          %dma_wait3A_268 = arith.constant 0 : i32
          %dma_wait3A_269 = arith.constant 0 : i32
          %dma_wait3A_270 = tpu.memref_slice %arg4[%dma_wait3A_268, %dma_wait3A_269] : memref<50000x64xf32, #tpu.memory_space<hbm>> -> memref<128x64xf32, #tpu.memory_space<hbm>>
          %dma_wait3A_271 = arith.constant 0 : i32
          %dma_wait3A_272 = arith.constant 0 : i32
          %dma_wait3A_273 = tpu.memref_slice %arg4[%dma_wait3A_271, %dma_wait3A_272] : memref<50000x64xf32, #tpu.memory_space<hbm>> -> memref<128x64xf32, #tpu.memory_space<hbm>>
          tpu.wait_dma2 semaphore(%arg30 : memref<!tpu.dma_semaphore, #tpu.memory_space<semaphore_mem>>) src(%dma_wait3A_273 : memref<128x64xf32, #tpu.memory_space<hbm>>) dst(%arg22 : memref<128x64xf32, #tpu.memory_space<vmem>>)
          %scan3A_274 = arith.constant 0 : i32
          %scan3A_275 = arith.constant 0 : i32
          %scan3A_276 = arith.constant 64 : i32
          %scan3A_277 = arith.addi %scan3A_275, %scan3A_276 : i32
          %scan3A_278 = arith.constant 1 : i32
          %scan3A_279 = scf.for %scan3A_284 = %scan3A_275 to %scan3A_277 step %scan3A_278 iter_args(%scan3A_285 = %scan3A_274) -> (i32)  : i32 {
            %mul3A_286 = arith.constant 2 : i32
            %mul3A_287 = arith.muli %scan3A_284, %mul3A_286 : i32
            %add3A_288 = arith.constant 0 : i32
            %add3A_289 = arith.addi %mul3A_287, %add3A_288 : i32
            %add3A_290 = arith.addi %mul3A_260, %add3A_289 : i32
            %broadcast_in_dim3A_291 = vector.broadcast %add3A_290 : i32 to vector<16xi32>
            %gather3A = tpu.vector_load_idx %arg20[%broadcast_in_dim3A_291] : memref<3328xf32, #tpu.memory_space<vmem>>[vector<16xi32>], vector<16xf32>,
            %get3A = arith.index_cast %add3A_289 : i32 to index
            %get3A_292 = arith.constant 0 : index
            %get3A_293 = tpu.vector_load %arg22[%get3A, %get3A_292] {strides = array<i32>} : memref<128x64xf32, #tpu.memory_space<vmem>>, vector<16xf32>,
            %mul3A_294 = arith.mulf %get3A_293, %gather3A : vector<16xf32>
            %swap3A = arith.index_cast %add3A_289 : i32 to index
            %swap3A_295 = arith.constant 0 : index
            %swap3A_296 = tpu.vector_load %arg22[%swap3A, %swap3A_295] {strides = array<i32>} : memref<128x64xf32, #tpu.memory_space<vmem>>, vector<16xf32>,
            tpu.vector_store %arg22[%swap3A, %swap3A_295], %mul3A_294 {strides = array<i32>} : memref<128x64xf32, #tpu.memory_space<vmem>>, vector<16xf32>,
            %get3A_297 = arith.index_cast %add3A_289 : i32 to index
            %get3A_298 = arith.constant 16 : index
            %get3A_299 = tpu.vector_load %arg22[%get3A_297, %get3A_298] {strides = array<i32>} : memref<128x64xf32, #tpu.memory_space<vmem>>, vector<16xf32>,
            %mul3A_300 = arith.mulf %get3A_299, %gather3A : vector<16xf32>
            %swap3A_301 = arith.index_cast %add3A_289 : i32 to index
            %swap3A_302 = arith.constant 16 : index
            %swap3A_303 = tpu.vector_load %arg22[%swap3A_301, %swap3A_302] {strides = array<i32>} : memref<128x64xf32, #tpu.memory_space<vmem>>, vector<16xf32>,
            tpu.vector_store %arg22[%swap3A_301, %swap3A_302], %mul3A_300 {strides = array<i32>} : memref<128x64xf32, #tpu.memory_space<vmem>>, vector<16xf32>,
            %get3A_304 = arith.index_cast %add3A_289 : i32 to index
            %get3A_305 = arith.constant 32 : index
            %get3A_306 = tpu.vector_load %arg22[%get3A_304, %get3A_305] {strides = array<i32>} : memref<128x64xf32, #tpu.memory_space<vmem>>, vector<16xf32>,
            %mul3A_307 = arith.mulf %get3A_306, %gather3A : vector<16xf32>
            %swap3A_308 = arith.index_cast %add3A_289 : i32 to index
            %swap3A_309 = arith.constant 32 : index
            %swap3A_310 = tpu.vector_load %arg22[%swap3A_308, %swap3A_309] {strides = array<i32>} : memref<128x64xf32, #tpu.memory_space<vmem>>, vector<16xf32>,
            tpu.vector_store %arg22[%swap3A_308, %swap3A_309], %mul3A_307 {strides = array<i32>} : memref<128x64xf32, #tpu.memory_space<vmem>>, vector<16xf32>,
            %get3A_311 = arith.index_cast %add3A_289 : i32 to index
            %get3A_312 = arith.constant 48 : index
            %get3A_313 = tpu.vector_load %arg22[%get3A_311, %get3A_312] {strides = array<i32>} : memref<128x64xf32, #tpu.memory_space<vmem>>, vector<16xf32>,
            %mul3A_314 = arith.mulf %get3A_313, %gather3A : vector<16xf32>
            %swap3A_315 = arith.index_cast %add3A_289 : i32 to index
            %swap3A_316 = arith.constant 48 : index
            %swap3A_317 = tpu.vector_load %arg22[%swap3A_315, %swap3A_316] {strides = array<i32>} : memref<128x64xf32, #tpu.memory_space<vmem>>, vector<16xf32>,
            tpu.vector_store %arg22[%swap3A_315, %swap3A_316], %mul3A_314 {strides = array<i32>} : memref<128x64xf32, #tpu.memory_space<vmem>>, vector<16xf32>,
            %mul3A_318 = arith.constant 2 : i32
            %mul3A_319 = arith.muli %scan3A_284, %mul3A_318 : i32
            %add3A_320 = arith.constant 1 : i32
            %add3A_321 = arith.addi %mul3A_319, %add3A_320 : i32
            %add3A_322 = arith.addi %mul3A_260, %add3A_321 : i32
            %broadcast_in_dim3A_323 = vector.broadcast %add3A_322 : i32 to vector<16xi32>
            %gather3A_324 = tpu.vector_load_idx %arg20[%broadcast_in_dim3A_323] : memref<3328xf32, #tpu.memory_space<vmem>>[vector<16xi32>], vector<16xf32>,
            %get3A_325 = arith.index_cast %add3A_321 : i32 to index
            %get3A_326 = arith.constant 0 : index
            %get3A_327 = tpu.vector_load %arg22[%get3A_325, %get3A_326] {strides = array<i32>} : memref<128x64xf32, #tpu.memory_space<vmem>>, vector<16xf32>,
            %mul3A_328 = arith.mulf %get3A_327, %gather3A_324 : vector<16xf32>
            %swap3A_329 = arith.index_cast %add3A_321 : i32 to index
            %swap3A_330 = arith.constant 0 : index
            %swap3A_331 = tpu.vector_load %arg22[%swap3A_329, %swap3A_330] {strides = array<i32>} : memref<128x64xf32, #tpu.memory_space<vmem>>, vector<16xf32>,
            tpu.vector_store %arg22[%swap3A_329, %swap3A_330], %mul3A_328 {strides = array<i32>} : memref<128x64xf32, #tpu.memory_space<vmem>>, vector<16xf32>,
            %get3A_332 = arith.index_cast %add3A_321 : i32 to index
            %get3A_333 = arith.constant 16 : index
            %get3A_334 = tpu.vector_load %arg22[%get3A_332, %get3A_333] {strides = array<i32>} : memref<128x64xf32, #tpu.memory_space<vmem>>, vector<16xf32>,
            %mul3A_335 = arith.mulf %get3A_334, %gather3A_324 : vector<16xf32>
            %swap3A_336 = arith.index_cast %add3A_321 : i32 to index
            %swap3A_337 = arith.constant 16 : index
            %swap3A_338 = tpu.vector_load %arg22[%swap3A_336, %swap3A_337] {strides = array<i32>} : memref<128x64xf32, #tpu.memory_space<vmem>>, vector<16xf32>,
            tpu.vector_store %arg22[%swap3A_336, %swap3A_337], %mul3A_335 {strides = array<i32>} : memref<128x64xf32, #tpu.memory_space<vmem>>, vector<16xf32>,
            %get3A_339 = arith.index_cast %add3A_321 : i32 to index
            %get3A_340 = arith.constant 32 : index
            %get3A_341 = tpu.vector_load %arg22[%get3A_339, %get3A_340] {strides = array<i32>} : memref<128x64xf32, #tpu.memory_space<vmem>>, vector<16xf32>,
            %mul3A_342 = arith.mulf %get3A_341, %gather3A_324 : vector<16xf32>
            %swap3A_343 = arith.index_cast %add3A_321 : i32 to index
            %swap3A_344 = arith.constant 32 : index
            %swap3A_345 = tpu.vector_load %arg22[%swap3A_343, %swap3A_344] {strides = array<i32>} : memref<128x64xf32, #tpu.memory_space<vmem>>, vector<16xf32>,
            tpu.vector_store %arg22[%swap3A_343, %swap3A_344], %mul3A_342 {strides = array<i32>} : memref<128x64xf32, #tpu.memory_space<vmem>>, vector<16xf32>,
            %get3A_346 = arith.index_cast %add3A_321 : i32 to index
            %get3A_347 = arith.constant 48 : index
            %get3A_348 = tpu.vector_load %arg22[%get3A_346, %get3A_347] {strides = array<i32>} : memref<128x64xf32, #tpu.memory_space<vmem>>, vector<16xf32>,
            %mul3A_349 = arith.mulf %get3A_348, %gather3A_324 : vector<16xf32>
            %swap3A_350 = arith.index_cast %add3A_321 : i32 to index
            %swap3A_351 = arith.constant 48 : index
            %swap3A_352 = tpu.vector_load %arg22[%swap3A_350, %swap3A_351] {strides = array<i32>} : memref<128x64xf32, #tpu.memory_space<vmem>>, vector<16xf32>,
            tpu.vector_store %arg22[%swap3A_350, %swap3A_351], %mul3A_349 {strides = array<i32>} : memref<128x64xf32, #tpu.memory_space<vmem>>, vector<16xf32>,
            %scan3A_353 = arith.constant 0 : i32
            scf.yield %scan3A_353 : i32
          }
          %scan3A_280 = arith.constant 64 : i32
          %dma_start3A_281 = arith.constant 0 : i32
          %dma_start3A_282 = arith.constant 0 : i32
          %dma_start3A_283 = tpu.memref_slice %arg26[%dma_start3A_281, %dma_start3A_282] : memref<8320x64xf32, #tpu.memory_space<vmem_shared>> -> memref<8320x64xf32, #tpu.memory_space<vmem_shared>>
          tpu.enqueue_indirect_dma source(%arg22 : memref<128x64xf32, #tpu.memory_space<vmem>>) target(%dma_start3A_283 : memref<8320x64xf32, #tpu.memory_space<vmem_shared>>) offsets(%arg24 : memref<128xi32, #tpu.memory_space<vmem>>) semaphore(%arg32 : memref<!tpu.dma_semaphore, #tpu.memory_space<semaphore_mem>>) {add = true}
        } else {
        }
        %while3A_250 = arith.constant 0 : i32
        scf.yield %while3A_250 : i32
      }
      %while3A_220 = arith.constant 1 : i32
      %while3A_221 = scf.for %while3A_232 = %while3A_217 to %while3A_213 step %while3A_220 iter_args(%while3A_233 = %while3A_219) -> (i32)  : i32 {
        %mul3A_234 = arith.constant 2 : i32
        %mul3A_235 = arith.muli %while3A_232, %mul3A_234 : i32
        %add3A_236 = arith.constant 0 : i32
        %add3A_237 = arith.addi %mul3A_235, %add3A_236 : i32
        %lt3A_238 = arith.cmpi slt, %add3A_237, %select_n3A : i32
        %convert_element_type3A_239 = arith.extui %lt3A_238 : i1 to i32
        %cond3A_240 = arith.constant 0 : i32
        %cond3A_241 = arith.cmpi ne, %convert_element_type3A_239, %cond3A_240 : i32
        scf.if %cond3A_241 {
          %add3A_251 = arith.constant 2 : i32
          %add3A_252 = arith.addi %add3A_237, %add3A_251 : i32
          %sub3A_253 = arith.constant 1 : i32
          %sub3A_254 = arith.subi %add3A_252, %sub3A_253 : i32
          %lt3A_255 = arith.cmpi slt, %sub3A_254, %select_n3A : i32
          %convert_element_type3A_256 = arith.extui %lt3A_255 : i1 to i32
          %cond3A_257 = arith.constant 0 : i32
          %cond3A_258 = arith.cmpi ne, %convert_element_type3A_256, %cond3A_257 : i32
          scf.if %cond3A_258 {
            %ge3A_284 = arith.constant 1 : i32
            %ge3A_285 = arith.cmpi sge, %add3A_237, %ge3A_284 : i32
            %convert_element_type3A_286 = arith.extui %ge3A_285 : i1 to i32
            %cond3A_287 = arith.constant 0 : i32
            %cond3A_288 = arith.cmpi ne, %convert_element_type3A_286, %cond3A_287 : i32
            scf.if %cond3A_288 {
              %dma_wait3A_299 = arith.constant 0 : i32
              %dma_wait3A_300 = arith.constant 0 : i32
              %dma_wait3A_301 = tpu.memref_slice %arg26[%dma_wait3A_299, %dma_wait3A_300] : memref<8320x64xf32, #tpu.memory_space<vmem_shared>> -> memref<128x64xf32, #tpu.memory_space<vmem_shared>>
              %dma_wait3A_302 = arith.constant 0 : i32
              %dma_wait3A_303 = arith.constant 0 : i32
              %dma_wait3A_304 = tpu.memref_slice %arg26[%dma_wait3A_302, %dma_wait3A_303] : memref<8320x64xf32, #tpu.memory_space<vmem_shared>> -> memref<128x64xf32, #tpu.memory_space<vmem_shared>>
              tpu.wait_dma2 semaphore(%arg32 : memref<!tpu.dma_semaphore, #tpu.memory_space<semaphore_mem>>) src(%arg22 : memref<128x64xf32, #tpu.memory_space<vmem>>) dst(%dma_wait3A_304 : memref<128x64xf32, #tpu.memory_space<vmem_shared>>)
            } else {
            }
            %add3A_289 = arith.constant 2 : i32
            %add3A_290 = arith.addi %add3A_237, %add3A_289 : i32
            %sub3A_291 = arith.constant 1 : i32
            %sub3A_292 = arith.subi %add3A_290, %sub3A_291 : i32
            %mul3A_293 = arith.constant 128 : i32
            %mul3A_294 = arith.muli %sub3A_292, %mul3A_293 : i32
            %dma_start3A_295 = tpu.memref_slice %arg19[%mul3A_294] : memref<3328xi32, #tpu.memory_space<vmem>> -> memref<128xi32, #tpu.memory_space<vmem>>
            %dma_start3A_296 = arith.constant 0 : i32
            %dma_start3A_297 = arith.constant 0 : i32
            %dma_start3A_298 = tpu.memref_slice %arg4[%dma_start3A_296, %dma_start3A_297] : memref<50000x64xf32, #tpu.memory_space<hbm>> -> memref<50000x64xf32, #tpu.memory_space<hbm>>
            tpu.enqueue_indirect_dma source(%dma_start3A_298 : memref<50000x64xf32, #tpu.memory_space<hbm>>) target(%arg22 : memref<128x64xf32, #tpu.memory_space<vmem>>) offsets(%dma_start3A_295 : memref<128xi32, #tpu.memory_space<vmem>>) semaphore(%arg30 : memref<!tpu.dma_semaphore, #tpu.memory_space<semaphore_mem>>)
          } else {
          }
          %mul3A_259 = arith.constant 128 : i32
          %mul3A_260 = arith.muli %add3A_237, %mul3A_259 : i32
          %scan3A_261 = arith.constant 0 : i32
          %scan3A_262 = arith.constant 0 : i32
          %scan3A_263 = arith.constant 8 : i32
          %scan3A_264 = arith.addi %scan3A_262, %scan3A_263 : i32
          %scan3A_265 = arith.constant 1 : i32
          %scan3A_266 = scf.for %scan3A_284 = %scan3A_262 to %scan3A_264 step %scan3A_265 iter_args(%scan3A_285 = %scan3A_261) -> (i32)  : i32 {
            %mul3A_286 = arith.constant 16 : i32
            %mul3A_287 = arith.muli %scan3A_284, %mul3A_286 : i32
            %mul3A_288 = arith.constant 16 : i32
            %mul3A_289 = arith.muli %scan3A_284, %mul3A_288 : i32
            %add3A_290 = arith.addi %mul3A_260, %mul3A_289 : i32
            %get3A = arith.index_cast %add3A_290 : i32 to index
            %get3A_291 = tpu.vector_load %arg18[%get3A] {strides = array<i32>} : memref<3328xi32, #tpu.memory_space<vmem>>, vector<16xi32>,
            %swap3A = arith.index_cast %mul3A_287 : i32 to index
            %swap3A_292 = tpu.vector_load %arg23[%swap3A] {strides = array<i32>} : memref<128xi32, #tpu.memory_space<vmem>>, vector<16xi32>,
            tpu.vector_store %arg23[%swap3A], %get3A_291 {strides = array<i32>} : memref<128xi32, #tpu.memory_space<vmem>>, vector<16xi32>,
            %scan3A_293 = arith.constant 0 : i32
            scf.yield %scan3A_293 : i32
          }
          %scan3A_267 = arith.constant 8 : i32
          %dma_wait3A_268 = arith.constant 0 : i32
          %dma_wait3A_269 = arith.constant 0 : i32
          %dma_wait3A_270 = tpu.memref_slice %arg4[%dma_wait3A_268, %dma_wait3A_269] : memref<50000x64xf32, #tpu.memory_space<hbm>> -> memref<128x64xf32, #tpu.memory_space<hbm>>
          %dma_wait3A_271 = arith.constant 0 : i32
          %dma_wait3A_272 = arith.constant 0 : i32
          %dma_wait3A_273 = tpu.memref_slice %arg4[%dma_wait3A_271, %dma_wait3A_272] : memref<50000x64xf32, #tpu.memory_space<hbm>> -> memref<128x64xf32, #tpu.memory_space<hbm>>
          tpu.wait_dma2 semaphore(%arg29 : memref<!tpu.dma_semaphore, #tpu.memory_space<semaphore_mem>>) src(%dma_wait3A_273 : memref<128x64xf32, #tpu.memory_space<hbm>>) dst(%arg21 : memref<128x64xf32, #tpu.memory_space<vmem>>)
          %scan3A_274 = arith.constant 0 : i32
          %scan3A_275 = arith.constant 0 : i32
          %scan3A_276 = arith.constant 64 : i32
          %scan3A_277 = arith.addi %scan3A_275, %scan3A_276 : i32
          %scan3A_278 = arith.constant 1 : i32
          %scan3A_279 = scf.for %scan3A_284 = %scan3A_275 to %scan3A_277 step %scan3A_278 iter_args(%scan3A_285 = %scan3A_274) -> (i32)  : i32 {
            %mul3A_286 = arith.constant 2 : i32
            %mul3A_287 = arith.muli %scan3A_284, %mul3A_286 : i32
            %add3A_288 = arith.constant 0 : i32
            %add3A_289 = arith.addi %mul3A_287, %add3A_288 : i32
            %add3A_290 = arith.addi %mul3A_260, %add3A_289 : i32
            %broadcast_in_dim3A_291 = vector.broadcast %add3A_290 : i32 to vector<16xi32>
            %gather3A = tpu.vector_load_idx %arg20[%broadcast_in_dim3A_291] : memref<3328xf32, #tpu.memory_space<vmem>>[vector<16xi32>], vector<16xf32>,
            %get3A = arith.index_cast %add3A_289 : i32 to index
            %get3A_292 = arith.constant 0 : index
            %get3A_293 = tpu.vector_load %arg21[%get3A, %get3A_292] {strides = array<i32>} : memref<128x64xf32, #tpu.memory_space<vmem>>, vector<16xf32>,
            %mul3A_294 = arith.mulf %get3A_293, %gather3A : vector<16xf32>
            %swap3A = arith.index_cast %add3A_289 : i32 to index
            %swap3A_295 = arith.constant 0 : index
            %swap3A_296 = tpu.vector_load %arg21[%swap3A, %swap3A_295] {strides = array<i32>} : memref<128x64xf32, #tpu.memory_space<vmem>>, vector<16xf32>,
            tpu.vector_store %arg21[%swap3A, %swap3A_295], %mul3A_294 {strides = array<i32>} : memref<128x64xf32, #tpu.memory_space<vmem>>, vector<16xf32>,
            %get3A_297 = arith.index_cast %add3A_289 : i32 to index
            %get3A_298 = arith.constant 16 : index
            %get3A_299 = tpu.vector_load %arg21[%get3A_297, %get3A_298] {strides = array<i32>} : memref<128x64xf32, #tpu.memory_space<vmem>>, vector<16xf32>,
            %mul3A_300 = arith.mulf %get3A_299, %gather3A : vector<16xf32>
            %swap3A_301 = arith.index_cast %add3A_289 : i32 to index
            %swap3A_302 = arith.constant 16 : index
            %swap3A_303 = tpu.vector_load %arg21[%swap3A_301, %swap3A_302] {strides = array<i32>} : memref<128x64xf32, #tpu.memory_space<vmem>>, vector<16xf32>,
            tpu.vector_store %arg21[%swap3A_301, %swap3A_302], %mul3A_300 {strides = array<i32>} : memref<128x64xf32, #tpu.memory_space<vmem>>, vector<16xf32>,
            %get3A_304 = arith.index_cast %add3A_289 : i32 to index
            %get3A_305 = arith.constant 32 : index
            %get3A_306 = tpu.vector_load %arg21[%get3A_304, %get3A_305] {strides = array<i32>} : memref<128x64xf32, #tpu.memory_space<vmem>>, vector<16xf32>,
            %mul3A_307 = arith.mulf %get3A_306, %gather3A : vector<16xf32>
            %swap3A_308 = arith.index_cast %add3A_289 : i32 to index
            %swap3A_309 = arith.constant 32 : index
            %swap3A_310 = tpu.vector_load %arg21[%swap3A_308, %swap3A_309] {strides = array<i32>} : memref<128x64xf32, #tpu.memory_space<vmem>>, vector<16xf32>,
            tpu.vector_store %arg21[%swap3A_308, %swap3A_309], %mul3A_307 {strides = array<i32>} : memref<128x64xf32, #tpu.memory_space<vmem>>, vector<16xf32>,
            %get3A_311 = arith.index_cast %add3A_289 : i32 to index
            %get3A_312 = arith.constant 48 : index
            %get3A_313 = tpu.vector_load %arg21[%get3A_311, %get3A_312] {strides = array<i32>} : memref<128x64xf32, #tpu.memory_space<vmem>>, vector<16xf32>,
            %mul3A_314 = arith.mulf %get3A_313, %gather3A : vector<16xf32>
            %swap3A_315 = arith.index_cast %add3A_289 : i32 to index
            %swap3A_316 = arith.constant 48 : index
            %swap3A_317 = tpu.vector_load %arg21[%swap3A_315, %swap3A_316] {strides = array<i32>} : memref<128x64xf32, #tpu.memory_space<vmem>>, vector<16xf32>,
            tpu.vector_store %arg21[%swap3A_315, %swap3A_316], %mul3A_314 {strides = array<i32>} : memref<128x64xf32, #tpu.memory_space<vmem>>, vector<16xf32>,
            %mul3A_318 = arith.constant 2 : i32
            %mul3A_319 = arith.muli %scan3A_284, %mul3A_318 : i32
            %add3A_320 = arith.constant 1 : i32
            %add3A_321 = arith.addi %mul3A_319, %add3A_320 : i32
            %add3A_322 = arith.addi %mul3A_260, %add3A_321 : i32
            %broadcast_in_dim3A_323 = vector.broadcast %add3A_322 : i32 to vector<16xi32>
            %gather3A_324 = tpu.vector_load_idx %arg20[%broadcast_in_dim3A_323] : memref<3328xf32, #tpu.memory_space<vmem>>[vector<16xi32>], vector<16xf32>,
            %get3A_325 = arith.index_cast %add3A_321 : i32 to index
            %get3A_326 = arith.constant 0 : index
            %get3A_327 = tpu.vector_load %arg21[%get3A_325, %get3A_326] {strides = array<i32>} : memref<128x64xf32, #tpu.memory_space<vmem>>, vector<16xf32>,
            %mul3A_328 = arith.mulf %get3A_327, %gather3A_324 : vector<16xf32>
            %swap3A_329 = arith.index_cast %add3A_321 : i32 to index
            %swap3A_330 = arith.constant 0 : index
            %swap3A_331 = tpu.vector_load %arg21[%swap3A_329, %swap3A_330] {strides = array<i32>} : memref<128x64xf32, #tpu.memory_space<vmem>>, vector<16xf32>,
            tpu.vector_store %arg21[%swap3A_329, %swap3A_330], %mul3A_328 {strides = array<i32>} : memref<128x64xf32, #tpu.memory_space<vmem>>, vector<16xf32>,
            %get3A_332 = arith.index_cast %add3A_321 : i32 to index
            %get3A_333 = arith.constant 16 : index
            %get3A_334 = tpu.vector_load %arg21[%get3A_332, %get3A_333] {strides = array<i32>} : memref<128x64xf32, #tpu.memory_space<vmem>>, vector<16xf32>,
            %mul3A_335 = arith.mulf %get3A_334, %gather3A_324 : vector<16xf32>
            %swap3A_336 = arith.index_cast %add3A_321 : i32 to index
            %swap3A_337 = arith.constant 16 : index
            %swap3A_338 = tpu.vector_load %arg21[%swap3A_336, %swap3A_337] {strides = array<i32>} : memref<128x64xf32, #tpu.memory_space<vmem>>, vector<16xf32>,
            tpu.vector_store %arg21[%swap3A_336, %swap3A_337], %mul3A_335 {strides = array<i32>} : memref<128x64xf32, #tpu.memory_space<vmem>>, vector<16xf32>,
            %get3A_339 = arith.index_cast %add3A_321 : i32 to index
            %get3A_340 = arith.constant 32 : index
            %get3A_341 = tpu.vector_load %arg21[%get3A_339, %get3A_340] {strides = array<i32>} : memref<128x64xf32, #tpu.memory_space<vmem>>, vector<16xf32>,
            %mul3A_342 = arith.mulf %get3A_341, %gather3A_324 : vector<16xf32>
            %swap3A_343 = arith.index_cast %add3A_321 : i32 to index
            %swap3A_344 = arith.constant 32 : index
            %swap3A_345 = tpu.vector_load %arg21[%swap3A_343, %swap3A_344] {strides = array<i32>} : memref<128x64xf32, #tpu.memory_space<vmem>>, vector<16xf32>,
            tpu.vector_store %arg21[%swap3A_343, %swap3A_344], %mul3A_342 {strides = array<i32>} : memref<128x64xf32, #tpu.memory_space<vmem>>, vector<16xf32>,
            %get3A_346 = arith.index_cast %add3A_321 : i32 to index
            %get3A_347 = arith.constant 48 : index
            %get3A_348 = tpu.vector_load %arg21[%get3A_346, %get3A_347] {strides = array<i32>} : memref<128x64xf32, #tpu.memory_space<vmem>>, vector<16xf32>,
            %mul3A_349 = arith.mulf %get3A_348, %gather3A_324 : vector<16xf32>
            %swap3A_350 = arith.index_cast %add3A_321 : i32 to index
            %swap3A_351 = arith.constant 48 : index
            %swap3A_352 = tpu.vector_load %arg21[%swap3A_350, %swap3A_351] {strides = array<i32>} : memref<128x64xf32, #tpu.memory_space<vmem>>, vector<16xf32>,
            tpu.vector_store %arg21[%swap3A_350, %swap3A_351], %mul3A_349 {strides = array<i32>} : memref<128x64xf32, #tpu.memory_space<vmem>>, vector<16xf32>,
            %scan3A_353 = arith.constant 0 : i32
            scf.yield %scan3A_353 : i32
          }
          %scan3A_280 = arith.constant 64 : i32
          %dma_start3A_281 = arith.constant 0 : i32
          %dma_start3A_282 = arith.constant 0 : i32
          %dma_start3A_283 = tpu.memref_slice %arg26[%dma_start3A_281, %dma_start3A_282] : memref<8320x64xf32, #tpu.memory_space<vmem_shared>> -> memref<8320x64xf32, #tpu.memory_space<vmem_shared>>
          tpu.enqueue_indirect_dma source(%arg21 : memref<128x64xf32, #tpu.memory_space<vmem>>) target(%dma_start3A_283 : memref<8320x64xf32, #tpu.memory_space<vmem_shared>>) offsets(%arg23 : memref<128xi32, #tpu.memory_space<vmem>>) semaphore(%arg31 : memref<!tpu.dma_semaphore, #tpu.memory_space<semaphore_mem>>) {add = true}
        } else {
        }
        %mul3A_242 = arith.constant 2 : i32
        %mul3A_243 = arith.muli %while3A_232, %mul3A_242 : i32
        %add3A_244 = arith.constant 1 : i32
        %add3A_245 = arith.addi %mul3A_243, %add3A_244 : i32
        %lt3A_246 = arith.cmpi slt, %add3A_245, %select_n3A : i32
        %convert_element_type3A_247 = arith.extui %lt3A_246 : i1 to i32
        %cond3A_248 = arith.constant 0 : i32
        %cond3A_249 = arith.cmpi ne, %convert_element_type3A_247, %cond3A_248 : i32
        scf.if %cond3A_249 {
          %add3A_251 = arith.constant 2 : i32
          %add3A_252 = arith.addi %add3A_245, %add3A_251 : i32
          %sub3A_253 = arith.constant 1 : i32
          %sub3A_254 = arith.subi %add3A_252, %sub3A_253 : i32
          %lt3A_255 = arith.cmpi slt, %sub3A_254, %select_n3A : i32
          %convert_element_type3A_256 = arith.extui %lt3A_255 : i1 to i32
          %cond3A_257 = arith.constant 0 : i32
          %cond3A_258 = arith.cmpi ne, %convert_element_type3A_256, %cond3A_257 : i32
          scf.if %cond3A_258 {
            %ge3A_284 = arith.constant 1 : i32
            %ge3A_285 = arith.cmpi sge, %add3A_245, %ge3A_284 : i32
            %convert_element_type3A_286 = arith.extui %ge3A_285 : i1 to i32
            %cond3A_287 = arith.constant 0 : i32
            %cond3A_288 = arith.cmpi ne, %convert_element_type3A_286, %cond3A_287 : i32
            scf.if %cond3A_288 {
              %dma_wait3A_299 = arith.constant 0 : i32
              %dma_wait3A_300 = arith.constant 0 : i32
              %dma_wait3A_301 = tpu.memref_slice %arg26[%dma_wait3A_299, %dma_wait3A_300] : memref<8320x64xf32, #tpu.memory_space<vmem_shared>> -> memref<128x64xf32, #tpu.memory_space<vmem_shared>>
              %dma_wait3A_302 = arith.constant 0 : i32
              %dma_wait3A_303 = arith.constant 0 : i32
              %dma_wait3A_304 = tpu.memref_slice %arg26[%dma_wait3A_302, %dma_wait3A_303] : memref<8320x64xf32, #tpu.memory_space<vmem_shared>> -> memref<128x64xf32, #tpu.memory_space<vmem_shared>>
              tpu.wait_dma2 semaphore(%arg31 : memref<!tpu.dma_semaphore, #tpu.memory_space<semaphore_mem>>) src(%arg21 : memref<128x64xf32, #tpu.memory_space<vmem>>) dst(%dma_wait3A_304 : memref<128x64xf32, #tpu.memory_space<vmem_shared>>)
            } else {
            }
            %add3A_289 = arith.constant 2 : i32
            %add3A_290 = arith.addi %add3A_245, %add3A_289 : i32
            %sub3A_291 = arith.constant 1 : i32
            %sub3A_292 = arith.subi %add3A_290, %sub3A_291 : i32
            %mul3A_293 = arith.constant 128 : i32
            %mul3A_294 = arith.muli %sub3A_292, %mul3A_293 : i32
            %dma_start3A_295 = tpu.memref_slice %arg19[%mul3A_294] : memref<3328xi32, #tpu.memory_space<vmem>> -> memref<128xi32, #tpu.memory_space<vmem>>
            %dma_start3A_296 = arith.constant 0 : i32
            %dma_start3A_297 = arith.constant 0 : i32
            %dma_start3A_298 = tpu.memref_slice %arg4[%dma_start3A_296, %dma_start3A_297] : memref<50000x64xf32, #tpu.memory_space<hbm>> -> memref<50000x64xf32, #tpu.memory_space<hbm>>
            tpu.enqueue_indirect_dma source(%dma_start3A_298 : memref<50000x64xf32, #tpu.memory_space<hbm>>) target(%arg21 : memref<128x64xf32, #tpu.memory_space<vmem>>) offsets(%dma_start3A_295 : memref<128xi32, #tpu.memory_space<vmem>>) semaphore(%arg29 : memref<!tpu.dma_semaphore, #tpu.memory_space<semaphore_mem>>)
          } else {
          }
          %mul3A_259 = arith.constant 128 : i32
          %mul3A_260 = arith.muli %add3A_245, %mul3A_259 : i32
          %scan3A_261 = arith.constant 0 : i32
          %scan3A_262 = arith.constant 0 : i32
          %scan3A_263 = arith.constant 8 : i32
          %scan3A_264 = arith.addi %scan3A_262, %scan3A_263 : i32
          %scan3A_265 = arith.constant 1 : i32
          %scan3A_266 = scf.for %scan3A_284 = %scan3A_262 to %scan3A_264 step %scan3A_265 iter_args(%scan3A_285 = %scan3A_261) -> (i32)  : i32 {
            %mul3A_286 = arith.constant 16 : i32
            %mul3A_287 = arith.muli %scan3A_284, %mul3A_286 : i32
            %mul3A_288 = arith.constant 16 : i32
            %mul3A_289 = arith.muli %scan3A_284, %mul3A_288 : i32
            %add3A_290 = arith.addi %mul3A_260, %mul3A_289 : i32
            %get3A = arith.index_cast %add3A_290 : i32 to index
            %get3A_291 = tpu.vector_load %arg18[%get3A] {strides = array<i32>} : memref<3328xi32, #tpu.memory_space<vmem>>, vector<16xi32>,
            %swap3A = arith.index_cast %mul3A_287 : i32 to index
            %swap3A_292 = tpu.vector_load %arg24[%swap3A] {strides = array<i32>} : memref<128xi32, #tpu.memory_space<vmem>>, vector<16xi32>,
            tpu.vector_store %arg24[%swap3A], %get3A_291 {strides = array<i32>} : memref<128xi32, #tpu.memory_space<vmem>>, vector<16xi32>,
            %scan3A_293 = arith.constant 0 : i32
            scf.yield %scan3A_293 : i32
          }
          %scan3A_267 = arith.constant 8 : i32
          %dma_wait3A_268 = arith.constant 0 : i32
          %dma_wait3A_269 = arith.constant 0 : i32
          %dma_wait3A_270 = tpu.memref_slice %arg4[%dma_wait3A_268, %dma_wait3A_269] : memref<50000x64xf32, #tpu.memory_space<hbm>> -> memref<128x64xf32, #tpu.memory_space<hbm>>
          %dma_wait3A_271 = arith.constant 0 : i32
          %dma_wait3A_272 = arith.constant 0 : i32
          %dma_wait3A_273 = tpu.memref_slice %arg4[%dma_wait3A_271, %dma_wait3A_272] : memref<50000x64xf32, #tpu.memory_space<hbm>> -> memref<128x64xf32, #tpu.memory_space<hbm>>
          tpu.wait_dma2 semaphore(%arg30 : memref<!tpu.dma_semaphore, #tpu.memory_space<semaphore_mem>>) src(%dma_wait3A_273 : memref<128x64xf32, #tpu.memory_space<hbm>>) dst(%arg22 : memref<128x64xf32, #tpu.memory_space<vmem>>)
          %scan3A_274 = arith.constant 0 : i32
          %scan3A_275 = arith.constant 0 : i32
          %scan3A_276 = arith.constant 64 : i32
          %scan3A_277 = arith.addi %scan3A_275, %scan3A_276 : i32
          %scan3A_278 = arith.constant 1 : i32
          %scan3A_279 = scf.for %scan3A_284 = %scan3A_275 to %scan3A_277 step %scan3A_278 iter_args(%scan3A_285 = %scan3A_274) -> (i32)  : i32 {
            %mul3A_286 = arith.constant 2 : i32
            %mul3A_287 = arith.muli %scan3A_284, %mul3A_286 : i32
            %add3A_288 = arith.constant 0 : i32
            %add3A_289 = arith.addi %mul3A_287, %add3A_288 : i32
            %add3A_290 = arith.addi %mul3A_260, %add3A_289 : i32
            %broadcast_in_dim3A_291 = vector.broadcast %add3A_290 : i32 to vector<16xi32>
            %gather3A = tpu.vector_load_idx %arg20[%broadcast_in_dim3A_291] : memref<3328xf32, #tpu.memory_space<vmem>>[vector<16xi32>], vector<16xf32>,
            %get3A = arith.index_cast %add3A_289 : i32 to index
            %get3A_292 = arith.constant 0 : index
            %get3A_293 = tpu.vector_load %arg22[%get3A, %get3A_292] {strides = array<i32>} : memref<128x64xf32, #tpu.memory_space<vmem>>, vector<16xf32>,
            %mul3A_294 = arith.mulf %get3A_293, %gather3A : vector<16xf32>
            %swap3A = arith.index_cast %add3A_289 : i32 to index
            %swap3A_295 = arith.constant 0 : index
            %swap3A_296 = tpu.vector_load %arg22[%swap3A, %swap3A_295] {strides = array<i32>} : memref<128x64xf32, #tpu.memory_space<vmem>>, vector<16xf32>,
            tpu.vector_store %arg22[%swap3A, %swap3A_295], %mul3A_294 {strides = array<i32>} : memref<128x64xf32, #tpu.memory_space<vmem>>, vector<16xf32>,
            %get3A_297 = arith.index_cast %add3A_289 : i32 to index
            %get3A_298 = arith.constant 16 : index
            %get3A_299 = tpu.vector_load %arg22[%get3A_297, %get3A_298] {strides = array<i32>} : memref<128x64xf32, #tpu.memory_space<vmem>>, vector<16xf32>,
            %mul3A_300 = arith.mulf %get3A_299, %gather3A : vector<16xf32>
            %swap3A_301 = arith.index_cast %add3A_289 : i32 to index
            %swap3A_302 = arith.constant 16 : index
            %swap3A_303 = tpu.vector_load %arg22[%swap3A_301, %swap3A_302] {strides = array<i32>} : memref<128x64xf32, #tpu.memory_space<vmem>>, vector<16xf32>,
            tpu.vector_store %arg22[%swap3A_301, %swap3A_302], %mul3A_300 {strides = array<i32>} : memref<128x64xf32, #tpu.memory_space<vmem>>, vector<16xf32>,
            %get3A_304 = arith.index_cast %add3A_289 : i32 to index
            %get3A_305 = arith.constant 32 : index
            %get3A_306 = tpu.vector_load %arg22[%get3A_304, %get3A_305] {strides = array<i32>} : memref<128x64xf32, #tpu.memory_space<vmem>>, vector<16xf32>,
            %mul3A_307 = arith.mulf %get3A_306, %gather3A : vector<16xf32>
            %swap3A_308 = arith.index_cast %add3A_289 : i32 to index
            %swap3A_309 = arith.constant 32 : index
            %swap3A_310 = tpu.vector_load %arg22[%swap3A_308, %swap3A_309] {strides = array<i32>} : memref<128x64xf32, #tpu.memory_space<vmem>>, vector<16xf32>,
            tpu.vector_store %arg22[%swap3A_308, %swap3A_309], %mul3A_307 {strides = array<i32>} : memref<128x64xf32, #tpu.memory_space<vmem>>, vector<16xf32>,
            %get3A_311 = arith.index_cast %add3A_289 : i32 to index
            %get3A_312 = arith.constant 48 : index
            %get3A_313 = tpu.vector_load %arg22[%get3A_311, %get3A_312] {strides = array<i32>} : memref<128x64xf32, #tpu.memory_space<vmem>>, vector<16xf32>,
            %mul3A_314 = arith.mulf %get3A_313, %gather3A : vector<16xf32>
            %swap3A_315 = arith.index_cast %add3A_289 : i32 to index
            %swap3A_316 = arith.constant 48 : index
            %swap3A_317 = tpu.vector_load %arg22[%swap3A_315, %swap3A_316] {strides = array<i32>} : memref<128x64xf32, #tpu.memory_space<vmem>>, vector<16xf32>,
            tpu.vector_store %arg22[%swap3A_315, %swap3A_316], %mul3A_314 {strides = array<i32>} : memref<128x64xf32, #tpu.memory_space<vmem>>, vector<16xf32>,
            %mul3A_318 = arith.constant 2 : i32
            %mul3A_319 = arith.muli %scan3A_284, %mul3A_318 : i32
            %add3A_320 = arith.constant 1 : i32
            %add3A_321 = arith.addi %mul3A_319, %add3A_320 : i32
            %add3A_322 = arith.addi %mul3A_260, %add3A_321 : i32
            %broadcast_in_dim3A_323 = vector.broadcast %add3A_322 : i32 to vector<16xi32>
            %gather3A_324 = tpu.vector_load_idx %arg20[%broadcast_in_dim3A_323] : memref<3328xf32, #tpu.memory_space<vmem>>[vector<16xi32>], vector<16xf32>,
            %get3A_325 = arith.index_cast %add3A_321 : i32 to index
            %get3A_326 = arith.constant 0 : index
            %get3A_327 = tpu.vector_load %arg22[%get3A_325, %get3A_326] {strides = array<i32>} : memref<128x64xf32, #tpu.memory_space<vmem>>, vector<16xf32>,
            %mul3A_328 = arith.mulf %get3A_327, %gather3A_324 : vector<16xf32>
            %swap3A_329 = arith.index_cast %add3A_321 : i32 to index
            %swap3A_330 = arith.constant 0 : index
            %swap3A_331 = tpu.vector_load %arg22[%swap3A_329, %swap3A_330] {strides = array<i32>} : memref<128x64xf32, #tpu.memory_space<vmem>>, vector<16xf32>,
            tpu.vector_store %arg22[%swap3A_329, %swap3A_330], %mul3A_328 {strides = array<i32>} : memref<128x64xf32, #tpu.memory_space<vmem>>, vector<16xf32>,
            %get3A_332 = arith.index_cast %add3A_321 : i32 to index
            %get3A_333 = arith.constant 16 : index
            %get3A_334 = tpu.vector_load %arg22[%get3A_332, %get3A_333] {strides = array<i32>} : memref<128x64xf32, #tpu.memory_space<vmem>>, vector<16xf32>,
            %mul3A_335 = arith.mulf %get3A_334, %gather3A_324 : vector<16xf32>
            %swap3A_336 = arith.index_cast %add3A_321 : i32 to index
            %swap3A_337 = arith.constant 16 : index
            %swap3A_338 = tpu.vector_load %arg22[%swap3A_336, %swap3A_337] {strides = array<i32>} : memref<128x64xf32, #tpu.memory_space<vmem>>, vector<16xf32>,
            tpu.vector_store %arg22[%swap3A_336, %swap3A_337], %mul3A_335 {strides = array<i32>} : memref<128x64xf32, #tpu.memory_space<vmem>>, vector<16xf32>,
            %get3A_339 = arith.index_cast %add3A_321 : i32 to index
            %get3A_340 = arith.constant 32 : index
            %get3A_341 = tpu.vector_load %arg22[%get3A_339, %get3A_340] {strides = array<i32>} : memref<128x64xf32, #tpu.memory_space<vmem>>, vector<16xf32>,
            %mul3A_342 = arith.mulf %get3A_341, %gather3A_324 : vector<16xf32>
            %swap3A_343 = arith.index_cast %add3A_321 : i32 to index
            %swap3A_344 = arith.constant 32 : index
            %swap3A_345 = tpu.vector_load %arg22[%swap3A_343, %swap3A_344] {strides = array<i32>} : memref<128x64xf32, #tpu.memory_space<vmem>>, vector<16xf32>,
            tpu.vector_store %arg22[%swap3A_343, %swap3A_344], %mul3A_342 {strides = array<i32>} : memref<128x64xf32, #tpu.memory_space<vmem>>, vector<16xf32>,
            %get3A_346 = arith.index_cast %add3A_321 : i32 to index
            %get3A_347 = arith.constant 48 : index
            %get3A_348 = tpu.vector_load %arg22[%get3A_346, %get3A_347] {strides = array<i32>} : memref<128x64xf32, #tpu.memory_space<vmem>>, vector<16xf32>,
            %mul3A_349 = arith.mulf %get3A_348, %gather3A_324 : vector<16xf32>
            %swap3A_350 = arith.index_cast %add3A_321 : i32 to index
            %swap3A_351 = arith.constant 48 : index
            %swap3A_352 = tpu.vector_load %arg22[%swap3A_350, %swap3A_351] {strides = array<i32>} : memref<128x64xf32, #tpu.memory_space<vmem>>, vector<16xf32>,
            tpu.vector_store %arg22[%swap3A_350, %swap3A_351], %mul3A_349 {strides = array<i32>} : memref<128x64xf32, #tpu.memory_space<vmem>>, vector<16xf32>,
            %scan3A_353 = arith.constant 0 : i32
            scf.yield %scan3A_353 : i32
          }
          %scan3A_280 = arith.constant 64 : i32
          %dma_start3A_281 = arith.constant 0 : i32
          %dma_start3A_282 = arith.constant 0 : i32
          %dma_start3A_283 = tpu.memref_slice %arg26[%dma_start3A_281, %dma_start3A_282] : memref<8320x64xf32, #tpu.memory_space<vmem_shared>> -> memref<8320x64xf32, #tpu.memory_space<vmem_shared>>
          tpu.enqueue_indirect_dma source(%arg22 : memref<128x64xf32, #tpu.memory_space<vmem>>) target(%dma_start3A_283 : memref<8320x64xf32, #tpu.memory_space<vmem_shared>>) offsets(%arg24 : memref<128xi32, #tpu.memory_space<vmem>>) semaphore(%arg32 : memref<!tpu.dma_semaphore, #tpu.memory_space<semaphore_mem>>) {add = true}
        } else {
        }
        %while3A_250 = arith.constant 0 : i32
        scf.yield %while3A_250 : i32
      }
      %ge3A = arith.constant 1 : i32
      %ge3A_222 = arith.cmpi sge, %select_n3A, %ge3A : i32
      %convert_element_type3A_223 = arith.extui %ge3A_222 : i1 to i32
      %cond3A_224 = arith.constant 0 : i32
      %cond3A_225 = arith.cmpi ne, %convert_element_type3A_223, %cond3A_224 : i32
      scf.if %cond3A_225 {
        %dma_wait3A_232 = arith.constant 0 : i32
        %dma_wait3A_233 = arith.constant 0 : i32
        %dma_wait3A_234 = tpu.memref_slice %arg26[%dma_wait3A_232, %dma_wait3A_233] : memref<8320x64xf32, #tpu.memory_space<vmem_shared>> -> memref<128x64xf32, #tpu.memory_space<vmem_shared>>
        %dma_wait3A_235 = arith.constant 0 : i32
        %dma_wait3A_236 = arith.constant 0 : i32
        %dma_wait3A_237 = tpu.memref_slice %arg26[%dma_wait3A_235, %dma_wait3A_236] : memref<8320x64xf32, #tpu.memory_space<vmem_shared>> -> memref<128x64xf32, #tpu.memory_space<vmem_shared>>
        tpu.wait_dma2 semaphore(%arg31 : memref<!tpu.dma_semaphore, #tpu.memory_space<semaphore_mem>>) src(%arg21 : memref<128x64xf32, #tpu.memory_space<vmem>>) dst(%dma_wait3A_237 : memref<128x64xf32, #tpu.memory_space<vmem_shared>>)
      } else {
      }
      %ge3A_226 = arith.constant 2 : i32
      %ge3A_227 = arith.cmpi sge, %select_n3A, %ge3A_226 : i32
      %convert_element_type3A_228 = arith.extui %ge3A_227 : i1 to i32
      %cond3A_229 = arith.constant 0 : i32
      %cond3A_230 = arith.cmpi ne, %convert_element_type3A_228, %cond3A_229 : i32
      scf.if %cond3A_230 {
        %dma_wait3A_232 = arith.constant 0 : i32
        %dma_wait3A_233 = arith.constant 0 : i32
        %dma_wait3A_234 = tpu.memref_slice %arg26[%dma_wait3A_232, %dma_wait3A_233] : memref<8320x64xf32, #tpu.memory_space<vmem_shared>> -> memref<128x64xf32, #tpu.memory_space<vmem_shared>>
        %dma_wait3A_235 = arith.constant 0 : i32
        %dma_wait3A_236 = arith.constant 0 : i32
        %dma_wait3A_237 = tpu.memref_slice %arg26[%dma_wait3A_235, %dma_wait3A_236] : memref<8320x64xf32, #tpu.memory_space<vmem_shared>> -> memref<128x64xf32, #tpu.memory_space<vmem_shared>>
        tpu.wait_dma2 semaphore(%arg32 : memref<!tpu.dma_semaphore, #tpu.memory_space<semaphore_mem>>) src(%arg22 : memref<128x64xf32, #tpu.memory_space<vmem>>) dst(%dma_wait3A_237 : memref<128x64xf32, #tpu.memory_space<vmem_shared>>)
      } else {
      }
      %scan3A_231 = arith.constant 0 : i32
      scf.yield %scan3A_231 : i32
    }
    %scan3A_77 = arith.constant 8 : i32
    %barrier3A_78 = arith.constant 0 : index
    tpu.barrier barrier_id(%barrier3A_78)
    %eq3A_79 = arith.constant 0 : i32
    %eq3A_80 = arith.cmpi eq, %arg0, %eq3A_79 : i32
    %convert_element_type3A_81 = arith.extui %eq3A_80 : i1 to i32
    %cond3A_82 = arith.constant 0 : i32
    %cond3A_83 = arith.cmpi ne, %convert_element_type3A_81, %cond3A_82 : i32
    scf.if %cond3A_83 {
      "tpu.region"() ({
        %run_scoped3A = tpu.sem_alloc : memref<!tpu.dma_semaphore, #tpu.memory_space<semaphore_mem>>
        %dma_start3A_89 = arith.constant 0 : i32
        %dma_start3A_90 = tpu.memref_slice %arg9[%mul3A_30, %dma_start3A_89] : memref<8320x64xf32, #tpu.memory_space<hbm>> -> memref<520x64xf32, #tpu.memory_space<hbm>>
        %dma_start3A_91 = arith.constant 0 : i32
        %dma_start3A_92 = tpu.memref_slice %arg26[%mul3A_30, %dma_start3A_91] : memref<8320x64xf32, #tpu.memory_space<vmem_shared>> -> memref<520x64xf32, #tpu.memory_space<vmem_shared>>
        tpu.enqueue_dma source(%dma_start3A_92 : memref<520x64xf32, #tpu.memory_space<vmem_shared>>) target(%dma_start3A_90 : memref<520x64xf32, #tpu.memory_space<hbm>>) target_semaphore(%run_scoped3A : memref<!tpu.dma_semaphore, #tpu.memory_space<semaphore_mem>>)
        %dma_wait3A = arith.constant 0 : i32
        %dma_wait3A_93 = tpu.memref_slice %arg9[%mul3A_30, %dma_wait3A] : memref<8320x64xf32, #tpu.memory_space<hbm>> -> memref<520x64xf32, #tpu.memory_space<hbm>>
        %dma_wait3A_94 = arith.constant 0 : i32
        %dma_wait3A_95 = tpu.memref_slice %arg26[%mul3A_30, %dma_wait3A_94] : memref<8320x64xf32, #tpu.memory_space<vmem_shared>> -> memref<520x64xf32, #tpu.memory_space<vmem_shared>>
        tpu.wait_dma2 semaphore(%run_scoped3A : memref<!tpu.dma_semaphore, #tpu.memory_space<semaphore_mem>>) src(%dma_wait3A_95 : memref<520x64xf32, #tpu.memory_space<vmem_shared>>) dst(%dma_wait3A_93 : memref<520x64xf32, #tpu.memory_space<hbm>>)
        tpu.yield
      }) : () -> ()
    } else {
    }
    %eq3A_84 = arith.constant 1 : i32
    %eq3A_85 = arith.cmpi eq, %arg0, %eq3A_84 : i32
    %convert_element_type3A_86 = arith.extui %eq3A_85 : i1 to i32
    %cond3A_87 = arith.constant 0 : i32
    %cond3A_88 = arith.cmpi ne, %convert_element_type3A_86, %cond3A_87 : i32
    scf.if %cond3A_88 {
      "tpu.region"() ({
        %run_scoped3A = tpu.sem_alloc : memref<!tpu.dma_semaphore, #tpu.memory_space<semaphore_mem>>
        %dma_start3A_89 = arith.constant 0 : i32
        %dma_start3A_90 = tpu.memref_slice %arg10[%mul3A_30, %dma_start3A_89] : memref<8320x64xf32, #tpu.memory_space<hbm>> -> memref<520x64xf32, #tpu.memory_space<hbm>>
        %dma_start3A_91 = arith.constant 0 : i32
        %dma_start3A_92 = tpu.memref_slice %arg26[%mul3A_30, %dma_start3A_91] : memref<8320x64xf32, #tpu.memory_space<vmem_shared>> -> memref<520x64xf32, #tpu.memory_space<vmem_shared>>
        tpu.enqueue_dma source(%dma_start3A_92 : memref<520x64xf32, #tpu.memory_space<vmem_shared>>) target(%dma_start3A_90 : memref<520x64xf32, #tpu.memory_space<hbm>>) target_semaphore(%run_scoped3A : memref<!tpu.dma_semaphore, #tpu.memory_space<semaphore_mem>>)
        %dma_wait3A = arith.constant 0 : i32
        %dma_wait3A_93 = tpu.memref_slice %arg10[%mul3A_30, %dma_wait3A] : memref<8320x64xf32, #tpu.memory_space<hbm>> -> memref<520x64xf32, #tpu.memory_space<hbm>>
        %dma_wait3A_94 = arith.constant 0 : i32
        %dma_wait3A_95 = tpu.memref_slice %arg26[%mul3A_30, %dma_wait3A_94] : memref<8320x64xf32, #tpu.memory_space<vmem_shared>> -> memref<520x64xf32, #tpu.memory_space<vmem_shared>>
        tpu.wait_dma2 semaphore(%run_scoped3A : memref<!tpu.dma_semaphore, #tpu.memory_space<semaphore_mem>>) src(%dma_wait3A_95 : memref<520x64xf32, #tpu.memory_space<vmem_shared>>) dst(%dma_wait3A_93 : memref<520x64xf32, #tpu.memory_space<hbm>>)
        tpu.yield
      }) : () -> ()
    } else {
    }
    return
  }
}

#map = affine_map<(d0, d1) -> (0)>
#map1 = affine_map<(d0, d1) -> (0, 0)>
module attributes {stable_mosaic.version = 14 : i64} {
  func.func @_score(%arg0: i32, %arg1: i32, %arg2: memref<4096xi32, #tpu.memory_space<hbm>>, %arg3: memref<4096xi32, #tpu.memory_space<hbm>>, %arg4: memref<50000x64xf32, #tpu.memory_space<hbm>>, %arg5: memref<8320x64xf32, #tpu.memory_space<hbm>>, %arg6: memref<8320x64xf32, #tpu.memory_space<hbm>>, %arg7: memref<4096xi32, #tpu.memory_space<hbm>>, %arg8: memref<4096xi32, #tpu.memory_space<hbm>>, %arg9: memref<4096xf32, #tpu.memory_space<hbm>>, %arg10: memref<128xi32, #tpu.memory_space<vmem>>, %arg11: memref<128xi32, #tpu.memory_space<vmem>>, %arg12: memref<128xi32, #tpu.memory_space<vmem>>, %arg13: memref<128xi32, #tpu.memory_space<vmem>>, %arg14: memref<128x64xf32, #tpu.memory_space<vmem>>, %arg15: memref<128x64xf32, #tpu.memory_space<vmem>>, %arg16: memref<128x64xf32, #tpu.memory_space<vmem>>, %arg17: memref<128x64xf32, #tpu.memory_space<vmem>>, %arg18: memref<128x64xf32, #tpu.memory_space<vmem>>, %arg19: memref<128x64xf32, #tpu.memory_space<vmem>>, %arg20: memref<128xf32, #tpu.memory_space<vmem>>, %arg21: memref<!tpu.dma_semaphore, #tpu.memory_space<semaphore_mem>>) attributes {dimension_semantics = [#tpu.dimension_semantics<core_parallel>, #tpu.dimension_semantics<subcore_parallel>], iteration_bounds = array<i64: 2, 16>, scalar_prefetch = 0 : i64, scratch_operands = 12 : i64, tpu.core_type = #tpu.core_type<sc_vector_subcore>, window_params = [{transform_indices = #map}, {transform_indices = #map}, {transform_indices = #map1}, {transform_indices = #map1}, {transform_indices = #map1}, {transform_indices = #map}, {transform_indices = #map}, {transform_indices = #map}]} {
    %mul3A = arith.constant 16 : i32
    %mul3A_0 = arith.muli %arg0, %mul3A : i32
    %add3A = arith.addi %mul3A_0, %arg1 : i32
    %mul3A_1 = arith.constant 128 : i32
    %mul3A_2 = arith.muli %add3A, %mul3A_1 : i32
    %iota3A = tpu.iota {dimensions = array<i32: 0>} : vector<16xi32>
    "tpu.region"() ({
      %run_scoped3A = tpu.sem_alloc : memref<!tpu.dma_semaphore, #tpu.memory_space<semaphore_mem>>
      %dma_start3A_52 = tpu.memref_slice %arg2[%mul3A_2] : memref<4096xi32, #tpu.memory_space<hbm>> -> memref<128xi32, #tpu.memory_space<hbm>>
      %dma_start3A_53 = tpu.memref_slice %arg2[%mul3A_2] : memref<4096xi32, #tpu.memory_space<hbm>> -> memref<128xi32, #tpu.memory_space<hbm>>
      tpu.enqueue_dma source(%dma_start3A_53 : memref<128xi32, #tpu.memory_space<hbm>>) target(%arg10 : memref<128xi32, #tpu.memory_space<vmem>>) target_semaphore(%run_scoped3A : memref<!tpu.dma_semaphore, #tpu.memory_space<semaphore_mem>>)
      %dma_wait3A_54 = tpu.memref_slice %arg2[%mul3A_2] : memref<4096xi32, #tpu.memory_space<hbm>> -> memref<128xi32, #tpu.memory_space<hbm>>
      %dma_wait3A_55 = tpu.memref_slice %arg2[%mul3A_2] : memref<4096xi32, #tpu.memory_space<hbm>> -> memref<128xi32, #tpu.memory_space<hbm>>
      tpu.wait_dma2 semaphore(%run_scoped3A : memref<!tpu.dma_semaphore, #tpu.memory_space<semaphore_mem>>) src(%dma_wait3A_55 : memref<128xi32, #tpu.memory_space<hbm>>) dst(%arg10 : memref<128xi32, #tpu.memory_space<vmem>>)
      tpu.yield
    }) : () -> ()
    "tpu.region"() ({
      %run_scoped3A = tpu.sem_alloc : memref<!tpu.dma_semaphore, #tpu.memory_space<semaphore_mem>>
      %dma_start3A_52 = tpu.memref_slice %arg3[%mul3A_2] : memref<4096xi32, #tpu.memory_space<hbm>> -> memref<128xi32, #tpu.memory_space<hbm>>
      %dma_start3A_53 = tpu.memref_slice %arg3[%mul3A_2] : memref<4096xi32, #tpu.memory_space<hbm>> -> memref<128xi32, #tpu.memory_space<hbm>>
      tpu.enqueue_dma source(%dma_start3A_53 : memref<128xi32, #tpu.memory_space<hbm>>) target(%arg11 : memref<128xi32, #tpu.memory_space<vmem>>) target_semaphore(%run_scoped3A : memref<!tpu.dma_semaphore, #tpu.memory_space<semaphore_mem>>)
      %dma_wait3A_54 = tpu.memref_slice %arg3[%mul3A_2] : memref<4096xi32, #tpu.memory_space<hbm>> -> memref<128xi32, #tpu.memory_space<hbm>>
      %dma_wait3A_55 = tpu.memref_slice %arg3[%mul3A_2] : memref<4096xi32, #tpu.memory_space<hbm>> -> memref<128xi32, #tpu.memory_space<hbm>>
      tpu.wait_dma2 semaphore(%run_scoped3A : memref<!tpu.dma_semaphore, #tpu.memory_space<semaphore_mem>>) src(%dma_wait3A_55 : memref<128xi32, #tpu.memory_space<hbm>>) dst(%arg11 : memref<128xi32, #tpu.memory_space<vmem>>)
      tpu.yield
    }) : () -> ()
    "tpu.region"() ({
      %run_scoped3A = tpu.sem_alloc : memref<!tpu.dma_semaphore, #tpu.memory_space<semaphore_mem>>
      %dma_start3A_52 = tpu.memref_slice %arg7[%mul3A_2] : memref<4096xi32, #tpu.memory_space<hbm>> -> memref<128xi32, #tpu.memory_space<hbm>>
      %dma_start3A_53 = tpu.memref_slice %arg7[%mul3A_2] : memref<4096xi32, #tpu.memory_space<hbm>> -> memref<128xi32, #tpu.memory_space<hbm>>
      tpu.enqueue_dma source(%dma_start3A_53 : memref<128xi32, #tpu.memory_space<hbm>>) target(%arg12 : memref<128xi32, #tpu.memory_space<vmem>>) target_semaphore(%run_scoped3A : memref<!tpu.dma_semaphore, #tpu.memory_space<semaphore_mem>>)
      %dma_wait3A_54 = tpu.memref_slice %arg7[%mul3A_2] : memref<4096xi32, #tpu.memory_space<hbm>> -> memref<128xi32, #tpu.memory_space<hbm>>
      %dma_wait3A_55 = tpu.memref_slice %arg7[%mul3A_2] : memref<4096xi32, #tpu.memory_space<hbm>> -> memref<128xi32, #tpu.memory_space<hbm>>
      tpu.wait_dma2 semaphore(%run_scoped3A : memref<!tpu.dma_semaphore, #tpu.memory_space<semaphore_mem>>) src(%dma_wait3A_55 : memref<128xi32, #tpu.memory_space<hbm>>) dst(%arg12 : memref<128xi32, #tpu.memory_space<vmem>>)
      tpu.yield
    }) : () -> ()
    "tpu.region"() ({
      %run_scoped3A = tpu.sem_alloc : memref<!tpu.dma_semaphore, #tpu.memory_space<semaphore_mem>>
      %dma_start3A_52 = tpu.memref_slice %arg8[%mul3A_2] : memref<4096xi32, #tpu.memory_space<hbm>> -> memref<128xi32, #tpu.memory_space<hbm>>
      %dma_start3A_53 = tpu.memref_slice %arg8[%mul3A_2] : memref<4096xi32, #tpu.memory_space<hbm>> -> memref<128xi32, #tpu.memory_space<hbm>>
      tpu.enqueue_dma source(%dma_start3A_53 : memref<128xi32, #tpu.memory_space<hbm>>) target(%arg13 : memref<128xi32, #tpu.memory_space<vmem>>) target_semaphore(%run_scoped3A : memref<!tpu.dma_semaphore, #tpu.memory_space<semaphore_mem>>)
      %dma_wait3A_54 = tpu.memref_slice %arg8[%mul3A_2] : memref<4096xi32, #tpu.memory_space<hbm>> -> memref<128xi32, #tpu.memory_space<hbm>>
      %dma_wait3A_55 = tpu.memref_slice %arg8[%mul3A_2] : memref<4096xi32, #tpu.memory_space<hbm>> -> memref<128xi32, #tpu.memory_space<hbm>>
      tpu.wait_dma2 semaphore(%run_scoped3A : memref<!tpu.dma_semaphore, #tpu.memory_space<semaphore_mem>>) src(%dma_wait3A_55 : memref<128xi32, #tpu.memory_space<hbm>>) dst(%arg13 : memref<128xi32, #tpu.memory_space<vmem>>)
      tpu.yield
    }) : () -> ()
    %scan3A = arith.constant 0 : i32
    %scan3A_3 = arith.constant 0 : i32
    %scan3A_4 = arith.constant 8 : i32
    %scan3A_5 = arith.addi %scan3A_3, %scan3A_4 : i32
    %scan3A_6 = arith.constant 1 : i32
    %scan3A_7 = scf.for %scan3A_52 = %scan3A_3 to %scan3A_5 step %scan3A_6 iter_args(%scan3A_53 = %scan3A) -> (i32)  : i32 {
      %mul3A_54 = arith.constant 16 : i32
      %mul3A_55 = arith.muli %scan3A_52, %mul3A_54 : i32
      %get3A = arith.index_cast %mul3A_55 : i32 to index
      %get3A_56 = tpu.vector_load %arg11[%get3A] {strides = array<i32>} : memref<128xi32, #tpu.memory_space<vmem>>, vector<16xi32>,
      %add3A_57 = arith.constant 25000 : i32
      %add3A_58 = vector.broadcast %add3A_57 : i32 to vector<16xi32>
      %add3A_59 = arith.addi %get3A_56, %add3A_58 : vector<16xi32>
      %swap3A = arith.index_cast %mul3A_55 : i32 to index
      %swap3A_60 = tpu.vector_load %arg11[%swap3A] {strides = array<i32>} : memref<128xi32, #tpu.memory_space<vmem>>, vector<16xi32>,
      tpu.vector_store %arg11[%swap3A], %add3A_59 {strides = array<i32>} : memref<128xi32, #tpu.memory_space<vmem>>, vector<16xi32>,
      %scan3A_61 = arith.constant 0 : i32
      scf.yield %scan3A_61 : i32
    }
    %scan3A_8 = arith.constant 8 : i32
    %dma_start3A = arith.constant 0 : i32
    %dma_start3A_9 = arith.constant 0 : i32
    %dma_start3A_10 = tpu.memref_slice %arg4[%dma_start3A, %dma_start3A_9] : memref<50000x64xf32, #tpu.memory_space<hbm>> -> memref<50000x64xf32, #tpu.memory_space<hbm>>
    tpu.enqueue_indirect_dma source(%dma_start3A_10 : memref<50000x64xf32, #tpu.memory_space<hbm>>) target(%arg14 : memref<128x64xf32, #tpu.memory_space<vmem>>) offsets(%arg10 : memref<128xi32, #tpu.memory_space<vmem>>) semaphore(%arg21 : memref<!tpu.dma_semaphore, #tpu.memory_space<semaphore_mem>>)
    %dma_start3A_11 = arith.constant 0 : i32
    %dma_start3A_12 = arith.constant 0 : i32
    %dma_start3A_13 = tpu.memref_slice %arg4[%dma_start3A_11, %dma_start3A_12] : memref<50000x64xf32, #tpu.memory_space<hbm>> -> memref<50000x64xf32, #tpu.memory_space<hbm>>
    tpu.enqueue_indirect_dma source(%dma_start3A_13 : memref<50000x64xf32, #tpu.memory_space<hbm>>) target(%arg15 : memref<128x64xf32, #tpu.memory_space<vmem>>) offsets(%arg11 : memref<128xi32, #tpu.memory_space<vmem>>) semaphore(%arg21 : memref<!tpu.dma_semaphore, #tpu.memory_space<semaphore_mem>>)
    %dma_start3A_14 = arith.constant 0 : i32
    %dma_start3A_15 = arith.constant 0 : i32
    %dma_start3A_16 = tpu.memref_slice %arg5[%dma_start3A_14, %dma_start3A_15] : memref<8320x64xf32, #tpu.memory_space<hbm>> -> memref<8320x64xf32, #tpu.memory_space<hbm>>
    tpu.enqueue_indirect_dma source(%dma_start3A_16 : memref<8320x64xf32, #tpu.memory_space<hbm>>) target(%arg16 : memref<128x64xf32, #tpu.memory_space<vmem>>) offsets(%arg12 : memref<128xi32, #tpu.memory_space<vmem>>) semaphore(%arg21 : memref<!tpu.dma_semaphore, #tpu.memory_space<semaphore_mem>>)
    %dma_start3A_17 = arith.constant 0 : i32
    %dma_start3A_18 = arith.constant 0 : i32
    %dma_start3A_19 = tpu.memref_slice %arg6[%dma_start3A_17, %dma_start3A_18] : memref<8320x64xf32, #tpu.memory_space<hbm>> -> memref<8320x64xf32, #tpu.memory_space<hbm>>
    tpu.enqueue_indirect_dma source(%dma_start3A_19 : memref<8320x64xf32, #tpu.memory_space<hbm>>) target(%arg17 : memref<128x64xf32, #tpu.memory_space<vmem>>) offsets(%arg12 : memref<128xi32, #tpu.memory_space<vmem>>) semaphore(%arg21 : memref<!tpu.dma_semaphore, #tpu.memory_space<semaphore_mem>>)
    %dma_start3A_20 = arith.constant 0 : i32
    %dma_start3A_21 = arith.constant 0 : i32
    %dma_start3A_22 = tpu.memref_slice %arg5[%dma_start3A_20, %dma_start3A_21] : memref<8320x64xf32, #tpu.memory_space<hbm>> -> memref<8320x64xf32, #tpu.memory_space<hbm>>
    tpu.enqueue_indirect_dma source(%dma_start3A_22 : memref<8320x64xf32, #tpu.memory_space<hbm>>) target(%arg18 : memref<128x64xf32, #tpu.memory_space<vmem>>) offsets(%arg13 : memref<128xi32, #tpu.memory_space<vmem>>) semaphore(%arg21 : memref<!tpu.dma_semaphore, #tpu.memory_space<semaphore_mem>>)
    %dma_start3A_23 = arith.constant 0 : i32
    %dma_start3A_24 = arith.constant 0 : i32
    %dma_start3A_25 = tpu.memref_slice %arg6[%dma_start3A_23, %dma_start3A_24] : memref<8320x64xf32, #tpu.memory_space<hbm>> -> memref<8320x64xf32, #tpu.memory_space<hbm>>
    tpu.enqueue_indirect_dma source(%dma_start3A_25 : memref<8320x64xf32, #tpu.memory_space<hbm>>) target(%arg19 : memref<128x64xf32, #tpu.memory_space<vmem>>) offsets(%arg13 : memref<128xi32, #tpu.memory_space<vmem>>) semaphore(%arg21 : memref<!tpu.dma_semaphore, #tpu.memory_space<semaphore_mem>>)
    %dma_wait3A = arith.constant 0 : i32
    %dma_wait3A_26 = arith.constant 0 : i32
    %dma_wait3A_27 = tpu.memref_slice %arg4[%dma_wait3A, %dma_wait3A_26] : memref<50000x64xf32, #tpu.memory_space<hbm>> -> memref<50000x64xf32, #tpu.memory_space<hbm>>
    tpu.wait_indirect_dma semaphore(%arg21 : memref<!tpu.dma_semaphore, #tpu.memory_space<semaphore_mem>>) src(%dma_wait3A_27 : memref<50000x64xf32, #tpu.memory_space<hbm>>) dst(%arg14 : memref<128x64xf32, #tpu.memory_space<vmem>>)
    %dma_wait3A_28 = arith.constant 0 : i32
    %dma_wait3A_29 = arith.constant 0 : i32
    %dma_wait3A_30 = tpu.memref_slice %arg4[%dma_wait3A_28, %dma_wait3A_29] : memref<50000x64xf32, #tpu.memory_space<hbm>> -> memref<50000x64xf32, #tpu.memory_space<hbm>>
    tpu.wait_indirect_dma semaphore(%arg21 : memref<!tpu.dma_semaphore, #tpu.memory_space<semaphore_mem>>) src(%dma_wait3A_30 : memref<50000x64xf32, #tpu.memory_space<hbm>>) dst(%arg15 : memref<128x64xf32, #tpu.memory_space<vmem>>)
    %dma_wait3A_31 = arith.constant 0 : i32
    %dma_wait3A_32 = arith.constant 0 : i32
    %dma_wait3A_33 = tpu.memref_slice %arg5[%dma_wait3A_31, %dma_wait3A_32] : memref<8320x64xf32, #tpu.memory_space<hbm>> -> memref<8320x64xf32, #tpu.memory_space<hbm>>
    tpu.wait_indirect_dma semaphore(%arg21 : memref<!tpu.dma_semaphore, #tpu.memory_space<semaphore_mem>>) src(%dma_wait3A_33 : memref<8320x64xf32, #tpu.memory_space<hbm>>) dst(%arg16 : memref<128x64xf32, #tpu.memory_space<vmem>>)
    %dma_wait3A_34 = arith.constant 0 : i32
    %dma_wait3A_35 = arith.constant 0 : i32
    %dma_wait3A_36 = tpu.memref_slice %arg6[%dma_wait3A_34, %dma_wait3A_35] : memref<8320x64xf32, #tpu.memory_space<hbm>> -> memref<8320x64xf32, #tpu.memory_space<hbm>>
    tpu.wait_indirect_dma semaphore(%arg21 : memref<!tpu.dma_semaphore, #tpu.memory_space<semaphore_mem>>) src(%dma_wait3A_36 : memref<8320x64xf32, #tpu.memory_space<hbm>>) dst(%arg17 : memref<128x64xf32, #tpu.memory_space<vmem>>)
    %dma_wait3A_37 = arith.constant 0 : i32
    %dma_wait3A_38 = arith.constant 0 : i32
    %dma_wait3A_39 = tpu.memref_slice %arg5[%dma_wait3A_37, %dma_wait3A_38] : memref<8320x64xf32, #tpu.memory_space<hbm>> -> memref<8320x64xf32, #tpu.memory_space<hbm>>
    tpu.wait_indirect_dma semaphore(%arg21 : memref<!tpu.dma_semaphore, #tpu.memory_space<semaphore_mem>>) src(%dma_wait3A_39 : memref<8320x64xf32, #tpu.memory_space<hbm>>) dst(%arg18 : memref<128x64xf32, #tpu.memory_space<vmem>>)
    %dma_wait3A_40 = arith.constant 0 : i32
    %dma_wait3A_41 = arith.constant 0 : i32
    %dma_wait3A_42 = tpu.memref_slice %arg6[%dma_wait3A_40, %dma_wait3A_41] : memref<8320x64xf32, #tpu.memory_space<hbm>> -> memref<8320x64xf32, #tpu.memory_space<hbm>>
    tpu.wait_indirect_dma semaphore(%arg21 : memref<!tpu.dma_semaphore, #tpu.memory_space<semaphore_mem>>) src(%dma_wait3A_42 : memref<8320x64xf32, #tpu.memory_space<hbm>>) dst(%arg19 : memref<128x64xf32, #tpu.memory_space<vmem>>)
    %scan3A_43 = arith.constant 2.500000e-01 : f32
    %scan3A_44 = arith.constant 7.500000e-01 : f32
    %scan3A_45 = arith.constant 0 : i32
    %scan3A_46 = arith.constant 0 : i32
    %scan3A_47 = arith.constant 8 : i32
    %scan3A_48 = arith.addi %scan3A_46, %scan3A_47 : i32
    %scan3A_49 = arith.constant 1 : i32
    %scan3A_50 = scf.for %scan3A_52 = %scan3A_46 to %scan3A_48 step %scan3A_49 iter_args(%scan3A_53 = %scan3A_45) -> (i32)  : i32 {
      %mul3A_54 = arith.constant 16 : i32
      %mul3A_55 = arith.muli %scan3A_52, %mul3A_54 : i32
      %add3A_56 = vector.broadcast %mul3A_55 : i32 to vector<16xi32>
      %add3A_57 = arith.addi %add3A_56, %iota3A : vector<16xi32>
      %broadcast_in_dim3A = arith.constant 0.000000e+00 : f32
      %broadcast_in_dim3A_58 = vector.broadcast %broadcast_in_dim3A : f32 to vector<16xf32>
      %broadcast_in_dim3A_59 = arith.constant 0 : i32
      %broadcast_in_dim3A_60 = vector.broadcast %broadcast_in_dim3A_59 : i32 to vector<16xi32>
      %gather3A = tpu.vector_load_idx %arg14[%add3A_57, %broadcast_in_dim3A_60] : memref<128x64xf32, #tpu.memory_space<vmem>>[vector<16xi32>, vector<16xi32>], vector<16xf32>,
      %gather3A_61 = tpu.vector_load_idx %arg15[%add3A_57, %broadcast_in_dim3A_60] : memref<128x64xf32, #tpu.memory_space<vmem>>[vector<16xi32>, vector<16xi32>], vector<16xf32>,
      %gather3A_62 = tpu.vector_load_idx %arg16[%add3A_57, %broadcast_in_dim3A_60] : memref<128x64xf32, #tpu.memory_space<vmem>>[vector<16xi32>, vector<16xi32>], vector<16xf32>,
      %gather3A_63 = tpu.vector_load_idx %arg17[%add3A_57, %broadcast_in_dim3A_60] : memref<128x64xf32, #tpu.memory_space<vmem>>[vector<16xi32>, vector<16xi32>], vector<16xf32>,
      %add3A_64 = arith.addf %gather3A_62, %gather3A_63 : vector<16xf32>
      %gather3A_65 = tpu.vector_load_idx %arg18[%add3A_57, %broadcast_in_dim3A_60] : memref<128x64xf32, #tpu.memory_space<vmem>>[vector<16xi32>, vector<16xi32>], vector<16xf32>,
      %gather3A_66 = tpu.vector_load_idx %arg19[%add3A_57, %broadcast_in_dim3A_60] : memref<128x64xf32, #tpu.memory_space<vmem>>[vector<16xi32>, vector<16xi32>], vector<16xf32>,
      %add3A_67 = arith.addf %gather3A_65, %gather3A_66 : vector<16xf32>
      %mul3A_68 = vector.broadcast %scan3A_43 : f32 to vector<16xf32>
      %mul3A_69 = arith.mulf %mul3A_68, %gather3A : vector<16xf32>
      %mul3A_70 = vector.broadcast %scan3A_44 : f32 to vector<16xf32>
      %mul3A_71 = arith.mulf %mul3A_70, %add3A_64 : vector<16xf32>
      %add3A_72 = arith.addf %mul3A_69, %mul3A_71 : vector<16xf32>
      %mul3A_73 = vector.broadcast %scan3A_43 : f32 to vector<16xf32>
      %mul3A_74 = arith.mulf %mul3A_73, %gather3A_61 : vector<16xf32>
      %mul3A_75 = vector.broadcast %scan3A_44 : f32 to vector<16xf32>
      %mul3A_76 = arith.mulf %mul3A_75, %add3A_67 : vector<16xf32>
      %add3A_77 = arith.addf %mul3A_74, %mul3A_76 : vector<16xf32>
      %mul3A_78 = arith.mulf %add3A_72, %add3A_77 : vector<16xf32>
      %add3A_79 = arith.addf %broadcast_in_dim3A_58, %mul3A_78 : vector<16xf32>
      %broadcast_in_dim3A_80 = arith.constant 1 : i32
      %broadcast_in_dim3A_81 = vector.broadcast %broadcast_in_dim3A_80 : i32 to vector<16xi32>
      %gather3A_82 = tpu.vector_load_idx %arg14[%add3A_57, %broadcast_in_dim3A_81] : memref<128x64xf32, #tpu.memory_space<vmem>>[vector<16xi32>, vector<16xi32>], vector<16xf32>,
      %gather3A_83 = tpu.vector_load_idx %arg15[%add3A_57, %broadcast_in_dim3A_81] : memref<128x64xf32, #tpu.memory_space<vmem>>[vector<16xi32>, vector<16xi32>], vector<16xf32>,
      %gather3A_84 = tpu.vector_load_idx %arg16[%add3A_57, %broadcast_in_dim3A_81] : memref<128x64xf32, #tpu.memory_space<vmem>>[vector<16xi32>, vector<16xi32>], vector<16xf32>,
      %gather3A_85 = tpu.vector_load_idx %arg17[%add3A_57, %broadcast_in_dim3A_81] : memref<128x64xf32, #tpu.memory_space<vmem>>[vector<16xi32>, vector<16xi32>], vector<16xf32>,
      %add3A_86 = arith.addf %gather3A_84, %gather3A_85 : vector<16xf32>
      %gather3A_87 = tpu.vector_load_idx %arg18[%add3A_57, %broadcast_in_dim3A_81] : memref<128x64xf32, #tpu.memory_space<vmem>>[vector<16xi32>, vector<16xi32>], vector<16xf32>,
      %gather3A_88 = tpu.vector_load_idx %arg19[%add3A_57, %broadcast_in_dim3A_81] : memref<128x64xf32, #tpu.memory_space<vmem>>[vector<16xi32>, vector<16xi32>], vector<16xf32>,
      %add3A_89 = arith.addf %gather3A_87, %gather3A_88 : vector<16xf32>
      %mul3A_90 = vector.broadcast %scan3A_43 : f32 to vector<16xf32>
      %mul3A_91 = arith.mulf %mul3A_90, %gather3A_82 : vector<16xf32>
      %mul3A_92 = vector.broadcast %scan3A_44 : f32 to vector<16xf32>
      %mul3A_93 = arith.mulf %mul3A_92, %add3A_86 : vector<16xf32>
      %add3A_94 = arith.addf %mul3A_91, %mul3A_93 : vector<16xf32>
      %mul3A_95 = vector.broadcast %scan3A_43 : f32 to vector<16xf32>
      %mul3A_96 = arith.mulf %mul3A_95, %gather3A_83 : vector<16xf32>
      %mul3A_97 = vector.broadcast %scan3A_44 : f32 to vector<16xf32>
      %mul3A_98 = arith.mulf %mul3A_97, %add3A_89 : vector<16xf32>
      %add3A_99 = arith.addf %mul3A_96, %mul3A_98 : vector<16xf32>
      %mul3A_100 = arith.mulf %add3A_94, %add3A_99 : vector<16xf32>
      %add3A_101 = arith.addf %add3A_79, %mul3A_100 : vector<16xf32>
      %broadcast_in_dim3A_102 = arith.constant 2 : i32
      %broadcast_in_dim3A_103 = vector.broadcast %broadcast_in_dim3A_102 : i32 to vector<16xi32>
      %gather3A_104 = tpu.vector_load_idx %arg14[%add3A_57, %broadcast_in_dim3A_103] : memref<128x64xf32, #tpu.memory_space<vmem>>[vector<16xi32>, vector<16xi32>], vector<16xf32>,
      %gather3A_105 = tpu.vector_load_idx %arg15[%add3A_57, %broadcast_in_dim3A_103] : memref<128x64xf32, #tpu.memory_space<vmem>>[vector<16xi32>, vector<16xi32>], vector<16xf32>,
      %gather3A_106 = tpu.vector_load_idx %arg16[%add3A_57, %broadcast_in_dim3A_103] : memref<128x64xf32, #tpu.memory_space<vmem>>[vector<16xi32>, vector<16xi32>], vector<16xf32>,
      %gather3A_107 = tpu.vector_load_idx %arg17[%add3A_57, %broadcast_in_dim3A_103] : memref<128x64xf32, #tpu.memory_space<vmem>>[vector<16xi32>, vector<16xi32>], vector<16xf32>,
      %add3A_108 = arith.addf %gather3A_106, %gather3A_107 : vector<16xf32>
      %gather3A_109 = tpu.vector_load_idx %arg18[%add3A_57, %broadcast_in_dim3A_103] : memref<128x64xf32, #tpu.memory_space<vmem>>[vector<16xi32>, vector<16xi32>], vector<16xf32>,
      %gather3A_110 = tpu.vector_load_idx %arg19[%add3A_57, %broadcast_in_dim3A_103] : memref<128x64xf32, #tpu.memory_space<vmem>>[vector<16xi32>, vector<16xi32>], vector<16xf32>,
      %add3A_111 = arith.addf %gather3A_109, %gather3A_110 : vector<16xf32>
      %mul3A_112 = vector.broadcast %scan3A_43 : f32 to vector<16xf32>
      %mul3A_113 = arith.mulf %mul3A_112, %gather3A_104 : vector<16xf32>
      %mul3A_114 = vector.broadcast %scan3A_44 : f32 to vector<16xf32>
      %mul3A_115 = arith.mulf %mul3A_114, %add3A_108 : vector<16xf32>
      %add3A_116 = arith.addf %mul3A_113, %mul3A_115 : vector<16xf32>
      %mul3A_117 = vector.broadcast %scan3A_43 : f32 to vector<16xf32>
      %mul3A_118 = arith.mulf %mul3A_117, %gather3A_105 : vector<16xf32>
      %mul3A_119 = vector.broadcast %scan3A_44 : f32 to vector<16xf32>
      %mul3A_120 = arith.mulf %mul3A_119, %add3A_111 : vector<16xf32>
      %add3A_121 = arith.addf %mul3A_118, %mul3A_120 : vector<16xf32>
      %mul3A_122 = arith.mulf %add3A_116, %add3A_121 : vector<16xf32>
      %add3A_123 = arith.addf %add3A_101, %mul3A_122 : vector<16xf32>
      %broadcast_in_dim3A_124 = arith.constant 3 : i32
      %broadcast_in_dim3A_125 = vector.broadcast %broadcast_in_dim3A_124 : i32 to vector<16xi32>
      %gather3A_126 = tpu.vector_load_idx %arg14[%add3A_57, %broadcast_in_dim3A_125] : memref<128x64xf32, #tpu.memory_space<vmem>>[vector<16xi32>, vector<16xi32>], vector<16xf32>,
      %gather3A_127 = tpu.vector_load_idx %arg15[%add3A_57, %broadcast_in_dim3A_125] : memref<128x64xf32, #tpu.memory_space<vmem>>[vector<16xi32>, vector<16xi32>], vector<16xf32>,
      %gather3A_128 = tpu.vector_load_idx %arg16[%add3A_57, %broadcast_in_dim3A_125] : memref<128x64xf32, #tpu.memory_space<vmem>>[vector<16xi32>, vector<16xi32>], vector<16xf32>,
      %gather3A_129 = tpu.vector_load_idx %arg17[%add3A_57, %broadcast_in_dim3A_125] : memref<128x64xf32, #tpu.memory_space<vmem>>[vector<16xi32>, vector<16xi32>], vector<16xf32>,
      %add3A_130 = arith.addf %gather3A_128, %gather3A_129 : vector<16xf32>
      %gather3A_131 = tpu.vector_load_idx %arg18[%add3A_57, %broadcast_in_dim3A_125] : memref<128x64xf32, #tpu.memory_space<vmem>>[vector<16xi32>, vector<16xi32>], vector<16xf32>,
      %gather3A_132 = tpu.vector_load_idx %arg19[%add3A_57, %broadcast_in_dim3A_125] : memref<128x64xf32, #tpu.memory_space<vmem>>[vector<16xi32>, vector<16xi32>], vector<16xf32>,
      %add3A_133 = arith.addf %gather3A_131, %gather3A_132 : vector<16xf32>
      %mul3A_134 = vector.broadcast %scan3A_43 : f32 to vector<16xf32>
      %mul3A_135 = arith.mulf %mul3A_134, %gather3A_126 : vector<16xf32>
      %mul3A_136 = vector.broadcast %scan3A_44 : f32 to vector<16xf32>
      %mul3A_137 = arith.mulf %mul3A_136, %add3A_130 : vector<16xf32>
      %add3A_138 = arith.addf %mul3A_135, %mul3A_137 : vector<16xf32>
      %mul3A_139 = vector.broadcast %scan3A_43 : f32 to vector<16xf32>
      %mul3A_140 = arith.mulf %mul3A_139, %gather3A_127 : vector<16xf32>
      %mul3A_141 = vector.broadcast %scan3A_44 : f32 to vector<16xf32>
      %mul3A_142 = arith.mulf %mul3A_141, %add3A_133 : vector<16xf32>
      %add3A_143 = arith.addf %mul3A_140, %mul3A_142 : vector<16xf32>
      %mul3A_144 = arith.mulf %add3A_138, %add3A_143 : vector<16xf32>
      %add3A_145 = arith.addf %add3A_123, %mul3A_144 : vector<16xf32>
      %broadcast_in_dim3A_146 = arith.constant 4 : i32
      %broadcast_in_dim3A_147 = vector.broadcast %broadcast_in_dim3A_146 : i32 to vector<16xi32>
      %gather3A_148 = tpu.vector_load_idx %arg14[%add3A_57, %broadcast_in_dim3A_147] : memref<128x64xf32, #tpu.memory_space<vmem>>[vector<16xi32>, vector<16xi32>], vector<16xf32>,
      %gather3A_149 = tpu.vector_load_idx %arg15[%add3A_57, %broadcast_in_dim3A_147] : memref<128x64xf32, #tpu.memory_space<vmem>>[vector<16xi32>, vector<16xi32>], vector<16xf32>,
      %gather3A_150 = tpu.vector_load_idx %arg16[%add3A_57, %broadcast_in_dim3A_147] : memref<128x64xf32, #tpu.memory_space<vmem>>[vector<16xi32>, vector<16xi32>], vector<16xf32>,
      %gather3A_151 = tpu.vector_load_idx %arg17[%add3A_57, %broadcast_in_dim3A_147] : memref<128x64xf32, #tpu.memory_space<vmem>>[vector<16xi32>, vector<16xi32>], vector<16xf32>,
      %add3A_152 = arith.addf %gather3A_150, %gather3A_151 : vector<16xf32>
      %gather3A_153 = tpu.vector_load_idx %arg18[%add3A_57, %broadcast_in_dim3A_147] : memref<128x64xf32, #tpu.memory_space<vmem>>[vector<16xi32>, vector<16xi32>], vector<16xf32>,
      %gather3A_154 = tpu.vector_load_idx %arg19[%add3A_57, %broadcast_in_dim3A_147] : memref<128x64xf32, #tpu.memory_space<vmem>>[vector<16xi32>, vector<16xi32>], vector<16xf32>,
      %add3A_155 = arith.addf %gather3A_153, %gather3A_154 : vector<16xf32>
      %mul3A_156 = vector.broadcast %scan3A_43 : f32 to vector<16xf32>
      %mul3A_157 = arith.mulf %mul3A_156, %gather3A_148 : vector<16xf32>
      %mul3A_158 = vector.broadcast %scan3A_44 : f32 to vector<16xf32>
      %mul3A_159 = arith.mulf %mul3A_158, %add3A_152 : vector<16xf32>
      %add3A_160 = arith.addf %mul3A_157, %mul3A_159 : vector<16xf32>
      %mul3A_161 = vector.broadcast %scan3A_43 : f32 to vector<16xf32>
      %mul3A_162 = arith.mulf %mul3A_161, %gather3A_149 : vector<16xf32>
      %mul3A_163 = vector.broadcast %scan3A_44 : f32 to vector<16xf32>
      %mul3A_164 = arith.mulf %mul3A_163, %add3A_155 : vector<16xf32>
      %add3A_165 = arith.addf %mul3A_162, %mul3A_164 : vector<16xf32>
      %mul3A_166 = arith.mulf %add3A_160, %add3A_165 : vector<16xf32>
      %add3A_167 = arith.addf %add3A_145, %mul3A_166 : vector<16xf32>
      %broadcast_in_dim3A_168 = arith.constant 5 : i32
      %broadcast_in_dim3A_169 = vector.broadcast %broadcast_in_dim3A_168 : i32 to vector<16xi32>
      %gather3A_170 = tpu.vector_load_idx %arg14[%add3A_57, %broadcast_in_dim3A_169] : memref<128x64xf32, #tpu.memory_space<vmem>>[vector<16xi32>, vector<16xi32>], vector<16xf32>,
      %gather3A_171 = tpu.vector_load_idx %arg15[%add3A_57, %broadcast_in_dim3A_169] : memref<128x64xf32, #tpu.memory_space<vmem>>[vector<16xi32>, vector<16xi32>], vector<16xf32>,
      %gather3A_172 = tpu.vector_load_idx %arg16[%add3A_57, %broadcast_in_dim3A_169] : memref<128x64xf32, #tpu.memory_space<vmem>>[vector<16xi32>, vector<16xi32>], vector<16xf32>,
      %gather3A_173 = tpu.vector_load_idx %arg17[%add3A_57, %broadcast_in_dim3A_169] : memref<128x64xf32, #tpu.memory_space<vmem>>[vector<16xi32>, vector<16xi32>], vector<16xf32>,
      %add3A_174 = arith.addf %gather3A_172, %gather3A_173 : vector<16xf32>
      %gather3A_175 = tpu.vector_load_idx %arg18[%add3A_57, %broadcast_in_dim3A_169] : memref<128x64xf32, #tpu.memory_space<vmem>>[vector<16xi32>, vector<16xi32>], vector<16xf32>,
      %gather3A_176 = tpu.vector_load_idx %arg19[%add3A_57, %broadcast_in_dim3A_169] : memref<128x64xf32, #tpu.memory_space<vmem>>[vector<16xi32>, vector<16xi32>], vector<16xf32>,
      %add3A_177 = arith.addf %gather3A_175, %gather3A_176 : vector<16xf32>
      %mul3A_178 = vector.broadcast %scan3A_43 : f32 to vector<16xf32>
      %mul3A_179 = arith.mulf %mul3A_178, %gather3A_170 : vector<16xf32>
      %mul3A_180 = vector.broadcast %scan3A_44 : f32 to vector<16xf32>
      %mul3A_181 = arith.mulf %mul3A_180, %add3A_174 : vector<16xf32>
      %add3A_182 = arith.addf %mul3A_179, %mul3A_181 : vector<16xf32>
      %mul3A_183 = vector.broadcast %scan3A_43 : f32 to vector<16xf32>
      %mul3A_184 = arith.mulf %mul3A_183, %gather3A_171 : vector<16xf32>
      %mul3A_185 = vector.broadcast %scan3A_44 : f32 to vector<16xf32>
      %mul3A_186 = arith.mulf %mul3A_185, %add3A_177 : vector<16xf32>
      %add3A_187 = arith.addf %mul3A_184, %mul3A_186 : vector<16xf32>
      %mul3A_188 = arith.mulf %add3A_182, %add3A_187 : vector<16xf32>
      %add3A_189 = arith.addf %add3A_167, %mul3A_188 : vector<16xf32>
      %broadcast_in_dim3A_190 = arith.constant 6 : i32
      %broadcast_in_dim3A_191 = vector.broadcast %broadcast_in_dim3A_190 : i32 to vector<16xi32>
      %gather3A_192 = tpu.vector_load_idx %arg14[%add3A_57, %broadcast_in_dim3A_191] : memref<128x64xf32, #tpu.memory_space<vmem>>[vector<16xi32>, vector<16xi32>], vector<16xf32>,
      %gather3A_193 = tpu.vector_load_idx %arg15[%add3A_57, %broadcast_in_dim3A_191] : memref<128x64xf32, #tpu.memory_space<vmem>>[vector<16xi32>, vector<16xi32>], vector<16xf32>,
      %gather3A_194 = tpu.vector_load_idx %arg16[%add3A_57, %broadcast_in_dim3A_191] : memref<128x64xf32, #tpu.memory_space<vmem>>[vector<16xi32>, vector<16xi32>], vector<16xf32>,
      %gather3A_195 = tpu.vector_load_idx %arg17[%add3A_57, %broadcast_in_dim3A_191] : memref<128x64xf32, #tpu.memory_space<vmem>>[vector<16xi32>, vector<16xi32>], vector<16xf32>,
      %add3A_196 = arith.addf %gather3A_194, %gather3A_195 : vector<16xf32>
      %gather3A_197 = tpu.vector_load_idx %arg18[%add3A_57, %broadcast_in_dim3A_191] : memref<128x64xf32, #tpu.memory_space<vmem>>[vector<16xi32>, vector<16xi32>], vector<16xf32>,
      %gather3A_198 = tpu.vector_load_idx %arg19[%add3A_57, %broadcast_in_dim3A_191] : memref<128x64xf32, #tpu.memory_space<vmem>>[vector<16xi32>, vector<16xi32>], vector<16xf32>,
      %add3A_199 = arith.addf %gather3A_197, %gather3A_198 : vector<16xf32>
      %mul3A_200 = vector.broadcast %scan3A_43 : f32 to vector<16xf32>
      %mul3A_201 = arith.mulf %mul3A_200, %gather3A_192 : vector<16xf32>
      %mul3A_202 = vector.broadcast %scan3A_44 : f32 to vector<16xf32>
      %mul3A_203 = arith.mulf %mul3A_202, %add3A_196 : vector<16xf32>
      %add3A_204 = arith.addf %mul3A_201, %mul3A_203 : vector<16xf32>
      %mul3A_205 = vector.broadcast %scan3A_43 : f32 to vector<16xf32>
      %mul3A_206 = arith.mulf %mul3A_205, %gather3A_193 : vector<16xf32>
      %mul3A_207 = vector.broadcast %scan3A_44 : f32 to vector<16xf32>
      %mul3A_208 = arith.mulf %mul3A_207, %add3A_199 : vector<16xf32>
      %add3A_209 = arith.addf %mul3A_206, %mul3A_208 : vector<16xf32>
      %mul3A_210 = arith.mulf %add3A_204, %add3A_209 : vector<16xf32>
      %add3A_211 = arith.addf %add3A_189, %mul3A_210 : vector<16xf32>
      %broadcast_in_dim3A_212 = arith.constant 7 : i32
      %broadcast_in_dim3A_213 = vector.broadcast %broadcast_in_dim3A_212 : i32 to vector<16xi32>
      %gather3A_214 = tpu.vector_load_idx %arg14[%add3A_57, %broadcast_in_dim3A_213] : memref<128x64xf32, #tpu.memory_space<vmem>>[vector<16xi32>, vector<16xi32>], vector<16xf32>,
      %gather3A_215 = tpu.vector_load_idx %arg15[%add3A_57, %broadcast_in_dim3A_213] : memref<128x64xf32, #tpu.memory_space<vmem>>[vector<16xi32>, vector<16xi32>], vector<16xf32>,
      %gather3A_216 = tpu.vector_load_idx %arg16[%add3A_57, %broadcast_in_dim3A_213] : memref<128x64xf32, #tpu.memory_space<vmem>>[vector<16xi32>, vector<16xi32>], vector<16xf32>,
      %gather3A_217 = tpu.vector_load_idx %arg17[%add3A_57, %broadcast_in_dim3A_213] : memref<128x64xf32, #tpu.memory_space<vmem>>[vector<16xi32>, vector<16xi32>], vector<16xf32>,
      %add3A_218 = arith.addf %gather3A_216, %gather3A_217 : vector<16xf32>
      %gather3A_219 = tpu.vector_load_idx %arg18[%add3A_57, %broadcast_in_dim3A_213] : memref<128x64xf32, #tpu.memory_space<vmem>>[vector<16xi32>, vector<16xi32>], vector<16xf32>,
      %gather3A_220 = tpu.vector_load_idx %arg19[%add3A_57, %broadcast_in_dim3A_213] : memref<128x64xf32, #tpu.memory_space<vmem>>[vector<16xi32>, vector<16xi32>], vector<16xf32>,
      %add3A_221 = arith.addf %gather3A_219, %gather3A_220 : vector<16xf32>
      %mul3A_222 = vector.broadcast %scan3A_43 : f32 to vector<16xf32>
      %mul3A_223 = arith.mulf %mul3A_222, %gather3A_214 : vector<16xf32>
      %mul3A_224 = vector.broadcast %scan3A_44 : f32 to vector<16xf32>
      %mul3A_225 = arith.mulf %mul3A_224, %add3A_218 : vector<16xf32>
      %add3A_226 = arith.addf %mul3A_223, %mul3A_225 : vector<16xf32>
      %mul3A_227 = vector.broadcast %scan3A_43 : f32 to vector<16xf32>
      %mul3A_228 = arith.mulf %mul3A_227, %gather3A_215 : vector<16xf32>
      %mul3A_229 = vector.broadcast %scan3A_44 : f32 to vector<16xf32>
      %mul3A_230 = arith.mulf %mul3A_229, %add3A_221 : vector<16xf32>
      %add3A_231 = arith.addf %mul3A_228, %mul3A_230 : vector<16xf32>
      %mul3A_232 = arith.mulf %add3A_226, %add3A_231 : vector<16xf32>
      %add3A_233 = arith.addf %add3A_211, %mul3A_232 : vector<16xf32>
      %broadcast_in_dim3A_234 = arith.constant 8 : i32
      %broadcast_in_dim3A_235 = vector.broadcast %broadcast_in_dim3A_234 : i32 to vector<16xi32>
      %gather3A_236 = tpu.vector_load_idx %arg14[%add3A_57, %broadcast_in_dim3A_235] : memref<128x64xf32, #tpu.memory_space<vmem>>[vector<16xi32>, vector<16xi32>], vector<16xf32>,
      %gather3A_237 = tpu.vector_load_idx %arg15[%add3A_57, %broadcast_in_dim3A_235] : memref<128x64xf32, #tpu.memory_space<vmem>>[vector<16xi32>, vector<16xi32>], vector<16xf32>,
      %gather3A_238 = tpu.vector_load_idx %arg16[%add3A_57, %broadcast_in_dim3A_235] : memref<128x64xf32, #tpu.memory_space<vmem>>[vector<16xi32>, vector<16xi32>], vector<16xf32>,
      %gather3A_239 = tpu.vector_load_idx %arg17[%add3A_57, %broadcast_in_dim3A_235] : memref<128x64xf32, #tpu.memory_space<vmem>>[vector<16xi32>, vector<16xi32>], vector<16xf32>,
      %add3A_240 = arith.addf %gather3A_238, %gather3A_239 : vector<16xf32>
      %gather3A_241 = tpu.vector_load_idx %arg18[%add3A_57, %broadcast_in_dim3A_235] : memref<128x64xf32, #tpu.memory_space<vmem>>[vector<16xi32>, vector<16xi32>], vector<16xf32>,
      %gather3A_242 = tpu.vector_load_idx %arg19[%add3A_57, %broadcast_in_dim3A_235] : memref<128x64xf32, #tpu.memory_space<vmem>>[vector<16xi32>, vector<16xi32>], vector<16xf32>,
      %add3A_243 = arith.addf %gather3A_241, %gather3A_242 : vector<16xf32>
      %mul3A_244 = vector.broadcast %scan3A_43 : f32 to vector<16xf32>
      %mul3A_245 = arith.mulf %mul3A_244, %gather3A_236 : vector<16xf32>
      %mul3A_246 = vector.broadcast %scan3A_44 : f32 to vector<16xf32>
      %mul3A_247 = arith.mulf %mul3A_246, %add3A_240 : vector<16xf32>
      %add3A_248 = arith.addf %mul3A_245, %mul3A_247 : vector<16xf32>
      %mul3A_249 = vector.broadcast %scan3A_43 : f32 to vector<16xf32>
      %mul3A_250 = arith.mulf %mul3A_249, %gather3A_237 : vector<16xf32>
      %mul3A_251 = vector.broadcast %scan3A_44 : f32 to vector<16xf32>
      %mul3A_252 = arith.mulf %mul3A_251, %add3A_243 : vector<16xf32>
      %add3A_253 = arith.addf %mul3A_250, %mul3A_252 : vector<16xf32>
      %mul3A_254 = arith.mulf %add3A_248, %add3A_253 : vector<16xf32>
      %add3A_255 = arith.addf %add3A_233, %mul3A_254 : vector<16xf32>
      %broadcast_in_dim3A_256 = arith.constant 9 : i32
      %broadcast_in_dim3A_257 = vector.broadcast %broadcast_in_dim3A_256 : i32 to vector<16xi32>
      %gather3A_258 = tpu.vector_load_idx %arg14[%add3A_57, %broadcast_in_dim3A_257] : memref<128x64xf32, #tpu.memory_space<vmem>>[vector<16xi32>, vector<16xi32>], vector<16xf32>,
      %gather3A_259 = tpu.vector_load_idx %arg15[%add3A_57, %broadcast_in_dim3A_257] : memref<128x64xf32, #tpu.memory_space<vmem>>[vector<16xi32>, vector<16xi32>], vector<16xf32>,
      %gather3A_260 = tpu.vector_load_idx %arg16[%add3A_57, %broadcast_in_dim3A_257] : memref<128x64xf32, #tpu.memory_space<vmem>>[vector<16xi32>, vector<16xi32>], vector<16xf32>,
      %gather3A_261 = tpu.vector_load_idx %arg17[%add3A_57, %broadcast_in_dim3A_257] : memref<128x64xf32, #tpu.memory_space<vmem>>[vector<16xi32>, vector<16xi32>], vector<16xf32>,
      %add3A_262 = arith.addf %gather3A_260, %gather3A_261 : vector<16xf32>
      %gather3A_263 = tpu.vector_load_idx %arg18[%add3A_57, %broadcast_in_dim3A_257] : memref<128x64xf32, #tpu.memory_space<vmem>>[vector<16xi32>, vector<16xi32>], vector<16xf32>,
      %gather3A_264 = tpu.vector_load_idx %arg19[%add3A_57, %broadcast_in_dim3A_257] : memref<128x64xf32, #tpu.memory_space<vmem>>[vector<16xi32>, vector<16xi32>], vector<16xf32>,
      %add3A_265 = arith.addf %gather3A_263, %gather3A_264 : vector<16xf32>
      %mul3A_266 = vector.broadcast %scan3A_43 : f32 to vector<16xf32>
      %mul3A_267 = arith.mulf %mul3A_266, %gather3A_258 : vector<16xf32>
      %mul3A_268 = vector.broadcast %scan3A_44 : f32 to vector<16xf32>
      %mul3A_269 = arith.mulf %mul3A_268, %add3A_262 : vector<16xf32>
      %add3A_270 = arith.addf %mul3A_267, %mul3A_269 : vector<16xf32>
      %mul3A_271 = vector.broadcast %scan3A_43 : f32 to vector<16xf32>
      %mul3A_272 = arith.mulf %mul3A_271, %gather3A_259 : vector<16xf32>
      %mul3A_273 = vector.broadcast %scan3A_44 : f32 to vector<16xf32>
      %mul3A_274 = arith.mulf %mul3A_273, %add3A_265 : vector<16xf32>
      %add3A_275 = arith.addf %mul3A_272, %mul3A_274 : vector<16xf32>
      %mul3A_276 = arith.mulf %add3A_270, %add3A_275 : vector<16xf32>
      %add3A_277 = arith.addf %add3A_255, %mul3A_276 : vector<16xf32>
      %broadcast_in_dim3A_278 = arith.constant 10 : i32
      %broadcast_in_dim3A_279 = vector.broadcast %broadcast_in_dim3A_278 : i32 to vector<16xi32>
      %gather3A_280 = tpu.vector_load_idx %arg14[%add3A_57, %broadcast_in_dim3A_279] : memref<128x64xf32, #tpu.memory_space<vmem>>[vector<16xi32>, vector<16xi32>], vector<16xf32>,
      %gather3A_281 = tpu.vector_load_idx %arg15[%add3A_57, %broadcast_in_dim3A_279] : memref<128x64xf32, #tpu.memory_space<vmem>>[vector<16xi32>, vector<16xi32>], vector<16xf32>,
      %gather3A_282 = tpu.vector_load_idx %arg16[%add3A_57, %broadcast_in_dim3A_279] : memref<128x64xf32, #tpu.memory_space<vmem>>[vector<16xi32>, vector<16xi32>], vector<16xf32>,
      %gather3A_283 = tpu.vector_load_idx %arg17[%add3A_57, %broadcast_in_dim3A_279] : memref<128x64xf32, #tpu.memory_space<vmem>>[vector<16xi32>, vector<16xi32>], vector<16xf32>,
      %add3A_284 = arith.addf %gather3A_282, %gather3A_283 : vector<16xf32>
      %gather3A_285 = tpu.vector_load_idx %arg18[%add3A_57, %broadcast_in_dim3A_279] : memref<128x64xf32, #tpu.memory_space<vmem>>[vector<16xi32>, vector<16xi32>], vector<16xf32>,
      %gather3A_286 = tpu.vector_load_idx %arg19[%add3A_57, %broadcast_in_dim3A_279] : memref<128x64xf32, #tpu.memory_space<vmem>>[vector<16xi32>, vector<16xi32>], vector<16xf32>,
      %add3A_287 = arith.addf %gather3A_285, %gather3A_286 : vector<16xf32>
      %mul3A_288 = vector.broadcast %scan3A_43 : f32 to vector<16xf32>
      %mul3A_289 = arith.mulf %mul3A_288, %gather3A_280 : vector<16xf32>
      %mul3A_290 = vector.broadcast %scan3A_44 : f32 to vector<16xf32>
      %mul3A_291 = arith.mulf %mul3A_290, %add3A_284 : vector<16xf32>
      %add3A_292 = arith.addf %mul3A_289, %mul3A_291 : vector<16xf32>
      %mul3A_293 = vector.broadcast %scan3A_43 : f32 to vector<16xf32>
      %mul3A_294 = arith.mulf %mul3A_293, %gather3A_281 : vector<16xf32>
      %mul3A_295 = vector.broadcast %scan3A_44 : f32 to vector<16xf32>
      %mul3A_296 = arith.mulf %mul3A_295, %add3A_287 : vector<16xf32>
      %add3A_297 = arith.addf %mul3A_294, %mul3A_296 : vector<16xf32>
      %mul3A_298 = arith.mulf %add3A_292, %add3A_297 : vector<16xf32>
      %add3A_299 = arith.addf %add3A_277, %mul3A_298 : vector<16xf32>
      %broadcast_in_dim3A_300 = arith.constant 11 : i32
      %broadcast_in_dim3A_301 = vector.broadcast %broadcast_in_dim3A_300 : i32 to vector<16xi32>
      %gather3A_302 = tpu.vector_load_idx %arg14[%add3A_57, %broadcast_in_dim3A_301] : memref<128x64xf32, #tpu.memory_space<vmem>>[vector<16xi32>, vector<16xi32>], vector<16xf32>,
      %gather3A_303 = tpu.vector_load_idx %arg15[%add3A_57, %broadcast_in_dim3A_301] : memref<128x64xf32, #tpu.memory_space<vmem>>[vector<16xi32>, vector<16xi32>], vector<16xf32>,
      %gather3A_304 = tpu.vector_load_idx %arg16[%add3A_57, %broadcast_in_dim3A_301] : memref<128x64xf32, #tpu.memory_space<vmem>>[vector<16xi32>, vector<16xi32>], vector<16xf32>,
      %gather3A_305 = tpu.vector_load_idx %arg17[%add3A_57, %broadcast_in_dim3A_301] : memref<128x64xf32, #tpu.memory_space<vmem>>[vector<16xi32>, vector<16xi32>], vector<16xf32>,
      %add3A_306 = arith.addf %gather3A_304, %gather3A_305 : vector<16xf32>
      %gather3A_307 = tpu.vector_load_idx %arg18[%add3A_57, %broadcast_in_dim3A_301] : memref<128x64xf32, #tpu.memory_space<vmem>>[vector<16xi32>, vector<16xi32>], vector<16xf32>,
      %gather3A_308 = tpu.vector_load_idx %arg19[%add3A_57, %broadcast_in_dim3A_301] : memref<128x64xf32, #tpu.memory_space<vmem>>[vector<16xi32>, vector<16xi32>], vector<16xf32>,
      %add3A_309 = arith.addf %gather3A_307, %gather3A_308 : vector<16xf32>
      %mul3A_310 = vector.broadcast %scan3A_43 : f32 to vector<16xf32>
      %mul3A_311 = arith.mulf %mul3A_310, %gather3A_302 : vector<16xf32>
      %mul3A_312 = vector.broadcast %scan3A_44 : f32 to vector<16xf32>
      %mul3A_313 = arith.mulf %mul3A_312, %add3A_306 : vector<16xf32>
      %add3A_314 = arith.addf %mul3A_311, %mul3A_313 : vector<16xf32>
      %mul3A_315 = vector.broadcast %scan3A_43 : f32 to vector<16xf32>
      %mul3A_316 = arith.mulf %mul3A_315, %gather3A_303 : vector<16xf32>
      %mul3A_317 = vector.broadcast %scan3A_44 : f32 to vector<16xf32>
      %mul3A_318 = arith.mulf %mul3A_317, %add3A_309 : vector<16xf32>
      %add3A_319 = arith.addf %mul3A_316, %mul3A_318 : vector<16xf32>
      %mul3A_320 = arith.mulf %add3A_314, %add3A_319 : vector<16xf32>
      %add3A_321 = arith.addf %add3A_299, %mul3A_320 : vector<16xf32>
      %broadcast_in_dim3A_322 = arith.constant 12 : i32
      %broadcast_in_dim3A_323 = vector.broadcast %broadcast_in_dim3A_322 : i32 to vector<16xi32>
      %gather3A_324 = tpu.vector_load_idx %arg14[%add3A_57, %broadcast_in_dim3A_323] : memref<128x64xf32, #tpu.memory_space<vmem>>[vector<16xi32>, vector<16xi32>], vector<16xf32>,
      %gather3A_325 = tpu.vector_load_idx %arg15[%add3A_57, %broadcast_in_dim3A_323] : memref<128x64xf32, #tpu.memory_space<vmem>>[vector<16xi32>, vector<16xi32>], vector<16xf32>,
      %gather3A_326 = tpu.vector_load_idx %arg16[%add3A_57, %broadcast_in_dim3A_323] : memref<128x64xf32, #tpu.memory_space<vmem>>[vector<16xi32>, vector<16xi32>], vector<16xf32>,
      %gather3A_327 = tpu.vector_load_idx %arg17[%add3A_57, %broadcast_in_dim3A_323] : memref<128x64xf32, #tpu.memory_space<vmem>>[vector<16xi32>, vector<16xi32>], vector<16xf32>,
      %add3A_328 = arith.addf %gather3A_326, %gather3A_327 : vector<16xf32>
      %gather3A_329 = tpu.vector_load_idx %arg18[%add3A_57, %broadcast_in_dim3A_323] : memref<128x64xf32, #tpu.memory_space<vmem>>[vector<16xi32>, vector<16xi32>], vector<16xf32>,
      %gather3A_330 = tpu.vector_load_idx %arg19[%add3A_57, %broadcast_in_dim3A_323] : memref<128x64xf32, #tpu.memory_space<vmem>>[vector<16xi32>, vector<16xi32>], vector<16xf32>,
      %add3A_331 = arith.addf %gather3A_329, %gather3A_330 : vector<16xf32>
      %mul3A_332 = vector.broadcast %scan3A_43 : f32 to vector<16xf32>
      %mul3A_333 = arith.mulf %mul3A_332, %gather3A_324 : vector<16xf32>
      %mul3A_334 = vector.broadcast %scan3A_44 : f32 to vector<16xf32>
      %mul3A_335 = arith.mulf %mul3A_334, %add3A_328 : vector<16xf32>
      %add3A_336 = arith.addf %mul3A_333, %mul3A_335 : vector<16xf32>
      %mul3A_337 = vector.broadcast %scan3A_43 : f32 to vector<16xf32>
      %mul3A_338 = arith.mulf %mul3A_337, %gather3A_325 : vector<16xf32>
      %mul3A_339 = vector.broadcast %scan3A_44 : f32 to vector<16xf32>
      %mul3A_340 = arith.mulf %mul3A_339, %add3A_331 : vector<16xf32>
      %add3A_341 = arith.addf %mul3A_338, %mul3A_340 : vector<16xf32>
      %mul3A_342 = arith.mulf %add3A_336, %add3A_341 : vector<16xf32>
      %add3A_343 = arith.addf %add3A_321, %mul3A_342 : vector<16xf32>
      %broadcast_in_dim3A_344 = arith.constant 13 : i32
      %broadcast_in_dim3A_345 = vector.broadcast %broadcast_in_dim3A_344 : i32 to vector<16xi32>
      %gather3A_346 = tpu.vector_load_idx %arg14[%add3A_57, %broadcast_in_dim3A_345] : memref<128x64xf32, #tpu.memory_space<vmem>>[vector<16xi32>, vector<16xi32>], vector<16xf32>,
      %gather3A_347 = tpu.vector_load_idx %arg15[%add3A_57, %broadcast_in_dim3A_345] : memref<128x64xf32, #tpu.memory_space<vmem>>[vector<16xi32>, vector<16xi32>], vector<16xf32>,
      %gather3A_348 = tpu.vector_load_idx %arg16[%add3A_57, %broadcast_in_dim3A_345] : memref<128x64xf32, #tpu.memory_space<vmem>>[vector<16xi32>, vector<16xi32>], vector<16xf32>,
      %gather3A_349 = tpu.vector_load_idx %arg17[%add3A_57, %broadcast_in_dim3A_345] : memref<128x64xf32, #tpu.memory_space<vmem>>[vector<16xi32>, vector<16xi32>], vector<16xf32>,
      %add3A_350 = arith.addf %gather3A_348, %gather3A_349 : vector<16xf32>
      %gather3A_351 = tpu.vector_load_idx %arg18[%add3A_57, %broadcast_in_dim3A_345] : memref<128x64xf32, #tpu.memory_space<vmem>>[vector<16xi32>, vector<16xi32>], vector<16xf32>,
      %gather3A_352 = tpu.vector_load_idx %arg19[%add3A_57, %broadcast_in_dim3A_345] : memref<128x64xf32, #tpu.memory_space<vmem>>[vector<16xi32>, vector<16xi32>], vector<16xf32>,
      %add3A_353 = arith.addf %gather3A_351, %gather3A_352 : vector<16xf32>
      %mul3A_354 = vector.broadcast %scan3A_43 : f32 to vector<16xf32>
      %mul3A_355 = arith.mulf %mul3A_354, %gather3A_346 : vector<16xf32>
      %mul3A_356 = vector.broadcast %scan3A_44 : f32 to vector<16xf32>
      %mul3A_357 = arith.mulf %mul3A_356, %add3A_350 : vector<16xf32>
      %add3A_358 = arith.addf %mul3A_355, %mul3A_357 : vector<16xf32>
      %mul3A_359 = vector.broadcast %scan3A_43 : f32 to vector<16xf32>
      %mul3A_360 = arith.mulf %mul3A_359, %gather3A_347 : vector<16xf32>
      %mul3A_361 = vector.broadcast %scan3A_44 : f32 to vector<16xf32>
      %mul3A_362 = arith.mulf %mul3A_361, %add3A_353 : vector<16xf32>
      %add3A_363 = arith.addf %mul3A_360, %mul3A_362 : vector<16xf32>
      %mul3A_364 = arith.mulf %add3A_358, %add3A_363 : vector<16xf32>
      %add3A_365 = arith.addf %add3A_343, %mul3A_364 : vector<16xf32>
      %broadcast_in_dim3A_366 = arith.constant 14 : i32
      %broadcast_in_dim3A_367 = vector.broadcast %broadcast_in_dim3A_366 : i32 to vector<16xi32>
      %gather3A_368 = tpu.vector_load_idx %arg14[%add3A_57, %broadcast_in_dim3A_367] : memref<128x64xf32, #tpu.memory_space<vmem>>[vector<16xi32>, vector<16xi32>], vector<16xf32>,
      %gather3A_369 = tpu.vector_load_idx %arg15[%add3A_57, %broadcast_in_dim3A_367] : memref<128x64xf32, #tpu.memory_space<vmem>>[vector<16xi32>, vector<16xi32>], vector<16xf32>,
      %gather3A_370 = tpu.vector_load_idx %arg16[%add3A_57, %broadcast_in_dim3A_367] : memref<128x64xf32, #tpu.memory_space<vmem>>[vector<16xi32>, vector<16xi32>], vector<16xf32>,
      %gather3A_371 = tpu.vector_load_idx %arg17[%add3A_57, %broadcast_in_dim3A_367] : memref<128x64xf32, #tpu.memory_space<vmem>>[vector<16xi32>, vector<16xi32>], vector<16xf32>,
      %add3A_372 = arith.addf %gather3A_370, %gather3A_371 : vector<16xf32>
      %gather3A_373 = tpu.vector_load_idx %arg18[%add3A_57, %broadcast_in_dim3A_367] : memref<128x64xf32, #tpu.memory_space<vmem>>[vector<16xi32>, vector<16xi32>], vector<16xf32>,
      %gather3A_374 = tpu.vector_load_idx %arg19[%add3A_57, %broadcast_in_dim3A_367] : memref<128x64xf32, #tpu.memory_space<vmem>>[vector<16xi32>, vector<16xi32>], vector<16xf32>,
      %add3A_375 = arith.addf %gather3A_373, %gather3A_374 : vector<16xf32>
      %mul3A_376 = vector.broadcast %scan3A_43 : f32 to vector<16xf32>
      %mul3A_377 = arith.mulf %mul3A_376, %gather3A_368 : vector<16xf32>
      %mul3A_378 = vector.broadcast %scan3A_44 : f32 to vector<16xf32>
      %mul3A_379 = arith.mulf %mul3A_378, %add3A_372 : vector<16xf32>
      %add3A_380 = arith.addf %mul3A_377, %mul3A_379 : vector<16xf32>
      %mul3A_381 = vector.broadcast %scan3A_43 : f32 to vector<16xf32>
      %mul3A_382 = arith.mulf %mul3A_381, %gather3A_369 : vector<16xf32>
      %mul3A_383 = vector.broadcast %scan3A_44 : f32 to vector<16xf32>
      %mul3A_384 = arith.mulf %mul3A_383, %add3A_375 : vector<16xf32>
      %add3A_385 = arith.addf %mul3A_382, %mul3A_384 : vector<16xf32>
      %mul3A_386 = arith.mulf %add3A_380, %add3A_385 : vector<16xf32>
      %add3A_387 = arith.addf %add3A_365, %mul3A_386 : vector<16xf32>
      %broadcast_in_dim3A_388 = arith.constant 15 : i32
      %broadcast_in_dim3A_389 = vector.broadcast %broadcast_in_dim3A_388 : i32 to vector<16xi32>
      %gather3A_390 = tpu.vector_load_idx %arg14[%add3A_57, %broadcast_in_dim3A_389] : memref<128x64xf32, #tpu.memory_space<vmem>>[vector<16xi32>, vector<16xi32>], vector<16xf32>,
      %gather3A_391 = tpu.vector_load_idx %arg15[%add3A_57, %broadcast_in_dim3A_389] : memref<128x64xf32, #tpu.memory_space<vmem>>[vector<16xi32>, vector<16xi32>], vector<16xf32>,
      %gather3A_392 = tpu.vector_load_idx %arg16[%add3A_57, %broadcast_in_dim3A_389] : memref<128x64xf32, #tpu.memory_space<vmem>>[vector<16xi32>, vector<16xi32>], vector<16xf32>,
      %gather3A_393 = tpu.vector_load_idx %arg17[%add3A_57, %broadcast_in_dim3A_389] : memref<128x64xf32, #tpu.memory_space<vmem>>[vector<16xi32>, vector<16xi32>], vector<16xf32>,
      %add3A_394 = arith.addf %gather3A_392, %gather3A_393 : vector<16xf32>
      %gather3A_395 = tpu.vector_load_idx %arg18[%add3A_57, %broadcast_in_dim3A_389] : memref<128x64xf32, #tpu.memory_space<vmem>>[vector<16xi32>, vector<16xi32>], vector<16xf32>,
      %gather3A_396 = tpu.vector_load_idx %arg19[%add3A_57, %broadcast_in_dim3A_389] : memref<128x64xf32, #tpu.memory_space<vmem>>[vector<16xi32>, vector<16xi32>], vector<16xf32>,
      %add3A_397 = arith.addf %gather3A_395, %gather3A_396 : vector<16xf32>
      %mul3A_398 = vector.broadcast %scan3A_43 : f32 to vector<16xf32>
      %mul3A_399 = arith.mulf %mul3A_398, %gather3A_390 : vector<16xf32>
      %mul3A_400 = vector.broadcast %scan3A_44 : f32 to vector<16xf32>
      %mul3A_401 = arith.mulf %mul3A_400, %add3A_394 : vector<16xf32>
      %add3A_402 = arith.addf %mul3A_399, %mul3A_401 : vector<16xf32>
      %mul3A_403 = vector.broadcast %scan3A_43 : f32 to vector<16xf32>
      %mul3A_404 = arith.mulf %mul3A_403, %gather3A_391 : vector<16xf32>
      %mul3A_405 = vector.broadcast %scan3A_44 : f32 to vector<16xf32>
      %mul3A_406 = arith.mulf %mul3A_405, %add3A_397 : vector<16xf32>
      %add3A_407 = arith.addf %mul3A_404, %mul3A_406 : vector<16xf32>
      %mul3A_408 = arith.mulf %add3A_402, %add3A_407 : vector<16xf32>
      %add3A_409 = arith.addf %add3A_387, %mul3A_408 : vector<16xf32>
      %broadcast_in_dim3A_410 = arith.constant 16 : i32
      %broadcast_in_dim3A_411 = vector.broadcast %broadcast_in_dim3A_410 : i32 to vector<16xi32>
      %gather3A_412 = tpu.vector_load_idx %arg14[%add3A_57, %broadcast_in_dim3A_411] : memref<128x64xf32, #tpu.memory_space<vmem>>[vector<16xi32>, vector<16xi32>], vector<16xf32>,
      %gather3A_413 = tpu.vector_load_idx %arg15[%add3A_57, %broadcast_in_dim3A_411] : memref<128x64xf32, #tpu.memory_space<vmem>>[vector<16xi32>, vector<16xi32>], vector<16xf32>,
      %gather3A_414 = tpu.vector_load_idx %arg16[%add3A_57, %broadcast_in_dim3A_411] : memref<128x64xf32, #tpu.memory_space<vmem>>[vector<16xi32>, vector<16xi32>], vector<16xf32>,
      %gather3A_415 = tpu.vector_load_idx %arg17[%add3A_57, %broadcast_in_dim3A_411] : memref<128x64xf32, #tpu.memory_space<vmem>>[vector<16xi32>, vector<16xi32>], vector<16xf32>,
      %add3A_416 = arith.addf %gather3A_414, %gather3A_415 : vector<16xf32>
      %gather3A_417 = tpu.vector_load_idx %arg18[%add3A_57, %broadcast_in_dim3A_411] : memref<128x64xf32, #tpu.memory_space<vmem>>[vector<16xi32>, vector<16xi32>], vector<16xf32>,
      %gather3A_418 = tpu.vector_load_idx %arg19[%add3A_57, %broadcast_in_dim3A_411] : memref<128x64xf32, #tpu.memory_space<vmem>>[vector<16xi32>, vector<16xi32>], vector<16xf32>,
      %add3A_419 = arith.addf %gather3A_417, %gather3A_418 : vector<16xf32>
      %mul3A_420 = vector.broadcast %scan3A_43 : f32 to vector<16xf32>
      %mul3A_421 = arith.mulf %mul3A_420, %gather3A_412 : vector<16xf32>
      %mul3A_422 = vector.broadcast %scan3A_44 : f32 to vector<16xf32>
      %mul3A_423 = arith.mulf %mul3A_422, %add3A_416 : vector<16xf32>
      %add3A_424 = arith.addf %mul3A_421, %mul3A_423 : vector<16xf32>
      %mul3A_425 = vector.broadcast %scan3A_43 : f32 to vector<16xf32>
      %mul3A_426 = arith.mulf %mul3A_425, %gather3A_413 : vector<16xf32>
      %mul3A_427 = vector.broadcast %scan3A_44 : f32 to vector<16xf32>
      %mul3A_428 = arith.mulf %mul3A_427, %add3A_419 : vector<16xf32>
      %add3A_429 = arith.addf %mul3A_426, %mul3A_428 : vector<16xf32>
      %mul3A_430 = arith.mulf %add3A_424, %add3A_429 : vector<16xf32>
      %add3A_431 = arith.addf %add3A_409, %mul3A_430 : vector<16xf32>
      %broadcast_in_dim3A_432 = arith.constant 17 : i32
      %broadcast_in_dim3A_433 = vector.broadcast %broadcast_in_dim3A_432 : i32 to vector<16xi32>
      %gather3A_434 = tpu.vector_load_idx %arg14[%add3A_57, %broadcast_in_dim3A_433] : memref<128x64xf32, #tpu.memory_space<vmem>>[vector<16xi32>, vector<16xi32>], vector<16xf32>,
      %gather3A_435 = tpu.vector_load_idx %arg15[%add3A_57, %broadcast_in_dim3A_433] : memref<128x64xf32, #tpu.memory_space<vmem>>[vector<16xi32>, vector<16xi32>], vector<16xf32>,
      %gather3A_436 = tpu.vector_load_idx %arg16[%add3A_57, %broadcast_in_dim3A_433] : memref<128x64xf32, #tpu.memory_space<vmem>>[vector<16xi32>, vector<16xi32>], vector<16xf32>,
      %gather3A_437 = tpu.vector_load_idx %arg17[%add3A_57, %broadcast_in_dim3A_433] : memref<128x64xf32, #tpu.memory_space<vmem>>[vector<16xi32>, vector<16xi32>], vector<16xf32>,
      %add3A_438 = arith.addf %gather3A_436, %gather3A_437 : vector<16xf32>
      %gather3A_439 = tpu.vector_load_idx %arg18[%add3A_57, %broadcast_in_dim3A_433] : memref<128x64xf32, #tpu.memory_space<vmem>>[vector<16xi32>, vector<16xi32>], vector<16xf32>,
      %gather3A_440 = tpu.vector_load_idx %arg19[%add3A_57, %broadcast_in_dim3A_433] : memref<128x64xf32, #tpu.memory_space<vmem>>[vector<16xi32>, vector<16xi32>], vector<16xf32>,
      %add3A_441 = arith.addf %gather3A_439, %gather3A_440 : vector<16xf32>
      %mul3A_442 = vector.broadcast %scan3A_43 : f32 to vector<16xf32>
      %mul3A_443 = arith.mulf %mul3A_442, %gather3A_434 : vector<16xf32>
      %mul3A_444 = vector.broadcast %scan3A_44 : f32 to vector<16xf32>
      %mul3A_445 = arith.mulf %mul3A_444, %add3A_438 : vector<16xf32>
      %add3A_446 = arith.addf %mul3A_443, %mul3A_445 : vector<16xf32>
      %mul3A_447 = vector.broadcast %scan3A_43 : f32 to vector<16xf32>
      %mul3A_448 = arith.mulf %mul3A_447, %gather3A_435 : vector<16xf32>
      %mul3A_449 = vector.broadcast %scan3A_44 : f32 to vector<16xf32>
      %mul3A_450 = arith.mulf %mul3A_449, %add3A_441 : vector<16xf32>
      %add3A_451 = arith.addf %mul3A_448, %mul3A_450 : vector<16xf32>
      %mul3A_452 = arith.mulf %add3A_446, %add3A_451 : vector<16xf32>
      %add3A_453 = arith.addf %add3A_431, %mul3A_452 : vector<16xf32>
      %broadcast_in_dim3A_454 = arith.constant 18 : i32
      %broadcast_in_dim3A_455 = vector.broadcast %broadcast_in_dim3A_454 : i32 to vector<16xi32>
      %gather3A_456 = tpu.vector_load_idx %arg14[%add3A_57, %broadcast_in_dim3A_455] : memref<128x64xf32, #tpu.memory_space<vmem>>[vector<16xi32>, vector<16xi32>], vector<16xf32>,
      %gather3A_457 = tpu.vector_load_idx %arg15[%add3A_57, %broadcast_in_dim3A_455] : memref<128x64xf32, #tpu.memory_space<vmem>>[vector<16xi32>, vector<16xi32>], vector<16xf32>,
      %gather3A_458 = tpu.vector_load_idx %arg16[%add3A_57, %broadcast_in_dim3A_455] : memref<128x64xf32, #tpu.memory_space<vmem>>[vector<16xi32>, vector<16xi32>], vector<16xf32>,
      %gather3A_459 = tpu.vector_load_idx %arg17[%add3A_57, %broadcast_in_dim3A_455] : memref<128x64xf32, #tpu.memory_space<vmem>>[vector<16xi32>, vector<16xi32>], vector<16xf32>,
      %add3A_460 = arith.addf %gather3A_458, %gather3A_459 : vector<16xf32>
      %gather3A_461 = tpu.vector_load_idx %arg18[%add3A_57, %broadcast_in_dim3A_455] : memref<128x64xf32, #tpu.memory_space<vmem>>[vector<16xi32>, vector<16xi32>], vector<16xf32>,
      %gather3A_462 = tpu.vector_load_idx %arg19[%add3A_57, %broadcast_in_dim3A_455] : memref<128x64xf32, #tpu.memory_space<vmem>>[vector<16xi32>, vector<16xi32>], vector<16xf32>,
      %add3A_463 = arith.addf %gather3A_461, %gather3A_462 : vector<16xf32>
      %mul3A_464 = vector.broadcast %scan3A_43 : f32 to vector<16xf32>
      %mul3A_465 = arith.mulf %mul3A_464, %gather3A_456 : vector<16xf32>
      %mul3A_466 = vector.broadcast %scan3A_44 : f32 to vector<16xf32>
      %mul3A_467 = arith.mulf %mul3A_466, %add3A_460 : vector<16xf32>
      %add3A_468 = arith.addf %mul3A_465, %mul3A_467 : vector<16xf32>
      %mul3A_469 = vector.broadcast %scan3A_43 : f32 to vector<16xf32>
      %mul3A_470 = arith.mulf %mul3A_469, %gather3A_457 : vector<16xf32>
      %mul3A_471 = vector.broadcast %scan3A_44 : f32 to vector<16xf32>
      %mul3A_472 = arith.mulf %mul3A_471, %add3A_463 : vector<16xf32>
      %add3A_473 = arith.addf %mul3A_470, %mul3A_472 : vector<16xf32>
      %mul3A_474 = arith.mulf %add3A_468, %add3A_473 : vector<16xf32>
      %add3A_475 = arith.addf %add3A_453, %mul3A_474 : vector<16xf32>
      %broadcast_in_dim3A_476 = arith.constant 19 : i32
      %broadcast_in_dim3A_477 = vector.broadcast %broadcast_in_dim3A_476 : i32 to vector<16xi32>
      %gather3A_478 = tpu.vector_load_idx %arg14[%add3A_57, %broadcast_in_dim3A_477] : memref<128x64xf32, #tpu.memory_space<vmem>>[vector<16xi32>, vector<16xi32>], vector<16xf32>,
      %gather3A_479 = tpu.vector_load_idx %arg15[%add3A_57, %broadcast_in_dim3A_477] : memref<128x64xf32, #tpu.memory_space<vmem>>[vector<16xi32>, vector<16xi32>], vector<16xf32>,
      %gather3A_480 = tpu.vector_load_idx %arg16[%add3A_57, %broadcast_in_dim3A_477] : memref<128x64xf32, #tpu.memory_space<vmem>>[vector<16xi32>, vector<16xi32>], vector<16xf32>,
      %gather3A_481 = tpu.vector_load_idx %arg17[%add3A_57, %broadcast_in_dim3A_477] : memref<128x64xf32, #tpu.memory_space<vmem>>[vector<16xi32>, vector<16xi32>], vector<16xf32>,
      %add3A_482 = arith.addf %gather3A_480, %gather3A_481 : vector<16xf32>
      %gather3A_483 = tpu.vector_load_idx %arg18[%add3A_57, %broadcast_in_dim3A_477] : memref<128x64xf32, #tpu.memory_space<vmem>>[vector<16xi32>, vector<16xi32>], vector<16xf32>,
      %gather3A_484 = tpu.vector_load_idx %arg19[%add3A_57, %broadcast_in_dim3A_477] : memref<128x64xf32, #tpu.memory_space<vmem>>[vector<16xi32>, vector<16xi32>], vector<16xf32>,
      %add3A_485 = arith.addf %gather3A_483, %gather3A_484 : vector<16xf32>
      %mul3A_486 = vector.broadcast %scan3A_43 : f32 to vector<16xf32>
      %mul3A_487 = arith.mulf %mul3A_486, %gather3A_478 : vector<16xf32>
      %mul3A_488 = vector.broadcast %scan3A_44 : f32 to vector<16xf32>
      %mul3A_489 = arith.mulf %mul3A_488, %add3A_482 : vector<16xf32>
      %add3A_490 = arith.addf %mul3A_487, %mul3A_489 : vector<16xf32>
      %mul3A_491 = vector.broadcast %scan3A_43 : f32 to vector<16xf32>
      %mul3A_492 = arith.mulf %mul3A_491, %gather3A_479 : vector<16xf32>
      %mul3A_493 = vector.broadcast %scan3A_44 : f32 to vector<16xf32>
      %mul3A_494 = arith.mulf %mul3A_493, %add3A_485 : vector<16xf32>
      %add3A_495 = arith.addf %mul3A_492, %mul3A_494 : vector<16xf32>
      %mul3A_496 = arith.mulf %add3A_490, %add3A_495 : vector<16xf32>
      %add3A_497 = arith.addf %add3A_475, %mul3A_496 : vector<16xf32>
      %broadcast_in_dim3A_498 = arith.constant 20 : i32
      %broadcast_in_dim3A_499 = vector.broadcast %broadcast_in_dim3A_498 : i32 to vector<16xi32>
      %gather3A_500 = tpu.vector_load_idx %arg14[%add3A_57, %broadcast_in_dim3A_499] : memref<128x64xf32, #tpu.memory_space<vmem>>[vector<16xi32>, vector<16xi32>], vector<16xf32>,
      %gather3A_501 = tpu.vector_load_idx %arg15[%add3A_57, %broadcast_in_dim3A_499] : memref<128x64xf32, #tpu.memory_space<vmem>>[vector<16xi32>, vector<16xi32>], vector<16xf32>,
      %gather3A_502 = tpu.vector_load_idx %arg16[%add3A_57, %broadcast_in_dim3A_499] : memref<128x64xf32, #tpu.memory_space<vmem>>[vector<16xi32>, vector<16xi32>], vector<16xf32>,
      %gather3A_503 = tpu.vector_load_idx %arg17[%add3A_57, %broadcast_in_dim3A_499] : memref<128x64xf32, #tpu.memory_space<vmem>>[vector<16xi32>, vector<16xi32>], vector<16xf32>,
      %add3A_504 = arith.addf %gather3A_502, %gather3A_503 : vector<16xf32>
      %gather3A_505 = tpu.vector_load_idx %arg18[%add3A_57, %broadcast_in_dim3A_499] : memref<128x64xf32, #tpu.memory_space<vmem>>[vector<16xi32>, vector<16xi32>], vector<16xf32>,
      %gather3A_506 = tpu.vector_load_idx %arg19[%add3A_57, %broadcast_in_dim3A_499] : memref<128x64xf32, #tpu.memory_space<vmem>>[vector<16xi32>, vector<16xi32>], vector<16xf32>,
      %add3A_507 = arith.addf %gather3A_505, %gather3A_506 : vector<16xf32>
      %mul3A_508 = vector.broadcast %scan3A_43 : f32 to vector<16xf32>
      %mul3A_509 = arith.mulf %mul3A_508, %gather3A_500 : vector<16xf32>
      %mul3A_510 = vector.broadcast %scan3A_44 : f32 to vector<16xf32>
      %mul3A_511 = arith.mulf %mul3A_510, %add3A_504 : vector<16xf32>
      %add3A_512 = arith.addf %mul3A_509, %mul3A_511 : vector<16xf32>
      %mul3A_513 = vector.broadcast %scan3A_43 : f32 to vector<16xf32>
      %mul3A_514 = arith.mulf %mul3A_513, %gather3A_501 : vector<16xf32>
      %mul3A_515 = vector.broadcast %scan3A_44 : f32 to vector<16xf32>
      %mul3A_516 = arith.mulf %mul3A_515, %add3A_507 : vector<16xf32>
      %add3A_517 = arith.addf %mul3A_514, %mul3A_516 : vector<16xf32>
      %mul3A_518 = arith.mulf %add3A_512, %add3A_517 : vector<16xf32>
      %add3A_519 = arith.addf %add3A_497, %mul3A_518 : vector<16xf32>
      %broadcast_in_dim3A_520 = arith.constant 21 : i32
      %broadcast_in_dim3A_521 = vector.broadcast %broadcast_in_dim3A_520 : i32 to vector<16xi32>
      %gather3A_522 = tpu.vector_load_idx %arg14[%add3A_57, %broadcast_in_dim3A_521] : memref<128x64xf32, #tpu.memory_space<vmem>>[vector<16xi32>, vector<16xi32>], vector<16xf32>,
      %gather3A_523 = tpu.vector_load_idx %arg15[%add3A_57, %broadcast_in_dim3A_521] : memref<128x64xf32, #tpu.memory_space<vmem>>[vector<16xi32>, vector<16xi32>], vector<16xf32>,
      %gather3A_524 = tpu.vector_load_idx %arg16[%add3A_57, %broadcast_in_dim3A_521] : memref<128x64xf32, #tpu.memory_space<vmem>>[vector<16xi32>, vector<16xi32>], vector<16xf32>,
      %gather3A_525 = tpu.vector_load_idx %arg17[%add3A_57, %broadcast_in_dim3A_521] : memref<128x64xf32, #tpu.memory_space<vmem>>[vector<16xi32>, vector<16xi32>], vector<16xf32>,
      %add3A_526 = arith.addf %gather3A_524, %gather3A_525 : vector<16xf32>
      %gather3A_527 = tpu.vector_load_idx %arg18[%add3A_57, %broadcast_in_dim3A_521] : memref<128x64xf32, #tpu.memory_space<vmem>>[vector<16xi32>, vector<16xi32>], vector<16xf32>,
      %gather3A_528 = tpu.vector_load_idx %arg19[%add3A_57, %broadcast_in_dim3A_521] : memref<128x64xf32, #tpu.memory_space<vmem>>[vector<16xi32>, vector<16xi32>], vector<16xf32>,
      %add3A_529 = arith.addf %gather3A_527, %gather3A_528 : vector<16xf32>
      %mul3A_530 = vector.broadcast %scan3A_43 : f32 to vector<16xf32>
      %mul3A_531 = arith.mulf %mul3A_530, %gather3A_522 : vector<16xf32>
      %mul3A_532 = vector.broadcast %scan3A_44 : f32 to vector<16xf32>
      %mul3A_533 = arith.mulf %mul3A_532, %add3A_526 : vector<16xf32>
      %add3A_534 = arith.addf %mul3A_531, %mul3A_533 : vector<16xf32>
      %mul3A_535 = vector.broadcast %scan3A_43 : f32 to vector<16xf32>
      %mul3A_536 = arith.mulf %mul3A_535, %gather3A_523 : vector<16xf32>
      %mul3A_537 = vector.broadcast %scan3A_44 : f32 to vector<16xf32>
      %mul3A_538 = arith.mulf %mul3A_537, %add3A_529 : vector<16xf32>
      %add3A_539 = arith.addf %mul3A_536, %mul3A_538 : vector<16xf32>
      %mul3A_540 = arith.mulf %add3A_534, %add3A_539 : vector<16xf32>
      %add3A_541 = arith.addf %add3A_519, %mul3A_540 : vector<16xf32>
      %broadcast_in_dim3A_542 = arith.constant 22 : i32
      %broadcast_in_dim3A_543 = vector.broadcast %broadcast_in_dim3A_542 : i32 to vector<16xi32>
      %gather3A_544 = tpu.vector_load_idx %arg14[%add3A_57, %broadcast_in_dim3A_543] : memref<128x64xf32, #tpu.memory_space<vmem>>[vector<16xi32>, vector<16xi32>], vector<16xf32>,
      %gather3A_545 = tpu.vector_load_idx %arg15[%add3A_57, %broadcast_in_dim3A_543] : memref<128x64xf32, #tpu.memory_space<vmem>>[vector<16xi32>, vector<16xi32>], vector<16xf32>,
      %gather3A_546 = tpu.vector_load_idx %arg16[%add3A_57, %broadcast_in_dim3A_543] : memref<128x64xf32, #tpu.memory_space<vmem>>[vector<16xi32>, vector<16xi32>], vector<16xf32>,
      %gather3A_547 = tpu.vector_load_idx %arg17[%add3A_57, %broadcast_in_dim3A_543] : memref<128x64xf32, #tpu.memory_space<vmem>>[vector<16xi32>, vector<16xi32>], vector<16xf32>,
      %add3A_548 = arith.addf %gather3A_546, %gather3A_547 : vector<16xf32>
      %gather3A_549 = tpu.vector_load_idx %arg18[%add3A_57, %broadcast_in_dim3A_543] : memref<128x64xf32, #tpu.memory_space<vmem>>[vector<16xi32>, vector<16xi32>], vector<16xf32>,
      %gather3A_550 = tpu.vector_load_idx %arg19[%add3A_57, %broadcast_in_dim3A_543] : memref<128x64xf32, #tpu.memory_space<vmem>>[vector<16xi32>, vector<16xi32>], vector<16xf32>,
      %add3A_551 = arith.addf %gather3A_549, %gather3A_550 : vector<16xf32>
      %mul3A_552 = vector.broadcast %scan3A_43 : f32 to vector<16xf32>
      %mul3A_553 = arith.mulf %mul3A_552, %gather3A_544 : vector<16xf32>
      %mul3A_554 = vector.broadcast %scan3A_44 : f32 to vector<16xf32>
      %mul3A_555 = arith.mulf %mul3A_554, %add3A_548 : vector<16xf32>
      %add3A_556 = arith.addf %mul3A_553, %mul3A_555 : vector<16xf32>
      %mul3A_557 = vector.broadcast %scan3A_43 : f32 to vector<16xf32>
      %mul3A_558 = arith.mulf %mul3A_557, %gather3A_545 : vector<16xf32>
      %mul3A_559 = vector.broadcast %scan3A_44 : f32 to vector<16xf32>
      %mul3A_560 = arith.mulf %mul3A_559, %add3A_551 : vector<16xf32>
      %add3A_561 = arith.addf %mul3A_558, %mul3A_560 : vector<16xf32>
      %mul3A_562 = arith.mulf %add3A_556, %add3A_561 : vector<16xf32>
      %add3A_563 = arith.addf %add3A_541, %mul3A_562 : vector<16xf32>
      %broadcast_in_dim3A_564 = arith.constant 23 : i32
      %broadcast_in_dim3A_565 = vector.broadcast %broadcast_in_dim3A_564 : i32 to vector<16xi32>
      %gather3A_566 = tpu.vector_load_idx %arg14[%add3A_57, %broadcast_in_dim3A_565] : memref<128x64xf32, #tpu.memory_space<vmem>>[vector<16xi32>, vector<16xi32>], vector<16xf32>,
      %gather3A_567 = tpu.vector_load_idx %arg15[%add3A_57, %broadcast_in_dim3A_565] : memref<128x64xf32, #tpu.memory_space<vmem>>[vector<16xi32>, vector<16xi32>], vector<16xf32>,
      %gather3A_568 = tpu.vector_load_idx %arg16[%add3A_57, %broadcast_in_dim3A_565] : memref<128x64xf32, #tpu.memory_space<vmem>>[vector<16xi32>, vector<16xi32>], vector<16xf32>,
      %gather3A_569 = tpu.vector_load_idx %arg17[%add3A_57, %broadcast_in_dim3A_565] : memref<128x64xf32, #tpu.memory_space<vmem>>[vector<16xi32>, vector<16xi32>], vector<16xf32>,
      %add3A_570 = arith.addf %gather3A_568, %gather3A_569 : vector<16xf32>
      %gather3A_571 = tpu.vector_load_idx %arg18[%add3A_57, %broadcast_in_dim3A_565] : memref<128x64xf32, #tpu.memory_space<vmem>>[vector<16xi32>, vector<16xi32>], vector<16xf32>,
      %gather3A_572 = tpu.vector_load_idx %arg19[%add3A_57, %broadcast_in_dim3A_565] : memref<128x64xf32, #tpu.memory_space<vmem>>[vector<16xi32>, vector<16xi32>], vector<16xf32>,
      %add3A_573 = arith.addf %gather3A_571, %gather3A_572 : vector<16xf32>
      %mul3A_574 = vector.broadcast %scan3A_43 : f32 to vector<16xf32>
      %mul3A_575 = arith.mulf %mul3A_574, %gather3A_566 : vector<16xf32>
      %mul3A_576 = vector.broadcast %scan3A_44 : f32 to vector<16xf32>
      %mul3A_577 = arith.mulf %mul3A_576, %add3A_570 : vector<16xf32>
      %add3A_578 = arith.addf %mul3A_575, %mul3A_577 : vector<16xf32>
      %mul3A_579 = vector.broadcast %scan3A_43 : f32 to vector<16xf32>
      %mul3A_580 = arith.mulf %mul3A_579, %gather3A_567 : vector<16xf32>
      %mul3A_581 = vector.broadcast %scan3A_44 : f32 to vector<16xf32>
      %mul3A_582 = arith.mulf %mul3A_581, %add3A_573 : vector<16xf32>
      %add3A_583 = arith.addf %mul3A_580, %mul3A_582 : vector<16xf32>
      %mul3A_584 = arith.mulf %add3A_578, %add3A_583 : vector<16xf32>
      %add3A_585 = arith.addf %add3A_563, %mul3A_584 : vector<16xf32>
      %broadcast_in_dim3A_586 = arith.constant 24 : i32
      %broadcast_in_dim3A_587 = vector.broadcast %broadcast_in_dim3A_586 : i32 to vector<16xi32>
      %gather3A_588 = tpu.vector_load_idx %arg14[%add3A_57, %broadcast_in_dim3A_587] : memref<128x64xf32, #tpu.memory_space<vmem>>[vector<16xi32>, vector<16xi32>], vector<16xf32>,
      %gather3A_589 = tpu.vector_load_idx %arg15[%add3A_57, %broadcast_in_dim3A_587] : memref<128x64xf32, #tpu.memory_space<vmem>>[vector<16xi32>, vector<16xi32>], vector<16xf32>,
      %gather3A_590 = tpu.vector_load_idx %arg16[%add3A_57, %broadcast_in_dim3A_587] : memref<128x64xf32, #tpu.memory_space<vmem>>[vector<16xi32>, vector<16xi32>], vector<16xf32>,
      %gather3A_591 = tpu.vector_load_idx %arg17[%add3A_57, %broadcast_in_dim3A_587] : memref<128x64xf32, #tpu.memory_space<vmem>>[vector<16xi32>, vector<16xi32>], vector<16xf32>,
      %add3A_592 = arith.addf %gather3A_590, %gather3A_591 : vector<16xf32>
      %gather3A_593 = tpu.vector_load_idx %arg18[%add3A_57, %broadcast_in_dim3A_587] : memref<128x64xf32, #tpu.memory_space<vmem>>[vector<16xi32>, vector<16xi32>], vector<16xf32>,
      %gather3A_594 = tpu.vector_load_idx %arg19[%add3A_57, %broadcast_in_dim3A_587] : memref<128x64xf32, #tpu.memory_space<vmem>>[vector<16xi32>, vector<16xi32>], vector<16xf32>,
      %add3A_595 = arith.addf %gather3A_593, %gather3A_594 : vector<16xf32>
      %mul3A_596 = vector.broadcast %scan3A_43 : f32 to vector<16xf32>
      %mul3A_597 = arith.mulf %mul3A_596, %gather3A_588 : vector<16xf32>
      %mul3A_598 = vector.broadcast %scan3A_44 : f32 to vector<16xf32>
      %mul3A_599 = arith.mulf %mul3A_598, %add3A_592 : vector<16xf32>
      %add3A_600 = arith.addf %mul3A_597, %mul3A_599 : vector<16xf32>
      %mul3A_601 = vector.broadcast %scan3A_43 : f32 to vector<16xf32>
      %mul3A_602 = arith.mulf %mul3A_601, %gather3A_589 : vector<16xf32>
      %mul3A_603 = vector.broadcast %scan3A_44 : f32 to vector<16xf32>
      %mul3A_604 = arith.mulf %mul3A_603, %add3A_595 : vector<16xf32>
      %add3A_605 = arith.addf %mul3A_602, %mul3A_604 : vector<16xf32>
      %mul3A_606 = arith.mulf %add3A_600, %add3A_605 : vector<16xf32>
      %add3A_607 = arith.addf %add3A_585, %mul3A_606 : vector<16xf32>
      %broadcast_in_dim3A_608 = arith.constant 25 : i32
      %broadcast_in_dim3A_609 = vector.broadcast %broadcast_in_dim3A_608 : i32 to vector<16xi32>
      %gather3A_610 = tpu.vector_load_idx %arg14[%add3A_57, %broadcast_in_dim3A_609] : memref<128x64xf32, #tpu.memory_space<vmem>>[vector<16xi32>, vector<16xi32>], vector<16xf32>,
      %gather3A_611 = tpu.vector_load_idx %arg15[%add3A_57, %broadcast_in_dim3A_609] : memref<128x64xf32, #tpu.memory_space<vmem>>[vector<16xi32>, vector<16xi32>], vector<16xf32>,
      %gather3A_612 = tpu.vector_load_idx %arg16[%add3A_57, %broadcast_in_dim3A_609] : memref<128x64xf32, #tpu.memory_space<vmem>>[vector<16xi32>, vector<16xi32>], vector<16xf32>,
      %gather3A_613 = tpu.vector_load_idx %arg17[%add3A_57, %broadcast_in_dim3A_609] : memref<128x64xf32, #tpu.memory_space<vmem>>[vector<16xi32>, vector<16xi32>], vector<16xf32>,
      %add3A_614 = arith.addf %gather3A_612, %gather3A_613 : vector<16xf32>
      %gather3A_615 = tpu.vector_load_idx %arg18[%add3A_57, %broadcast_in_dim3A_609] : memref<128x64xf32, #tpu.memory_space<vmem>>[vector<16xi32>, vector<16xi32>], vector<16xf32>,
      %gather3A_616 = tpu.vector_load_idx %arg19[%add3A_57, %broadcast_in_dim3A_609] : memref<128x64xf32, #tpu.memory_space<vmem>>[vector<16xi32>, vector<16xi32>], vector<16xf32>,
      %add3A_617 = arith.addf %gather3A_615, %gather3A_616 : vector<16xf32>
      %mul3A_618 = vector.broadcast %scan3A_43 : f32 to vector<16xf32>
      %mul3A_619 = arith.mulf %mul3A_618, %gather3A_610 : vector<16xf32>
      %mul3A_620 = vector.broadcast %scan3A_44 : f32 to vector<16xf32>
      %mul3A_621 = arith.mulf %mul3A_620, %add3A_614 : vector<16xf32>
      %add3A_622 = arith.addf %mul3A_619, %mul3A_621 : vector<16xf32>
      %mul3A_623 = vector.broadcast %scan3A_43 : f32 to vector<16xf32>
      %mul3A_624 = arith.mulf %mul3A_623, %gather3A_611 : vector<16xf32>
      %mul3A_625 = vector.broadcast %scan3A_44 : f32 to vector<16xf32>
      %mul3A_626 = arith.mulf %mul3A_625, %add3A_617 : vector<16xf32>
      %add3A_627 = arith.addf %mul3A_624, %mul3A_626 : vector<16xf32>
      %mul3A_628 = arith.mulf %add3A_622, %add3A_627 : vector<16xf32>
      %add3A_629 = arith.addf %add3A_607, %mul3A_628 : vector<16xf32>
      %broadcast_in_dim3A_630 = arith.constant 26 : i32
      %broadcast_in_dim3A_631 = vector.broadcast %broadcast_in_dim3A_630 : i32 to vector<16xi32>
      %gather3A_632 = tpu.vector_load_idx %arg14[%add3A_57, %broadcast_in_dim3A_631] : memref<128x64xf32, #tpu.memory_space<vmem>>[vector<16xi32>, vector<16xi32>], vector<16xf32>,
      %gather3A_633 = tpu.vector_load_idx %arg15[%add3A_57, %broadcast_in_dim3A_631] : memref<128x64xf32, #tpu.memory_space<vmem>>[vector<16xi32>, vector<16xi32>], vector<16xf32>,
      %gather3A_634 = tpu.vector_load_idx %arg16[%add3A_57, %broadcast_in_dim3A_631] : memref<128x64xf32, #tpu.memory_space<vmem>>[vector<16xi32>, vector<16xi32>], vector<16xf32>,
      %gather3A_635 = tpu.vector_load_idx %arg17[%add3A_57, %broadcast_in_dim3A_631] : memref<128x64xf32, #tpu.memory_space<vmem>>[vector<16xi32>, vector<16xi32>], vector<16xf32>,
      %add3A_636 = arith.addf %gather3A_634, %gather3A_635 : vector<16xf32>
      %gather3A_637 = tpu.vector_load_idx %arg18[%add3A_57, %broadcast_in_dim3A_631] : memref<128x64xf32, #tpu.memory_space<vmem>>[vector<16xi32>, vector<16xi32>], vector<16xf32>,
      %gather3A_638 = tpu.vector_load_idx %arg19[%add3A_57, %broadcast_in_dim3A_631] : memref<128x64xf32, #tpu.memory_space<vmem>>[vector<16xi32>, vector<16xi32>], vector<16xf32>,
      %add3A_639 = arith.addf %gather3A_637, %gather3A_638 : vector<16xf32>
      %mul3A_640 = vector.broadcast %scan3A_43 : f32 to vector<16xf32>
      %mul3A_641 = arith.mulf %mul3A_640, %gather3A_632 : vector<16xf32>
      %mul3A_642 = vector.broadcast %scan3A_44 : f32 to vector<16xf32>
      %mul3A_643 = arith.mulf %mul3A_642, %add3A_636 : vector<16xf32>
      %add3A_644 = arith.addf %mul3A_641, %mul3A_643 : vector<16xf32>
      %mul3A_645 = vector.broadcast %scan3A_43 : f32 to vector<16xf32>
      %mul3A_646 = arith.mulf %mul3A_645, %gather3A_633 : vector<16xf32>
      %mul3A_647 = vector.broadcast %scan3A_44 : f32 to vector<16xf32>
      %mul3A_648 = arith.mulf %mul3A_647, %add3A_639 : vector<16xf32>
      %add3A_649 = arith.addf %mul3A_646, %mul3A_648 : vector<16xf32>
      %mul3A_650 = arith.mulf %add3A_644, %add3A_649 : vector<16xf32>
      %add3A_651 = arith.addf %add3A_629, %mul3A_650 : vector<16xf32>
      %broadcast_in_dim3A_652 = arith.constant 27 : i32
      %broadcast_in_dim3A_653 = vector.broadcast %broadcast_in_dim3A_652 : i32 to vector<16xi32>
      %gather3A_654 = tpu.vector_load_idx %arg14[%add3A_57, %broadcast_in_dim3A_653] : memref<128x64xf32, #tpu.memory_space<vmem>>[vector<16xi32>, vector<16xi32>], vector<16xf32>,
      %gather3A_655 = tpu.vector_load_idx %arg15[%add3A_57, %broadcast_in_dim3A_653] : memref<128x64xf32, #tpu.memory_space<vmem>>[vector<16xi32>, vector<16xi32>], vector<16xf32>,
      %gather3A_656 = tpu.vector_load_idx %arg16[%add3A_57, %broadcast_in_dim3A_653] : memref<128x64xf32, #tpu.memory_space<vmem>>[vector<16xi32>, vector<16xi32>], vector<16xf32>,
      %gather3A_657 = tpu.vector_load_idx %arg17[%add3A_57, %broadcast_in_dim3A_653] : memref<128x64xf32, #tpu.memory_space<vmem>>[vector<16xi32>, vector<16xi32>], vector<16xf32>,
      %add3A_658 = arith.addf %gather3A_656, %gather3A_657 : vector<16xf32>
      %gather3A_659 = tpu.vector_load_idx %arg18[%add3A_57, %broadcast_in_dim3A_653] : memref<128x64xf32, #tpu.memory_space<vmem>>[vector<16xi32>, vector<16xi32>], vector<16xf32>,
      %gather3A_660 = tpu.vector_load_idx %arg19[%add3A_57, %broadcast_in_dim3A_653] : memref<128x64xf32, #tpu.memory_space<vmem>>[vector<16xi32>, vector<16xi32>], vector<16xf32>,
      %add3A_661 = arith.addf %gather3A_659, %gather3A_660 : vector<16xf32>
      %mul3A_662 = vector.broadcast %scan3A_43 : f32 to vector<16xf32>
      %mul3A_663 = arith.mulf %mul3A_662, %gather3A_654 : vector<16xf32>
      %mul3A_664 = vector.broadcast %scan3A_44 : f32 to vector<16xf32>
      %mul3A_665 = arith.mulf %mul3A_664, %add3A_658 : vector<16xf32>
      %add3A_666 = arith.addf %mul3A_663, %mul3A_665 : vector<16xf32>
      %mul3A_667 = vector.broadcast %scan3A_43 : f32 to vector<16xf32>
      %mul3A_668 = arith.mulf %mul3A_667, %gather3A_655 : vector<16xf32>
      %mul3A_669 = vector.broadcast %scan3A_44 : f32 to vector<16xf32>
      %mul3A_670 = arith.mulf %mul3A_669, %add3A_661 : vector<16xf32>
      %add3A_671 = arith.addf %mul3A_668, %mul3A_670 : vector<16xf32>
      %mul3A_672 = arith.mulf %add3A_666, %add3A_671 : vector<16xf32>
      %add3A_673 = arith.addf %add3A_651, %mul3A_672 : vector<16xf32>
      %broadcast_in_dim3A_674 = arith.constant 28 : i32
      %broadcast_in_dim3A_675 = vector.broadcast %broadcast_in_dim3A_674 : i32 to vector<16xi32>
      %gather3A_676 = tpu.vector_load_idx %arg14[%add3A_57, %broadcast_in_dim3A_675] : memref<128x64xf32, #tpu.memory_space<vmem>>[vector<16xi32>, vector<16xi32>], vector<16xf32>,
      %gather3A_677 = tpu.vector_load_idx %arg15[%add3A_57, %broadcast_in_dim3A_675] : memref<128x64xf32, #tpu.memory_space<vmem>>[vector<16xi32>, vector<16xi32>], vector<16xf32>,
      %gather3A_678 = tpu.vector_load_idx %arg16[%add3A_57, %broadcast_in_dim3A_675] : memref<128x64xf32, #tpu.memory_space<vmem>>[vector<16xi32>, vector<16xi32>], vector<16xf32>,
      %gather3A_679 = tpu.vector_load_idx %arg17[%add3A_57, %broadcast_in_dim3A_675] : memref<128x64xf32, #tpu.memory_space<vmem>>[vector<16xi32>, vector<16xi32>], vector<16xf32>,
      %add3A_680 = arith.addf %gather3A_678, %gather3A_679 : vector<16xf32>
      %gather3A_681 = tpu.vector_load_idx %arg18[%add3A_57, %broadcast_in_dim3A_675] : memref<128x64xf32, #tpu.memory_space<vmem>>[vector<16xi32>, vector<16xi32>], vector<16xf32>,
      %gather3A_682 = tpu.vector_load_idx %arg19[%add3A_57, %broadcast_in_dim3A_675] : memref<128x64xf32, #tpu.memory_space<vmem>>[vector<16xi32>, vector<16xi32>], vector<16xf32>,
      %add3A_683 = arith.addf %gather3A_681, %gather3A_682 : vector<16xf32>
      %mul3A_684 = vector.broadcast %scan3A_43 : f32 to vector<16xf32>
      %mul3A_685 = arith.mulf %mul3A_684, %gather3A_676 : vector<16xf32>
      %mul3A_686 = vector.broadcast %scan3A_44 : f32 to vector<16xf32>
      %mul3A_687 = arith.mulf %mul3A_686, %add3A_680 : vector<16xf32>
      %add3A_688 = arith.addf %mul3A_685, %mul3A_687 : vector<16xf32>
      %mul3A_689 = vector.broadcast %scan3A_43 : f32 to vector<16xf32>
      %mul3A_690 = arith.mulf %mul3A_689, %gather3A_677 : vector<16xf32>
      %mul3A_691 = vector.broadcast %scan3A_44 : f32 to vector<16xf32>
      %mul3A_692 = arith.mulf %mul3A_691, %add3A_683 : vector<16xf32>
      %add3A_693 = arith.addf %mul3A_690, %mul3A_692 : vector<16xf32>
      %mul3A_694 = arith.mulf %add3A_688, %add3A_693 : vector<16xf32>
      %add3A_695 = arith.addf %add3A_673, %mul3A_694 : vector<16xf32>
      %broadcast_in_dim3A_696 = arith.constant 29 : i32
      %broadcast_in_dim3A_697 = vector.broadcast %broadcast_in_dim3A_696 : i32 to vector<16xi32>
      %gather3A_698 = tpu.vector_load_idx %arg14[%add3A_57, %broadcast_in_dim3A_697] : memref<128x64xf32, #tpu.memory_space<vmem>>[vector<16xi32>, vector<16xi32>], vector<16xf32>,
      %gather3A_699 = tpu.vector_load_idx %arg15[%add3A_57, %broadcast_in_dim3A_697] : memref<128x64xf32, #tpu.memory_space<vmem>>[vector<16xi32>, vector<16xi32>], vector<16xf32>,
      %gather3A_700 = tpu.vector_load_idx %arg16[%add3A_57, %broadcast_in_dim3A_697] : memref<128x64xf32, #tpu.memory_space<vmem>>[vector<16xi32>, vector<16xi32>], vector<16xf32>,
      %gather3A_701 = tpu.vector_load_idx %arg17[%add3A_57, %broadcast_in_dim3A_697] : memref<128x64xf32, #tpu.memory_space<vmem>>[vector<16xi32>, vector<16xi32>], vector<16xf32>,
      %add3A_702 = arith.addf %gather3A_700, %gather3A_701 : vector<16xf32>
      %gather3A_703 = tpu.vector_load_idx %arg18[%add3A_57, %broadcast_in_dim3A_697] : memref<128x64xf32, #tpu.memory_space<vmem>>[vector<16xi32>, vector<16xi32>], vector<16xf32>,
      %gather3A_704 = tpu.vector_load_idx %arg19[%add3A_57, %broadcast_in_dim3A_697] : memref<128x64xf32, #tpu.memory_space<vmem>>[vector<16xi32>, vector<16xi32>], vector<16xf32>,
      %add3A_705 = arith.addf %gather3A_703, %gather3A_704 : vector<16xf32>
      %mul3A_706 = vector.broadcast %scan3A_43 : f32 to vector<16xf32>
      %mul3A_707 = arith.mulf %mul3A_706, %gather3A_698 : vector<16xf32>
      %mul3A_708 = vector.broadcast %scan3A_44 : f32 to vector<16xf32>
      %mul3A_709 = arith.mulf %mul3A_708, %add3A_702 : vector<16xf32>
      %add3A_710 = arith.addf %mul3A_707, %mul3A_709 : vector<16xf32>
      %mul3A_711 = vector.broadcast %scan3A_43 : f32 to vector<16xf32>
      %mul3A_712 = arith.mulf %mul3A_711, %gather3A_699 : vector<16xf32>
      %mul3A_713 = vector.broadcast %scan3A_44 : f32 to vector<16xf32>
      %mul3A_714 = arith.mulf %mul3A_713, %add3A_705 : vector<16xf32>
      %add3A_715 = arith.addf %mul3A_712, %mul3A_714 : vector<16xf32>
      %mul3A_716 = arith.mulf %add3A_710, %add3A_715 : vector<16xf32>
      %add3A_717 = arith.addf %add3A_695, %mul3A_716 : vector<16xf32>
      %broadcast_in_dim3A_718 = arith.constant 30 : i32
      %broadcast_in_dim3A_719 = vector.broadcast %broadcast_in_dim3A_718 : i32 to vector<16xi32>
      %gather3A_720 = tpu.vector_load_idx %arg14[%add3A_57, %broadcast_in_dim3A_719] : memref<128x64xf32, #tpu.memory_space<vmem>>[vector<16xi32>, vector<16xi32>], vector<16xf32>,
      %gather3A_721 = tpu.vector_load_idx %arg15[%add3A_57, %broadcast_in_dim3A_719] : memref<128x64xf32, #tpu.memory_space<vmem>>[vector<16xi32>, vector<16xi32>], vector<16xf32>,
      %gather3A_722 = tpu.vector_load_idx %arg16[%add3A_57, %broadcast_in_dim3A_719] : memref<128x64xf32, #tpu.memory_space<vmem>>[vector<16xi32>, vector<16xi32>], vector<16xf32>,
      %gather3A_723 = tpu.vector_load_idx %arg17[%add3A_57, %broadcast_in_dim3A_719] : memref<128x64xf32, #tpu.memory_space<vmem>>[vector<16xi32>, vector<16xi32>], vector<16xf32>,
      %add3A_724 = arith.addf %gather3A_722, %gather3A_723 : vector<16xf32>
      %gather3A_725 = tpu.vector_load_idx %arg18[%add3A_57, %broadcast_in_dim3A_719] : memref<128x64xf32, #tpu.memory_space<vmem>>[vector<16xi32>, vector<16xi32>], vector<16xf32>,
      %gather3A_726 = tpu.vector_load_idx %arg19[%add3A_57, %broadcast_in_dim3A_719] : memref<128x64xf32, #tpu.memory_space<vmem>>[vector<16xi32>, vector<16xi32>], vector<16xf32>,
      %add3A_727 = arith.addf %gather3A_725, %gather3A_726 : vector<16xf32>
      %mul3A_728 = vector.broadcast %scan3A_43 : f32 to vector<16xf32>
      %mul3A_729 = arith.mulf %mul3A_728, %gather3A_720 : vector<16xf32>
      %mul3A_730 = vector.broadcast %scan3A_44 : f32 to vector<16xf32>
      %mul3A_731 = arith.mulf %mul3A_730, %add3A_724 : vector<16xf32>
      %add3A_732 = arith.addf %mul3A_729, %mul3A_731 : vector<16xf32>
      %mul3A_733 = vector.broadcast %scan3A_43 : f32 to vector<16xf32>
      %mul3A_734 = arith.mulf %mul3A_733, %gather3A_721 : vector<16xf32>
      %mul3A_735 = vector.broadcast %scan3A_44 : f32 to vector<16xf32>
      %mul3A_736 = arith.mulf %mul3A_735, %add3A_727 : vector<16xf32>
      %add3A_737 = arith.addf %mul3A_734, %mul3A_736 : vector<16xf32>
      %mul3A_738 = arith.mulf %add3A_732, %add3A_737 : vector<16xf32>
      %add3A_739 = arith.addf %add3A_717, %mul3A_738 : vector<16xf32>
      %broadcast_in_dim3A_740 = arith.constant 31 : i32
      %broadcast_in_dim3A_741 = vector.broadcast %broadcast_in_dim3A_740 : i32 to vector<16xi32>
      %gather3A_742 = tpu.vector_load_idx %arg14[%add3A_57, %broadcast_in_dim3A_741] : memref<128x64xf32, #tpu.memory_space<vmem>>[vector<16xi32>, vector<16xi32>], vector<16xf32>,
      %gather3A_743 = tpu.vector_load_idx %arg15[%add3A_57, %broadcast_in_dim3A_741] : memref<128x64xf32, #tpu.memory_space<vmem>>[vector<16xi32>, vector<16xi32>], vector<16xf32>,
      %gather3A_744 = tpu.vector_load_idx %arg16[%add3A_57, %broadcast_in_dim3A_741] : memref<128x64xf32, #tpu.memory_space<vmem>>[vector<16xi32>, vector<16xi32>], vector<16xf32>,
      %gather3A_745 = tpu.vector_load_idx %arg17[%add3A_57, %broadcast_in_dim3A_741] : memref<128x64xf32, #tpu.memory_space<vmem>>[vector<16xi32>, vector<16xi32>], vector<16xf32>,
      %add3A_746 = arith.addf %gather3A_744, %gather3A_745 : vector<16xf32>
      %gather3A_747 = tpu.vector_load_idx %arg18[%add3A_57, %broadcast_in_dim3A_741] : memref<128x64xf32, #tpu.memory_space<vmem>>[vector<16xi32>, vector<16xi32>], vector<16xf32>,
      %gather3A_748 = tpu.vector_load_idx %arg19[%add3A_57, %broadcast_in_dim3A_741] : memref<128x64xf32, #tpu.memory_space<vmem>>[vector<16xi32>, vector<16xi32>], vector<16xf32>,
      %add3A_749 = arith.addf %gather3A_747, %gather3A_748 : vector<16xf32>
      %mul3A_750 = vector.broadcast %scan3A_43 : f32 to vector<16xf32>
      %mul3A_751 = arith.mulf %mul3A_750, %gather3A_742 : vector<16xf32>
      %mul3A_752 = vector.broadcast %scan3A_44 : f32 to vector<16xf32>
      %mul3A_753 = arith.mulf %mul3A_752, %add3A_746 : vector<16xf32>
      %add3A_754 = arith.addf %mul3A_751, %mul3A_753 : vector<16xf32>
      %mul3A_755 = vector.broadcast %scan3A_43 : f32 to vector<16xf32>
      %mul3A_756 = arith.mulf %mul3A_755, %gather3A_743 : vector<16xf32>
      %mul3A_757 = vector.broadcast %scan3A_44 : f32 to vector<16xf32>
      %mul3A_758 = arith.mulf %mul3A_757, %add3A_749 : vector<16xf32>
      %add3A_759 = arith.addf %mul3A_756, %mul3A_758 : vector<16xf32>
      %mul3A_760 = arith.mulf %add3A_754, %add3A_759 : vector<16xf32>
      %add3A_761 = arith.addf %add3A_739, %mul3A_760 : vector<16xf32>
      %broadcast_in_dim3A_762 = arith.constant 32 : i32
      %broadcast_in_dim3A_763 = vector.broadcast %broadcast_in_dim3A_762 : i32 to vector<16xi32>
      %gather3A_764 = tpu.vector_load_idx %arg14[%add3A_57, %broadcast_in_dim3A_763] : memref<128x64xf32, #tpu.memory_space<vmem>>[vector<16xi32>, vector<16xi32>], vector<16xf32>,
      %gather3A_765 = tpu.vector_load_idx %arg15[%add3A_57, %broadcast_in_dim3A_763] : memref<128x64xf32, #tpu.memory_space<vmem>>[vector<16xi32>, vector<16xi32>], vector<16xf32>,
      %gather3A_766 = tpu.vector_load_idx %arg16[%add3A_57, %broadcast_in_dim3A_763] : memref<128x64xf32, #tpu.memory_space<vmem>>[vector<16xi32>, vector<16xi32>], vector<16xf32>,
      %gather3A_767 = tpu.vector_load_idx %arg17[%add3A_57, %broadcast_in_dim3A_763] : memref<128x64xf32, #tpu.memory_space<vmem>>[vector<16xi32>, vector<16xi32>], vector<16xf32>,
      %add3A_768 = arith.addf %gather3A_766, %gather3A_767 : vector<16xf32>
      %gather3A_769 = tpu.vector_load_idx %arg18[%add3A_57, %broadcast_in_dim3A_763] : memref<128x64xf32, #tpu.memory_space<vmem>>[vector<16xi32>, vector<16xi32>], vector<16xf32>,
      %gather3A_770 = tpu.vector_load_idx %arg19[%add3A_57, %broadcast_in_dim3A_763] : memref<128x64xf32, #tpu.memory_space<vmem>>[vector<16xi32>, vector<16xi32>], vector<16xf32>,
      %add3A_771 = arith.addf %gather3A_769, %gather3A_770 : vector<16xf32>
      %mul3A_772 = vector.broadcast %scan3A_43 : f32 to vector<16xf32>
      %mul3A_773 = arith.mulf %mul3A_772, %gather3A_764 : vector<16xf32>
      %mul3A_774 = vector.broadcast %scan3A_44 : f32 to vector<16xf32>
      %mul3A_775 = arith.mulf %mul3A_774, %add3A_768 : vector<16xf32>
      %add3A_776 = arith.addf %mul3A_773, %mul3A_775 : vector<16xf32>
      %mul3A_777 = vector.broadcast %scan3A_43 : f32 to vector<16xf32>
      %mul3A_778 = arith.mulf %mul3A_777, %gather3A_765 : vector<16xf32>
      %mul3A_779 = vector.broadcast %scan3A_44 : f32 to vector<16xf32>
      %mul3A_780 = arith.mulf %mul3A_779, %add3A_771 : vector<16xf32>
      %add3A_781 = arith.addf %mul3A_778, %mul3A_780 : vector<16xf32>
      %mul3A_782 = arith.mulf %add3A_776, %add3A_781 : vector<16xf32>
      %add3A_783 = arith.addf %add3A_761, %mul3A_782 : vector<16xf32>
      %broadcast_in_dim3A_784 = arith.constant 33 : i32
      %broadcast_in_dim3A_785 = vector.broadcast %broadcast_in_dim3A_784 : i32 to vector<16xi32>
      %gather3A_786 = tpu.vector_load_idx %arg14[%add3A_57, %broadcast_in_dim3A_785] : memref<128x64xf32, #tpu.memory_space<vmem>>[vector<16xi32>, vector<16xi32>], vector<16xf32>,
      %gather3A_787 = tpu.vector_load_idx %arg15[%add3A_57, %broadcast_in_dim3A_785] : memref<128x64xf32, #tpu.memory_space<vmem>>[vector<16xi32>, vector<16xi32>], vector<16xf32>,
      %gather3A_788 = tpu.vector_load_idx %arg16[%add3A_57, %broadcast_in_dim3A_785] : memref<128x64xf32, #tpu.memory_space<vmem>>[vector<16xi32>, vector<16xi32>], vector<16xf32>,
      %gather3A_789 = tpu.vector_load_idx %arg17[%add3A_57, %broadcast_in_dim3A_785] : memref<128x64xf32, #tpu.memory_space<vmem>>[vector<16xi32>, vector<16xi32>], vector<16xf32>,
      %add3A_790 = arith.addf %gather3A_788, %gather3A_789 : vector<16xf32>
      %gather3A_791 = tpu.vector_load_idx %arg18[%add3A_57, %broadcast_in_dim3A_785] : memref<128x64xf32, #tpu.memory_space<vmem>>[vector<16xi32>, vector<16xi32>], vector<16xf32>,
      %gather3A_792 = tpu.vector_load_idx %arg19[%add3A_57, %broadcast_in_dim3A_785] : memref<128x64xf32, #tpu.memory_space<vmem>>[vector<16xi32>, vector<16xi32>], vector<16xf32>,
      %add3A_793 = arith.addf %gather3A_791, %gather3A_792 : vector<16xf32>
      %mul3A_794 = vector.broadcast %scan3A_43 : f32 to vector<16xf32>
      %mul3A_795 = arith.mulf %mul3A_794, %gather3A_786 : vector<16xf32>
      %mul3A_796 = vector.broadcast %scan3A_44 : f32 to vector<16xf32>
      %mul3A_797 = arith.mulf %mul3A_796, %add3A_790 : vector<16xf32>
      %add3A_798 = arith.addf %mul3A_795, %mul3A_797 : vector<16xf32>
      %mul3A_799 = vector.broadcast %scan3A_43 : f32 to vector<16xf32>
      %mul3A_800 = arith.mulf %mul3A_799, %gather3A_787 : vector<16xf32>
      %mul3A_801 = vector.broadcast %scan3A_44 : f32 to vector<16xf32>
      %mul3A_802 = arith.mulf %mul3A_801, %add3A_793 : vector<16xf32>
      %add3A_803 = arith.addf %mul3A_800, %mul3A_802 : vector<16xf32>
      %mul3A_804 = arith.mulf %add3A_798, %add3A_803 : vector<16xf32>
      %add3A_805 = arith.addf %add3A_783, %mul3A_804 : vector<16xf32>
      %broadcast_in_dim3A_806 = arith.constant 34 : i32
      %broadcast_in_dim3A_807 = vector.broadcast %broadcast_in_dim3A_806 : i32 to vector<16xi32>
      %gather3A_808 = tpu.vector_load_idx %arg14[%add3A_57, %broadcast_in_dim3A_807] : memref<128x64xf32, #tpu.memory_space<vmem>>[vector<16xi32>, vector<16xi32>], vector<16xf32>,
      %gather3A_809 = tpu.vector_load_idx %arg15[%add3A_57, %broadcast_in_dim3A_807] : memref<128x64xf32, #tpu.memory_space<vmem>>[vector<16xi32>, vector<16xi32>], vector<16xf32>,
      %gather3A_810 = tpu.vector_load_idx %arg16[%add3A_57, %broadcast_in_dim3A_807] : memref<128x64xf32, #tpu.memory_space<vmem>>[vector<16xi32>, vector<16xi32>], vector<16xf32>,
      %gather3A_811 = tpu.vector_load_idx %arg17[%add3A_57, %broadcast_in_dim3A_807] : memref<128x64xf32, #tpu.memory_space<vmem>>[vector<16xi32>, vector<16xi32>], vector<16xf32>,
      %add3A_812 = arith.addf %gather3A_810, %gather3A_811 : vector<16xf32>
      %gather3A_813 = tpu.vector_load_idx %arg18[%add3A_57, %broadcast_in_dim3A_807] : memref<128x64xf32, #tpu.memory_space<vmem>>[vector<16xi32>, vector<16xi32>], vector<16xf32>,
      %gather3A_814 = tpu.vector_load_idx %arg19[%add3A_57, %broadcast_in_dim3A_807] : memref<128x64xf32, #tpu.memory_space<vmem>>[vector<16xi32>, vector<16xi32>], vector<16xf32>,
      %add3A_815 = arith.addf %gather3A_813, %gather3A_814 : vector<16xf32>
      %mul3A_816 = vector.broadcast %scan3A_43 : f32 to vector<16xf32>
      %mul3A_817 = arith.mulf %mul3A_816, %gather3A_808 : vector<16xf32>
      %mul3A_818 = vector.broadcast %scan3A_44 : f32 to vector<16xf32>
      %mul3A_819 = arith.mulf %mul3A_818, %add3A_812 : vector<16xf32>
      %add3A_820 = arith.addf %mul3A_817, %mul3A_819 : vector<16xf32>
      %mul3A_821 = vector.broadcast %scan3A_43 : f32 to vector<16xf32>
      %mul3A_822 = arith.mulf %mul3A_821, %gather3A_809 : vector<16xf32>
      %mul3A_823 = vector.broadcast %scan3A_44 : f32 to vector<16xf32>
      %mul3A_824 = arith.mulf %mul3A_823, %add3A_815 : vector<16xf32>
      %add3A_825 = arith.addf %mul3A_822, %mul3A_824 : vector<16xf32>
      %mul3A_826 = arith.mulf %add3A_820, %add3A_825 : vector<16xf32>
      %add3A_827 = arith.addf %add3A_805, %mul3A_826 : vector<16xf32>
      %broadcast_in_dim3A_828 = arith.constant 35 : i32
      %broadcast_in_dim3A_829 = vector.broadcast %broadcast_in_dim3A_828 : i32 to vector<16xi32>
      %gather3A_830 = tpu.vector_load_idx %arg14[%add3A_57, %broadcast_in_dim3A_829] : memref<128x64xf32, #tpu.memory_space<vmem>>[vector<16xi32>, vector<16xi32>], vector<16xf32>,
      %gather3A_831 = tpu.vector_load_idx %arg15[%add3A_57, %broadcast_in_dim3A_829] : memref<128x64xf32, #tpu.memory_space<vmem>>[vector<16xi32>, vector<16xi32>], vector<16xf32>,
      %gather3A_832 = tpu.vector_load_idx %arg16[%add3A_57, %broadcast_in_dim3A_829] : memref<128x64xf32, #tpu.memory_space<vmem>>[vector<16xi32>, vector<16xi32>], vector<16xf32>,
      %gather3A_833 = tpu.vector_load_idx %arg17[%add3A_57, %broadcast_in_dim3A_829] : memref<128x64xf32, #tpu.memory_space<vmem>>[vector<16xi32>, vector<16xi32>], vector<16xf32>,
      %add3A_834 = arith.addf %gather3A_832, %gather3A_833 : vector<16xf32>
      %gather3A_835 = tpu.vector_load_idx %arg18[%add3A_57, %broadcast_in_dim3A_829] : memref<128x64xf32, #tpu.memory_space<vmem>>[vector<16xi32>, vector<16xi32>], vector<16xf32>,
      %gather3A_836 = tpu.vector_load_idx %arg19[%add3A_57, %broadcast_in_dim3A_829] : memref<128x64xf32, #tpu.memory_space<vmem>>[vector<16xi32>, vector<16xi32>], vector<16xf32>,
      %add3A_837 = arith.addf %gather3A_835, %gather3A_836 : vector<16xf32>
      %mul3A_838 = vector.broadcast %scan3A_43 : f32 to vector<16xf32>
      %mul3A_839 = arith.mulf %mul3A_838, %gather3A_830 : vector<16xf32>
      %mul3A_840 = vector.broadcast %scan3A_44 : f32 to vector<16xf32>
      %mul3A_841 = arith.mulf %mul3A_840, %add3A_834 : vector<16xf32>
      %add3A_842 = arith.addf %mul3A_839, %mul3A_841 : vector<16xf32>
      %mul3A_843 = vector.broadcast %scan3A_43 : f32 to vector<16xf32>
      %mul3A_844 = arith.mulf %mul3A_843, %gather3A_831 : vector<16xf32>
      %mul3A_845 = vector.broadcast %scan3A_44 : f32 to vector<16xf32>
      %mul3A_846 = arith.mulf %mul3A_845, %add3A_837 : vector<16xf32>
      %add3A_847 = arith.addf %mul3A_844, %mul3A_846 : vector<16xf32>
      %mul3A_848 = arith.mulf %add3A_842, %add3A_847 : vector<16xf32>
      %add3A_849 = arith.addf %add3A_827, %mul3A_848 : vector<16xf32>
      %broadcast_in_dim3A_850 = arith.constant 36 : i32
      %broadcast_in_dim3A_851 = vector.broadcast %broadcast_in_dim3A_850 : i32 to vector<16xi32>
      %gather3A_852 = tpu.vector_load_idx %arg14[%add3A_57, %broadcast_in_dim3A_851] : memref<128x64xf32, #tpu.memory_space<vmem>>[vector<16xi32>, vector<16xi32>], vector<16xf32>,
      %gather3A_853 = tpu.vector_load_idx %arg15[%add3A_57, %broadcast_in_dim3A_851] : memref<128x64xf32, #tpu.memory_space<vmem>>[vector<16xi32>, vector<16xi32>], vector<16xf32>,
      %gather3A_854 = tpu.vector_load_idx %arg16[%add3A_57, %broadcast_in_dim3A_851] : memref<128x64xf32, #tpu.memory_space<vmem>>[vector<16xi32>, vector<16xi32>], vector<16xf32>,
      %gather3A_855 = tpu.vector_load_idx %arg17[%add3A_57, %broadcast_in_dim3A_851] : memref<128x64xf32, #tpu.memory_space<vmem>>[vector<16xi32>, vector<16xi32>], vector<16xf32>,
      %add3A_856 = arith.addf %gather3A_854, %gather3A_855 : vector<16xf32>
      %gather3A_857 = tpu.vector_load_idx %arg18[%add3A_57, %broadcast_in_dim3A_851] : memref<128x64xf32, #tpu.memory_space<vmem>>[vector<16xi32>, vector<16xi32>], vector<16xf32>,
      %gather3A_858 = tpu.vector_load_idx %arg19[%add3A_57, %broadcast_in_dim3A_851] : memref<128x64xf32, #tpu.memory_space<vmem>>[vector<16xi32>, vector<16xi32>], vector<16xf32>,
      %add3A_859 = arith.addf %gather3A_857, %gather3A_858 : vector<16xf32>
      %mul3A_860 = vector.broadcast %scan3A_43 : f32 to vector<16xf32>
      %mul3A_861 = arith.mulf %mul3A_860, %gather3A_852 : vector<16xf32>
      %mul3A_862 = vector.broadcast %scan3A_44 : f32 to vector<16xf32>
      %mul3A_863 = arith.mulf %mul3A_862, %add3A_856 : vector<16xf32>
      %add3A_864 = arith.addf %mul3A_861, %mul3A_863 : vector<16xf32>
      %mul3A_865 = vector.broadcast %scan3A_43 : f32 to vector<16xf32>
      %mul3A_866 = arith.mulf %mul3A_865, %gather3A_853 : vector<16xf32>
      %mul3A_867 = vector.broadcast %scan3A_44 : f32 to vector<16xf32>
      %mul3A_868 = arith.mulf %mul3A_867, %add3A_859 : vector<16xf32>
      %add3A_869 = arith.addf %mul3A_866, %mul3A_868 : vector<16xf32>
      %mul3A_870 = arith.mulf %add3A_864, %add3A_869 : vector<16xf32>
      %add3A_871 = arith.addf %add3A_849, %mul3A_870 : vector<16xf32>
      %broadcast_in_dim3A_872 = arith.constant 37 : i32
      %broadcast_in_dim3A_873 = vector.broadcast %broadcast_in_dim3A_872 : i32 to vector<16xi32>
      %gather3A_874 = tpu.vector_load_idx %arg14[%add3A_57, %broadcast_in_dim3A_873] : memref<128x64xf32, #tpu.memory_space<vmem>>[vector<16xi32>, vector<16xi32>], vector<16xf32>,
      %gather3A_875 = tpu.vector_load_idx %arg15[%add3A_57, %broadcast_in_dim3A_873] : memref<128x64xf32, #tpu.memory_space<vmem>>[vector<16xi32>, vector<16xi32>], vector<16xf32>,
      %gather3A_876 = tpu.vector_load_idx %arg16[%add3A_57, %broadcast_in_dim3A_873] : memref<128x64xf32, #tpu.memory_space<vmem>>[vector<16xi32>, vector<16xi32>], vector<16xf32>,
      %gather3A_877 = tpu.vector_load_idx %arg17[%add3A_57, %broadcast_in_dim3A_873] : memref<128x64xf32, #tpu.memory_space<vmem>>[vector<16xi32>, vector<16xi32>], vector<16xf32>,
      %add3A_878 = arith.addf %gather3A_876, %gather3A_877 : vector<16xf32>
      %gather3A_879 = tpu.vector_load_idx %arg18[%add3A_57, %broadcast_in_dim3A_873] : memref<128x64xf32, #tpu.memory_space<vmem>>[vector<16xi32>, vector<16xi32>], vector<16xf32>,
      %gather3A_880 = tpu.vector_load_idx %arg19[%add3A_57, %broadcast_in_dim3A_873] : memref<128x64xf32, #tpu.memory_space<vmem>>[vector<16xi32>, vector<16xi32>], vector<16xf32>,
      %add3A_881 = arith.addf %gather3A_879, %gather3A_880 : vector<16xf32>
      %mul3A_882 = vector.broadcast %scan3A_43 : f32 to vector<16xf32>
      %mul3A_883 = arith.mulf %mul3A_882, %gather3A_874 : vector<16xf32>
      %mul3A_884 = vector.broadcast %scan3A_44 : f32 to vector<16xf32>
      %mul3A_885 = arith.mulf %mul3A_884, %add3A_878 : vector<16xf32>
      %add3A_886 = arith.addf %mul3A_883, %mul3A_885 : vector<16xf32>
      %mul3A_887 = vector.broadcast %scan3A_43 : f32 to vector<16xf32>
      %mul3A_888 = arith.mulf %mul3A_887, %gather3A_875 : vector<16xf32>
      %mul3A_889 = vector.broadcast %scan3A_44 : f32 to vector<16xf32>
      %mul3A_890 = arith.mulf %mul3A_889, %add3A_881 : vector<16xf32>
      %add3A_891 = arith.addf %mul3A_888, %mul3A_890 : vector<16xf32>
      %mul3A_892 = arith.mulf %add3A_886, %add3A_891 : vector<16xf32>
      %add3A_893 = arith.addf %add3A_871, %mul3A_892 : vector<16xf32>
      %broadcast_in_dim3A_894 = arith.constant 38 : i32
      %broadcast_in_dim3A_895 = vector.broadcast %broadcast_in_dim3A_894 : i32 to vector<16xi32>
      %gather3A_896 = tpu.vector_load_idx %arg14[%add3A_57, %broadcast_in_dim3A_895] : memref<128x64xf32, #tpu.memory_space<vmem>>[vector<16xi32>, vector<16xi32>], vector<16xf32>,
      %gather3A_897 = tpu.vector_load_idx %arg15[%add3A_57, %broadcast_in_dim3A_895] : memref<128x64xf32, #tpu.memory_space<vmem>>[vector<16xi32>, vector<16xi32>], vector<16xf32>,
      %gather3A_898 = tpu.vector_load_idx %arg16[%add3A_57, %broadcast_in_dim3A_895] : memref<128x64xf32, #tpu.memory_space<vmem>>[vector<16xi32>, vector<16xi32>], vector<16xf32>,
      %gather3A_899 = tpu.vector_load_idx %arg17[%add3A_57, %broadcast_in_dim3A_895] : memref<128x64xf32, #tpu.memory_space<vmem>>[vector<16xi32>, vector<16xi32>], vector<16xf32>,
      %add3A_900 = arith.addf %gather3A_898, %gather3A_899 : vector<16xf32>
      %gather3A_901 = tpu.vector_load_idx %arg18[%add3A_57, %broadcast_in_dim3A_895] : memref<128x64xf32, #tpu.memory_space<vmem>>[vector<16xi32>, vector<16xi32>], vector<16xf32>,
      %gather3A_902 = tpu.vector_load_idx %arg19[%add3A_57, %broadcast_in_dim3A_895] : memref<128x64xf32, #tpu.memory_space<vmem>>[vector<16xi32>, vector<16xi32>], vector<16xf32>,
      %add3A_903 = arith.addf %gather3A_901, %gather3A_902 : vector<16xf32>
      %mul3A_904 = vector.broadcast %scan3A_43 : f32 to vector<16xf32>
      %mul3A_905 = arith.mulf %mul3A_904, %gather3A_896 : vector<16xf32>
      %mul3A_906 = vector.broadcast %scan3A_44 : f32 to vector<16xf32>
      %mul3A_907 = arith.mulf %mul3A_906, %add3A_900 : vector<16xf32>
      %add3A_908 = arith.addf %mul3A_905, %mul3A_907 : vector<16xf32>
      %mul3A_909 = vector.broadcast %scan3A_43 : f32 to vector<16xf32>
      %mul3A_910 = arith.mulf %mul3A_909, %gather3A_897 : vector<16xf32>
      %mul3A_911 = vector.broadcast %scan3A_44 : f32 to vector<16xf32>
      %mul3A_912 = arith.mulf %mul3A_911, %add3A_903 : vector<16xf32>
      %add3A_913 = arith.addf %mul3A_910, %mul3A_912 : vector<16xf32>
      %mul3A_914 = arith.mulf %add3A_908, %add3A_913 : vector<16xf32>
      %add3A_915 = arith.addf %add3A_893, %mul3A_914 : vector<16xf32>
      %broadcast_in_dim3A_916 = arith.constant 39 : i32
      %broadcast_in_dim3A_917 = vector.broadcast %broadcast_in_dim3A_916 : i32 to vector<16xi32>
      %gather3A_918 = tpu.vector_load_idx %arg14[%add3A_57, %broadcast_in_dim3A_917] : memref<128x64xf32, #tpu.memory_space<vmem>>[vector<16xi32>, vector<16xi32>], vector<16xf32>,
      %gather3A_919 = tpu.vector_load_idx %arg15[%add3A_57, %broadcast_in_dim3A_917] : memref<128x64xf32, #tpu.memory_space<vmem>>[vector<16xi32>, vector<16xi32>], vector<16xf32>,
      %gather3A_920 = tpu.vector_load_idx %arg16[%add3A_57, %broadcast_in_dim3A_917] : memref<128x64xf32, #tpu.memory_space<vmem>>[vector<16xi32>, vector<16xi32>], vector<16xf32>,
      %gather3A_921 = tpu.vector_load_idx %arg17[%add3A_57, %broadcast_in_dim3A_917] : memref<128x64xf32, #tpu.memory_space<vmem>>[vector<16xi32>, vector<16xi32>], vector<16xf32>,
      %add3A_922 = arith.addf %gather3A_920, %gather3A_921 : vector<16xf32>
      %gather3A_923 = tpu.vector_load_idx %arg18[%add3A_57, %broadcast_in_dim3A_917] : memref<128x64xf32, #tpu.memory_space<vmem>>[vector<16xi32>, vector<16xi32>], vector<16xf32>,
      %gather3A_924 = tpu.vector_load_idx %arg19[%add3A_57, %broadcast_in_dim3A_917] : memref<128x64xf32, #tpu.memory_space<vmem>>[vector<16xi32>, vector<16xi32>], vector<16xf32>,
      %add3A_925 = arith.addf %gather3A_923, %gather3A_924 : vector<16xf32>
      %mul3A_926 = vector.broadcast %scan3A_43 : f32 to vector<16xf32>
      %mul3A_927 = arith.mulf %mul3A_926, %gather3A_918 : vector<16xf32>
      %mul3A_928 = vector.broadcast %scan3A_44 : f32 to vector<16xf32>
      %mul3A_929 = arith.mulf %mul3A_928, %add3A_922 : vector<16xf32>
      %add3A_930 = arith.addf %mul3A_927, %mul3A_929 : vector<16xf32>
      %mul3A_931 = vector.broadcast %scan3A_43 : f32 to vector<16xf32>
      %mul3A_932 = arith.mulf %mul3A_931, %gather3A_919 : vector<16xf32>
      %mul3A_933 = vector.broadcast %scan3A_44 : f32 to vector<16xf32>
      %mul3A_934 = arith.mulf %mul3A_933, %add3A_925 : vector<16xf32>
      %add3A_935 = arith.addf %mul3A_932, %mul3A_934 : vector<16xf32>
      %mul3A_936 = arith.mulf %add3A_930, %add3A_935 : vector<16xf32>
      %add3A_937 = arith.addf %add3A_915, %mul3A_936 : vector<16xf32>
      %broadcast_in_dim3A_938 = arith.constant 40 : i32
      %broadcast_in_dim3A_939 = vector.broadcast %broadcast_in_dim3A_938 : i32 to vector<16xi32>
      %gather3A_940 = tpu.vector_load_idx %arg14[%add3A_57, %broadcast_in_dim3A_939] : memref<128x64xf32, #tpu.memory_space<vmem>>[vector<16xi32>, vector<16xi32>], vector<16xf32>,
      %gather3A_941 = tpu.vector_load_idx %arg15[%add3A_57, %broadcast_in_dim3A_939] : memref<128x64xf32, #tpu.memory_space<vmem>>[vector<16xi32>, vector<16xi32>], vector<16xf32>,
      %gather3A_942 = tpu.vector_load_idx %arg16[%add3A_57, %broadcast_in_dim3A_939] : memref<128x64xf32, #tpu.memory_space<vmem>>[vector<16xi32>, vector<16xi32>], vector<16xf32>,
      %gather3A_943 = tpu.vector_load_idx %arg17[%add3A_57, %broadcast_in_dim3A_939] : memref<128x64xf32, #tpu.memory_space<vmem>>[vector<16xi32>, vector<16xi32>], vector<16xf32>,
      %add3A_944 = arith.addf %gather3A_942, %gather3A_943 : vector<16xf32>
      %gather3A_945 = tpu.vector_load_idx %arg18[%add3A_57, %broadcast_in_dim3A_939] : memref<128x64xf32, #tpu.memory_space<vmem>>[vector<16xi32>, vector<16xi32>], vector<16xf32>,
      %gather3A_946 = tpu.vector_load_idx %arg19[%add3A_57, %broadcast_in_dim3A_939] : memref<128x64xf32, #tpu.memory_space<vmem>>[vector<16xi32>, vector<16xi32>], vector<16xf32>,
      %add3A_947 = arith.addf %gather3A_945, %gather3A_946 : vector<16xf32>
      %mul3A_948 = vector.broadcast %scan3A_43 : f32 to vector<16xf32>
      %mul3A_949 = arith.mulf %mul3A_948, %gather3A_940 : vector<16xf32>
      %mul3A_950 = vector.broadcast %scan3A_44 : f32 to vector<16xf32>
      %mul3A_951 = arith.mulf %mul3A_950, %add3A_944 : vector<16xf32>
      %add3A_952 = arith.addf %mul3A_949, %mul3A_951 : vector<16xf32>
      %mul3A_953 = vector.broadcast %scan3A_43 : f32 to vector<16xf32>
      %mul3A_954 = arith.mulf %mul3A_953, %gather3A_941 : vector<16xf32>
      %mul3A_955 = vector.broadcast %scan3A_44 : f32 to vector<16xf32>
      %mul3A_956 = arith.mulf %mul3A_955, %add3A_947 : vector<16xf32>
      %add3A_957 = arith.addf %mul3A_954, %mul3A_956 : vector<16xf32>
      %mul3A_958 = arith.mulf %add3A_952, %add3A_957 : vector<16xf32>
      %add3A_959 = arith.addf %add3A_937, %mul3A_958 : vector<16xf32>
      %broadcast_in_dim3A_960 = arith.constant 41 : i32
      %broadcast_in_dim3A_961 = vector.broadcast %broadcast_in_dim3A_960 : i32 to vector<16xi32>
      %gather3A_962 = tpu.vector_load_idx %arg14[%add3A_57, %broadcast_in_dim3A_961] : memref<128x64xf32, #tpu.memory_space<vmem>>[vector<16xi32>, vector<16xi32>], vector<16xf32>,
      %gather3A_963 = tpu.vector_load_idx %arg15[%add3A_57, %broadcast_in_dim3A_961] : memref<128x64xf32, #tpu.memory_space<vmem>>[vector<16xi32>, vector<16xi32>], vector<16xf32>,
      %gather3A_964 = tpu.vector_load_idx %arg16[%add3A_57, %broadcast_in_dim3A_961] : memref<128x64xf32, #tpu.memory_space<vmem>>[vector<16xi32>, vector<16xi32>], vector<16xf32>,
      %gather3A_965 = tpu.vector_load_idx %arg17[%add3A_57, %broadcast_in_dim3A_961] : memref<128x64xf32, #tpu.memory_space<vmem>>[vector<16xi32>, vector<16xi32>], vector<16xf32>,
      %add3A_966 = arith.addf %gather3A_964, %gather3A_965 : vector<16xf32>
      %gather3A_967 = tpu.vector_load_idx %arg18[%add3A_57, %broadcast_in_dim3A_961] : memref<128x64xf32, #tpu.memory_space<vmem>>[vector<16xi32>, vector<16xi32>], vector<16xf32>,
      %gather3A_968 = tpu.vector_load_idx %arg19[%add3A_57, %broadcast_in_dim3A_961] : memref<128x64xf32, #tpu.memory_space<vmem>>[vector<16xi32>, vector<16xi32>], vector<16xf32>,
      %add3A_969 = arith.addf %gather3A_967, %gather3A_968 : vector<16xf32>
      %mul3A_970 = vector.broadcast %scan3A_43 : f32 to vector<16xf32>
      %mul3A_971 = arith.mulf %mul3A_970, %gather3A_962 : vector<16xf32>
      %mul3A_972 = vector.broadcast %scan3A_44 : f32 to vector<16xf32>
      %mul3A_973 = arith.mulf %mul3A_972, %add3A_966 : vector<16xf32>
      %add3A_974 = arith.addf %mul3A_971, %mul3A_973 : vector<16xf32>
      %mul3A_975 = vector.broadcast %scan3A_43 : f32 to vector<16xf32>
      %mul3A_976 = arith.mulf %mul3A_975, %gather3A_963 : vector<16xf32>
      %mul3A_977 = vector.broadcast %scan3A_44 : f32 to vector<16xf32>
      %mul3A_978 = arith.mulf %mul3A_977, %add3A_969 : vector<16xf32>
      %add3A_979 = arith.addf %mul3A_976, %mul3A_978 : vector<16xf32>
      %mul3A_980 = arith.mulf %add3A_974, %add3A_979 : vector<16xf32>
      %add3A_981 = arith.addf %add3A_959, %mul3A_980 : vector<16xf32>
      %broadcast_in_dim3A_982 = arith.constant 42 : i32
      %broadcast_in_dim3A_983 = vector.broadcast %broadcast_in_dim3A_982 : i32 to vector<16xi32>
      %gather3A_984 = tpu.vector_load_idx %arg14[%add3A_57, %broadcast_in_dim3A_983] : memref<128x64xf32, #tpu.memory_space<vmem>>[vector<16xi32>, vector<16xi32>], vector<16xf32>,
      %gather3A_985 = tpu.vector_load_idx %arg15[%add3A_57, %broadcast_in_dim3A_983] : memref<128x64xf32, #tpu.memory_space<vmem>>[vector<16xi32>, vector<16xi32>], vector<16xf32>,
      %gather3A_986 = tpu.vector_load_idx %arg16[%add3A_57, %broadcast_in_dim3A_983] : memref<128x64xf32, #tpu.memory_space<vmem>>[vector<16xi32>, vector<16xi32>], vector<16xf32>,
      %gather3A_987 = tpu.vector_load_idx %arg17[%add3A_57, %broadcast_in_dim3A_983] : memref<128x64xf32, #tpu.memory_space<vmem>>[vector<16xi32>, vector<16xi32>], vector<16xf32>,
      %add3A_988 = arith.addf %gather3A_986, %gather3A_987 : vector<16xf32>
      %gather3A_989 = tpu.vector_load_idx %arg18[%add3A_57, %broadcast_in_dim3A_983] : memref<128x64xf32, #tpu.memory_space<vmem>>[vector<16xi32>, vector<16xi32>], vector<16xf32>,
      %gather3A_990 = tpu.vector_load_idx %arg19[%add3A_57, %broadcast_in_dim3A_983] : memref<128x64xf32, #tpu.memory_space<vmem>>[vector<16xi32>, vector<16xi32>], vector<16xf32>,
      %add3A_991 = arith.addf %gather3A_989, %gather3A_990 : vector<16xf32>
      %mul3A_992 = vector.broadcast %scan3A_43 : f32 to vector<16xf32>
      %mul3A_993 = arith.mulf %mul3A_992, %gather3A_984 : vector<16xf32>
      %mul3A_994 = vector.broadcast %scan3A_44 : f32 to vector<16xf32>
      %mul3A_995 = arith.mulf %mul3A_994, %add3A_988 : vector<16xf32>
      %add3A_996 = arith.addf %mul3A_993, %mul3A_995 : vector<16xf32>
      %mul3A_997 = vector.broadcast %scan3A_43 : f32 to vector<16xf32>
      %mul3A_998 = arith.mulf %mul3A_997, %gather3A_985 : vector<16xf32>
      %mul3A_999 = vector.broadcast %scan3A_44 : f32 to vector<16xf32>
      %mul3A_1000 = arith.mulf %mul3A_999, %add3A_991 : vector<16xf32>
      %add3A_1001 = arith.addf %mul3A_998, %mul3A_1000 : vector<16xf32>
      %mul3A_1002 = arith.mulf %add3A_996, %add3A_1001 : vector<16xf32>
      %add3A_1003 = arith.addf %add3A_981, %mul3A_1002 : vector<16xf32>
      %broadcast_in_dim3A_1004 = arith.constant 43 : i32
      %broadcast_in_dim3A_1005 = vector.broadcast %broadcast_in_dim3A_1004 : i32 to vector<16xi32>
      %gather3A_1006 = tpu.vector_load_idx %arg14[%add3A_57, %broadcast_in_dim3A_1005] : memref<128x64xf32, #tpu.memory_space<vmem>>[vector<16xi32>, vector<16xi32>], vector<16xf32>,
      %gather3A_1007 = tpu.vector_load_idx %arg15[%add3A_57, %broadcast_in_dim3A_1005] : memref<128x64xf32, #tpu.memory_space<vmem>>[vector<16xi32>, vector<16xi32>], vector<16xf32>,
      %gather3A_1008 = tpu.vector_load_idx %arg16[%add3A_57, %broadcast_in_dim3A_1005] : memref<128x64xf32, #tpu.memory_space<vmem>>[vector<16xi32>, vector<16xi32>], vector<16xf32>,
      %gather3A_1009 = tpu.vector_load_idx %arg17[%add3A_57, %broadcast_in_dim3A_1005] : memref<128x64xf32, #tpu.memory_space<vmem>>[vector<16xi32>, vector<16xi32>], vector<16xf32>,
      %add3A_1010 = arith.addf %gather3A_1008, %gather3A_1009 : vector<16xf32>
      %gather3A_1011 = tpu.vector_load_idx %arg18[%add3A_57, %broadcast_in_dim3A_1005] : memref<128x64xf32, #tpu.memory_space<vmem>>[vector<16xi32>, vector<16xi32>], vector<16xf32>,
      %gather3A_1012 = tpu.vector_load_idx %arg19[%add3A_57, %broadcast_in_dim3A_1005] : memref<128x64xf32, #tpu.memory_space<vmem>>[vector<16xi32>, vector<16xi32>], vector<16xf32>,
      %add3A_1013 = arith.addf %gather3A_1011, %gather3A_1012 : vector<16xf32>
      %mul3A_1014 = vector.broadcast %scan3A_43 : f32 to vector<16xf32>
      %mul3A_1015 = arith.mulf %mul3A_1014, %gather3A_1006 : vector<16xf32>
      %mul3A_1016 = vector.broadcast %scan3A_44 : f32 to vector<16xf32>
      %mul3A_1017 = arith.mulf %mul3A_1016, %add3A_1010 : vector<16xf32>
      %add3A_1018 = arith.addf %mul3A_1015, %mul3A_1017 : vector<16xf32>
      %mul3A_1019 = vector.broadcast %scan3A_43 : f32 to vector<16xf32>
      %mul3A_1020 = arith.mulf %mul3A_1019, %gather3A_1007 : vector<16xf32>
      %mul3A_1021 = vector.broadcast %scan3A_44 : f32 to vector<16xf32>
      %mul3A_1022 = arith.mulf %mul3A_1021, %add3A_1013 : vector<16xf32>
      %add3A_1023 = arith.addf %mul3A_1020, %mul3A_1022 : vector<16xf32>
      %mul3A_1024 = arith.mulf %add3A_1018, %add3A_1023 : vector<16xf32>
      %add3A_1025 = arith.addf %add3A_1003, %mul3A_1024 : vector<16xf32>
      %broadcast_in_dim3A_1026 = arith.constant 44 : i32
      %broadcast_in_dim3A_1027 = vector.broadcast %broadcast_in_dim3A_1026 : i32 to vector<16xi32>
      %gather3A_1028 = tpu.vector_load_idx %arg14[%add3A_57, %broadcast_in_dim3A_1027] : memref<128x64xf32, #tpu.memory_space<vmem>>[vector<16xi32>, vector<16xi32>], vector<16xf32>,
      %gather3A_1029 = tpu.vector_load_idx %arg15[%add3A_57, %broadcast_in_dim3A_1027] : memref<128x64xf32, #tpu.memory_space<vmem>>[vector<16xi32>, vector<16xi32>], vector<16xf32>,
      %gather3A_1030 = tpu.vector_load_idx %arg16[%add3A_57, %broadcast_in_dim3A_1027] : memref<128x64xf32, #tpu.memory_space<vmem>>[vector<16xi32>, vector<16xi32>], vector<16xf32>,
      %gather3A_1031 = tpu.vector_load_idx %arg17[%add3A_57, %broadcast_in_dim3A_1027] : memref<128x64xf32, #tpu.memory_space<vmem>>[vector<16xi32>, vector<16xi32>], vector<16xf32>,
      %add3A_1032 = arith.addf %gather3A_1030, %gather3A_1031 : vector<16xf32>
      %gather3A_1033 = tpu.vector_load_idx %arg18[%add3A_57, %broadcast_in_dim3A_1027] : memref<128x64xf32, #tpu.memory_space<vmem>>[vector<16xi32>, vector<16xi32>], vector<16xf32>,
      %gather3A_1034 = tpu.vector_load_idx %arg19[%add3A_57, %broadcast_in_dim3A_1027] : memref<128x64xf32, #tpu.memory_space<vmem>>[vector<16xi32>, vector<16xi32>], vector<16xf32>,
      %add3A_1035 = arith.addf %gather3A_1033, %gather3A_1034 : vector<16xf32>
      %mul3A_1036 = vector.broadcast %scan3A_43 : f32 to vector<16xf32>
      %mul3A_1037 = arith.mulf %mul3A_1036, %gather3A_1028 : vector<16xf32>
      %mul3A_1038 = vector.broadcast %scan3A_44 : f32 to vector<16xf32>
      %mul3A_1039 = arith.mulf %mul3A_1038, %add3A_1032 : vector<16xf32>
      %add3A_1040 = arith.addf %mul3A_1037, %mul3A_1039 : vector<16xf32>
      %mul3A_1041 = vector.broadcast %scan3A_43 : f32 to vector<16xf32>
      %mul3A_1042 = arith.mulf %mul3A_1041, %gather3A_1029 : vector<16xf32>
      %mul3A_1043 = vector.broadcast %scan3A_44 : f32 to vector<16xf32>
      %mul3A_1044 = arith.mulf %mul3A_1043, %add3A_1035 : vector<16xf32>
      %add3A_1045 = arith.addf %mul3A_1042, %mul3A_1044 : vector<16xf32>
      %mul3A_1046 = arith.mulf %add3A_1040, %add3A_1045 : vector<16xf32>
      %add3A_1047 = arith.addf %add3A_1025, %mul3A_1046 : vector<16xf32>
      %broadcast_in_dim3A_1048 = arith.constant 45 : i32
      %broadcast_in_dim3A_1049 = vector.broadcast %broadcast_in_dim3A_1048 : i32 to vector<16xi32>
      %gather3A_1050 = tpu.vector_load_idx %arg14[%add3A_57, %broadcast_in_dim3A_1049] : memref<128x64xf32, #tpu.memory_space<vmem>>[vector<16xi32>, vector<16xi32>], vector<16xf32>,
      %gather3A_1051 = tpu.vector_load_idx %arg15[%add3A_57, %broadcast_in_dim3A_1049] : memref<128x64xf32, #tpu.memory_space<vmem>>[vector<16xi32>, vector<16xi32>], vector<16xf32>,
      %gather3A_1052 = tpu.vector_load_idx %arg16[%add3A_57, %broadcast_in_dim3A_1049] : memref<128x64xf32, #tpu.memory_space<vmem>>[vector<16xi32>, vector<16xi32>], vector<16xf32>,
      %gather3A_1053 = tpu.vector_load_idx %arg17[%add3A_57, %broadcast_in_dim3A_1049] : memref<128x64xf32, #tpu.memory_space<vmem>>[vector<16xi32>, vector<16xi32>], vector<16xf32>,
      %add3A_1054 = arith.addf %gather3A_1052, %gather3A_1053 : vector<16xf32>
      %gather3A_1055 = tpu.vector_load_idx %arg18[%add3A_57, %broadcast_in_dim3A_1049] : memref<128x64xf32, #tpu.memory_space<vmem>>[vector<16xi32>, vector<16xi32>], vector<16xf32>,
      %gather3A_1056 = tpu.vector_load_idx %arg19[%add3A_57, %broadcast_in_dim3A_1049] : memref<128x64xf32, #tpu.memory_space<vmem>>[vector<16xi32>, vector<16xi32>], vector<16xf32>,
      %add3A_1057 = arith.addf %gather3A_1055, %gather3A_1056 : vector<16xf32>
      %mul3A_1058 = vector.broadcast %scan3A_43 : f32 to vector<16xf32>
      %mul3A_1059 = arith.mulf %mul3A_1058, %gather3A_1050 : vector<16xf32>
      %mul3A_1060 = vector.broadcast %scan3A_44 : f32 to vector<16xf32>
      %mul3A_1061 = arith.mulf %mul3A_1060, %add3A_1054 : vector<16xf32>
      %add3A_1062 = arith.addf %mul3A_1059, %mul3A_1061 : vector<16xf32>
      %mul3A_1063 = vector.broadcast %scan3A_43 : f32 to vector<16xf32>
      %mul3A_1064 = arith.mulf %mul3A_1063, %gather3A_1051 : vector<16xf32>
      %mul3A_1065 = vector.broadcast %scan3A_44 : f32 to vector<16xf32>
      %mul3A_1066 = arith.mulf %mul3A_1065, %add3A_1057 : vector<16xf32>
      %add3A_1067 = arith.addf %mul3A_1064, %mul3A_1066 : vector<16xf32>
      %mul3A_1068 = arith.mulf %add3A_1062, %add3A_1067 : vector<16xf32>
      %add3A_1069 = arith.addf %add3A_1047, %mul3A_1068 : vector<16xf32>
      %broadcast_in_dim3A_1070 = arith.constant 46 : i32
      %broadcast_in_dim3A_1071 = vector.broadcast %broadcast_in_dim3A_1070 : i32 to vector<16xi32>
      %gather3A_1072 = tpu.vector_load_idx %arg14[%add3A_57, %broadcast_in_dim3A_1071] : memref<128x64xf32, #tpu.memory_space<vmem>>[vector<16xi32>, vector<16xi32>], vector<16xf32>,
      %gather3A_1073 = tpu.vector_load_idx %arg15[%add3A_57, %broadcast_in_dim3A_1071] : memref<128x64xf32, #tpu.memory_space<vmem>>[vector<16xi32>, vector<16xi32>], vector<16xf32>,
      %gather3A_1074 = tpu.vector_load_idx %arg16[%add3A_57, %broadcast_in_dim3A_1071] : memref<128x64xf32, #tpu.memory_space<vmem>>[vector<16xi32>, vector<16xi32>], vector<16xf32>,
      %gather3A_1075 = tpu.vector_load_idx %arg17[%add3A_57, %broadcast_in_dim3A_1071] : memref<128x64xf32, #tpu.memory_space<vmem>>[vector<16xi32>, vector<16xi32>], vector<16xf32>,
      %add3A_1076 = arith.addf %gather3A_1074, %gather3A_1075 : vector<16xf32>
      %gather3A_1077 = tpu.vector_load_idx %arg18[%add3A_57, %broadcast_in_dim3A_1071] : memref<128x64xf32, #tpu.memory_space<vmem>>[vector<16xi32>, vector<16xi32>], vector<16xf32>,
      %gather3A_1078 = tpu.vector_load_idx %arg19[%add3A_57, %broadcast_in_dim3A_1071] : memref<128x64xf32, #tpu.memory_space<vmem>>[vector<16xi32>, vector<16xi32>], vector<16xf32>,
      %add3A_1079 = arith.addf %gather3A_1077, %gather3A_1078 : vector<16xf32>
      %mul3A_1080 = vector.broadcast %scan3A_43 : f32 to vector<16xf32>
      %mul3A_1081 = arith.mulf %mul3A_1080, %gather3A_1072 : vector<16xf32>
      %mul3A_1082 = vector.broadcast %scan3A_44 : f32 to vector<16xf32>
      %mul3A_1083 = arith.mulf %mul3A_1082, %add3A_1076 : vector<16xf32>
      %add3A_1084 = arith.addf %mul3A_1081, %mul3A_1083 : vector<16xf32>
      %mul3A_1085 = vector.broadcast %scan3A_43 : f32 to vector<16xf32>
      %mul3A_1086 = arith.mulf %mul3A_1085, %gather3A_1073 : vector<16xf32>
      %mul3A_1087 = vector.broadcast %scan3A_44 : f32 to vector<16xf32>
      %mul3A_1088 = arith.mulf %mul3A_1087, %add3A_1079 : vector<16xf32>
      %add3A_1089 = arith.addf %mul3A_1086, %mul3A_1088 : vector<16xf32>
      %mul3A_1090 = arith.mulf %add3A_1084, %add3A_1089 : vector<16xf32>
      %add3A_1091 = arith.addf %add3A_1069, %mul3A_1090 : vector<16xf32>
      %broadcast_in_dim3A_1092 = arith.constant 47 : i32
      %broadcast_in_dim3A_1093 = vector.broadcast %broadcast_in_dim3A_1092 : i32 to vector<16xi32>
      %gather3A_1094 = tpu.vector_load_idx %arg14[%add3A_57, %broadcast_in_dim3A_1093] : memref<128x64xf32, #tpu.memory_space<vmem>>[vector<16xi32>, vector<16xi32>], vector<16xf32>,
      %gather3A_1095 = tpu.vector_load_idx %arg15[%add3A_57, %broadcast_in_dim3A_1093] : memref<128x64xf32, #tpu.memory_space<vmem>>[vector<16xi32>, vector<16xi32>], vector<16xf32>,
      %gather3A_1096 = tpu.vector_load_idx %arg16[%add3A_57, %broadcast_in_dim3A_1093] : memref<128x64xf32, #tpu.memory_space<vmem>>[vector<16xi32>, vector<16xi32>], vector<16xf32>,
      %gather3A_1097 = tpu.vector_load_idx %arg17[%add3A_57, %broadcast_in_dim3A_1093] : memref<128x64xf32, #tpu.memory_space<vmem>>[vector<16xi32>, vector<16xi32>], vector<16xf32>,
      %add3A_1098 = arith.addf %gather3A_1096, %gather3A_1097 : vector<16xf32>
      %gather3A_1099 = tpu.vector_load_idx %arg18[%add3A_57, %broadcast_in_dim3A_1093] : memref<128x64xf32, #tpu.memory_space<vmem>>[vector<16xi32>, vector<16xi32>], vector<16xf32>,
      %gather3A_1100 = tpu.vector_load_idx %arg19[%add3A_57, %broadcast_in_dim3A_1093] : memref<128x64xf32, #tpu.memory_space<vmem>>[vector<16xi32>, vector<16xi32>], vector<16xf32>,
      %add3A_1101 = arith.addf %gather3A_1099, %gather3A_1100 : vector<16xf32>
      %mul3A_1102 = vector.broadcast %scan3A_43 : f32 to vector<16xf32>
      %mul3A_1103 = arith.mulf %mul3A_1102, %gather3A_1094 : vector<16xf32>
      %mul3A_1104 = vector.broadcast %scan3A_44 : f32 to vector<16xf32>
      %mul3A_1105 = arith.mulf %mul3A_1104, %add3A_1098 : vector<16xf32>
      %add3A_1106 = arith.addf %mul3A_1103, %mul3A_1105 : vector<16xf32>
      %mul3A_1107 = vector.broadcast %scan3A_43 : f32 to vector<16xf32>
      %mul3A_1108 = arith.mulf %mul3A_1107, %gather3A_1095 : vector<16xf32>
      %mul3A_1109 = vector.broadcast %scan3A_44 : f32 to vector<16xf32>
      %mul3A_1110 = arith.mulf %mul3A_1109, %add3A_1101 : vector<16xf32>
      %add3A_1111 = arith.addf %mul3A_1108, %mul3A_1110 : vector<16xf32>
      %mul3A_1112 = arith.mulf %add3A_1106, %add3A_1111 : vector<16xf32>
      %add3A_1113 = arith.addf %add3A_1091, %mul3A_1112 : vector<16xf32>
      %broadcast_in_dim3A_1114 = arith.constant 48 : i32
      %broadcast_in_dim3A_1115 = vector.broadcast %broadcast_in_dim3A_1114 : i32 to vector<16xi32>
      %gather3A_1116 = tpu.vector_load_idx %arg14[%add3A_57, %broadcast_in_dim3A_1115] : memref<128x64xf32, #tpu.memory_space<vmem>>[vector<16xi32>, vector<16xi32>], vector<16xf32>,
      %gather3A_1117 = tpu.vector_load_idx %arg15[%add3A_57, %broadcast_in_dim3A_1115] : memref<128x64xf32, #tpu.memory_space<vmem>>[vector<16xi32>, vector<16xi32>], vector<16xf32>,
      %gather3A_1118 = tpu.vector_load_idx %arg16[%add3A_57, %broadcast_in_dim3A_1115] : memref<128x64xf32, #tpu.memory_space<vmem>>[vector<16xi32>, vector<16xi32>], vector<16xf32>,
      %gather3A_1119 = tpu.vector_load_idx %arg17[%add3A_57, %broadcast_in_dim3A_1115] : memref<128x64xf32, #tpu.memory_space<vmem>>[vector<16xi32>, vector<16xi32>], vector<16xf32>,
      %add3A_1120 = arith.addf %gather3A_1118, %gather3A_1119 : vector<16xf32>
      %gather3A_1121 = tpu.vector_load_idx %arg18[%add3A_57, %broadcast_in_dim3A_1115] : memref<128x64xf32, #tpu.memory_space<vmem>>[vector<16xi32>, vector<16xi32>], vector<16xf32>,
      %gather3A_1122 = tpu.vector_load_idx %arg19[%add3A_57, %broadcast_in_dim3A_1115] : memref<128x64xf32, #tpu.memory_space<vmem>>[vector<16xi32>, vector<16xi32>], vector<16xf32>,
      %add3A_1123 = arith.addf %gather3A_1121, %gather3A_1122 : vector<16xf32>
      %mul3A_1124 = vector.broadcast %scan3A_43 : f32 to vector<16xf32>
      %mul3A_1125 = arith.mulf %mul3A_1124, %gather3A_1116 : vector<16xf32>
      %mul3A_1126 = vector.broadcast %scan3A_44 : f32 to vector<16xf32>
      %mul3A_1127 = arith.mulf %mul3A_1126, %add3A_1120 : vector<16xf32>
      %add3A_1128 = arith.addf %mul3A_1125, %mul3A_1127 : vector<16xf32>
      %mul3A_1129 = vector.broadcast %scan3A_43 : f32 to vector<16xf32>
      %mul3A_1130 = arith.mulf %mul3A_1129, %gather3A_1117 : vector<16xf32>
      %mul3A_1131 = vector.broadcast %scan3A_44 : f32 to vector<16xf32>
      %mul3A_1132 = arith.mulf %mul3A_1131, %add3A_1123 : vector<16xf32>
      %add3A_1133 = arith.addf %mul3A_1130, %mul3A_1132 : vector<16xf32>
      %mul3A_1134 = arith.mulf %add3A_1128, %add3A_1133 : vector<16xf32>
      %add3A_1135 = arith.addf %add3A_1113, %mul3A_1134 : vector<16xf32>
      %broadcast_in_dim3A_1136 = arith.constant 49 : i32
      %broadcast_in_dim3A_1137 = vector.broadcast %broadcast_in_dim3A_1136 : i32 to vector<16xi32>
      %gather3A_1138 = tpu.vector_load_idx %arg14[%add3A_57, %broadcast_in_dim3A_1137] : memref<128x64xf32, #tpu.memory_space<vmem>>[vector<16xi32>, vector<16xi32>], vector<16xf32>,
      %gather3A_1139 = tpu.vector_load_idx %arg15[%add3A_57, %broadcast_in_dim3A_1137] : memref<128x64xf32, #tpu.memory_space<vmem>>[vector<16xi32>, vector<16xi32>], vector<16xf32>,
      %gather3A_1140 = tpu.vector_load_idx %arg16[%add3A_57, %broadcast_in_dim3A_1137] : memref<128x64xf32, #tpu.memory_space<vmem>>[vector<16xi32>, vector<16xi32>], vector<16xf32>,
      %gather3A_1141 = tpu.vector_load_idx %arg17[%add3A_57, %broadcast_in_dim3A_1137] : memref<128x64xf32, #tpu.memory_space<vmem>>[vector<16xi32>, vector<16xi32>], vector<16xf32>,
      %add3A_1142 = arith.addf %gather3A_1140, %gather3A_1141 : vector<16xf32>
      %gather3A_1143 = tpu.vector_load_idx %arg18[%add3A_57, %broadcast_in_dim3A_1137] : memref<128x64xf32, #tpu.memory_space<vmem>>[vector<16xi32>, vector<16xi32>], vector<16xf32>,
      %gather3A_1144 = tpu.vector_load_idx %arg19[%add3A_57, %broadcast_in_dim3A_1137] : memref<128x64xf32, #tpu.memory_space<vmem>>[vector<16xi32>, vector<16xi32>], vector<16xf32>,
      %add3A_1145 = arith.addf %gather3A_1143, %gather3A_1144 : vector<16xf32>
      %mul3A_1146 = vector.broadcast %scan3A_43 : f32 to vector<16xf32>
      %mul3A_1147 = arith.mulf %mul3A_1146, %gather3A_1138 : vector<16xf32>
      %mul3A_1148 = vector.broadcast %scan3A_44 : f32 to vector<16xf32>
      %mul3A_1149 = arith.mulf %mul3A_1148, %add3A_1142 : vector<16xf32>
      %add3A_1150 = arith.addf %mul3A_1147, %mul3A_1149 : vector<16xf32>
      %mul3A_1151 = vector.broadcast %scan3A_43 : f32 to vector<16xf32>
      %mul3A_1152 = arith.mulf %mul3A_1151, %gather3A_1139 : vector<16xf32>
      %mul3A_1153 = vector.broadcast %scan3A_44 : f32 to vector<16xf32>
      %mul3A_1154 = arith.mulf %mul3A_1153, %add3A_1145 : vector<16xf32>
      %add3A_1155 = arith.addf %mul3A_1152, %mul3A_1154 : vector<16xf32>
      %mul3A_1156 = arith.mulf %add3A_1150, %add3A_1155 : vector<16xf32>
      %add3A_1157 = arith.addf %add3A_1135, %mul3A_1156 : vector<16xf32>
      %broadcast_in_dim3A_1158 = arith.constant 50 : i32
      %broadcast_in_dim3A_1159 = vector.broadcast %broadcast_in_dim3A_1158 : i32 to vector<16xi32>
      %gather3A_1160 = tpu.vector_load_idx %arg14[%add3A_57, %broadcast_in_dim3A_1159] : memref<128x64xf32, #tpu.memory_space<vmem>>[vector<16xi32>, vector<16xi32>], vector<16xf32>,
      %gather3A_1161 = tpu.vector_load_idx %arg15[%add3A_57, %broadcast_in_dim3A_1159] : memref<128x64xf32, #tpu.memory_space<vmem>>[vector<16xi32>, vector<16xi32>], vector<16xf32>,
      %gather3A_1162 = tpu.vector_load_idx %arg16[%add3A_57, %broadcast_in_dim3A_1159] : memref<128x64xf32, #tpu.memory_space<vmem>>[vector<16xi32>, vector<16xi32>], vector<16xf32>,
      %gather3A_1163 = tpu.vector_load_idx %arg17[%add3A_57, %broadcast_in_dim3A_1159] : memref<128x64xf32, #tpu.memory_space<vmem>>[vector<16xi32>, vector<16xi32>], vector<16xf32>,
      %add3A_1164 = arith.addf %gather3A_1162, %gather3A_1163 : vector<16xf32>
      %gather3A_1165 = tpu.vector_load_idx %arg18[%add3A_57, %broadcast_in_dim3A_1159] : memref<128x64xf32, #tpu.memory_space<vmem>>[vector<16xi32>, vector<16xi32>], vector<16xf32>,
      %gather3A_1166 = tpu.vector_load_idx %arg19[%add3A_57, %broadcast_in_dim3A_1159] : memref<128x64xf32, #tpu.memory_space<vmem>>[vector<16xi32>, vector<16xi32>], vector<16xf32>,
      %add3A_1167 = arith.addf %gather3A_1165, %gather3A_1166 : vector<16xf32>
      %mul3A_1168 = vector.broadcast %scan3A_43 : f32 to vector<16xf32>
      %mul3A_1169 = arith.mulf %mul3A_1168, %gather3A_1160 : vector<16xf32>
      %mul3A_1170 = vector.broadcast %scan3A_44 : f32 to vector<16xf32>
      %mul3A_1171 = arith.mulf %mul3A_1170, %add3A_1164 : vector<16xf32>
      %add3A_1172 = arith.addf %mul3A_1169, %mul3A_1171 : vector<16xf32>
      %mul3A_1173 = vector.broadcast %scan3A_43 : f32 to vector<16xf32>
      %mul3A_1174 = arith.mulf %mul3A_1173, %gather3A_1161 : vector<16xf32>
      %mul3A_1175 = vector.broadcast %scan3A_44 : f32 to vector<16xf32>
      %mul3A_1176 = arith.mulf %mul3A_1175, %add3A_1167 : vector<16xf32>
      %add3A_1177 = arith.addf %mul3A_1174, %mul3A_1176 : vector<16xf32>
      %mul3A_1178 = arith.mulf %add3A_1172, %add3A_1177 : vector<16xf32>
      %add3A_1179 = arith.addf %add3A_1157, %mul3A_1178 : vector<16xf32>
      %broadcast_in_dim3A_1180 = arith.constant 51 : i32
      %broadcast_in_dim3A_1181 = vector.broadcast %broadcast_in_dim3A_1180 : i32 to vector<16xi32>
      %gather3A_1182 = tpu.vector_load_idx %arg14[%add3A_57, %broadcast_in_dim3A_1181] : memref<128x64xf32, #tpu.memory_space<vmem>>[vector<16xi32>, vector<16xi32>], vector<16xf32>,
      %gather3A_1183 = tpu.vector_load_idx %arg15[%add3A_57, %broadcast_in_dim3A_1181] : memref<128x64xf32, #tpu.memory_space<vmem>>[vector<16xi32>, vector<16xi32>], vector<16xf32>,
      %gather3A_1184 = tpu.vector_load_idx %arg16[%add3A_57, %broadcast_in_dim3A_1181] : memref<128x64xf32, #tpu.memory_space<vmem>>[vector<16xi32>, vector<16xi32>], vector<16xf32>,
      %gather3A_1185 = tpu.vector_load_idx %arg17[%add3A_57, %broadcast_in_dim3A_1181] : memref<128x64xf32, #tpu.memory_space<vmem>>[vector<16xi32>, vector<16xi32>], vector<16xf32>,
      %add3A_1186 = arith.addf %gather3A_1184, %gather3A_1185 : vector<16xf32>
      %gather3A_1187 = tpu.vector_load_idx %arg18[%add3A_57, %broadcast_in_dim3A_1181] : memref<128x64xf32, #tpu.memory_space<vmem>>[vector<16xi32>, vector<16xi32>], vector<16xf32>,
      %gather3A_1188 = tpu.vector_load_idx %arg19[%add3A_57, %broadcast_in_dim3A_1181] : memref<128x64xf32, #tpu.memory_space<vmem>>[vector<16xi32>, vector<16xi32>], vector<16xf32>,
      %add3A_1189 = arith.addf %gather3A_1187, %gather3A_1188 : vector<16xf32>
      %mul3A_1190 = vector.broadcast %scan3A_43 : f32 to vector<16xf32>
      %mul3A_1191 = arith.mulf %mul3A_1190, %gather3A_1182 : vector<16xf32>
      %mul3A_1192 = vector.broadcast %scan3A_44 : f32 to vector<16xf32>
      %mul3A_1193 = arith.mulf %mul3A_1192, %add3A_1186 : vector<16xf32>
      %add3A_1194 = arith.addf %mul3A_1191, %mul3A_1193 : vector<16xf32>
      %mul3A_1195 = vector.broadcast %scan3A_43 : f32 to vector<16xf32>
      %mul3A_1196 = arith.mulf %mul3A_1195, %gather3A_1183 : vector<16xf32>
      %mul3A_1197 = vector.broadcast %scan3A_44 : f32 to vector<16xf32>
      %mul3A_1198 = arith.mulf %mul3A_1197, %add3A_1189 : vector<16xf32>
      %add3A_1199 = arith.addf %mul3A_1196, %mul3A_1198 : vector<16xf32>
      %mul3A_1200 = arith.mulf %add3A_1194, %add3A_1199 : vector<16xf32>
      %add3A_1201 = arith.addf %add3A_1179, %mul3A_1200 : vector<16xf32>
      %broadcast_in_dim3A_1202 = arith.constant 52 : i32
      %broadcast_in_dim3A_1203 = vector.broadcast %broadcast_in_dim3A_1202 : i32 to vector<16xi32>
      %gather3A_1204 = tpu.vector_load_idx %arg14[%add3A_57, %broadcast_in_dim3A_1203] : memref<128x64xf32, #tpu.memory_space<vmem>>[vector<16xi32>, vector<16xi32>], vector<16xf32>,
      %gather3A_1205 = tpu.vector_load_idx %arg15[%add3A_57, %broadcast_in_dim3A_1203] : memref<128x64xf32, #tpu.memory_space<vmem>>[vector<16xi32>, vector<16xi32>], vector<16xf32>,
      %gather3A_1206 = tpu.vector_load_idx %arg16[%add3A_57, %broadcast_in_dim3A_1203] : memref<128x64xf32, #tpu.memory_space<vmem>>[vector<16xi32>, vector<16xi32>], vector<16xf32>,
      %gather3A_1207 = tpu.vector_load_idx %arg17[%add3A_57, %broadcast_in_dim3A_1203] : memref<128x64xf32, #tpu.memory_space<vmem>>[vector<16xi32>, vector<16xi32>], vector<16xf32>,
      %add3A_1208 = arith.addf %gather3A_1206, %gather3A_1207 : vector<16xf32>
      %gather3A_1209 = tpu.vector_load_idx %arg18[%add3A_57, %broadcast_in_dim3A_1203] : memref<128x64xf32, #tpu.memory_space<vmem>>[vector<16xi32>, vector<16xi32>], vector<16xf32>,
      %gather3A_1210 = tpu.vector_load_idx %arg19[%add3A_57, %broadcast_in_dim3A_1203] : memref<128x64xf32, #tpu.memory_space<vmem>>[vector<16xi32>, vector<16xi32>], vector<16xf32>,
      %add3A_1211 = arith.addf %gather3A_1209, %gather3A_1210 : vector<16xf32>
      %mul3A_1212 = vector.broadcast %scan3A_43 : f32 to vector<16xf32>
      %mul3A_1213 = arith.mulf %mul3A_1212, %gather3A_1204 : vector<16xf32>
      %mul3A_1214 = vector.broadcast %scan3A_44 : f32 to vector<16xf32>
      %mul3A_1215 = arith.mulf %mul3A_1214, %add3A_1208 : vector<16xf32>
      %add3A_1216 = arith.addf %mul3A_1213, %mul3A_1215 : vector<16xf32>
      %mul3A_1217 = vector.broadcast %scan3A_43 : f32 to vector<16xf32>
      %mul3A_1218 = arith.mulf %mul3A_1217, %gather3A_1205 : vector<16xf32>
      %mul3A_1219 = vector.broadcast %scan3A_44 : f32 to vector<16xf32>
      %mul3A_1220 = arith.mulf %mul3A_1219, %add3A_1211 : vector<16xf32>
      %add3A_1221 = arith.addf %mul3A_1218, %mul3A_1220 : vector<16xf32>
      %mul3A_1222 = arith.mulf %add3A_1216, %add3A_1221 : vector<16xf32>
      %add3A_1223 = arith.addf %add3A_1201, %mul3A_1222 : vector<16xf32>
      %broadcast_in_dim3A_1224 = arith.constant 53 : i32
      %broadcast_in_dim3A_1225 = vector.broadcast %broadcast_in_dim3A_1224 : i32 to vector<16xi32>
      %gather3A_1226 = tpu.vector_load_idx %arg14[%add3A_57, %broadcast_in_dim3A_1225] : memref<128x64xf32, #tpu.memory_space<vmem>>[vector<16xi32>, vector<16xi32>], vector<16xf32>,
      %gather3A_1227 = tpu.vector_load_idx %arg15[%add3A_57, %broadcast_in_dim3A_1225] : memref<128x64xf32, #tpu.memory_space<vmem>>[vector<16xi32>, vector<16xi32>], vector<16xf32>,
      %gather3A_1228 = tpu.vector_load_idx %arg16[%add3A_57, %broadcast_in_dim3A_1225] : memref<128x64xf32, #tpu.memory_space<vmem>>[vector<16xi32>, vector<16xi32>], vector<16xf32>,
      %gather3A_1229 = tpu.vector_load_idx %arg17[%add3A_57, %broadcast_in_dim3A_1225] : memref<128x64xf32, #tpu.memory_space<vmem>>[vector<16xi32>, vector<16xi32>], vector<16xf32>,
      %add3A_1230 = arith.addf %gather3A_1228, %gather3A_1229 : vector<16xf32>
      %gather3A_1231 = tpu.vector_load_idx %arg18[%add3A_57, %broadcast_in_dim3A_1225] : memref<128x64xf32, #tpu.memory_space<vmem>>[vector<16xi32>, vector<16xi32>], vector<16xf32>,
      %gather3A_1232 = tpu.vector_load_idx %arg19[%add3A_57, %broadcast_in_dim3A_1225] : memref<128x64xf32, #tpu.memory_space<vmem>>[vector<16xi32>, vector<16xi32>], vector<16xf32>,
      %add3A_1233 = arith.addf %gather3A_1231, %gather3A_1232 : vector<16xf32>
      %mul3A_1234 = vector.broadcast %scan3A_43 : f32 to vector<16xf32>
      %mul3A_1235 = arith.mulf %mul3A_1234, %gather3A_1226 : vector<16xf32>
      %mul3A_1236 = vector.broadcast %scan3A_44 : f32 to vector<16xf32>
      %mul3A_1237 = arith.mulf %mul3A_1236, %add3A_1230 : vector<16xf32>
      %add3A_1238 = arith.addf %mul3A_1235, %mul3A_1237 : vector<16xf32>
      %mul3A_1239 = vector.broadcast %scan3A_43 : f32 to vector<16xf32>
      %mul3A_1240 = arith.mulf %mul3A_1239, %gather3A_1227 : vector<16xf32>
      %mul3A_1241 = vector.broadcast %scan3A_44 : f32 to vector<16xf32>
      %mul3A_1242 = arith.mulf %mul3A_1241, %add3A_1233 : vector<16xf32>
      %add3A_1243 = arith.addf %mul3A_1240, %mul3A_1242 : vector<16xf32>
      %mul3A_1244 = arith.mulf %add3A_1238, %add3A_1243 : vector<16xf32>
      %add3A_1245 = arith.addf %add3A_1223, %mul3A_1244 : vector<16xf32>
      %broadcast_in_dim3A_1246 = arith.constant 54 : i32
      %broadcast_in_dim3A_1247 = vector.broadcast %broadcast_in_dim3A_1246 : i32 to vector<16xi32>
      %gather3A_1248 = tpu.vector_load_idx %arg14[%add3A_57, %broadcast_in_dim3A_1247] : memref<128x64xf32, #tpu.memory_space<vmem>>[vector<16xi32>, vector<16xi32>], vector<16xf32>,
      %gather3A_1249 = tpu.vector_load_idx %arg15[%add3A_57, %broadcast_in_dim3A_1247] : memref<128x64xf32, #tpu.memory_space<vmem>>[vector<16xi32>, vector<16xi32>], vector<16xf32>,
      %gather3A_1250 = tpu.vector_load_idx %arg16[%add3A_57, %broadcast_in_dim3A_1247] : memref<128x64xf32, #tpu.memory_space<vmem>>[vector<16xi32>, vector<16xi32>], vector<16xf32>,
      %gather3A_1251 = tpu.vector_load_idx %arg17[%add3A_57, %broadcast_in_dim3A_1247] : memref<128x64xf32, #tpu.memory_space<vmem>>[vector<16xi32>, vector<16xi32>], vector<16xf32>,
      %add3A_1252 = arith.addf %gather3A_1250, %gather3A_1251 : vector<16xf32>
      %gather3A_1253 = tpu.vector_load_idx %arg18[%add3A_57, %broadcast_in_dim3A_1247] : memref<128x64xf32, #tpu.memory_space<vmem>>[vector<16xi32>, vector<16xi32>], vector<16xf32>,
      %gather3A_1254 = tpu.vector_load_idx %arg19[%add3A_57, %broadcast_in_dim3A_1247] : memref<128x64xf32, #tpu.memory_space<vmem>>[vector<16xi32>, vector<16xi32>], vector<16xf32>,
      %add3A_1255 = arith.addf %gather3A_1253, %gather3A_1254 : vector<16xf32>
      %mul3A_1256 = vector.broadcast %scan3A_43 : f32 to vector<16xf32>
      %mul3A_1257 = arith.mulf %mul3A_1256, %gather3A_1248 : vector<16xf32>
      %mul3A_1258 = vector.broadcast %scan3A_44 : f32 to vector<16xf32>
      %mul3A_1259 = arith.mulf %mul3A_1258, %add3A_1252 : vector<16xf32>
      %add3A_1260 = arith.addf %mul3A_1257, %mul3A_1259 : vector<16xf32>
      %mul3A_1261 = vector.broadcast %scan3A_43 : f32 to vector<16xf32>
      %mul3A_1262 = arith.mulf %mul3A_1261, %gather3A_1249 : vector<16xf32>
      %mul3A_1263 = vector.broadcast %scan3A_44 : f32 to vector<16xf32>
      %mul3A_1264 = arith.mulf %mul3A_1263, %add3A_1255 : vector<16xf32>
      %add3A_1265 = arith.addf %mul3A_1262, %mul3A_1264 : vector<16xf32>
      %mul3A_1266 = arith.mulf %add3A_1260, %add3A_1265 : vector<16xf32>
      %add3A_1267 = arith.addf %add3A_1245, %mul3A_1266 : vector<16xf32>
      %broadcast_in_dim3A_1268 = arith.constant 55 : i32
      %broadcast_in_dim3A_1269 = vector.broadcast %broadcast_in_dim3A_1268 : i32 to vector<16xi32>
      %gather3A_1270 = tpu.vector_load_idx %arg14[%add3A_57, %broadcast_in_dim3A_1269] : memref<128x64xf32, #tpu.memory_space<vmem>>[vector<16xi32>, vector<16xi32>], vector<16xf32>,
      %gather3A_1271 = tpu.vector_load_idx %arg15[%add3A_57, %broadcast_in_dim3A_1269] : memref<128x64xf32, #tpu.memory_space<vmem>>[vector<16xi32>, vector<16xi32>], vector<16xf32>,
      %gather3A_1272 = tpu.vector_load_idx %arg16[%add3A_57, %broadcast_in_dim3A_1269] : memref<128x64xf32, #tpu.memory_space<vmem>>[vector<16xi32>, vector<16xi32>], vector<16xf32>,
      %gather3A_1273 = tpu.vector_load_idx %arg17[%add3A_57, %broadcast_in_dim3A_1269] : memref<128x64xf32, #tpu.memory_space<vmem>>[vector<16xi32>, vector<16xi32>], vector<16xf32>,
      %add3A_1274 = arith.addf %gather3A_1272, %gather3A_1273 : vector<16xf32>
      %gather3A_1275 = tpu.vector_load_idx %arg18[%add3A_57, %broadcast_in_dim3A_1269] : memref<128x64xf32, #tpu.memory_space<vmem>>[vector<16xi32>, vector<16xi32>], vector<16xf32>,
      %gather3A_1276 = tpu.vector_load_idx %arg19[%add3A_57, %broadcast_in_dim3A_1269] : memref<128x64xf32, #tpu.memory_space<vmem>>[vector<16xi32>, vector<16xi32>], vector<16xf32>,
      %add3A_1277 = arith.addf %gather3A_1275, %gather3A_1276 : vector<16xf32>
      %mul3A_1278 = vector.broadcast %scan3A_43 : f32 to vector<16xf32>
      %mul3A_1279 = arith.mulf %mul3A_1278, %gather3A_1270 : vector<16xf32>
      %mul3A_1280 = vector.broadcast %scan3A_44 : f32 to vector<16xf32>
      %mul3A_1281 = arith.mulf %mul3A_1280, %add3A_1274 : vector<16xf32>
      %add3A_1282 = arith.addf %mul3A_1279, %mul3A_1281 : vector<16xf32>
      %mul3A_1283 = vector.broadcast %scan3A_43 : f32 to vector<16xf32>
      %mul3A_1284 = arith.mulf %mul3A_1283, %gather3A_1271 : vector<16xf32>
      %mul3A_1285 = vector.broadcast %scan3A_44 : f32 to vector<16xf32>
      %mul3A_1286 = arith.mulf %mul3A_1285, %add3A_1277 : vector<16xf32>
      %add3A_1287 = arith.addf %mul3A_1284, %mul3A_1286 : vector<16xf32>
      %mul3A_1288 = arith.mulf %add3A_1282, %add3A_1287 : vector<16xf32>
      %add3A_1289 = arith.addf %add3A_1267, %mul3A_1288 : vector<16xf32>
      %broadcast_in_dim3A_1290 = arith.constant 56 : i32
      %broadcast_in_dim3A_1291 = vector.broadcast %broadcast_in_dim3A_1290 : i32 to vector<16xi32>
      %gather3A_1292 = tpu.vector_load_idx %arg14[%add3A_57, %broadcast_in_dim3A_1291] : memref<128x64xf32, #tpu.memory_space<vmem>>[vector<16xi32>, vector<16xi32>], vector<16xf32>,
      %gather3A_1293 = tpu.vector_load_idx %arg15[%add3A_57, %broadcast_in_dim3A_1291] : memref<128x64xf32, #tpu.memory_space<vmem>>[vector<16xi32>, vector<16xi32>], vector<16xf32>,
      %gather3A_1294 = tpu.vector_load_idx %arg16[%add3A_57, %broadcast_in_dim3A_1291] : memref<128x64xf32, #tpu.memory_space<vmem>>[vector<16xi32>, vector<16xi32>], vector<16xf32>,
      %gather3A_1295 = tpu.vector_load_idx %arg17[%add3A_57, %broadcast_in_dim3A_1291] : memref<128x64xf32, #tpu.memory_space<vmem>>[vector<16xi32>, vector<16xi32>], vector<16xf32>,
      %add3A_1296 = arith.addf %gather3A_1294, %gather3A_1295 : vector<16xf32>
      %gather3A_1297 = tpu.vector_load_idx %arg18[%add3A_57, %broadcast_in_dim3A_1291] : memref<128x64xf32, #tpu.memory_space<vmem>>[vector<16xi32>, vector<16xi32>], vector<16xf32>,
      %gather3A_1298 = tpu.vector_load_idx %arg19[%add3A_57, %broadcast_in_dim3A_1291] : memref<128x64xf32, #tpu.memory_space<vmem>>[vector<16xi32>, vector<16xi32>], vector<16xf32>,
      %add3A_1299 = arith.addf %gather3A_1297, %gather3A_1298 : vector<16xf32>
      %mul3A_1300 = vector.broadcast %scan3A_43 : f32 to vector<16xf32>
      %mul3A_1301 = arith.mulf %mul3A_1300, %gather3A_1292 : vector<16xf32>
      %mul3A_1302 = vector.broadcast %scan3A_44 : f32 to vector<16xf32>
      %mul3A_1303 = arith.mulf %mul3A_1302, %add3A_1296 : vector<16xf32>
      %add3A_1304 = arith.addf %mul3A_1301, %mul3A_1303 : vector<16xf32>
      %mul3A_1305 = vector.broadcast %scan3A_43 : f32 to vector<16xf32>
      %mul3A_1306 = arith.mulf %mul3A_1305, %gather3A_1293 : vector<16xf32>
      %mul3A_1307 = vector.broadcast %scan3A_44 : f32 to vector<16xf32>
      %mul3A_1308 = arith.mulf %mul3A_1307, %add3A_1299 : vector<16xf32>
      %add3A_1309 = arith.addf %mul3A_1306, %mul3A_1308 : vector<16xf32>
      %mul3A_1310 = arith.mulf %add3A_1304, %add3A_1309 : vector<16xf32>
      %add3A_1311 = arith.addf %add3A_1289, %mul3A_1310 : vector<16xf32>
      %broadcast_in_dim3A_1312 = arith.constant 57 : i32
      %broadcast_in_dim3A_1313 = vector.broadcast %broadcast_in_dim3A_1312 : i32 to vector<16xi32>
      %gather3A_1314 = tpu.vector_load_idx %arg14[%add3A_57, %broadcast_in_dim3A_1313] : memref<128x64xf32, #tpu.memory_space<vmem>>[vector<16xi32>, vector<16xi32>], vector<16xf32>,
      %gather3A_1315 = tpu.vector_load_idx %arg15[%add3A_57, %broadcast_in_dim3A_1313] : memref<128x64xf32, #tpu.memory_space<vmem>>[vector<16xi32>, vector<16xi32>], vector<16xf32>,
      %gather3A_1316 = tpu.vector_load_idx %arg16[%add3A_57, %broadcast_in_dim3A_1313] : memref<128x64xf32, #tpu.memory_space<vmem>>[vector<16xi32>, vector<16xi32>], vector<16xf32>,
      %gather3A_1317 = tpu.vector_load_idx %arg17[%add3A_57, %broadcast_in_dim3A_1313] : memref<128x64xf32, #tpu.memory_space<vmem>>[vector<16xi32>, vector<16xi32>], vector<16xf32>,
      %add3A_1318 = arith.addf %gather3A_1316, %gather3A_1317 : vector<16xf32>
      %gather3A_1319 = tpu.vector_load_idx %arg18[%add3A_57, %broadcast_in_dim3A_1313] : memref<128x64xf32, #tpu.memory_space<vmem>>[vector<16xi32>, vector<16xi32>], vector<16xf32>,
      %gather3A_1320 = tpu.vector_load_idx %arg19[%add3A_57, %broadcast_in_dim3A_1313] : memref<128x64xf32, #tpu.memory_space<vmem>>[vector<16xi32>, vector<16xi32>], vector<16xf32>,
      %add3A_1321 = arith.addf %gather3A_1319, %gather3A_1320 : vector<16xf32>
      %mul3A_1322 = vector.broadcast %scan3A_43 : f32 to vector<16xf32>
      %mul3A_1323 = arith.mulf %mul3A_1322, %gather3A_1314 : vector<16xf32>
      %mul3A_1324 = vector.broadcast %scan3A_44 : f32 to vector<16xf32>
      %mul3A_1325 = arith.mulf %mul3A_1324, %add3A_1318 : vector<16xf32>
      %add3A_1326 = arith.addf %mul3A_1323, %mul3A_1325 : vector<16xf32>
      %mul3A_1327 = vector.broadcast %scan3A_43 : f32 to vector<16xf32>
      %mul3A_1328 = arith.mulf %mul3A_1327, %gather3A_1315 : vector<16xf32>
      %mul3A_1329 = vector.broadcast %scan3A_44 : f32 to vector<16xf32>
      %mul3A_1330 = arith.mulf %mul3A_1329, %add3A_1321 : vector<16xf32>
      %add3A_1331 = arith.addf %mul3A_1328, %mul3A_1330 : vector<16xf32>
      %mul3A_1332 = arith.mulf %add3A_1326, %add3A_1331 : vector<16xf32>
      %add3A_1333 = arith.addf %add3A_1311, %mul3A_1332 : vector<16xf32>
      %broadcast_in_dim3A_1334 = arith.constant 58 : i32
      %broadcast_in_dim3A_1335 = vector.broadcast %broadcast_in_dim3A_1334 : i32 to vector<16xi32>
      %gather3A_1336 = tpu.vector_load_idx %arg14[%add3A_57, %broadcast_in_dim3A_1335] : memref<128x64xf32, #tpu.memory_space<vmem>>[vector<16xi32>, vector<16xi32>], vector<16xf32>,
      %gather3A_1337 = tpu.vector_load_idx %arg15[%add3A_57, %broadcast_in_dim3A_1335] : memref<128x64xf32, #tpu.memory_space<vmem>>[vector<16xi32>, vector<16xi32>], vector<16xf32>,
      %gather3A_1338 = tpu.vector_load_idx %arg16[%add3A_57, %broadcast_in_dim3A_1335] : memref<128x64xf32, #tpu.memory_space<vmem>>[vector<16xi32>, vector<16xi32>], vector<16xf32>,
      %gather3A_1339 = tpu.vector_load_idx %arg17[%add3A_57, %broadcast_in_dim3A_1335] : memref<128x64xf32, #tpu.memory_space<vmem>>[vector<16xi32>, vector<16xi32>], vector<16xf32>,
      %add3A_1340 = arith.addf %gather3A_1338, %gather3A_1339 : vector<16xf32>
      %gather3A_1341 = tpu.vector_load_idx %arg18[%add3A_57, %broadcast_in_dim3A_1335] : memref<128x64xf32, #tpu.memory_space<vmem>>[vector<16xi32>, vector<16xi32>], vector<16xf32>,
      %gather3A_1342 = tpu.vector_load_idx %arg19[%add3A_57, %broadcast_in_dim3A_1335] : memref<128x64xf32, #tpu.memory_space<vmem>>[vector<16xi32>, vector<16xi32>], vector<16xf32>,
      %add3A_1343 = arith.addf %gather3A_1341, %gather3A_1342 : vector<16xf32>
      %mul3A_1344 = vector.broadcast %scan3A_43 : f32 to vector<16xf32>
      %mul3A_1345 = arith.mulf %mul3A_1344, %gather3A_1336 : vector<16xf32>
      %mul3A_1346 = vector.broadcast %scan3A_44 : f32 to vector<16xf32>
      %mul3A_1347 = arith.mulf %mul3A_1346, %add3A_1340 : vector<16xf32>
      %add3A_1348 = arith.addf %mul3A_1345, %mul3A_1347 : vector<16xf32>
      %mul3A_1349 = vector.broadcast %scan3A_43 : f32 to vector<16xf32>
      %mul3A_1350 = arith.mulf %mul3A_1349, %gather3A_1337 : vector<16xf32>
      %mul3A_1351 = vector.broadcast %scan3A_44 : f32 to vector<16xf32>
      %mul3A_1352 = arith.mulf %mul3A_1351, %add3A_1343 : vector<16xf32>
      %add3A_1353 = arith.addf %mul3A_1350, %mul3A_1352 : vector<16xf32>
      %mul3A_1354 = arith.mulf %add3A_1348, %add3A_1353 : vector<16xf32>
      %add3A_1355 = arith.addf %add3A_1333, %mul3A_1354 : vector<16xf32>
      %broadcast_in_dim3A_1356 = arith.constant 59 : i32
      %broadcast_in_dim3A_1357 = vector.broadcast %broadcast_in_dim3A_1356 : i32 to vector<16xi32>
      %gather3A_1358 = tpu.vector_load_idx %arg14[%add3A_57, %broadcast_in_dim3A_1357] : memref<128x64xf32, #tpu.memory_space<vmem>>[vector<16xi32>, vector<16xi32>], vector<16xf32>,
      %gather3A_1359 = tpu.vector_load_idx %arg15[%add3A_57, %broadcast_in_dim3A_1357] : memref<128x64xf32, #tpu.memory_space<vmem>>[vector<16xi32>, vector<16xi32>], vector<16xf32>,
      %gather3A_1360 = tpu.vector_load_idx %arg16[%add3A_57, %broadcast_in_dim3A_1357] : memref<128x64xf32, #tpu.memory_space<vmem>>[vector<16xi32>, vector<16xi32>], vector<16xf32>,
      %gather3A_1361 = tpu.vector_load_idx %arg17[%add3A_57, %broadcast_in_dim3A_1357] : memref<128x64xf32, #tpu.memory_space<vmem>>[vector<16xi32>, vector<16xi32>], vector<16xf32>,
      %add3A_1362 = arith.addf %gather3A_1360, %gather3A_1361 : vector<16xf32>
      %gather3A_1363 = tpu.vector_load_idx %arg18[%add3A_57, %broadcast_in_dim3A_1357] : memref<128x64xf32, #tpu.memory_space<vmem>>[vector<16xi32>, vector<16xi32>], vector<16xf32>,
      %gather3A_1364 = tpu.vector_load_idx %arg19[%add3A_57, %broadcast_in_dim3A_1357] : memref<128x64xf32, #tpu.memory_space<vmem>>[vector<16xi32>, vector<16xi32>], vector<16xf32>,
      %add3A_1365 = arith.addf %gather3A_1363, %gather3A_1364 : vector<16xf32>
      %mul3A_1366 = vector.broadcast %scan3A_43 : f32 to vector<16xf32>
      %mul3A_1367 = arith.mulf %mul3A_1366, %gather3A_1358 : vector<16xf32>
      %mul3A_1368 = vector.broadcast %scan3A_44 : f32 to vector<16xf32>
      %mul3A_1369 = arith.mulf %mul3A_1368, %add3A_1362 : vector<16xf32>
      %add3A_1370 = arith.addf %mul3A_1367, %mul3A_1369 : vector<16xf32>
      %mul3A_1371 = vector.broadcast %scan3A_43 : f32 to vector<16xf32>
      %mul3A_1372 = arith.mulf %mul3A_1371, %gather3A_1359 : vector<16xf32>
      %mul3A_1373 = vector.broadcast %scan3A_44 : f32 to vector<16xf32>
      %mul3A_1374 = arith.mulf %mul3A_1373, %add3A_1365 : vector<16xf32>
      %add3A_1375 = arith.addf %mul3A_1372, %mul3A_1374 : vector<16xf32>
      %mul3A_1376 = arith.mulf %add3A_1370, %add3A_1375 : vector<16xf32>
      %add3A_1377 = arith.addf %add3A_1355, %mul3A_1376 : vector<16xf32>
      %broadcast_in_dim3A_1378 = arith.constant 60 : i32
      %broadcast_in_dim3A_1379 = vector.broadcast %broadcast_in_dim3A_1378 : i32 to vector<16xi32>
      %gather3A_1380 = tpu.vector_load_idx %arg14[%add3A_57, %broadcast_in_dim3A_1379] : memref<128x64xf32, #tpu.memory_space<vmem>>[vector<16xi32>, vector<16xi32>], vector<16xf32>,
      %gather3A_1381 = tpu.vector_load_idx %arg15[%add3A_57, %broadcast_in_dim3A_1379] : memref<128x64xf32, #tpu.memory_space<vmem>>[vector<16xi32>, vector<16xi32>], vector<16xf32>,
      %gather3A_1382 = tpu.vector_load_idx %arg16[%add3A_57, %broadcast_in_dim3A_1379] : memref<128x64xf32, #tpu.memory_space<vmem>>[vector<16xi32>, vector<16xi32>], vector<16xf32>,
      %gather3A_1383 = tpu.vector_load_idx %arg17[%add3A_57, %broadcast_in_dim3A_1379] : memref<128x64xf32, #tpu.memory_space<vmem>>[vector<16xi32>, vector<16xi32>], vector<16xf32>,
      %add3A_1384 = arith.addf %gather3A_1382, %gather3A_1383 : vector<16xf32>
      %gather3A_1385 = tpu.vector_load_idx %arg18[%add3A_57, %broadcast_in_dim3A_1379] : memref<128x64xf32, #tpu.memory_space<vmem>>[vector<16xi32>, vector<16xi32>], vector<16xf32>,
      %gather3A_1386 = tpu.vector_load_idx %arg19[%add3A_57, %broadcast_in_dim3A_1379] : memref<128x64xf32, #tpu.memory_space<vmem>>[vector<16xi32>, vector<16xi32>], vector<16xf32>,
      %add3A_1387 = arith.addf %gather3A_1385, %gather3A_1386 : vector<16xf32>
      %mul3A_1388 = vector.broadcast %scan3A_43 : f32 to vector<16xf32>
      %mul3A_1389 = arith.mulf %mul3A_1388, %gather3A_1380 : vector<16xf32>
      %mul3A_1390 = vector.broadcast %scan3A_44 : f32 to vector<16xf32>
      %mul3A_1391 = arith.mulf %mul3A_1390, %add3A_1384 : vector<16xf32>
      %add3A_1392 = arith.addf %mul3A_1389, %mul3A_1391 : vector<16xf32>
      %mul3A_1393 = vector.broadcast %scan3A_43 : f32 to vector<16xf32>
      %mul3A_1394 = arith.mulf %mul3A_1393, %gather3A_1381 : vector<16xf32>
      %mul3A_1395 = vector.broadcast %scan3A_44 : f32 to vector<16xf32>
      %mul3A_1396 = arith.mulf %mul3A_1395, %add3A_1387 : vector<16xf32>
      %add3A_1397 = arith.addf %mul3A_1394, %mul3A_1396 : vector<16xf32>
      %mul3A_1398 = arith.mulf %add3A_1392, %add3A_1397 : vector<16xf32>
      %add3A_1399 = arith.addf %add3A_1377, %mul3A_1398 : vector<16xf32>
      %broadcast_in_dim3A_1400 = arith.constant 61 : i32
      %broadcast_in_dim3A_1401 = vector.broadcast %broadcast_in_dim3A_1400 : i32 to vector<16xi32>
      %gather3A_1402 = tpu.vector_load_idx %arg14[%add3A_57, %broadcast_in_dim3A_1401] : memref<128x64xf32, #tpu.memory_space<vmem>>[vector<16xi32>, vector<16xi32>], vector<16xf32>,
      %gather3A_1403 = tpu.vector_load_idx %arg15[%add3A_57, %broadcast_in_dim3A_1401] : memref<128x64xf32, #tpu.memory_space<vmem>>[vector<16xi32>, vector<16xi32>], vector<16xf32>,
      %gather3A_1404 = tpu.vector_load_idx %arg16[%add3A_57, %broadcast_in_dim3A_1401] : memref<128x64xf32, #tpu.memory_space<vmem>>[vector<16xi32>, vector<16xi32>], vector<16xf32>,
      %gather3A_1405 = tpu.vector_load_idx %arg17[%add3A_57, %broadcast_in_dim3A_1401] : memref<128x64xf32, #tpu.memory_space<vmem>>[vector<16xi32>, vector<16xi32>], vector<16xf32>,
      %add3A_1406 = arith.addf %gather3A_1404, %gather3A_1405 : vector<16xf32>
      %gather3A_1407 = tpu.vector_load_idx %arg18[%add3A_57, %broadcast_in_dim3A_1401] : memref<128x64xf32, #tpu.memory_space<vmem>>[vector<16xi32>, vector<16xi32>], vector<16xf32>,
      %gather3A_1408 = tpu.vector_load_idx %arg19[%add3A_57, %broadcast_in_dim3A_1401] : memref<128x64xf32, #tpu.memory_space<vmem>>[vector<16xi32>, vector<16xi32>], vector<16xf32>,
      %add3A_1409 = arith.addf %gather3A_1407, %gather3A_1408 : vector<16xf32>
      %mul3A_1410 = vector.broadcast %scan3A_43 : f32 to vector<16xf32>
      %mul3A_1411 = arith.mulf %mul3A_1410, %gather3A_1402 : vector<16xf32>
      %mul3A_1412 = vector.broadcast %scan3A_44 : f32 to vector<16xf32>
      %mul3A_1413 = arith.mulf %mul3A_1412, %add3A_1406 : vector<16xf32>
      %add3A_1414 = arith.addf %mul3A_1411, %mul3A_1413 : vector<16xf32>
      %mul3A_1415 = vector.broadcast %scan3A_43 : f32 to vector<16xf32>
      %mul3A_1416 = arith.mulf %mul3A_1415, %gather3A_1403 : vector<16xf32>
      %mul3A_1417 = vector.broadcast %scan3A_44 : f32 to vector<16xf32>
      %mul3A_1418 = arith.mulf %mul3A_1417, %add3A_1409 : vector<16xf32>
      %add3A_1419 = arith.addf %mul3A_1416, %mul3A_1418 : vector<16xf32>
      %mul3A_1420 = arith.mulf %add3A_1414, %add3A_1419 : vector<16xf32>
      %add3A_1421 = arith.addf %add3A_1399, %mul3A_1420 : vector<16xf32>
      %broadcast_in_dim3A_1422 = arith.constant 62 : i32
      %broadcast_in_dim3A_1423 = vector.broadcast %broadcast_in_dim3A_1422 : i32 to vector<16xi32>
      %gather3A_1424 = tpu.vector_load_idx %arg14[%add3A_57, %broadcast_in_dim3A_1423] : memref<128x64xf32, #tpu.memory_space<vmem>>[vector<16xi32>, vector<16xi32>], vector<16xf32>,
      %gather3A_1425 = tpu.vector_load_idx %arg15[%add3A_57, %broadcast_in_dim3A_1423] : memref<128x64xf32, #tpu.memory_space<vmem>>[vector<16xi32>, vector<16xi32>], vector<16xf32>,
      %gather3A_1426 = tpu.vector_load_idx %arg16[%add3A_57, %broadcast_in_dim3A_1423] : memref<128x64xf32, #tpu.memory_space<vmem>>[vector<16xi32>, vector<16xi32>], vector<16xf32>,
      %gather3A_1427 = tpu.vector_load_idx %arg17[%add3A_57, %broadcast_in_dim3A_1423] : memref<128x64xf32, #tpu.memory_space<vmem>>[vector<16xi32>, vector<16xi32>], vector<16xf32>,
      %add3A_1428 = arith.addf %gather3A_1426, %gather3A_1427 : vector<16xf32>
      %gather3A_1429 = tpu.vector_load_idx %arg18[%add3A_57, %broadcast_in_dim3A_1423] : memref<128x64xf32, #tpu.memory_space<vmem>>[vector<16xi32>, vector<16xi32>], vector<16xf32>,
      %gather3A_1430 = tpu.vector_load_idx %arg19[%add3A_57, %broadcast_in_dim3A_1423] : memref<128x64xf32, #tpu.memory_space<vmem>>[vector<16xi32>, vector<16xi32>], vector<16xf32>,
      %add3A_1431 = arith.addf %gather3A_1429, %gather3A_1430 : vector<16xf32>
      %mul3A_1432 = vector.broadcast %scan3A_43 : f32 to vector<16xf32>
      %mul3A_1433 = arith.mulf %mul3A_1432, %gather3A_1424 : vector<16xf32>
      %mul3A_1434 = vector.broadcast %scan3A_44 : f32 to vector<16xf32>
      %mul3A_1435 = arith.mulf %mul3A_1434, %add3A_1428 : vector<16xf32>
      %add3A_1436 = arith.addf %mul3A_1433, %mul3A_1435 : vector<16xf32>
      %mul3A_1437 = vector.broadcast %scan3A_43 : f32 to vector<16xf32>
      %mul3A_1438 = arith.mulf %mul3A_1437, %gather3A_1425 : vector<16xf32>
      %mul3A_1439 = vector.broadcast %scan3A_44 : f32 to vector<16xf32>
      %mul3A_1440 = arith.mulf %mul3A_1439, %add3A_1431 : vector<16xf32>
      %add3A_1441 = arith.addf %mul3A_1438, %mul3A_1440 : vector<16xf32>
      %mul3A_1442 = arith.mulf %add3A_1436, %add3A_1441 : vector<16xf32>
      %add3A_1443 = arith.addf %add3A_1421, %mul3A_1442 : vector<16xf32>
      %broadcast_in_dim3A_1444 = arith.constant 63 : i32
      %broadcast_in_dim3A_1445 = vector.broadcast %broadcast_in_dim3A_1444 : i32 to vector<16xi32>
      %gather3A_1446 = tpu.vector_load_idx %arg14[%add3A_57, %broadcast_in_dim3A_1445] : memref<128x64xf32, #tpu.memory_space<vmem>>[vector<16xi32>, vector<16xi32>], vector<16xf32>,
      %gather3A_1447 = tpu.vector_load_idx %arg15[%add3A_57, %broadcast_in_dim3A_1445] : memref<128x64xf32, #tpu.memory_space<vmem>>[vector<16xi32>, vector<16xi32>], vector<16xf32>,
      %gather3A_1448 = tpu.vector_load_idx %arg16[%add3A_57, %broadcast_in_dim3A_1445] : memref<128x64xf32, #tpu.memory_space<vmem>>[vector<16xi32>, vector<16xi32>], vector<16xf32>,
      %gather3A_1449 = tpu.vector_load_idx %arg17[%add3A_57, %broadcast_in_dim3A_1445] : memref<128x64xf32, #tpu.memory_space<vmem>>[vector<16xi32>, vector<16xi32>], vector<16xf32>,
      %add3A_1450 = arith.addf %gather3A_1448, %gather3A_1449 : vector<16xf32>
      %gather3A_1451 = tpu.vector_load_idx %arg18[%add3A_57, %broadcast_in_dim3A_1445] : memref<128x64xf32, #tpu.memory_space<vmem>>[vector<16xi32>, vector<16xi32>], vector<16xf32>,
      %gather3A_1452 = tpu.vector_load_idx %arg19[%add3A_57, %broadcast_in_dim3A_1445] : memref<128x64xf32, #tpu.memory_space<vmem>>[vector<16xi32>, vector<16xi32>], vector<16xf32>,
      %add3A_1453 = arith.addf %gather3A_1451, %gather3A_1452 : vector<16xf32>
      %mul3A_1454 = vector.broadcast %scan3A_43 : f32 to vector<16xf32>
      %mul3A_1455 = arith.mulf %mul3A_1454, %gather3A_1446 : vector<16xf32>
      %mul3A_1456 = vector.broadcast %scan3A_44 : f32 to vector<16xf32>
      %mul3A_1457 = arith.mulf %mul3A_1456, %add3A_1450 : vector<16xf32>
      %add3A_1458 = arith.addf %mul3A_1455, %mul3A_1457 : vector<16xf32>
      %mul3A_1459 = vector.broadcast %scan3A_43 : f32 to vector<16xf32>
      %mul3A_1460 = arith.mulf %mul3A_1459, %gather3A_1447 : vector<16xf32>
      %mul3A_1461 = vector.broadcast %scan3A_44 : f32 to vector<16xf32>
      %mul3A_1462 = arith.mulf %mul3A_1461, %add3A_1453 : vector<16xf32>
      %add3A_1463 = arith.addf %mul3A_1460, %mul3A_1462 : vector<16xf32>
      %mul3A_1464 = arith.mulf %add3A_1458, %add3A_1463 : vector<16xf32>
      %add3A_1465 = arith.addf %add3A_1443, %mul3A_1464 : vector<16xf32>
      %mul3A_1466 = arith.constant 16 : i32
      %mul3A_1467 = arith.muli %scan3A_52, %mul3A_1466 : i32
      %swap3A = arith.index_cast %mul3A_1467 : i32 to index
      %swap3A_1468 = tpu.vector_load %arg20[%swap3A] {strides = array<i32>} : memref<128xf32, #tpu.memory_space<vmem>>, vector<16xf32>,
      tpu.vector_store %arg20[%swap3A], %add3A_1465 {strides = array<i32>} : memref<128xf32, #tpu.memory_space<vmem>>, vector<16xf32>,
      %scan3A_1469 = arith.constant 0 : i32
      scf.yield %scan3A_1469 : i32
    }
    %scan3A_51 = arith.constant 8 : i32
    "tpu.region"() ({
      %run_scoped3A = tpu.sem_alloc : memref<!tpu.dma_semaphore, #tpu.memory_space<semaphore_mem>>
      %dma_start3A_52 = tpu.memref_slice %arg9[%mul3A_2] : memref<4096xf32, #tpu.memory_space<hbm>> -> memref<128xf32, #tpu.memory_space<hbm>>
      %dma_start3A_53 = tpu.memref_slice %arg9[%mul3A_2] : memref<4096xf32, #tpu.memory_space<hbm>> -> memref<128xf32, #tpu.memory_space<hbm>>
      tpu.enqueue_dma source(%arg20 : memref<128xf32, #tpu.memory_space<vmem>>) target(%dma_start3A_53 : memref<128xf32, #tpu.memory_space<hbm>>) target_semaphore(%run_scoped3A : memref<!tpu.dma_semaphore, #tpu.memory_space<semaphore_mem>>)
      %dma_wait3A_54 = tpu.memref_slice %arg9[%mul3A_2] : memref<4096xf32, #tpu.memory_space<hbm>> -> memref<128xf32, #tpu.memory_space<hbm>>
      %dma_wait3A_55 = tpu.memref_slice %arg9[%mul3A_2] : memref<4096xf32, #tpu.memory_space<hbm>> -> memref<128xf32, #tpu.memory_space<hbm>>
      tpu.wait_dma2 semaphore(%run_scoped3A : memref<!tpu.dma_semaphore, #tpu.memory_space<semaphore_mem>>) src(%arg20 : memref<128xf32, #tpu.memory_space<vmem>>) dst(%dma_wait3A_55 : memref<128xf32, #tpu.memory_space<hbm>>)
      tpu.yield
    }) : () -> ()
    return
  }
}

</mosaic_0001>

<sc_bundles>
// kernel: kernel.4.cloned.1.call-start
scs
__scs_entry_jumppad:
0x0: {  	(pc) =	sbr.rel $0x88, $3  }
0x1: {  	(tag) =	ssettag $0x0;
	lr =	simm.s32 $0x1  }
0x2: {  	[smem:$0x3F9A] =	sst lr;
	_ =	strace $0xD0000000  }
0x3: {  	_ = 	snop  }
0x4: {  	_ = 	snop  }
0x5: {  	_ = 	snop  }
0x6: {  	_ = 	snop  }
0x7: {  	_ = 	snop  }
__scs_overlays_trampoline_lowered:
0x8: {  	[smem:$0x3FA9] =	sst s0  }
0x9: {  	[smem:$0x3FAA] =	sst s1  }
0xa: {  	[smem:$0x3FAB] =	sst s2  }
0xb: {  	[smem:$0x3FAC] =	sst s3  }
0xc: {  	[smem:$0x3FAD] =	sst s4  }
0xd: {  	[smem:$0x3FAE] =	sst s5  }
0xe: {  	[smem:$0x3FAF] =	sst s6  }
0xf: {  	[smem:$0x3FB0] =	sst s7  }
0x10: {  	[smem:$0x3FB1] =	sst s8  }
0x11: {  	[smem:$0x3FB2] =	sst s9;
	s0 =	simm.s32 @!p0 $0x0  }
0x12: {  	s1 =	sld [smem:$0x3F98];
	s0 =	simm.s32 @p0 $0x1  }
0x13: {  	[smem:$0x3FB3] =	sst s0;
	s0 =	simm.s32 @!p1 $0x0  }
0x14: {  	s2 =	sld [smem:$0x3F97];
	s0 =	simm.s32 @p1 $0x1  }
0x15: {  	[smem:$0x3FB4] =	sst s0;
	s0 =	simm.s32 @!p2 $0x0  }
0x16: {  	s3 =	sld [smem:$0x3FDB];
	s0 =	simm.s32 @p2 $0x1  }
0x17: {  	s4 =	simm.s32 $0x1BF5;
	[smem:$0x3FB6] =	sst s0  }
0x18: {  	s0 =	sld [smem:$0x3F99];
	_ =	swait.ge [sflag:s4], $0x0  }
0x19: {  	s7 =	sld [smem:$0x3F9A]  }
0x1a: {  	s8 =	sadd.s32 $0xFFFFE003, lr  }
0x1b: {  	s9 =	sadd.s32 $0xFFFFFEF7, lr;
	s5 =	simm.s32 $0xFFFFFFFF;
	p2 =	slt.u32 s8, $0xFFFFF086  }
0x1c: {  	p1 =	slt.u32 s9, $0xF7A;
	s5 =	simm.s32 @!p2 $0x0  }
0x1d: {  	s5 =	simm.s32 @p1 $0x1;
	p0 =	seq.s32 s7, s2  }
0x1e: {  	s7 =	smul.u32 @!p0 $0xF7A, s2;
	p2 =	seq.s32 @!p0 s5, $0x0  }
0x1f: {  	s9 =	smul.u32 $0xF7A, s1;
	s8 =	simm.s32 @!p0 $0x1BF5;
	p2 =	por !p2, p0  }
0x20: {  	[sflag:s8] =	ssyncset.s32 @!p0 $0xFFFFF086;
	s6 =	sadd.s32 @!p0 s3, s7;
	s7 =	simm.s32 @!p0 $0x108  }
0x21: {  	s3 =	sadd.s32 s3, s9;
	s6 =	sadd.s32 @!p0 $0x88, s6;
	s7 =	simm.s32 @p2 $0x1082  }
0x22: {  	[simem:s7], [sflag:s8] =	dma.local @!p0 [hbm:s6], $0xF7A  }
0x23: {  	s9 =	sor.u32 $0xD0000000, s2;
	s6 =	simm.s32 $0x108;
	_ =	swait.ge @!p0 [sflag:s8], $0x0  }
0x24: {  	s3 =	sadd.s32 $0x88, s3;
	s6 =	simm.s32 @!p1 $0x1082;
	[sflag:s4] =	ssyncset.s32 $0xFFFFF086  }
0x25: {  	[simem:s6], [sflag:s4] =	dma.local [hbm:s3], $0xF7A  }
0x26: {  	[smem:$0x3F9A] =	sst s1;
	(tag) =	ssettag s2;
	_ =	strace s9  }
0x27: {  	s1 =	sld [smem:$0x3FAA]  }
0x28: {  	s2 =	sld [smem:$0x3FAB]  }
0x29: {  	s4 =	sld [smem:$0x3FAD]  }
0x2a: {  	p0 =	seq.s32 s5, $0x0;
	s5 =	sld [smem:$0x3FAE]  }
0x2b: {  	s6 =	sld [smem:$0x3FAF]  }
0x2c: {  	s7 =	sld [smem:$0x3FB0]  }
0x2d: {  	s3 =	simm.s32 $0x108;
	s8 =	sld [smem:$0x3FB1]  }
0x2e: {  	s3 =	simm.s32 @!p0 $0x1082;
	s9 =	sld [smem:$0x3FB2]  }
0x2f: {  	lr =	sadd.s32 s0, s3;
	s0 =	sld [smem:$0x3FA9]  }
0x30: {  	s3 =	sld [smem:$0x3FAC]  }
0x31: {  	[smem:$0x3FB5] =	sst s10  }
0x32: {  	s10 =	sld [smem:$0x3FB3];
	_ =	sdelay $0x3  }
0x33: {  	p0 =	seq.s32 s10, $0x1;
	s10 =	sld [smem:$0x3FB5];
	_ =	sdelay $0x3  }
0x34: {  	[smem:$0x3FB5] =	sst s10  }
0x35: {  	s10 =	sld [smem:$0x3FB4];
	_ =	sdelay $0x3  }
0x36: {  	p1 =	seq.s32 s10, $0x1;
	s10 =	sld [smem:$0x3FB5];
	_ =	sdelay $0x3  }
0x37: {  	[smem:$0x3FB5] =	sst s10  }
0x38: {  	s10 =	sld [smem:$0x3FB6]  }
0x39: {  	_ = 	snop;
	(pc) =	sbr.ind lr, $3  }
0x3a: {  	_ = 	snop  }
0x3b: {  	_ = 	snop  }
0x3c: {  	p2 =	seq.s32 s10, $0x1;
	s10 =	sld [smem:$0x3FB5]  }
0x3d: {  	_ =	shalt  }
0x3e: {  	_ =	shalt  }
0x3f: {  	_ =	shalt  }
0x40: {  	_ =	shalt  }
0x41: {  	_ =	shalt  }
0x42: {  	_ =	shalt  }
0x43: {  	_ =	shalt  }
0x44: {  	_ =	shalt  }
0x45: {  	_ =	shalt  }
0x46: {  	_ =	shalt  }
0x47: {  	_ =	shalt  }
0x48: {  	_ =	shalt  }
0x49: {  	_ =	shalt  }
0x4a: {  	_ =	shalt  }
0x4b: {  	_ =	shalt  }
0x4c: {  	_ =	shalt  }
0x4d: {  	_ =	shalt  }
0x4e: {  	_ =	shalt  }
0x4f: {  	_ =	shalt  }
0x50: {  	_ =	shalt  }
0x51: {  	_ =	shalt  }
0x52: {  	_ =	shalt  }
0x53: {  	_ =	shalt  }
0x54: {  	_ =	shalt  }
0x55: {  	_ =	shalt  }
0x56: {  	_ =	shalt  }
0x57: {  	_ =	shalt  }
0x58: {  	_ =	shalt  }
0x59: {  	_ =	shalt  }
0x5a: {  	_ =	shalt  }
0x5b: {  	_ =	shalt  }
0x5c: {  	_ =	shalt  }
0x5d: {  	_ =	shalt  }
0x5e: {  	_ =	shalt  }
0x5f: {  	_ =	shalt  }
0x60: {  	_ =	shalt  }
0x61: {  	_ =	shalt  }
0x62: {  	_ =	shalt  }
0x63: {  	_ =	shalt  }
0x64: {  	_ =	shalt  }
0x65: {  	_ =	shalt  }
0x66: {  	_ =	shalt  }
0x67: {  	_ =	shalt  }
0x68: {  	_ =	shalt  }
0x69: {  	_ =	shalt  }
0x6a: {  	_ =	shalt  }
0x6b: {  	_ =	shalt  }
0x6c: {  	_ =	shalt  }
0x6d: {  	_ =	shalt  }
0x6e: {  	_ =	shalt  }
0x6f: {  	_ =	shalt  }
0x70: {  	_ =	shalt  }
0x71: {  	_ =	shalt  }
0x72: {  	_ =	shalt  }
0x73: {  	_ =	shalt  }
0x74: {  	_ =	shalt  }
0x75: {  	_ =	shalt  }
0x76: {  	_ =	shalt  }
0x77: {  	_ =	shalt  }
0x78: {  	_ =	shalt  }
0x79: {  	_ =	shalt  }
0x7a: {  	_ =	shalt  }
0x7b: {  	_ =	shalt  }
0x7c: {  	_ =	shalt  }
0x7d: {  	_ =	shalt  }
0x7e: {  	_ =	shalt  }
0x7f: {  	_ =	shalt  }
0x80: {  	_ =	shalt  }
0x81: {  	_ =	shalt  }
0x82: {  	_ =	shalt  }
0x83: {  	_ =	shalt  }
0x84: {  	_ =	shalt  }
0x85: {  	_ =	shalt  }
0x86: {  	_ =	shalt  }
0x87: {  	_ =	shalt  }
.Lfunc_end0:
.L_simem_size_0:
called_computation_lowered:
.L_overlay_start_0:
0x88: {  	s2 =	sld [smem:$0x3FD9]  }
0x89: {  	s3 =	sld [smem:$0x3FFE];
	_ =	sdelay $0x1  }
0x8a: {  	s1 =	srdreg.scid  }
0x8b: {  	s0 =	sand.u32 $0x1, s1  }
0x8c: {  	s17 =	sshll.u32 s0, $0xA;
	s2 =	sadd.s32 s3, s2  }
0x8d: {  	s2 =	sadd.s32 s2, s17  }
0x8e: {  	[smem:$0x3FC1] =	sst s2  }
0x8f: {  	_ = 	snop  }
0x90: {  	s2 =	sld [smem:$0x3FC9]  }
0x91: {  	s18 =	sld [smem:$0x3FC8];
	(tm) =	ssettm $0x1  }
0x92: {  	s4 =	sld [smem:$0x3FFB];
	_ =	sdelay $0x3  }
0x93: {  	_ =	strace s4  }
0x94: {  	s4 =	sld [smem:$0x3FFC];
	_ =	sdelay $0x3  }
0x95: {  	_ =	strace s4  }
0x96: {  	s4 =	sld [smem:$0x3FFD];
	_ =	sdelay $0x3  }
0x97: {  	_ =	strace s4  }
0x98: {  	_ =	strace $0x8FFFFFFF  }
0x99: {  	s19 =	sld [smem:$0x3FDB];
	_ =	sdelay $0x1  }
0x9a: {  	s5 =	simm.s32 $_scs_section_size  }
0x9b: {  	s6 =	simm.s32 $_size__tile_overlayer_lowered;
	s7 =	simm.s32 $_tile_overlayer_lowered  }
0x9c: {  	s22 =	simm.s32 $0x1BFF;
	s21 =	sshll.u32 s7, $0x1;
	s4 =	sadd.s32 s5, s19  }
0x9d: {  	s8 =	simm.s32 $0x0;
	s20 =	sshll.u32 s6, $0x1;
	s6 =	sadd.s32 s21, s4  }
0x9e: {  	[timem:s8], [sflag:s22] =	dma.local [hbm:s6], s20  }
0x9f: {  	_ =	swait.ge [sflag:s22], s20  }
0xa0: {  	s5 =	ssub.s32 $0x0, s20;
	[sflag:s22] =	ssyncset.done $0x0  }
0xa1: {  	[sflag:s22] =	ssyncadd.s32 s5;
	_ =	sdelay $0x1  }
0xa2: {  	s23 =	simm.s32 $0x1B8B  }
0xa3: {  	_ =	swait.ge [sflag:s23], $0x1  }
0xa4: {  	[sflag:s23] =	ssyncset.done $0x0  }
0xa5: {  	s25 =	simm.s32 $0x1B8E;
	s24 =	sld [smem:$0x3FFE];
	[sflag:s23] =	ssyncadd.s32 $0xFFFFFFFF  }
0xa6: {  	s26 =	simm.s32 $execute0_lowered;
	[smem:$0x3FD2] =	sst s25  }
0xa7: {  	s6 =	sshll.u32 s26, $0x1;
	_ =	strace $0x80000046;
	[dreg:$0x1] =	wrdreg $0xFFFFFFFF  }
0xa8: {  	s28 =	simm.s32 $_size_execute0_lowered;
	s4 =	sadd.s32 s4, s6;
	[dreg:$0x0] =	wrdreg $0x0  }
0xa9: {  	s6 =	sshll.u32 s28, $0x1;
	[dreg:$0x2] =	wrdreg s4  }
0xaa: {  	[dreg:$0x3] =	wrdreg s6  }
0xab: {  	[dreg:$0x4] =	wrdreg $0xC0  }
0xac: {  	_ =	task [dreg:s8], $0x5FFFF  }
0xad: {  	[dreg:$0x1] =	wrdreg $0xFFFFFFFF  }
0xae: {  	[dreg:$0x0] =	wrdreg $0x60  }
0xaf: {  	[dreg:$0x2] =	wrdreg s2  }
0xb0: {  	[dreg:$0x3] =	wrdreg s18  }
0xb1: {  	[dreg:$0x4] =	wrdreg s24  }
0xb2: {  	[dreg:$0x5] =	wrdreg $0x152D00  }
0xb3: {  	[dreg:$0x6] =	wrdreg $0x9  }
0xb4: {  	_ =	task.clear_ibuf [dreg:s8], $0x7FFFF;
	_ =	strace $0x90000046  }
0xb5: {  	s29 =	simm.s32 $0x9;
	_ =	strace $0x80000048  }
0xb6: {  	_ =	swait.ge [sflag:s29], $0x1  }
0xb7: {  	[sflag:s29] =	ssyncadd.s32 $0xFFFFFFFF  }
0xb8: {  	_ =	strace $0x90000048  }
0xb9: {  	_ =	sfence  }
0xba: {  	s30 =	sld [smem:$0x0];
	_ =	sdelay $0x2  }
0xbb: {  	s31 =	sshll.u32 s1, $0xD;
	s1 =	sshrl.u32 s1, $0x2  }
0xbc: {  	s3 =	sand.u32 $0x4000, s31;
	s1 =	sadd.s32 s1, s30  }
0xbd: {  	s0 =	sor.u32 s3, s0;
	s1 =	sshll.u32 s1, $0x11  }
0xbe: {  	s0 =	sor.u32 s1, s0  }
0xbf: {  	s0 =	sadd.s32 $0x8F2B, s0  }
0xc0: {  	[sflag:s0] =	ssyncadd.remote.s32 $0x1  }
0xc1: {  	_ =	sfence.sel $0xFFFF  }
0xc2: {  	[dreg:$0x0] =	wrdreg $0xFFFFFFFF;
	(pc) =	sbr.abs _section_cstart, $3  }
0xc3: {  	[dreg:$0x1] =	wrdreg $0xFFFFFFFF  }
0xc4: {  	_ =	task.clear_ibuf [dreg:s8], $0x2FFFF;
	_ =	strace $0x9FFFFFFF  }
0xc5: {  	(tm) =	ssettm $0x7FFFFFFF  }
tec
execute0_lowered:
.L_overlay_start_1:
0x0: {  	(tag) =	ssettag $0x1  }
0x1: {  	s15 =	rddreg [dreg:$0x0]  }
0x2: {  	s16 =	rddreg [dreg:$0x1]  }
0x3: {  	s0 =	rddreg [dreg:$0x2]  }
0x4: {  	s3 =	rddreg [dreg:$0x3];
	s4 =	simm.s32 $0x0;
	s1 =	srdreg.scid  }
0x5: {  	s17 =	stileid.u32;
	s31 =	simm.s32 $0x1;
	[smem:$0x7FF] =	sst s4  }
0x6: {  	s1 =	sand.u32 $0x1, s1;
	s6 =	sadd.s32 $0x1400, s0;
	s7 =	sadd.s32 $0x7C000, s0  }
0x7: {  	s8 =	sadd.s32 $0x63000, s0;
	s9 =	sadd.s32 $0x95000, s0;
	s14 =	smul.u32 $0x20800, s17  }
0x8: {  	s5 =	sshll.u32 s17, $0x5;
	s26 =	sadd.s32 $0xAE000, s0;
	s19 =	smul.u32 $0x8200, s17  }
0x9: {  	_ =	strace $0x80000047;
	s2 =	sshll.u32 s1, $0x4;
	[dreg:$0x5] =	wrdreg s26  }
0xa: {  	s28 =	sadd.s32 s5, s0;
	s11 =	ssub.s32 $0x2, s1;
	p0 =	seq.s32 s1, $0x0  }
0xb: {  	s23 =	sadd.s32 s15, s5;
	s25 =	sadd.s32 s16, s5;
	s5 =	simm.s32 $0x4  }
0xc: {  	s2 =	sor.u32 s17, s2;
	s12 =	sshrl.u32 s11, $0x1;
	s20 =	sshrl.u32 s14, $0x2  }
0xd: {  	s14 =	simm.s32 $0xAFA00;
	s17 =	sadd.s32 s19, s3;
	[dreg:$0xf] =	wrdreg s23  }
0xe: {  	s24 =	sadd.s32 $0xD0200, s28;
	[dreg:$0x11] =	wrdreg s25;
	s26 =	sadd.s32 $0xD0400, s28  }
0xf: {  	s10 =	smul.u32 $0x6400, s2;
	s11 =	ssub.s32 s11, s12;
	[dreg:$0x10] =	wrdreg s24  }
0x10: {  	s14 =	simm.s32 @!p0 $0xBFE00;
	s12 =	sshrl.u32 s19, $0x3;
	[dreg:$0x12] =	wrdreg s26  }
0x11: {  	[dreg:$0x9] =	wrdreg s17;
	s0 =	sadd.s32 s14, s0;
	s28 =	smax.u32 s11, $0x1  }
0x12: {  	s13 =	sshrl.u32 s10, $0x3;
	s0 =	sadd.s32 s0, s12;
	[dreg:$0x13] =	wrdreg s28  }
0x13: {  	s23 =	simm.s32 $0x80;
	s29 =	sadd.s32 s7, s13;
	[dreg:$0xe] =	wrdreg s0  }
0x14: {  	p0 =	sne.s32 s1, $0x0;
	s30 =	sadd.s32 s8, s13;
	[dreg:$0x6] =	wrdreg s29  }
0x15: {  	s18 =	sadd.s32 s9, s13;
	s13 =	sadd.s32 s20, s3;
	[dreg:$0x7] =	wrdreg s30  }
0x16: {  	s1 =	simm.s32 $0xE9D0;
	[dreg:$0x8] =	wrdreg s18;
	s18 =	sadd.s32 $0x2000, s13  }
0x17: {  	s2 =	simm.s32 $0xF6D0;
	s21 =	sadd.s32 $0x4000, s13;
	[dreg:$0xa] =	wrdreg s18  }
0x18: {  	s24 =	simm.s32 $0x150D0;
	s22 =	sadd.s32 $0x6000, s13;
	[dreg:$0xb] =	wrdreg s21  }
.Ltmp0:
0x19: {  	s13 =	sadd.s32 $0x8000, s13;
	[dreg:$0xc] =	wrdreg s22;
	(pc) =	sbr.rel .LBB2_1-.Ltmp0, $4  }
0x1a: {  	s11 =	simm.s32 $0x15150;
	s29 =	sadd.s32 $0x100, s15;
	[dreg:$0xd] =	wrdreg s13  }
0x1b: {  	s14 =	simm.s32 $0x0;
	s30 =	sadd.s32 $0x100, s16;
	[dreg:$0x14] =	wrdreg s29  }
0x1c: {  	s12 =	simm.s32 $0x130D0;
	s0 =	simm.s32 $0x110D0;
	[dreg:$0x15] =	wrdreg s30  }
0x1d: {  	v0 =	vimm.f32 $0.0e+00;
	v1 =	vlaneseq.u32;
	v2 =	vimm.s32 $0x0;
	s18 =	simm.s32 $0x7;
	s21 =	simm.s32 $0x103D0;
	s22 =	simm.s32 $0x3  }
.LBB2_29:
0x1e: {  	s13 =	stileid.u32;
	[bflag:$0x0] =	sbarrier.arrive $0xFFFF  }
0x1f: {  	s18 =	simm.s32 $0x7;
	s13 =	sshll.u32 s13, $0x6;
	s17 =	rddreg [dreg:$0x9]  }
0x20: {  	s15 =	rddreg [dreg:$0xe];
	s13 =	sor.u32 $0x1C07, s13;
	s14 =	sshrl.u32 s17, $0x3  }
0x21: {  	[hbm:s15], [sflag:s13] =	dma.local [spmem:s14], $0x1040  }
0x22: {  	_ =	swait.ge [sflag:s18], $0x1040  }
0x23: {  	s29 =	rddreg [dreg:$0x16]  }
0x24: {  	s30 =	rddreg [dreg:$0x13];
	s14 =	sadd.s32 $0x1, s29  }
0x25: {  	p1 =	sne.s32 s14, s30  }
.Ltmp1:
0x26: {  	_ = 	snop;
	(pc) =	sbr.rel @!p1 .LBB2_30-.Ltmp1, $3  }
0x27: {  	_ =	sdelay $0x1  }
0x28: {  	[sflag:s18] =	ssyncset.done $0x0  }
0x29: {  	[sflag:s18] =	ssyncadd.s32 $0xFFFFEFC0  }
.LBB2_1:
0x2a: {  	[dreg:$0x16] =	wrdreg s14  }
0x2b: {  	s13 =	rddreg [dreg:$0x5]  }
0x2c: {  	s20 =	rddreg [dreg:$0x6]  }
0x2d: {  	[tilespmem:s4], [sflag:$0x2] =	stream.linear.gather [hbm4b:s13+s4], $0xC350, $0x38;
	[tilespmem:$0x1D4D0] =	vst v63  }
0x2e: {  	s25 =	simm.s32 $0xC450;
	s26 =	rddreg [dreg:$0x7]  }
0x2f: {  	[tilespmem:s25], [sflag:$0x1] =	stream.linear.gather [hbm4b:s20+s4], $0xC80, $0x38;
	[tilespmem:$0x1D4D0] =	vst v63  }
0x30: {  	s28 =	simm.s32 $0xD0D0;
	s29 =	rddreg [dreg:$0x8]  }
0x31: {  	[tilespmem:s28], [sflag:$0x1] =	stream.linear.gather [hbm4b:s26+s4], $0xC80, $0x38;
	[tilespmem:$0x1D4D0] =	vst v63  }
0x32: {  	s30 =	simm.s32 $0xDD50;
	s14 =	simm.s32 $0x100;
	s13 =	simm.s32 $0x0  }
0x33: {  	[tilespmem:s30], [sflag:$0x1] =	stream.linear.gather [hbm4b:s29+s4], $0xC80, $0x38;
	[tilespmem:$0x1D4D0] =	vst v63  }
.LBB2_2:
0x34: {  	p1 =	sne.s32 s14, $0x7F00;
	[tilespmem:s13+$0x11100] =	vst v0;
	s15 =	smov.u32 s14;
	s14 =	sadd.s32 $0x100, s14  }
.Ltmp2:
0x35: {  	[tilespmem:s13+$0x110F0] =	vst v0;
	(pc) =	sbr.rel @p1 .LBB2_2-.Ltmp2, $3  }
0x36: {  	[tilespmem:s13+$0x110D0] =	vst v0  }
0x37: {  	[tilespmem:s13+$0x110E0] =	vst v0;
	_ =	sdelay $0x1  }
0x38: {  	s13 =	sshra.s32 s15, $0x2  }
0x39: {  	[tilespmem:s13+$0x11100] =	vst v0  }
0x3a: {  	[tilespmem:s13+$0x110F0] =	vst v0  }
0x3b: {  	[tilespmem:s13+$0x110D0] =	vst v0  }
0x3c: {  	[tilespmem:s13+$0x110E0] =	vst v0  }
0x3d: {  	[spmem:s17] =	stream.linear.scatter [tilespmem:s0], [sflag:$0x7], $0x2000, $0x38;
	[tilespmem:$0x1D4D0] =	vst v63  }
0x3e: {  	_ =	swait.ge [sflag:s18], $0x2000  }
0x3f: {  	[sflag:s18] =	ssyncset.done $0x0  }
0x40: {  	s25 =	rddreg [dreg:$0xa];
	[sflag:s18] =	ssyncadd.s32 $0xFFFFE000  }
0x41: {  	[spmem:s25] =	stream.linear.scatter [tilespmem:s0], [sflag:$0x7], $0x2000, $0x38;
	[tilespmem:$0x1D4D0] =	vst v63  }
0x42: {  	_ =	swait.ge [sflag:s18], $0x2000  }
0x43: {  	[sflag:s18] =	ssyncset.done $0x0  }
0x44: {  	s26 =	rddreg [dreg:$0xb];
	[sflag:s18] =	ssyncadd.s32 $0xFFFFE000  }
0x45: {  	[spmem:s26] =	stream.linear.scatter [tilespmem:s0], [sflag:$0x7], $0x2000, $0x38;
	[tilespmem:$0x1D4D0] =	vst v63  }
0x46: {  	_ =	swait.ge [sflag:s18], $0x2000  }
0x47: {  	[sflag:s18] =	ssyncset.done $0x0  }
0x48: {  	s28 =	rddreg [dreg:$0xc];
	[sflag:s18] =	ssyncadd.s32 $0xFFFFE000  }
0x49: {  	[spmem:s28] =	stream.linear.scatter [tilespmem:s0], [sflag:$0x7], $0x2000, $0x38;
	[tilespmem:$0x1D4D0] =	vst v63  }
0x4a: {  	_ =	swait.ge [sflag:s18], $0x2000  }
0x4b: {  	[sflag:s18] =	ssyncset.done $0x0  }
0x4c: {  	s29 =	rddreg [dreg:$0xd];
	[sflag:s18] =	ssyncadd.s32 $0xFFFFE000  }
0x4d: {  	[spmem:s29] =	stream.linear.scatter [tilespmem:s0], [sflag:$0x7], $0x200, $0x38;
	[tilespmem:$0x1D4D0] =	vst v63  }
0x4e: {  	_ =	swait.ge [sflag:s18], $0x200  }
0x4f: {  	[sflag:s18] =	ssyncset.done $0x0  }
0x50: {  	s30 =	simm.s32 $0x2;
	[sflag:s18] =	ssyncadd.s32 $0xFFFFFE00  }
0x51: {  	_ =	swait.ge [sflag:s30], $0xC350  }
0x52: {  	[sflag:s30] =	ssyncset.done $0x0  }
0x53: {  	[sflag:s30] =	ssyncadd.s32 $0xFFFF3CB0  }
0x54: {  	s13 =	simm.s32 $0x0;
	s14 =	simm.s32 $0xE9D0;
	s15 =	rddreg [dreg:$0x0]  }
0x55: {  	[tilespmem:s14], [sflag:$0x7] =	stream.linear.gather [hbm4b:s15+s13], $0x800, $0x38;
	[tilespmem:$0x1D4D0] =	vst v63  }
0x56: {  	_ =	swait.ge [sflag:s18], $0x800  }
0x57: {  	[sflag:s18] =	ssyncset.done $0x0  }
0x58: {  	[sflag:s18] =	ssyncadd.s32 $0xFFFFF800  }
0x59: {  	s15 =	simm.s32 $0x10;
	v3 =	vld [tilespmem:s14+$0x0]  }
.LBB2_4:
0x5a: {  	p1 =	sne.s32 s15, $0x7F0;
	_ =	sdelay $0x3  }
.Ltmp3:
0x5b: {  	(pc) =	sbr.rel @p1 .LBB2_4-.Ltmp3, $4  }
0x5c: {  	_ = 	snop  }
0x5d: {  	v4 =	vor.u32 s13, v1;
	s13 =	smov.u32 s15  }
0x5e: {  	s14 =	sadd.s32 $0x10, s14;
	[tilespmem:v3+s4+$0x0] =	vst.idx.msk $0xffff, v4  }
0x5f: {  	s15 =	sadd.s32 $0x10, s15;
	v3 =	vld [tilespmem:s14+$0x0]  }
0x60: {  	_ =	sdelay $0x6  }
0x61: {  	v4 =	vor.u32 s13, v1  }
0x62: {  	s13 =	simm.s32 $0xE9D0;
	s14 =	rddreg [dreg:$0x14];
	[tilespmem:v3+s4+$0x0] =	vst.idx.msk $0xffff, v4  }
0x63: {  	[tilespmem:s13], [sflag:$0x7] =	stream.linear.gather [hbm4b:s14+s4], $0x800, $0x38;
	[tilespmem:$0x1D4D0] =	vst v63  }
0x64: {  	_ =	swait.ge [sflag:s18], $0x800  }
0x65: {  	[sflag:s18] =	ssyncset.done $0x0  }
0x66: {  	[sflag:s18] =	ssyncadd.s32 $0xFFFFF800  }
0x67: {  	s15 =	simm.s32 $0x810;
	s14 =	simm.s32 $0x800;
	v3 =	vld [tilespmem:s13+$0x0]  }
.LBB2_6:
0x68: {  	p1 =	sne.s32 s15, $0xFF0;
	_ =	sdelay $0x3  }
.Ltmp4:
0x69: {  	(pc) =	sbr.rel @p1 .LBB2_6-.Ltmp4, $4  }
0x6a: {  	_ = 	snop  }
0x6b: {  	v4 =	vor.u32 s14, v1;
	s14 =	smov.u32 s15  }
0x6c: {  	s13 =	sadd.s32 $0x10, s13;
	[tilespmem:v3+s4+$0x0] =	vst.idx.msk $0xffff, v4  }
0x6d: {  	s15 =	sadd.s32 $0x10, s15;
	v3 =	vld [tilespmem:s13+$0x0]  }
0x6e: {  	_ =	sdelay $0x6  }
0x6f: {  	v4 =	vor.u32 s14, v1  }
0x70: {  	s13 =	simm.s32 $0xE9D0;
	s30 =	rddreg [dreg:$0x1];
	[tilespmem:v3+s4+$0x0] =	vst.idx.msk $0xffff, v4  }
0x71: {  	[tilespmem:s13], [sflag:$0x7] =	stream.linear.gather [hbm4b:s30+s4], $0x800, $0x38;
	[tilespmem:$0x1D4D0] =	vst v63  }
0x72: {  	_ =	swait.ge [sflag:s18], $0x800  }
0x73: {  	[sflag:s18] =	ssyncset.done $0x0  }
0x74: {  	[sflag:s18] =	ssyncadd.s32 $0xFFFFF800  }
0x75: {  	s14 =	simm.s32 $0x1000;
	s15 =	simm.s32 $0x1010;
	v3 =	vld [tilespmem:s13+$0x0]  }
.LBB2_8:
0x76: {  	p1 =	sne.s32 s15, $0x17F0;
	_ =	sdelay $0x3  }
0x77: {  	v3 =	vadd.s32 $0x61A8, v3;
	_ =	sdelay $0x1  }
.Ltmp5:
0x78: {  	(pc) =	sbr.rel @p1 .LBB2_8-.Ltmp5, $4  }
0x79: {  	_ = 	snop  }
0x7a: {  	v4 =	vor.u32 s14, v1;
	s14 =	smov.u32 s15  }
0x7b: {  	s13 =	sadd.s32 $0x10, s13;
	[tilespmem:v3+s4+$0x0] =	vst.idx.msk $0xffff, v4  }
0x7c: {  	s15 =	sadd.s32 $0x10, s15;
	v3 =	vld [tilespmem:s13+$0x0]  }
0x7d: {  	_ =	sdelay $0x3  }
0x7e: {  	v3 =	vadd.s32 $0x61A8, v3;
	_ =	sdelay $0x3  }
0x7f: {  	v4 =	vor.u32 s14, v1  }
0x80: {  	s13 =	simm.s32 $0xE9D0;
	s30 =	rddreg [dreg:$0x15];
	[tilespmem:v3+s4+$0x0] =	vst.idx.msk $0xffff, v4  }
0x81: {  	[tilespmem:s13], [sflag:$0x7] =	stream.linear.gather [hbm4b:s30+s4], $0x800, $0x38;
	[tilespmem:$0x1D4D0] =	vst v63  }
0x82: {  	_ =	swait.ge [sflag:s18], $0x800  }
0x83: {  	[sflag:s18] =	ssyncset.done $0x0  }
0x84: {  	[sflag:s18] =	ssyncadd.s32 $0xFFFFF800  }
0x85: {  	s14 =	simm.s32 $0x1800;
	s15 =	simm.s32 $0x1810;
	v3 =	vld [tilespmem:s13+$0x0]  }
.LBB2_10:
0x86: {  	p1 =	sne.s32 s15, $0x1FF0;
	_ =	sdelay $0x3  }
0x87: {  	v3 =	vadd.s32 $0x61A8, v3;
	_ =	sdelay $0x1  }
.Ltmp6:
0x88: {  	(pc) =	sbr.rel @p1 .LBB2_10-.Ltmp6, $4  }
0x89: {  	_ = 	snop  }
0x8a: {  	v4 =	vor.u32 s14, v1;
	s14 =	smov.u32 s15  }
0x8b: {  	s13 =	sadd.s32 $0x10, s13;
	[tilespmem:v3+s4+$0x0] =	vst.idx.msk $0xffff, v4  }
0x8c: {  	s15 =	sadd.s32 $0x10, s15;
	v3 =	vld [tilespmem:s13+$0x0]  }
0x8d: {  	_ =	sdelay $0x3  }
0x8e: {  	v3 =	vadd.s32 $0x61A8, v3  }
.Ltmp7:
0x8f: {  	_ = 	snop;
	(pc) =	sbr.rel @p0 .LBB2_15-.Ltmp7, $3  }
0x90: {  	_ =	sdelay $0x1  }
0x91: {  	v4 =	vor.u32 s14, v1  }
0x92: {  	[tilespmem:v3+s4+$0x0] =	vst.idx.msk $0xffff, v4  }
0x93: {  	s13 =	simm.s32 $0x0;
	s14 =	rddreg [dreg:$0xf];
	s15 =	simm.s32 $0xC350  }
0x94: {  	[tilespmem:s15], [sflag:$0x7] =	stream.linear.gather [hbm4b:s14+s13], $0x100, $0x38;
	[tilespmem:$0x1D4D0] =	vst v63  }
0x95: {  	_ =	swait.ge [sflag:s18], $0x100  }
0x96: {  	[sflag:s18] =	ssyncset.done $0x0  }
0x97: {  	[sflag:s18] =	ssyncadd.s32 $0xFFFFFF00  }
0x98: {  	v3 =	vld [tilespmem:$0xC350];
	_ =	sdelay $0x5  }
0x99: {  	v4 =	vld [tilespmem:$0xC360];
	_ =	sdelay $0x1  }
0x9a: {  	v3 =	vld.idx.msk [tilespmem:v3+s13+$0x0], $0xffff;
	_ =	sdelay $0x3  }
0x9b: {  	v5 =	vld [tilespmem:$0xC370]  }
0x9c: {  	[tilespmem:$0x151D0] =	vst v3  }
0x9d: {  	v3 =	vld.idx.msk [tilespmem:v4+s13+$0x0], $0xffff;
	_ =	sdelay $0x3  }
0x9e: {  	v4 =	vld [tilespmem:$0xC380]  }
0x9f: {  	[tilespmem:$0x151E0] =	vst v3  }
0xa0: {  	v3 =	vld.idx.msk [tilespmem:v5+s13+$0x0], $0xffff;
	_ =	sdelay $0x3  }
0xa1: {  	v5 =	vld [tilespmem:$0xC390]  }
0xa2: {  	[tilespmem:$0x151F0] =	vst v3  }
0xa3: {  	v3 =	vld.idx.msk [tilespmem:v4+s13+$0x0], $0xffff;
	_ =	sdelay $0x3  }
0xa4: {  	v4 =	vld [tilespmem:$0xC3A0]  }
0xa5: {  	[tilespmem:$0x15200] =	vst v3  }
0xa6: {  	v3 =	vld.idx.msk [tilespmem:v5+s13+$0x0], $0xffff;
	_ =	sdelay $0x3  }
0xa7: {  	v5 =	vld [tilespmem:$0xC3B0]  }
0xa8: {  	[tilespmem:$0x15210] =	vst v3  }
0xa9: {  	v3 =	vld.idx.msk [tilespmem:v4+s13+$0x0], $0xffff;
	_ =	sdelay $0x3  }
0xaa: {  	v4 =	vld [tilespmem:$0xC3C0]  }
0xab: {  	[tilespmem:$0x15220] =	vst v3  }
0xac: {  	v3 =	vld.idx.msk [tilespmem:v5+s13+$0x0], $0xffff;
	_ =	sdelay $0x3  }
0xad: {  	v5 =	vld [tilespmem:$0xC3D0]  }
0xae: {  	[tilespmem:$0x15230] =	vst v3  }
0xaf: {  	v3 =	vld.idx.msk [tilespmem:v4+s13+$0x0], $0xffff;
	_ =	sdelay $0x3  }
0xb0: {  	v4 =	vld [tilespmem:$0xC3E0]  }
0xb1: {  	[tilespmem:$0x15240] =	vst v3  }
0xb2: {  	v3 =	vld.idx.msk [tilespmem:v5+s13+$0x0], $0xffff;
	_ =	sdelay $0x3  }
0xb3: {  	v5 =	vld [tilespmem:$0xC3F0]  }
0xb4: {  	[tilespmem:$0x15250] =	vst v3  }
0xb5: {  	v3 =	vld.idx.msk [tilespmem:v4+s13+$0x0], $0xffff;
	_ =	sdelay $0x3  }
0xb6: {  	v4 =	vld [tilespmem:$0xC400]  }
0xb7: {  	[tilespmem:$0x15260] =	vst v3  }
0xb8: {  	v3 =	vld.idx.msk [tilespmem:v5+s13+$0x0], $0xffff;
	_ =	sdelay $0x3  }
0xb9: {  	v5 =	vld [tilespmem:$0xC410]  }
0xba: {  	[tilespmem:$0x15270] =	vst v3  }
0xbb: {  	v3 =	vld.idx.msk [tilespmem:v4+s13+$0x0], $0xffff;
	_ =	sdelay $0x3  }
0xbc: {  	v4 =	vld [tilespmem:$0xC420]  }
0xbd: {  	[tilespmem:$0x15280] =	vst v3  }
0xbe: {  	v3 =	vld.idx.msk [tilespmem:v5+s13+$0x0], $0xffff;
	_ =	sdelay $0x3  }
0xbf: {  	v5 =	vld [tilespmem:$0xC430]  }
0xc0: {  	[tilespmem:$0x15290] =	vst v3  }
0xc1: {  	v3 =	vld.idx.msk [tilespmem:v4+s13+$0x0], $0xffff;
	_ =	sdelay $0x3  }
0xc2: {  	v4 =	vld [tilespmem:$0xC440]  }
0xc3: {  	[tilespmem:$0x152A0] =	vst v3  }
0xc4: {  	v3 =	vld.idx.msk [tilespmem:v5+s13+$0x0], $0xffff;
	_ =	sdelay $0x4  }
0xc5: {  	[tilespmem:$0x152B0] =	vst v3  }
0xc6: {  	v3 =	vld.idx.msk [tilespmem:v4+s13+$0x0], $0xffff;
	_ =	sdelay $0x4  }
0xc7: {  	s16 =	simm.s32 $0x151D0;
	s29 =	rddreg [dreg:$0x10];
	[tilespmem:$0x152C0] =	vst v3  }
0xc8: {  	[hbm4b:s29+s13] =	stream.linear.scatter [tilespmem:s16], [sflag:$0x7], $0x100, $0x38;
	[tilespmem:$0x1D4D0] =	vst v63  }
0xc9: {  	_ =	swait.ge [sflag:s18], $0x100  }
0xca: {  	[sflag:s18] =	ssyncset.done $0x0  }
0xcb: {  	s30 =	rddreg [dreg:$0x11];
	[sflag:s18] =	ssyncadd.s32 $0xFFFFFF00  }
0xcc: {  	[tilespmem:s15], [sflag:$0x7] =	stream.linear.gather [hbm4b:s30+s13], $0x100, $0x38;
	[tilespmem:$0x1D4D0] =	vst v63  }
0xcd: {  	_ =	swait.ge [sflag:s18], $0x100  }
0xce: {  	[sflag:s18] =	ssyncset.done $0x0  }
0xcf: {  	s14 =	simm.s32 $0x0;
	[sflag:s18] =	ssyncadd.s32 $0xFFFFFF00  }
0xd0: {  	v3 =	vld [tilespmem:s14+$0xC350];
	_ =	sdelay $0x4  }
0xd1: {  	s13 =	simm.s32 $0x10;
	v3 =	vadd.s32 $0x61A8, v3  }
0xd2: {  	v5 =	vld [tilespmem:s13+$0xC350];
	_ =	sdelay $0x3  }
0xd3: {  	v4 =	vld.idx.msk [tilespmem:v3+s4+$0x0], $0xffff  }
0xd4: {  	v3 =	vadd.s32 $0x61A8, v5  }
0xd5: {  	s16 =	simm.s32 $0xC0;
	s15 =	simm.s32 $0x20  }
.LBB2_13:
0xd6: {  	p1 =	sne.s32 s16, $0x3C0;
	v5 =	vld [tilespmem:s15+$0xC350];
	_ =	sdelay $0x1  }
.Ltmp8:
0xd7: {  	[tilespmem:s14+$0x151D0] =	vst v4;
	s14 =	smov.u32 s13;
	s13 =	smov.u32 s15;
	(pc) =	sbr.rel @p1 .LBB2_13-.Ltmp8, $3  }
0xd8: {  	v4 =	vld.idx.msk [tilespmem:v3+s4+$0x0], $0xffff;
	_ =	sdelay $0x1  }
0xd9: {  	v3 =	vadd.s32 $0x61A8, v5  }
0xda: {  	s15 =	sshra.s32 s16, $0x2;
	s16 =	sadd.s32 $0x40, s16  }
0xdb: {  	v5 =	vld [tilespmem:s15+$0xC350];
	_ =	sdelay $0x2  }
0xdc: {  	[tilespmem:s14+$0x151D0] =	vst v4  }
0xdd: {  	v3 =	vld.idx.msk [tilespmem:v3+s4+$0x0], $0xffff  }
0xde: {  	v63 =	vadd.s32 $0x61A8, v5;
	_ =	sdelay $0x3  }
0xdf: {  	[tilespmem:s13+$0x151D0] =	vst v3  }
0xe0: {  	v3 =	vld.idx.msk [tilespmem:v63+s4+$0x0], $0xffff;
	_ =	sdelay $0x4  }
0xe1: {  	s29 =	rddreg [dreg:$0x12];
	s30 =	simm.s32 $0x151D0;
	[tilespmem:s15+$0x151D0] =	vst v3  }
0xe2: {  	[hbm4b:s29+s4] =	stream.linear.scatter [tilespmem:s30], [sflag:$0x7], $0x100, $0x38;
	[tilespmem:$0x1D4D0] =	vst v63  }
0xe3: {  	_ =	swait.ge [sflag:s18], $0x100  }
0xe4: {  	[sflag:s18] =	ssyncset.done $0x0  }
0xe5: {  	[sflag:s18] =	ssyncadd.s32 $0xFFFFFF00  }
.LBB2_15:
.Ltmp9:
0xe6: {  	(pc) =	sbr.rel .LBB2_16-.Ltmp9, $3  }
0xe7: {  	_ =	sdelay $0x1  }
0xe8: {  	[bflag:$0x0] =	sbarrier.arrive $0xFFFF  }
0xe9: {  	s14 =	simm.s32 $0x0;
	s16 =	simm.s32 $0x0  }
.LBB2_28:
0xea: {  	s13 =	simm.s32 @!p1 $0x5  }
0xeb: {  	_ =	swait.ge @!p1 [sflag:s13], $0x2000  }
0xec: {  	p2 =	seq.s32 @!p1 s17, $0x1;
	[sflag:s13] =	ssyncset.done @!p1 $0x0  }
0xed: {  	p2 =	por p2, p1;
	[sflag:s13] =	ssyncadd.s32 @!p1 $0xFFFFE000;
	p1 =	sne.s32 s16, $0x8  }
.Ltmp10:
0xee: {  	_ = 	snop;
	(pc) =	sbr.rel @!p1 .LBB2_29-.Ltmp10, $4  }
0xef: {  	s13 =	simm.s32 @!p2 $0x6  }
0xf0: {  	_ =	swait.ge @!p2 [sflag:s13], $0x2000  }
0xf1: {  	[sflag:s13] =	ssyncset.done @!p2 $0x0  }
0xf2: {  	[sflag:s13] =	ssyncadd.s32 @!p2 $0xFFFFE000  }
.LBB2_16:
0xf3: {  	_ =	swait.ge [sflag:s31], $0xC80  }
0xf4: {  	[sflag:s31] =	ssyncset.done $0x0  }
0xf5: {  	[sflag:s31] =	ssyncadd.s32 $0xFFFFF380  }
0xf6: {  	_ =	swait.ge [sflag:s31], $0xC80  }
0xf7: {  	[sflag:s31] =	ssyncset.done $0x0  }
0xf8: {  	[sflag:s31] =	ssyncadd.s32 $0xFFFFF380  }
0xf9: {  	_ =	swait.ge [sflag:s31], $0xC80  }
0xfa: {  	[sflag:s31] =	ssyncset.done $0x0  }
0xfb: {  	s15 =	simm.s32 $0x0;
	[sflag:s31] =	ssyncadd.s32 $0xFFFFF380  }
0xfc: {  	v3 =	vld [tilespmem:s15+$0xC450];
	_ =	sdelay $0x7  }
0xfd: {  	v3 =	vld.idx.msk [tilespmem:v3+s4+$0x0], $0xffff;
	_ =	sdelay $0x4  }
0xfe: {  	vm0 =	vgt.s32 v3, $0xFFFFFFFF  }
0xff: {  	[tilespmem:s14+$0xE9D0] =	vst.msk vm0, v3  }
0x100: {  	v3 =	vld [tilespmem:s15+$0xD0D0]  }
0x101: {  	v4 =	vsel vm0, $0x1, v2  }
0x102: {  	(xrf0) =	vadd.scan.msk.s32 $0xffff, v4;
	_ =	sdelay $0x2  }
0x103: {  	[tilespmem:s14+$0xF6D0] =	vst.msk vm0, v3  }
0x104: {  	v3 =	vld [tilespmem:s15+$0xDD50];
	_ =	sdelay $0x1  }
0x105: {  	v4, _, _ =	vpop (xrf0)  }
0x106: {  	(v2sf) =	vpush v4, $0xF;
	_ =	sdelay $0x1  }
0x107: {  	[tilespmem:s14+$0x103D0] =	vst.msk vm0, v3  }
0x108: {  	v3 =	vld [tilespmem:s15+$0xC460];
	_ =	sdelay $0x7  }
0x109: {  	v3 =	vld.idx.msk [tilespmem:v3+s4+$0x0], $0xffff;
	_ =	sdelay $0x3  }
0x10a: {  	s13 =	spop (v2sf)  }
0x10b: {  	s13 =	sadd.s32 $0x0, s13;
	vm13 =	vgt.s32 v3, $0xFFFFFFFF  }
0x10c: {  	[tilespmem:s13+$0xE9D0] =	vst.msk vm13, v3  }
0x10d: {  	v3 =	vld [tilespmem:s15+$0xD0E0]  }
0x10e: {  	v4 =	vsel vm13, $0x1, v2  }
0x10f: {  	(xrf0) =	vadd.scan.msk.s32 $0xffff, v4;
	_ =	sdelay $0x2  }
0x110: {  	[tilespmem:s13+$0xF6D0] =	vst.msk vm13, v3  }
0x111: {  	v3 =	vld [tilespmem:s15+$0xDD60];
	_ =	sdelay $0x1  }
0x112: {  	v4, _, _ =	vpop (xrf0)  }
0x113: {  	(v2sf) =	vpush v4, $0xF;
	_ =	sdelay $0x1  }
0x114: {  	[tilespmem:s13+$0x103D0] =	vst.msk vm13, v3  }
0x115: {  	v3 =	vld [tilespmem:s15+$0xC470];
	_ =	sdelay $0x7  }
0x116: {  	v3 =	vld.idx.msk [tilespmem:v3+s4+$0x0], $0xffff;
	_ =	sdelay $0x3  }
0x117: {  	s17 =	spop (v2sf)  }
0x118: {  	s13 =	sadd.s32 s13, s17;
	vm14 =	vgt.s32 v3, $0xFFFFFFFF  }
0x119: {  	[tilespmem:s13+$0xE9D0] =	vst.msk vm14, v3  }
0x11a: {  	v3 =	vld [tilespmem:s15+$0xD0F0];
	_ =	sdelay $0x2  }
0x11b: {  	v4 =	vsel vm14, $0x1, v2  }
0x11c: {  	(xrf0) =	vadd.scan.msk.s32 $0xffff, v4  }
0x11d: {  	[tilespmem:s13+$0xF6D0] =	vst.msk vm14, v3  }
0x11e: {  	v3 =	vld [tilespmem:s15+$0xDD70];
	_ =	sdelay $0x3  }
0x11f: {  	v4, _, _ =	vpop (xrf0)  }
0x120: {  	(v2sf) =	vpush v4, $0xF;
	[tilespmem:s13+$0x103D0] =	vst.msk vm14, v3  }
0x121: {  	v3 =	vld [tilespmem:s15+$0xC480];
	_ =	sdelay $0x7  }
0x122: {  	v3 =	vld.idx.msk [tilespmem:v3+s4+$0x0], $0xffff;
	_ =	sdelay $0x4  }
0x123: {  	vm15 =	vgt.s32 v3, $0xFFFFFFFF  }
0x124: {  	s30 =	spop (v2sf);
	v4 =	vsel vm15, $0x1, v2  }
0x125: {  	s13 =	sadd.s32 s13, s30;
	(xrf0) =	vadd.scan.msk.s32 $0xffff, v4  }
0x126: {  	[tilespmem:s13+$0xE9D0] =	vst.msk vm15, v3  }
0x127: {  	v3 =	vld [tilespmem:s15+$0xD100];
	_ =	sdelay $0x3  }
0x128: {  	v4, _, _ =	vpop (xrf0)  }
0x129: {  	[tilespmem:s13+$0xF6D0] =	vst.msk vm15, v3;
	(v2sf) =	vpush v4, $0xF  }
0x12a: {  	v3 =	vld [tilespmem:s15+$0xDD80];
	_ =	sdelay $0x4  }
0x12b: {  	s18 =	simm.s32 $0x40;
	[tilespmem:s13+$0x103D0] =	vst.msk vm15, v3  }
0x12c: {  	v3 =	vld [tilespmem:s18+$0xC450];
	_ =	sdelay $0x7  }
0x12d: {  	s17 =	smov.u32 s16;
	s16 =	simm.s32 $0x200;
	v3 =	vld.idx.msk [tilespmem:v3+s4+$0x0], $0xffff;
	s15 =	spop (v2sf)  }
.LBB2_17:
0x12e: {  	p1 =	sne.s32 s16, $0x3100  }
0x12f: {  	s13 =	sadd.s32 s13, s15;
	s19 =	smov.u32 s16;
	s16 =	sadd.s32 $0x100, s16  }
0x130: {  	_ =	sdelay $0x1  }
0x131: {  	vm0 =	vgt.s32 v3, $0xFFFFFFFF  }
0x132: {  	[tilespmem:s13+$0xE9D0] =	vst.msk vm0, v3;
	v3 =	vsel vm0, $0x1, v2  }
0x133: {  	v4 =	vld [tilespmem:s18+$0xD0D0];
	(xrf0) =	vadd.scan.msk.s32 $0xffff, v3;
	_ =	sdelay $0x4  }
0x134: {  	[tilespmem:s13+$0xF6D0] =	vst.msk vm0, v4  }
0x135: {  	v3 =	vld [tilespmem:s18+$0xDD50];
	v4, _, _ =	vpop (xrf0)  }
0x136: {  	(v2sf) =	vpush v4, $0xF;
	_ =	sdelay $0x3  }
0x137: {  	[tilespmem:s13+$0x103D0] =	vst.msk vm0, v3  }
0x138: {  	v3 =	vld [tilespmem:s18+$0xC460];
	_ =	sdelay $0x7  }
0x139: {  	v3 =	vld.idx.msk [tilespmem:v3+s4+$0x0], $0xffff;
	_ =	sdelay $0x1  }
0x13a: {  	s15 =	spop (v2sf);
	_ =	sdelay $0x3  }
0x13b: {  	s13 =	sadd.s32 s13, s15;
	vm0 =	vgt.s32 v3, $0xFFFFFFFF  }
0x13c: {  	[tilespmem:s13+$0xE9D0] =	vst.msk vm0, v3;
	v3 =	vsel vm0, $0x1, v2  }
0x13d: {  	v4 =	vld [tilespmem:s18+$0xD0E0];
	(xrf0) =	vadd.scan.msk.s32 $0xffff, v3;
	_ =	sdelay $0x4  }
0x13e: {  	[tilespmem:s13+$0xF6D0] =	vst.msk vm0, v4  }
0x13f: {  	v3 =	vld [tilespmem:s18+$0xDD60];
	v4, _, _ =	vpop (xrf0)  }
0x140: {  	(v2sf) =	vpush v4, $0xF;
	_ =	sdelay $0x3  }
0x141: {  	[tilespmem:s13+$0x103D0] =	vst.msk vm0, v3  }
0x142: {  	v3 =	vld [tilespmem:s18+$0xC470];
	_ =	sdelay $0x7  }
0x143: {  	v3 =	vld.idx.msk [tilespmem:v3+s4+$0x0], $0xffff;
	_ =	sdelay $0x1  }
0x144: {  	s15 =	spop (v2sf);
	_ =	sdelay $0x3  }
0x145: {  	s13 =	sadd.s32 s13, s15;
	vm0 =	vgt.s32 v3, $0xFFFFFFFF  }
0x146: {  	[tilespmem:s13+$0xE9D0] =	vst.msk vm0, v3;
	v3 =	vsel vm0, $0x1, v2  }
0x147: {  	v4 =	vld [tilespmem:s18+$0xD0F0];
	(xrf0) =	vadd.scan.msk.s32 $0xffff, v3;
	_ =	sdelay $0x4  }
0x148: {  	[tilespmem:s13+$0xF6D0] =	vst.msk vm0, v4  }
0x149: {  	v3 =	vld [tilespmem:s18+$0xDD70];
	v4, _, _ =	vpop (xrf0)  }
0x14a: {  	(v2sf) =	vpush v4, $0xF;
	_ =	sdelay $0x3  }
0x14b: {  	[tilespmem:s13+$0x103D0] =	vst.msk vm0, v3  }
0x14c: {  	v3 =	vld [tilespmem:s18+$0xC480];
	_ =	sdelay $0x7  }
0x14d: {  	v3 =	vld.idx.msk [tilespmem:v3+s4+$0x0], $0xffff;
	_ =	sdelay $0x1  }
0x14e: {  	s15 =	spop (v2sf);
	_ =	sdelay $0x3  }
0x14f: {  	s13 =	sadd.s32 s13, s15;
	vm0 =	vgt.s32 v3, $0xFFFFFFFF  }
0x150: {  	[tilespmem:s13+$0xE9D0] =	vst.msk vm0, v3;
	v3 =	vsel vm0, $0x1, v2  }
0x151: {  	v4 =	vld [tilespmem:s18+$0xD100];
	(xrf0) =	vadd.scan.msk.s32 $0xffff, v3;
	_ =	sdelay $0x4  }
0x152: {  	[tilespmem:s13+$0xF6D0] =	vst.msk vm0, v4  }
0x153: {  	v3 =	vld [tilespmem:s18+$0xDD80];
	v4, _, _ =	vpop (xrf0)  }
0x154: {  	(v2sf) =	vpush v4, $0xF;
	_ =	sdelay $0x3  }
0x155: {  	s18 =	sshra.s32 s19, $0x2;
	[tilespmem:s13+$0x103D0] =	vst.msk vm0, v3  }
0x156: {  	v3 =	vld [tilespmem:s18+$0xC450];
	_ =	sdelay $0x5  }
.Ltmp11:
0x157: {  	(pc) =	sbr.rel @p1 .LBB2_17-.Ltmp11, $3  }
0x158: {  	_ = 	snop  }
0x159: {  	v3 =	vld.idx.msk [tilespmem:v3+s4+$0x0], $0xffff;
	_ =	sdelay $0x1  }
0x15a: {  	s15 =	spop (v2sf)  }
0x15b: {  	_ =	sdelay $0x1  }
0x15c: {  	s13 =	sadd.s32 s13, s15;
	vm0 =	vgt.s32 v3, $0xFFFFFFFF  }
0x15d: {  	[tilespmem:s13+$0xE9D0] =	vst.msk vm0, v3  }
0x15e: {  	v3 =	vld [tilespmem:s18+$0xD0D0]  }
0x15f: {  	v4 =	vsel vm0, $0x1, v2  }
0x160: {  	(xrf0) =	vadd.scan.msk.s32 $0xffff, v4;
	_ =	sdelay $0x2  }
0x161: {  	[tilespmem:s13+$0xF6D0] =	vst.msk vm0, v3  }
0x162: {  	v3 =	vld [tilespmem:s18+$0xDD50];
	_ =	sdelay $0x1  }
0x163: {  	v4, _, _ =	vpop (xrf0)  }
0x164: {  	(v2sf) =	vpush v4, $0xF;
	_ =	sdelay $0x1  }
0x165: {  	[tilespmem:s13+$0x103D0] =	vst.msk vm0, v3  }
0x166: {  	v3 =	vld [tilespmem:s18+$0xC460];
	_ =	sdelay $0x7  }
0x167: {  	v3 =	vld.idx.msk [tilespmem:v3+s4+$0x0], $0xffff;
	_ =	sdelay $0x3  }
0x168: {  	s16 =	spop (v2sf)  }
0x169: {  	s13 =	sadd.s32 s13, s16;
	vm13 =	vgt.s32 v3, $0xFFFFFFFF  }
0x16a: {  	[tilespmem:s13+$0xE9D0] =	vst.msk vm13, v3  }
0x16b: {  	v3 =	vld [tilespmem:s18+$0xD0E0]  }
0x16c: {  	v57 =	vsel vm13, $0x1, v2  }
0x16d: {  	(xrf0) =	vadd.scan.msk.s32 $0xffff, v57;
	_ =	sdelay $0x2  }
0x16e: {  	[tilespmem:s13+$0xF6D0] =	vst.msk vm13, v3  }
0x16f: {  	v3 =	vld [tilespmem:s18+$0xDD60];
	_ =	sdelay $0x1  }
0x170: {  	v4, _, _ =	vpop (xrf0)  }
0x171: {  	(v2sf) =	vpush v4, $0xF;
	_ =	sdelay $0x1  }
0x172: {  	[tilespmem:s13+$0x103D0] =	vst.msk vm13, v3  }
0x173: {  	v3 =	vld [tilespmem:s18+$0xC470];
	_ =	sdelay $0x7  }
0x174: {  	v3 =	vld.idx.msk [tilespmem:v3+s4+$0x0], $0xffff;
	_ =	sdelay $0x3  }
0x175: {  	s19 =	spop (v2sf)  }
0x176: {  	s13 =	sadd.s32 s13, s19;
	vm14 =	vgt.s32 v3, $0xFFFFFFFF  }
0x177: {  	[tilespmem:s13+$0xE9D0] =	vst.msk vm14, v3  }
0x178: {  	v3 =	vld [tilespmem:s18+$0xD0F0];
	_ =	sdelay $0x4  }
0x179: {  	[tilespmem:s13+$0xF6D0] =	vst.msk vm14, v3  }
0x17a: {  	v3 =	vld [tilespmem:s18+$0xDD70];
	_ =	sdelay $0x4  }
0x17b: {  	[tilespmem:s13+$0x103D0] =	vst.msk vm14, v3  }
0x17c: {  	v3 =	vld [tilespmem:s18+$0xC480]  }
0x17d: {  	v58 =	vsel vm14, $0x1, v2  }
0x17e: {  	(xrf0) =	vadd.scan.msk.s32 $0xffff, v58;
	_ =	sdelay $0x5  }
0x17f: {  	v4, _, _ =	vpop (xrf0);
	v3 =	vld.idx.msk [tilespmem:v3+s4+$0x0], $0xffff  }
0x180: {  	(v2sf) =	vpush v4, $0xF;
	_ =	sdelay $0x3  }
0x181: {  	vm15 =	vgt.s32 v3, $0xFFFFFFFF  }
0x182: {  	v59 =	vsel vm15, $0x1, v2  }
0x183: {  	(xrf0) =	vadd.scan.msk.s32 $0xffff, v59;
	_ =	sdelay $0x5  }
0x184: {  	v4, _, _ =	vpop (xrf0)  }
0x185: {  	(v2sf) =	vpush v4, $0xF;
	_ =	sdelay $0x1  }
0x186: {  	s20 =	spop (v2sf)  }
0x187: {  	s13 =	sadd.s32 s13, s20  }
0x188: {  	[tilespmem:s13+$0xE9D0] =	vst.msk vm15, v3  }
0x189: {  	v3 =	vld [tilespmem:s18+$0xD100];
	_ =	sdelay $0x4  }
0x18a: {  	[tilespmem:s13+$0xF6D0] =	vst.msk vm15, v3  }
0x18b: {  	p1 =	seq.s32 s17, $0x7;
	s16 =	sadd.s32 $0x1, s17;
	v3 =	vld [tilespmem:s18+$0xDD80]  }
0x18c: {  	s15 =	smul.u32 @!p1 $0xC80, s16;
	_ =	sdelay $0x1  }
0x18d: {  	s15 =	sadd.s32 @!p1 s10, s15  }
0x18e: {  	s15 =	sshrl.u32 @!p1 s15, $0x3;
	s19 =	simm.s32 @!p1 $0xC450;
	s25 =	spop (v2sf)  }
0x18f: {  	s18 =	simm.s32 @!p1 $0x0;
	[tilespmem:s13+$0x103D0] =	vst.msk vm15, v3;
	s17 =	sadd.s32 s13, s25;
	s13 =	sadd.s32 @!p1 s7, s15  }
0x190: {  	[tilespmem:s19], [sflag:$0x1] =	stream.linear.gather @!p1 [hbm4b:s13+s18], $0xC80, $0x38;
	v3 =	vadd.s32 s17, v1;
	[tilespmem:$0x1D4D0] =	vst v63  }
0x191: {  	s13 =	sadd.s32 @!p1 s8, s15;
	s19 =	simm.s32 @!p1 $0xD0D0;
	s26 =	sadd.s32 $0x10, s17  }
0x192: {  	[tilespmem:s19], [sflag:$0x1] =	stream.linear.gather @!p1 [hbm4b:s13+s18], $0xC80, $0x38;
	[tilespmem:$0x1D4D0] =	vst v63  }
0x193: {  	s15 =	sadd.s32 @!p1 s9, s15;
	v60 =	vadd.s32 s26, v1;
	s19 =	simm.s32 @!p1 $0xDD50  }
0x194: {  	[tilespmem:s19], [sflag:$0x1] =	stream.linear.gather @!p1 [hbm4b:s15+s18], $0xC80, $0x38;
	[tilespmem:$0x1D4D0] =	vst v63  }
0x195: {  	s28 =	sadd.s32 $0x20, s17;
	[tilespmem:v3+s1+$0x0] =	vst.idx.msk $0xffff, v2  }
0x196: {  	v5 =	vadd.s32 s28, v1;
	[tilespmem:v3+s2+$0x0] =	vst.idx.msk $0xffff, v2  }
0x197: {  	[tilespmem:v3+s21+$0x0] =	vst.idx.msk $0xffff, v0  }
0x198: {  	s29 =	sadd.s32 $0x30, s17;
	[tilespmem:v60+s1+$0x0] =	vst.idx.msk $0xffff, v2  }
0x199: {  	v3 =	vadd.s32 s29, v1;
	[tilespmem:v60+s2+$0x0] =	vst.idx.msk $0xffff, v2  }
0x19a: {  	[tilespmem:v60+s21+$0x0] =	vst.idx.msk $0xffff, v0  }
0x19b: {  	s30 =	sadd.s32 $0x40, s17;
	[tilespmem:v5+s1+$0x0] =	vst.idx.msk $0xffff, v2  }
0x19c: {  	v61 =	vadd.s32 s30, v1;
	[tilespmem:v5+s2+$0x0] =	vst.idx.msk $0xffff, v2  }
0x19d: {  	[tilespmem:v5+s21+$0x0] =	vst.idx.msk $0xffff, v0  }
0x19e: {  	s15 =	sadd.s32 $0x50, s17;
	[tilespmem:v3+s1+$0x0] =	vst.idx.msk $0xffff, v2  }
0x19f: {  	v62 =	vadd.s32 s15, v1;
	[tilespmem:v3+s2+$0x0] =	vst.idx.msk $0xffff, v2  }
0x1a0: {  	[tilespmem:v3+s21+$0x0] =	vst.idx.msk $0xffff, v0  }
0x1a1: {  	s18 =	sadd.s32 $0x60, s17;
	[tilespmem:v61+s1+$0x0] =	vst.idx.msk $0xffff, v2  }
0x1a2: {  	s20 =	sadd.s32 $0x7F, s17;
	v3 =	vadd.s32 s18, v1;
	[tilespmem:v61+s2+$0x0] =	vst.idx.msk $0xffff, v2  }
0x1a3: {  	s25 =	sand.u32 $0x7F, s20;
	p5 =	slt.s32 s20, $0x1;
	[tilespmem:v61+s21+$0x0] =	vst.idx.msk $0xffff, v0  }
0x1a4: {  	p2 =	sne.s32 s25, $0x0;
	s19 =	sadd.s32 $0x70, s17;
	s17 =	sshra.s32 s20, $0x1F;
	[tilespmem:v62+s1+$0x0] =	vst.idx.msk $0xffff, v2  }
0x1a5: {  	p1 =	por !p5, !p2;
	v63 =	vadd.s32 s19, v1;
	s26 =	sshrl.u32 s17, $0x19;
	[tilespmem:v62+s2+$0x0] =	vst.idx.msk $0xffff, v2  }
0x1a6: {  	p1 =	por !p1, !p1;
	s15 =	simm.s32 $0x1;
	s13 =	sadd.s32 s26, s20;
	[tilespmem:v62+s21+$0x0] =	vst.idx.msk $0xffff, v0  }
0x1a7: {  	s15 =	simm.s32 @!p1 $0x0;
	s13 =	sshra.s32 s13, $0x7;
	[tilespmem:v3+s1+$0x0] =	vst.idx.msk $0xffff, v2  }
0x1a8: {  	s17 =	ssub.s32 s13, s15;
	[tilespmem:v3+s2+$0x0] =	vst.idx.msk $0xffff, v2  }
0x1a9: {  	s28 =	sadd.s32 $0x1, s17;
	[tilespmem:v3+s21+$0x0] =	vst.idx.msk $0xffff, v0  }
0x1aa: {  	p1 =	slt.s32 s17, $0x1;
	p6 =	slt.s32 s17, $0x0;
	s29 =	sand.u32 $0x1, s28;
	[tilespmem:v63+s1+$0x0] =	vst.idx.msk $0xffff, v2  }
0x1ab: {  	s13 =	simm.s32 @!p1 $0x80;
	s15 =	simm.s32 @!p1 $0xF6D0;
	p3 =	seq.s32 s29, $0x1;
	[tilespmem:v63+s2+$0x0] =	vst.idx.msk $0xffff, v2  }
0x1ac: {  	s30 =	sshrl.u32 s28, $0x1F;
	p2 =	por !p6, !p3;
	s18 =	simm.s32 @!p1 $0x110D0;
	[tilespmem:v63+s21+$0x0] =	vst.idx.msk $0xffff, v0  }
0x1ad: {  	[tilespmem:s18], [sflag:$0x3] =	stream.indirect.gather @!p1 [hbm4b:s6+s13], $0x40, s15, s13, $0xb8;
	[tilespmem:$0x1D4D0] =	vst v63  }
0x1ae: {  	p2 =	por !p2, !p2;
	s13 =	sadd.s32 s30, s28;
	s15 =	simm.s32 $0x1  }
0x1af: {  	s13 =	sshra.s32 s13, $0x1;
	s15 =	simm.s32 @!p2 $0x0  }
0x1b0: {  	s18 =	ssub.s32 s13, s15  }
0x1b1: {  	p2 =	slt.s32 s18, $0x1  }
.Ltmp12:
0x1b2: {  	_ = 	snop;
	(pc) =	sbr.rel @!p2 .LBB2_19-.Ltmp12, $4  }
.Ltmp13:
0x1b3: {  	_ = 	snop;
	(pc) =	sbr.rel @p2 .LBB2_28-.Ltmp13, $4  }
0x1b4: {  	_ = 	snop  }
0x1b5: {  	_ = 	snop  }
0x1b6: {  	s19 =	simm.s32 $0x0;
	s20 =	simm.s32 $0x0  }
0x1b7: {  	_ = 	snop  }
.LBB2_26:
0x1b8: {  	v8 =	vand.u32 $0xFFFFFFFE, v8  }
0x1b9: {  	v5 =	vmul.f32 v5, v3;
	v8 =	vbroadcast v8, $0x0  }
0x1ba: {  	v4 =	vmul.f32 v4, v3  }
0x1bb: {  	v6 =	vmul.f32 v6, v3;
	[tilespmem:s26+$0x0] =	vst v5  }
0x1bc: {  	s13 =	sadd.s32 $0x80, s25;
	v3 =	vmul.f32 v7, v3;
	[tilespmem:s26+$0x30] =	vst v4  }
0x1bd: {  	v55 =	vld [tilespmem:s13+$0xFFFFFFF0];
	[tilespmem:s26+$0x10] =	vst v6  }
0x1be: {  	[tilespmem:s26+$0x20] =	vst v3  }
0x1bf: {  	v3 =	vld.idx.msk [tilespmem:v8+s21+$0x0], $0xffff  }
0x1c0: {  	v56 =	vld [tilespmem:s13+$0xFFFFFFC0]  }
0x1c1: {  	v57 =	vld [tilespmem:s13+$0xFFFFFFD0]  }
0x1c2: {  	v58 =	vld [tilespmem:s13+$0xFFFFFFE0];
	_ =	sdelay $0x1  }
0x1c3: {  	v4 =	vmul.f32 v55, v3  }
0x1c4: {  	v59 =	vmov s30;
	v5 =	vmul.f32 v56, v3  }
0x1c5: {  	v6 =	vmul.f32 v57, v3;
	[tilespmem:s13+$0xFFFFFFF0] =	vst v4  }
0x1c6: {  	v3 =	vmul.f32 v58, v3;
	[tilespmem:s13+$0xFFFFFFC0] =	vst v5  }
0x1c7: {  	[tilespmem:s13+$0xFFFFFFD0] =	vst v6  }
0x1c8: {  	v60 =	vld [tilespmem:s13+$0x0];
	[tilespmem:s13+$0xFFFFFFE0] =	vst v3  }
0x1c9: {  	v3 =	vld.idx.msk [tilespmem:v59+s21+$0x0], $0xffff  }
0x1ca: {  	v61 =	vld [tilespmem:s13+$0x30]  }
0x1cb: {  	v62 =	vld [tilespmem:s13+$0x10]  }
0x1cc: {  	v63 =	vld [tilespmem:s13+$0x20];
	_ =	sdelay $0x1  }
0x1cd: {  	v4 =	vmul.f32 v60, v3  }
0x1ce: {  	v5 =	vmul.f32 v61, v3  }
0x1cf: {  	v6 =	vmul.f32 v62, v3;
	[tilespmem:s13+$0x0] =	vst v4  }
0x1d0: {  	v3 =	vmul.f32 v63, v3;
	[tilespmem:s13+$0x30] =	vst v5  }
0x1d1: {  	[tilespmem:s13+$0x10] =	vst v6  }
0x1d2: {  	[tilespmem:s13+$0x20] =	vst v3  }
0x1d3: {  	[spmem:s3] =	stream.indirect.scatter.add.f32 [tilespmem:s12], [sflag:$0x6], $0x40, s11, s23, $0xb8;
	[tilespmem:$0x1D4D0] =	vst v63  }
.LBB2_27:
0x1d4: {  	s20 =	sadd.s32 $0x1, s20  }
0x1d5: {  	p2 =	sne.s32 s20, s18  }
.Ltmp14:
0x1d6: {  	_ = 	snop;
	(pc) =	sbr.rel @!p2 .LBB2_28-.Ltmp14, $2  }
0x1d7: {  	_ =	sdelay $0x2  }
0x1d8: {  	s19 =	sadd.s32 $0x100, s19  }
.LBB2_19:
0x1d9: {  	s26 =	sshll.u32 s20, $0x1  }
0x1da: {  	p3 =	sge.s32 s26, s17  }
.Ltmp15:
0x1db: {  	_ = 	snop;
	(pc) =	sbr.rel @p3 .LBB2_23-.Ltmp15, $3  }
0x1dc: {  	_ =	sdelay $0x1  }
0x1dd: {  	s25 =	sshllo.u32 s20, $0x1  }
0x1de: {  	p2 =	sge.s32 s25, s17  }
0x1df: {  	p3 =	seq.s32 @!p2 s20, $0x0  }
0x1e0: {  	p3 =	por p3, p2  }
0x1e1: {  	s13 =	simm.s32 @!p3 $0x6  }
0x1e2: {  	_ =	swait.ge @!p3 [sflag:s13], $0x2000  }
0x1e3: {  	s15 =	sshll.u32 @!p2 s25, $0x9;
	[sflag:s13] =	ssyncset.done @!p3 $0x0  }
0x1e4: {  	s28 =	simm.s32 @!p2 $0x130D0;
	[sflag:s13] =	ssyncadd.s32 @!p3 $0xFFFFE000;
	s13 =	sshra.s32 @!p2 s15, $0x2  }
0x1e5: {  	s29 =	sshll.u32 s20, $0x8;
	s15 =	simm.s32 @!p2 $0x80;
	s13 =	sadd.s32 @!p2 $0xF6D0, s13  }
0x1e6: {  	[tilespmem:s28], [sflag:$0x4] =	stream.indirect.gather @!p2 [hbm4b:s6+s15], $0x40, s13, s15, $0xb8;
	[tilespmem:$0x1D4D0] =	vst v63  }
0x1e7: {  	v3 =	vld [tilespmem:s29+$0xE9D0];
	_ =	sdelay $0x4  }
0x1e8: {  	[tilespmem:$0x150D0] =	vst v3  }
0x1e9: {  	v3 =	vld [tilespmem:s29+$0xE9E0];
	_ =	sdelay $0x4  }
0x1ea: {  	[tilespmem:$0x150E0] =	vst v3  }
0x1eb: {  	v3 =	vld [tilespmem:s29+$0xE9F0];
	_ =	sdelay $0x4  }
0x1ec: {  	[tilespmem:$0x150F0] =	vst v3  }
0x1ed: {  	v3 =	vld [tilespmem:s29+$0xEA00];
	_ =	sdelay $0x4  }
0x1ee: {  	[tilespmem:$0x15100] =	vst v3  }
0x1ef: {  	v3 =	vld [tilespmem:s29+$0xEA10];
	_ =	sdelay $0x4  }
0x1f0: {  	[tilespmem:$0x15110] =	vst v3  }
0x1f1: {  	v3 =	vld [tilespmem:s29+$0xEA20];
	_ =	sdelay $0x4  }
0x1f2: {  	[tilespmem:$0x15120] =	vst v3  }
0x1f3: {  	v3 =	vld [tilespmem:s29+$0xEA30];
	_ =	sdelay $0x4  }
0x1f4: {  	[tilespmem:$0x15130] =	vst v3  }
0x1f5: {  	v3 =	vld [tilespmem:s29+$0xEA40]  }
0x1f6: {  	s15 =	sadd.s32 $0x0, s19  }
0x1f7: {  	v4 =	vmov s15  }
0x1f8: {  	v4 =	vand.u32 $0xFFFFFFFE, v4  }
0x1f9: {  	v4 =	vbroadcast v4, $0x0  }
0x1fa: {  	[tilespmem:$0x15140] =	vst v3  }
0x1fb: {  	_ =	swait.ge [sflag:s22], $0x2000  }
0x1fc: {  	[sflag:s22] =	ssyncset.done $0x0  }
0x1fd: {  	s28 =	simm.s32 $0x11110;
	[sflag:s22] =	ssyncadd.s32 $0xFFFFE000  }
0x1fe: {  	v3 =	vld [tilespmem:s28+$0xFFFFFFF0]  }
0x1ff: {  	v4 =	vld.idx.msk [tilespmem:v4+s21+$0x0], $0xffff  }
0x200: {  	v5 =	vld [tilespmem:s28+$0xFFFFFFC0]  }
0x201: {  	v6 =	vld [tilespmem:s28+$0xFFFFFFD0]  }
0x202: {  	v7 =	vld [tilespmem:s28+$0xFFFFFFE0];
	_ =	sdelay $0x1  }
0x203: {  	s13 =	sadd.s32 $0x1, s15;
	v3 =	vmul.f32 v3, v4  }
0x204: {  	v8 =	vmov s13;
	v5 =	vmul.f32 v5, v4  }
0x205: {  	v6 =	vmul.f32 v6, v4;
	[tilespmem:s28+$0xFFFFFFF0] =	vst v3  }
0x206: {  	v3 =	vmul.f32 v7, v4;
	[tilespmem:s28+$0xFFFFFFC0] =	vst v5  }
0x207: {  	[tilespmem:s28+$0xFFFFFFD0] =	vst v6;
	v4 =	vld [tilespmem:s28+$0x30]  }
0x208: {  	v7 =	vld [tilespmem:s28+$0x0];
	[tilespmem:s28+$0xFFFFFFE0] =	vst v3  }
0x209: {  	v3 =	vld.idx.msk [tilespmem:v8+s21+$0x0], $0xffff  }
0x20a: {  	s29 =	sadd.s32 $0x2, s19;
	v5 =	vld [tilespmem:s28+$0x10]  }
0x20b: {  	s30 =	simm.s32 $0x11110;
	s15 =	simm.s32 $0x4;
	s13 =	sadd.s32 $0x1, s29;
	v6 =	vld [tilespmem:s28+$0x20];
	v8 =	vmov s29  }
.LBB2_21:
0x20c: {  	p3 =	sne.s32 s15, $0x7E  }
0x20d: {  	v8 =	vand.u32 $0xFFFFFFFE, v8;
	s28 =	sadd.s32 $0x80, s28;
	s29 =	smov.u32 s15;
	s15 =	sadd.s32 $0x2, s15  }
0x20e: {  	v8 =	vbroadcast v8, $0x0;
	v7 =	vmul.f32 v7, v3  }
0x20f: {  	v4 =	vmul.f32 v4, v3;
	v5 =	vmul.f32 v5, v3  }
0x210: {  	[tilespmem:s30+$0x0] =	vst v7;
	v3 =	vmul.f32 v6, v3  }
0x211: {  	[tilespmem:s30+$0x30] =	vst v4  }
0x212: {  	v4 =	vld [tilespmem:s28+$0xFFFFFFF0];
	[tilespmem:s30+$0x10] =	vst v5  }
0x213: {  	v5 =	vld [tilespmem:s28+$0xFFFFFFD0];
	[tilespmem:s30+$0x20] =	vst v3;
	s30 =	smov.u32 s28  }
0x214: {  	v3 =	vld.idx.msk [tilespmem:v8+s21+$0x0], $0xffff  }
0x215: {  	v6 =	vld [tilespmem:s28+$0xFFFFFFC0]  }
0x216: {  	v7 =	vld [tilespmem:s28+$0xFFFFFFE0];
	_ =	sdelay $0x3  }
0x217: {  	v4 =	vmul.f32 v4, v3;
	v6 =	vmul.f32 v6, v3  }
0x218: {  	v5 =	vmul.f32 v5, v3;
	v3 =	vmul.f32 v7, v3;
	v7 =	vmov s13  }
0x219: {  	[tilespmem:s28+$0xFFFFFFF0] =	vst v4  }
0x21a: {  	[tilespmem:s28+$0xFFFFFFC0] =	vst v6  }
0x21b: {  	[tilespmem:s28+$0xFFFFFFD0] =	vst v5  }
0x21c: {  	[tilespmem:s28+$0xFFFFFFE0] =	vst v3;
	v4 =	vld [tilespmem:s28+$0x30]  }
.Ltmp16:
0x21d: {  	v3 =	vld.idx.msk [tilespmem:v7+s21+$0x0], $0xffff;
	(pc) =	sbr.rel @p3 .LBB2_21-.Ltmp16, $4  }
0x21e: {  	v7 =	vld [tilespmem:s28+$0x0]  }
0x21f: {  	v5 =	vld [tilespmem:s28+$0x10]  }
0x220: {  	s13 =	sadd.s32 s29, s19;
	v6 =	vld [tilespmem:s28+$0x20]  }
0x221: {  	v8 =	vmov s13;
	s13 =	sadd.s32 $0x1, s13  }
0x222: {  	v8 =	vand.u32 $0xFFFFFFFE, v8  }
0x223: {  	v4 =	vmul.f32 v4, v3;
	v8 =	vbroadcast v8, $0x0  }
0x224: {  	v7 =	vmul.f32 v7, v3  }
0x225: {  	v5 =	vmul.f32 v5, v3;
	[tilespmem:s30+$0x30] =	vst v4  }
0x226: {  	s15 =	sadd.s32 $0x80, s28;
	[tilespmem:s30+$0x0] =	vst v7;
	v3 =	vmul.f32 v6, v3  }
0x227: {  	v56 =	vld [tilespmem:s15+$0xFFFFFFF0];
	[tilespmem:s30+$0x10] =	vst v5  }
0x228: {  	[tilespmem:s30+$0x20] =	vst v3  }
0x229: {  	v3 =	vld.idx.msk [tilespmem:v8+s21+$0x0], $0xffff  }
0x22a: {  	v57 =	vld [tilespmem:s15+$0xFFFFFFC0]  }
0x22b: {  	v58 =	vld [tilespmem:s15+$0xFFFFFFD0]  }
0x22c: {  	v7 =	vld [tilespmem:s15+$0xFFFFFFE0];
	_ =	sdelay $0x1  }
0x22d: {  	v4 =	vmul.f32 v56, v3  }
0x22e: {  	v59 =	vmov s13;
	v5 =	vmul.f32 v57, v3  }
0x22f: {  	v6 =	vmul.f32 v58, v3;
	[tilespmem:s15+$0xFFFFFFF0] =	vst v4  }
0x230: {  	v3 =	vmul.f32 v7, v3;
	[tilespmem:s15+$0xFFFFFFC0] =	vst v5  }
0x231: {  	[tilespmem:s15+$0xFFFFFFD0] =	vst v6  }
0x232: {  	v60 =	vld [tilespmem:s15+$0x0];
	[tilespmem:s15+$0xFFFFFFE0] =	vst v3  }
0x233: {  	v3 =	vld.idx.msk [tilespmem:v59+s21+$0x0], $0xffff  }
0x234: {  	v61 =	vld [tilespmem:s15+$0x30]  }
0x235: {  	v62 =	vld [tilespmem:s15+$0x10]  }
0x236: {  	v63 =	vld [tilespmem:s15+$0x20];
	_ =	sdelay $0x1  }
0x237: {  	v4 =	vmul.f32 v60, v3  }
0x238: {  	v5 =	vmul.f32 v61, v3  }
0x239: {  	v6 =	vmul.f32 v62, v3;
	[tilespmem:s15+$0x0] =	vst v4  }
0x23a: {  	v3 =	vmul.f32 v63, v3;
	[tilespmem:s15+$0x30] =	vst v5  }
0x23b: {  	[tilespmem:s15+$0x10] =	vst v6  }
0x23c: {  	[tilespmem:s15+$0x20] =	vst v3  }
0x23d: {  	[spmem:s3] =	stream.indirect.scatter.add.f32 [tilespmem:s0], [sflag:$0x5], $0x40, s24, s23, $0xb8;
	[tilespmem:$0x1D4D0] =	vst v63  }
.LBB2_23:
.Ltmp17:
0x23e: {  	(pc) =	sbr.rel @p2 .LBB2_27-.Ltmp17, $1  }
0x23f: {  	_ =	sdelay $0x3  }
0x240: {  	s13 =	sadd.s32 $0x2, s26  }
0x241: {  	p2 =	sge.s32 s13, s17  }
0x242: {  	s15 =	simm.s32 @!p2 $0x5  }
0x243: {  	s13 =	sshll.u32 @!p2 s13, $0x9;
	_ =	swait.ge @!p2 [sflag:s15], $0x2000  }
0x244: {  	s26 =	simm.s32 @!p2 $0x110D0;
	s13 =	sshra.s32 @!p2 s13, $0x2;
	[sflag:s15] =	ssyncset.done @!p2 $0x0  }
0x245: {  	s13 =	sadd.s32 @!p2 $0xF6D0, s13;
	[sflag:s15] =	ssyncadd.s32 @!p2 $0xFFFFE000;
	s15 =	simm.s32 @!p2 $0x80  }
0x246: {  	[tilespmem:s26], [sflag:$0x3] =	stream.indirect.gather @!p2 [hbm4b:s6+s15], $0x40, s13, s15, $0xb8;
	[tilespmem:$0x1D4D0] =	vst v63  }
0x247: {  	s26 =	sshll.u32 s25, $0x7  }
0x248: {  	v3 =	vld [tilespmem:s26+$0xE9D0];
	_ =	sdelay $0x4  }
0x249: {  	[tilespmem:$0x15150] =	vst v3  }
0x24a: {  	v3 =	vld [tilespmem:s26+$0xE9E0];
	_ =	sdelay $0x4  }
0x24b: {  	[tilespmem:$0x15160] =	vst v3  }
0x24c: {  	v3 =	vld [tilespmem:s26+$0xE9F0];
	_ =	sdelay $0x4  }
0x24d: {  	[tilespmem:$0x15170] =	vst v3  }
0x24e: {  	v3 =	vld [tilespmem:s26+$0xEA00];
	_ =	sdelay $0x4  }
0x24f: {  	[tilespmem:$0x15180] =	vst v3  }
0x250: {  	v3 =	vld [tilespmem:s26+$0xEA10];
	_ =	sdelay $0x4  }
0x251: {  	[tilespmem:$0x15190] =	vst v3  }
0x252: {  	v3 =	vld [tilespmem:s26+$0xEA20];
	_ =	sdelay $0x4  }
0x253: {  	[tilespmem:$0x151A0] =	vst v3  }
0x254: {  	v3 =	vld [tilespmem:s26+$0xEA30];
	_ =	sdelay $0x4  }
0x255: {  	[tilespmem:$0x151B0] =	vst v3  }
0x256: {  	s29 =	sadd.s32 $0xFFFFFF80, s19;
	v3 =	vld [tilespmem:s26+$0xEA40]  }
0x257: {  	s25 =	sadd.s32 $0x100, s29  }
0x258: {  	v4 =	vmov s25  }
0x259: {  	v4 =	vand.u32 $0xFFFFFFFE, v4  }
0x25a: {  	v4 =	vbroadcast v4, $0x0  }
0x25b: {  	[tilespmem:$0x151C0] =	vst v3  }
0x25c: {  	_ =	swait.ge [sflag:s5], $0x2000  }
0x25d: {  	[sflag:s5] =	ssyncset.done $0x0  }
0x25e: {  	s25 =	simm.s32 $0x13110;
	[sflag:s5] =	ssyncadd.s32 $0xFFFFE000  }
0x25f: {  	v3 =	vld [tilespmem:s25+$0xFFFFFFF0]  }
0x260: {  	v4 =	vld.idx.msk [tilespmem:v4+s21+$0x0], $0xffff  }
0x261: {  	v5 =	vld [tilespmem:s25+$0xFFFFFFC0]  }
0x262: {  	v6 =	vld [tilespmem:s25+$0xFFFFFFD0]  }
0x263: {  	v7 =	vld [tilespmem:s25+$0xFFFFFFE0];
	_ =	sdelay $0x1  }
0x264: {  	s13 =	sadd.s32 $0x101, s29;
	v3 =	vmul.f32 v3, v4  }
0x265: {  	v8 =	vmov s13;
	v5 =	vmul.f32 v5, v4  }
0x266: {  	v6 =	vmul.f32 v6, v4;
	[tilespmem:s25+$0xFFFFFFF0] =	vst v3  }
0x267: {  	v3 =	vmul.f32 v7, v4;
	[tilespmem:s25+$0xFFFFFFC0] =	vst v5  }
0x268: {  	[tilespmem:s25+$0xFFFFFFD0] =	vst v6;
	v4 =	vld [tilespmem:s25+$0x30]  }
0x269: {  	v5 =	vld [tilespmem:s25+$0x0];
	[tilespmem:s25+$0xFFFFFFE0] =	vst v3  }
0x26a: {  	s26 =	sadd.s32 $0xFFFFFF82, s19;
	v3 =	vld.idx.msk [tilespmem:v8+s21+$0x0], $0xffff  }
0x26b: {  	s29 =	sadd.s32 $0x100, s26;
	v6 =	vld [tilespmem:s25+$0x10]  }
0x26c: {  	s28 =	simm.s32 $0xFFFFFF84;
	s30 =	sadd.s32 $0x101, s26;
	s26 =	simm.s32 $0x13110;
	v7 =	vld [tilespmem:s25+$0x20];
	v8 =	vmov s29  }
.LBB2_25:
0x26d: {  	p2 =	sne.s32 s28, $0xFFFFFFFE  }
0x26e: {  	v8 =	vand.u32 $0xFFFFFFFE, v8;
	s25 =	sadd.s32 $0x80, s25;
	s13 =	smov.u32 s28;
	s28 =	sadd.s32 $0x2, s28  }
0x26f: {  	v5 =	vmul.f32 v5, v3;
	v8 =	vbroadcast v8, $0x0  }
0x270: {  	v6 =	vmul.f32 v6, v3;
	v4 =	vmul.f32 v4, v3  }
0x271: {  	v3 =	vmul.f32 v7, v3;
	[tilespmem:s26+$0x0] =	vst v5  }
0x272: {  	[tilespmem:s26+$0x30] =	vst v4  }
0x273: {  	v4 =	vld [tilespmem:s25+$0xFFFFFFF0];
	[tilespmem:s26+$0x10] =	vst v6  }
0x274: {  	v5 =	vld [tilespmem:s25+$0xFFFFFFD0];
	[tilespmem:s26+$0x20] =	vst v3;
	s26 =	smov.u32 s25  }
0x275: {  	v3 =	vld.idx.msk [tilespmem:v8+s21+$0x0], $0xffff  }
0x276: {  	v6 =	vld [tilespmem:s25+$0xFFFFFFC0]  }
0x277: {  	v7 =	vld [tilespmem:s25+$0xFFFFFFE0];
	_ =	sdelay $0x3  }
0x278: {  	v4 =	vmul.f32 v4, v3;
	v6 =	vmul.f32 v6, v3  }
0x279: {  	v5 =	vmul.f32 v5, v3;
	v3 =	vmul.f32 v7, v3;
	v7 =	vmov s30  }
0x27a: {  	[tilespmem:s25+$0xFFFFFFF0] =	vst v4  }
0x27b: {  	[tilespmem:s25+$0xFFFFFFC0] =	vst v6  }
0x27c: {  	[tilespmem:s25+$0xFFFFFFD0] =	vst v5  }
0x27d: {  	[tilespmem:s25+$0xFFFFFFE0] =	vst v3;
	v4 =	vld [tilespmem:s25+$0x30]  }
.Ltmp18:
0x27e: {  	v3 =	vld.idx.msk [tilespmem:v7+s21+$0x0], $0xffff;
	(pc) =	sbr.rel @p2 .LBB2_25-.Ltmp18, $4  }
0x27f: {  	v5 =	vld [tilespmem:s25+$0x0]  }
0x280: {  	s13 =	sadd.s32 s13, s19;
	v6 =	vld [tilespmem:s25+$0x10]  }
0x281: {  	s15 =	sadd.s32 $0x100, s13;
	s30 =	sadd.s32 $0x101, s13;
	v7 =	vld [tilespmem:s25+$0x20]  }
0x282: {  	v8 =	vmov s15  }
.Ltmp19:
0x283: {  	_ = 	snop;
	(pc) =	sbr.rel .LBB2_26-.Ltmp19, $1  }
0x284: {  	_ =	sdelay $0x3  }
.LBB2_30:
0x285: {  	_ =	sfence.sel $0x180000  }
0x286: {  	[bflag:$0x0] =	sbarrier.arrive $0xFFFF  }
0x287: {  	_ =	strace $0x90000047  }
0x288: {  	s0 =	stileid.u32;
	[bflag:$0x2] =	sbarrier.arrive $0xFFFF  }
0x289: {  	p0 =	sne.s32 s0, $0x0;
	s0 =	rddreg [dreg:$0x4]  }
0x28a: {  	s0 =	sadd.s32 @!p0 $0x100000, s0  }
0x28b: {  	[sflag:s0] =	ssyncadd.tile.s32 @!p0 $0x1;
	_ =	shalt  }
.Lfunc_end2:
_tile_overlayer_lowered:
.L_overlay_start_2:
0x28c: {  	(tag) =	ssettag $0x2  }
0x28d: {  	s0 =	rddreg [dreg:$0x0];
	s2 =	stileid.u32  }
0x28e: {  	s1 =	rddreg [dreg:$0x1];
	p0 =	sne.s32 s2, $0x0  }
0x28f: {  	s3 =	rddreg [dreg:$0x2];
	[bflag:$0x3] =	sbarrier.arrive $0xFFFF;
	s2 =	simm.s32 @!p0 $0x1C07  }
0x290: {  	[timem:s3], [sflag:s2] =	dma.local @!p0 [hbm:s0], s1  }
0x291: {  	s0 =	simm.s32 @!p0 $0x7  }
0x292: {  	_ =	swait.ge @!p0 [sflag:s0], s1  }
0x293: {  	s1 =	ssub.s32 @!p0 $0x0, s1;
	[sflag:s0] =	ssyncset.done @!p0 $0x0  }
0x294: {  	[sflag:s0] =	ssyncadd.s32 @!p0 s1  }
0x295: {  	[bflag:$0x3] =	sbarrier.arrive $0xFFFF  }
0x296: {  	_ =	shalt  }

// kernel: kernel.7.cloned.1.call-start
scs
__scs_entry_jumppad:
0x0: {  	(pc) =	sbr.rel $0x88, $3  }
0x1: {  	(tag) =	ssettag $0x0;
	lr =	simm.s32 $0x1  }
0x2: {  	[smem:$0x3F9A] =	sst lr;
	_ =	strace $0xD0000000  }
0x3: {  	_ = 	snop  }
0x4: {  	_ = 	snop  }
0x5: {  	_ = 	snop  }
0x6: {  	_ = 	snop  }
0x7: {  	_ = 	snop  }
__scs_overlays_trampoline_lowered:
0x8: {  	[smem:$0x3FA9] =	sst s0  }
0x9: {  	[smem:$0x3FAA] =	sst s1  }
0xa: {  	[smem:$0x3FAB] =	sst s2  }
0xb: {  	[smem:$0x3FAC] =	sst s3  }
0xc: {  	[smem:$0x3FAD] =	sst s4  }
0xd: {  	[smem:$0x3FAE] =	sst s5  }
0xe: {  	[smem:$0x3FAF] =	sst s6  }
0xf: {  	[smem:$0x3FB0] =	sst s7  }
0x10: {  	[smem:$0x3FB1] =	sst s8  }
0x11: {  	[smem:$0x3FB2] =	sst s9;
	s0 =	simm.s32 @!p0 $0x0  }
0x12: {  	s1 =	sld [smem:$0x3F98];
	s0 =	simm.s32 @p0 $0x1  }
0x13: {  	[smem:$0x3FB3] =	sst s0;
	s0 =	simm.s32 @!p1 $0x0  }
0x14: {  	s2 =	sld [smem:$0x3F97];
	s0 =	simm.s32 @p1 $0x1  }
0x15: {  	[smem:$0x3FB4] =	sst s0;
	s0 =	simm.s32 @!p2 $0x0  }
0x16: {  	s3 =	sld [smem:$0x3FDB];
	s0 =	simm.s32 @p2 $0x1  }
0x17: {  	s4 =	simm.s32 $0x1BF5;
	[smem:$0x3FB6] =	sst s0  }
0x18: {  	s0 =	sld [smem:$0x3F99];
	_ =	swait.ge [sflag:s4], $0x0  }
0x19: {  	s7 =	sld [smem:$0x3F9A]  }
0x1a: {  	s8 =	sadd.s32 $0xFFFFE003, lr  }
0x1b: {  	s9 =	sadd.s32 $0xFFFFFEF7, lr;
	s5 =	simm.s32 $0xFFFFFFFF;
	p2 =	slt.u32 s8, $0xFFFFF086  }
0x1c: {  	p1 =	slt.u32 s9, $0xF7A;
	s5 =	simm.s32 @!p2 $0x0  }
0x1d: {  	s5 =	simm.s32 @p1 $0x1;
	p0 =	seq.s32 s7, s2  }
0x1e: {  	s7 =	smul.u32 @!p0 $0xF7A, s2;
	p2 =	seq.s32 @!p0 s5, $0x0  }
0x1f: {  	s9 =	smul.u32 $0xF7A, s1;
	s8 =	simm.s32 @!p0 $0x1BF5;
	p2 =	por !p2, p0  }
0x20: {  	[sflag:s8] =	ssyncset.s32 @!p0 $0xFFFFF086;
	s6 =	sadd.s32 @!p0 s3, s7;
	s7 =	simm.s32 @!p0 $0x108  }
0x21: {  	s3 =	sadd.s32 s3, s9;
	s6 =	sadd.s32 @!p0 $0x88, s6;
	s7 =	simm.s32 @p2 $0x1082  }
0x22: {  	[simem:s7], [sflag:s8] =	dma.local @!p0 [hbm:s6], $0xF7A  }
0x23: {  	s9 =	sor.u32 $0xD0000000, s2;
	s6 =	simm.s32 $0x108;
	_ =	swait.ge @!p0 [sflag:s8], $0x0  }
0x24: {  	s3 =	sadd.s32 $0x88, s3;
	s6 =	simm.s32 @!p1 $0x1082;
	[sflag:s4] =	ssyncset.s32 $0xFFFFF086  }
0x25: {  	[simem:s6], [sflag:s4] =	dma.local [hbm:s3], $0xF7A  }
0x26: {  	[smem:$0x3F9A] =	sst s1;
	(tag) =	ssettag s2;
	_ =	strace s9  }
0x27: {  	s1 =	sld [smem:$0x3FAA]  }
0x28: {  	s2 =	sld [smem:$0x3FAB]  }
0x29: {  	s4 =	sld [smem:$0x3FAD]  }
0x2a: {  	p0 =	seq.s32 s5, $0x0;
	s5 =	sld [smem:$0x3FAE]  }
0x2b: {  	s6 =	sld [smem:$0x3FAF]  }
0x2c: {  	s7 =	sld [smem:$0x3FB0]  }
0x2d: {  	s3 =	simm.s32 $0x108;
	s8 =	sld [smem:$0x3FB1]  }
0x2e: {  	s3 =	simm.s32 @!p0 $0x1082;
	s9 =	sld [smem:$0x3FB2]  }
0x2f: {  	lr =	sadd.s32 s0, s3;
	s0 =	sld [smem:$0x3FA9]  }
0x30: {  	s3 =	sld [smem:$0x3FAC]  }
0x31: {  	[smem:$0x3FB5] =	sst s10  }
0x32: {  	s10 =	sld [smem:$0x3FB3];
	_ =	sdelay $0x3  }
0x33: {  	p0 =	seq.s32 s10, $0x1;
	s10 =	sld [smem:$0x3FB5];
	_ =	sdelay $0x3  }
0x34: {  	[smem:$0x3FB5] =	sst s10  }
0x35: {  	s10 =	sld [smem:$0x3FB4];
	_ =	sdelay $0x3  }
0x36: {  	p1 =	seq.s32 s10, $0x1;
	s10 =	sld [smem:$0x3FB5];
	_ =	sdelay $0x3  }
0x37: {  	[smem:$0x3FB5] =	sst s10  }
0x38: {  	s10 =	sld [smem:$0x3FB6]  }
0x39: {  	_ = 	snop;
	(pc) =	sbr.ind lr, $3  }
0x3a: {  	_ = 	snop  }
0x3b: {  	_ = 	snop  }
0x3c: {  	p2 =	seq.s32 s10, $0x1;
	s10 =	sld [smem:$0x3FB5]  }
0x3d: {  	_ =	shalt  }
0x3e: {  	_ =	shalt  }
0x3f: {  	_ =	shalt  }
0x40: {  	_ =	shalt  }
0x41: {  	_ =	shalt  }
0x42: {  	_ =	shalt  }
0x43: {  	_ =	shalt  }
0x44: {  	_ =	shalt  }
0x45: {  	_ =	shalt  }
0x46: {  	_ =	shalt  }
0x47: {  	_ =	shalt  }
0x48: {  	_ =	shalt  }
0x49: {  	_ =	shalt  }
0x4a: {  	_ =	shalt  }
0x4b: {  	_ =	shalt  }
0x4c: {  	_ =	shalt  }
0x4d: {  	_ =	shalt  }
0x4e: {  	_ =	shalt  }
0x4f: {  	_ =	shalt  }
0x50: {  	_ =	shalt  }
0x51: {  	_ =	shalt  }
0x52: {  	_ =	shalt  }
0x53: {  	_ =	shalt  }
0x54: {  	_ =	shalt  }
0x55: {  	_ =	shalt  }
0x56: {  	_ =	shalt  }
0x57: {  	_ =	shalt  }
0x58: {  	_ =	shalt  }
0x59: {  	_ =	shalt  }
0x5a: {  	_ =	shalt  }
0x5b: {  	_ =	shalt  }
0x5c: {  	_ =	shalt  }
0x5d: {  	_ =	shalt  }
0x5e: {  	_ =	shalt  }
0x5f: {  	_ =	shalt  }
0x60: {  	_ =	shalt  }
0x61: {  	_ =	shalt  }
0x62: {  	_ =	shalt  }
0x63: {  	_ =	shalt  }
0x64: {  	_ =	shalt  }
0x65: {  	_ =	shalt  }
0x66: {  	_ =	shalt  }
0x67: {  	_ =	shalt  }
0x68: {  	_ =	shalt  }
0x69: {  	_ =	shalt  }
0x6a: {  	_ =	shalt  }
0x6b: {  	_ =	shalt  }
0x6c: {  	_ =	shalt  }
0x6d: {  	_ =	shalt  }
0x6e: {  	_ =	shalt  }
0x6f: {  	_ =	shalt  }
0x70: {  	_ =	shalt  }
0x71: {  	_ =	shalt  }
0x72: {  	_ =	shalt  }
0x73: {  	_ =	shalt  }
0x74: {  	_ =	shalt  }
0x75: {  	_ =	shalt  }
0x76: {  	_ =	shalt  }
0x77: {  	_ =	shalt  }
0x78: {  	_ =	shalt  }
0x79: {  	_ =	shalt  }
0x7a: {  	_ =	shalt  }
0x7b: {  	_ =	shalt  }
0x7c: {  	_ =	shalt  }
0x7d: {  	_ =	shalt  }
0x7e: {  	_ =	shalt  }
0x7f: {  	_ =	shalt  }
0x80: {  	_ =	shalt  }
0x81: {  	_ =	shalt  }
0x82: {  	_ =	shalt  }
0x83: {  	_ =	shalt  }
0x84: {  	_ =	shalt  }
0x85: {  	_ =	shalt  }
0x86: {  	_ =	shalt  }
0x87: {  	_ =	shalt  }
.Lfunc_end0:
.L_simem_size_0:
called_computation.1_lowered:
.L_overlay_start_0:
0x88: {  	s2 =	sld [smem:$0x3FD9]  }
0x89: {  	s3 =	sld [smem:$0x3FFE];
	_ =	sdelay $0x1  }
0x8a: {  	s1 =	srdreg.scid  }
0x8b: {  	s0 =	sand.u32 $0x1, s1  }
0x8c: {  	s17 =	sshll.u32 s0, $0xA;
	s2 =	sadd.s32 s3, s2  }
0x8d: {  	s2 =	sadd.s32 s2, s17  }
0x8e: {  	[smem:$0x3FC1] =	sst s2  }
0x8f: {  	_ = 	snop  }
0x90: {  	s2 =	sld [smem:$0x3FC9]  }
0x91: {  	s18 =	sld [smem:$0x3FC8]  }
0x92: {  	s4 =	sld [smem:$0x3FD0];
	(tm) =	ssettm $0x1  }
0x93: {  	s5 =	sld [smem:$0x3FFB];
	_ =	sdelay $0x3  }
0x94: {  	_ =	strace s5  }
0x95: {  	s5 =	sld [smem:$0x3FFC];
	_ =	sdelay $0x3  }
0x96: {  	_ =	strace s5  }
0x97: {  	s5 =	sld [smem:$0x3FFD];
	_ =	sdelay $0x3  }
0x98: {  	_ =	strace s5  }
0x99: {  	_ =	strace $0x8FFFFFFF  }
0x9a: {  	s19 =	sld [smem:$0x3FDB];
	_ =	sdelay $0x1  }
0x9b: {  	s6 =	simm.s32 $_scs_section_size  }
0x9c: {  	s7 =	simm.s32 $_size__tile_overlayer_lowered;
	s8 =	simm.s32 $_tile_overlayer_lowered  }
0x9d: {  	s22 =	simm.s32 $0x1BFF;
	s21 =	sshll.u32 s8, $0x1;
	s5 =	sadd.s32 s6, s19  }
0x9e: {  	s9 =	simm.s32 $0x0;
	s20 =	sshll.u32 s7, $0x1;
	s7 =	sadd.s32 s21, s5  }
0x9f: {  	[timem:s9], [sflag:s22] =	dma.local [hbm:s7], s20  }
0xa0: {  	_ =	swait.ge [sflag:s22], s20  }
0xa1: {  	s6 =	ssub.s32 $0x0, s20;
	[sflag:s22] =	ssyncset.done $0x0  }
0xa2: {  	[sflag:s22] =	ssyncadd.s32 s6;
	_ =	sdelay $0x1  }
0xa3: {  	s23 =	simm.s32 $0x1B8B  }
0xa4: {  	_ =	swait.ge [sflag:s23], $0x1  }
0xa5: {  	[sflag:s23] =	ssyncset.done $0x0  }
0xa6: {  	s25 =	simm.s32 $0x1B8E;
	s24 =	sld [smem:$0x3FFE];
	[sflag:s23] =	ssyncadd.s32 $0xFFFFFFFF  }
0xa7: {  	s26 =	simm.s32 $execute0_lowered;
	[smem:$0x3FD2] =	sst s25  }
0xa8: {  	s7 =	sshll.u32 s26, $0x1;
	_ =	strace $0x80000049;
	[dreg:$0x1] =	wrdreg $0xFFFFFFFF  }
0xa9: {  	s28 =	simm.s32 $_size_execute0_lowered;
	s5 =	sadd.s32 s5, s7;
	[dreg:$0x0] =	wrdreg $0x0  }
0xaa: {  	s7 =	sshll.u32 s28, $0x1;
	[dreg:$0x2] =	wrdreg s5  }
0xab: {  	[dreg:$0x3] =	wrdreg s7  }
0xac: {  	[dreg:$0x4] =	wrdreg $0xC0  }
0xad: {  	_ =	task [dreg:s9], $0x5FFFF  }
0xae: {  	[dreg:$0x1] =	wrdreg $0xFFFFFFFF  }
0xaf: {  	[dreg:$0x0] =	wrdreg $0x60  }
0xb0: {  	[dreg:$0x2] =	wrdreg s2  }
0xb1: {  	[dreg:$0x3] =	wrdreg s18  }
0xb2: {  	[dreg:$0x4] =	wrdreg s24  }
0xb3: {  	[dreg:$0x5] =	wrdreg s4  }
0xb4: {  	[dreg:$0x6] =	wrdreg $0x9  }
0xb5: {  	_ =	task.clear_ibuf [dreg:s9], $0x7FFFF;
	_ =	strace $0x90000049  }
0xb6: {  	s29 =	simm.s32 $0x9;
	_ =	strace $0x8000004B  }
0xb7: {  	_ =	swait.ge [sflag:s29], $0x1  }
0xb8: {  	[sflag:s29] =	ssyncadd.s32 $0xFFFFFFFF  }
0xb9: {  	_ =	strace $0x9000004B  }
0xba: {  	_ =	sfence  }
0xbb: {  	s30 =	sld [smem:$0x0];
	_ =	sdelay $0x2  }
0xbc: {  	s31 =	sshll.u32 s1, $0xD;
	s1 =	sshrl.u32 s1, $0x2  }
0xbd: {  	s3 =	sand.u32 $0x4000, s31;
	s1 =	sadd.s32 s1, s30  }
0xbe: {  	s0 =	sor.u32 s3, s0;
	s1 =	sshll.u32 s1, $0x11  }
0xbf: {  	s0 =	sor.u32 s1, s0  }
0xc0: {  	s0 =	sadd.s32 $0x8F2B, s0  }
0xc1: {  	[sflag:s0] =	ssyncadd.remote.s32 $0x1  }
0xc2: {  	_ =	sfence.sel $0xFFFF  }
0xc3: {  	[dreg:$0x0] =	wrdreg $0xFFFFFFFF;
	(pc) =	sbr.abs _section_cstart, $3  }
0xc4: {  	[dreg:$0x1] =	wrdreg $0xFFFFFFFF  }
0xc5: {  	_ =	task.clear_ibuf [dreg:s9], $0x2FFFF;
	_ =	strace $0x9FFFFFFF  }
0xc6: {  	(tm) =	ssettm $0x7FFFFFFF  }
0xc7: {  	_ =	shalt  }
tec
execute0_lowered:
.L_overlay_start_1:
0x0: {  	(tag) =	ssettag $0x1  }
0x1: {  	s6 =	rddreg [dreg:$0x0]  }
0x2: {  	s7 =	rddreg [dreg:$0x1]  }
0x3: {  	s8 =	rddreg [dreg:$0x2]  }
0x4: {  	s10 =	rddreg [dreg:$0x3]  }
0x5: {  	s0 =	rddreg [dreg:$0x4];
	s1 =	simm.s32 $0x0;
	s5 =	srdreg.scid  }
0x6: {  	s2 =	stileid.u32;
	s14 =	simm.s32 $0x100;
	s15 =	simm.s32 $0x180  }
0x7: {  	s16 =	simm.s32 $0x200;
	s17 =	simm.s32 $0x2200;
	s18 =	simm.s32 $0x4200  }
0x8: {  	s19 =	simm.s32 $0x6200;
	s20 =	simm.s32 $0x8200;
	s21 =	simm.s32 $0xA200  }
0x9: {  	s22 =	simm.s32 $0x1;
	s23 =	simm.s32 $0xC200;
	s24 =	simm.s32 $0x0  }
0xa: {  	[smem:$0x7FF] =	sst s1;
	s3 =	sadd.s32 $0x1400, s8;
	s5 =	sand.u32 $0x1, s5  }
0xb: {  	s4 =	sadd.s32 $0xAFA00, s8;
	s11 =	sshll.u32 s2, $0x4;
	s9 =	sshll.u32 s5, $0x8  }
0xc: {  	_ =	strace $0x8000004A;
	s12 =	ssub.s32 $0x2, s5;
	s11 =	sor.u32 s11, s9  }
0xd: {  	v0 =	vlaneseq.u32;
	s5 =	sadd.s32 $0xBFE00, s8;
	s31 =	sshrl.u32 s12, $0x1;
	s13 =	sadd.s32 s11, s8  }
0xe: {  	v6 =	vmul.u32 $0x40, v0;
	s12 =	ssub.s32 s12, s31;
	s6 =	sadd.s32 s6, s11;
	s7 =	sadd.s32 s7, s11  }
0xf: {  	s10 =	sadd.s32 s10, s11;
	s8 =	sadd.s32 $0xD0200, s13;
	s9 =	sadd.s32 $0xD0400, s13  }
0x10: {  	[tilespmem:$0x1FFF0] =	vst v6;
	s11 =	smax.u32 s12, $0x1;
	s12 =	simm.s32 $0x2;
	s13 =	simm.s32 $0x80  }
.LBB2_1:
0x11: {  	[tilespmem:s1], [sflag:$0x2] =	stream.linear.gather [hbm4b:s6+s1], $0x80, $0x38;
	[tilespmem:$0xC280] =	vst v63  }
0x12: {  	_ =	swait.ge [sflag:s12], $0x80  }
0x13: {  	[sflag:s12] =	ssyncset.done $0x0  }
0x14: {  	[sflag:s12] =	ssyncadd.s32 $0xFFFFFF80  }
0x15: {  	[tilespmem:s13], [sflag:$0x2] =	stream.linear.gather [hbm4b:s7+s1], $0x80, $0x38;
	[tilespmem:$0xC280] =	vst v63  }
0x16: {  	_ =	swait.ge [sflag:s12], $0x80  }
0x17: {  	[sflag:s12] =	ssyncset.done $0x0  }
0x18: {  	[sflag:s12] =	ssyncadd.s32 $0xFFFFFF80  }
0x19: {  	[tilespmem:s14], [sflag:$0x2] =	stream.linear.gather [hbm4b:s8+s1], $0x80, $0x38;
	[tilespmem:$0xC280] =	vst v63  }
0x1a: {  	_ =	swait.ge [sflag:s12], $0x80  }
0x1b: {  	[sflag:s12] =	ssyncset.done $0x0  }
0x1c: {  	[sflag:s12] =	ssyncadd.s32 $0xFFFFFF80  }
0x1d: {  	[tilespmem:s15], [sflag:$0x2] =	stream.linear.gather [hbm4b:s9+s1], $0x80, $0x38;
	[tilespmem:$0xC280] =	vst v63  }
0x1e: {  	_ =	swait.ge [sflag:s12], $0x80  }
0x1f: {  	[sflag:s12] =	ssyncset.done $0x0  }
0x20: {  	[sflag:s12] =	ssyncadd.s32 $0xFFFFFF80  }
0x21: {  	v0 =	vld [tilespmem:$0x80]  }
0x22: {  	v1 =	vld [tilespmem:$0x90]  }
0x23: {  	v2 =	vld [tilespmem:$0xA0]  }
0x24: {  	v3 =	vld [tilespmem:$0xB0]  }
0x25: {  	v4 =	vld [tilespmem:$0xC0]  }
0x26: {  	v5 =	vld [tilespmem:$0xD0];
	v0 =	vadd.s32 $0x61A8, v0  }
0x27: {  	v56 =	vld [tilespmem:$0xE0];
	v55 =	vadd.s32 $0x61A8, v1;
	[tilespmem:$0x80] =	vst v0  }
0x28: {  	v58 =	vld [tilespmem:$0xF0];
	v57 =	vadd.s32 $0x61A8, v2;
	[tilespmem:$0x90] =	vst v55  }
0x29: {  	v59 =	vadd.s32 $0x61A8, v3;
	[tilespmem:$0xA0] =	vst v57  }
0x2a: {  	v60 =	vadd.s32 $0x61A8, v4;
	[tilespmem:$0xB0] =	vst v59  }
0x2b: {  	v61 =	vadd.s32 $0x61A8, v5;
	[tilespmem:$0xC0] =	vst v60  }
0x2c: {  	v62 =	vadd.s32 $0x61A8, v56;
	[tilespmem:$0xD0] =	vst v61  }
0x2d: {  	v63 =	vadd.s32 $0x61A8, v58;
	[tilespmem:$0xE0] =	vst v62  }
0x2e: {  	[tilespmem:$0xF0] =	vst v63  }
0x2f: {  	[tilespmem:s16], [sflag:$0x1] =	stream.indirect.gather [hbm4b:s3+s13], $0x40, s1, s13, $0xb8;
	[tilespmem:$0xC280] =	vst v63  }
0x30: {  	_ = 	snop  }
0x31: {  	[tilespmem:s17], [sflag:$0x1] =	stream.indirect.gather [hbm4b:s3+s13], $0x40, s13, s13, $0xb8;
	[tilespmem:$0xC280] =	vst v63  }
0x32: {  	_ = 	snop  }
0x33: {  	[tilespmem:s18], [sflag:$0x1] =	stream.indirect.gather [hbm4b:s4+s13], $0x40, s14, s13, $0xb8;
	[tilespmem:$0xC280] =	vst v63  }
0x34: {  	_ = 	snop  }
0x35: {  	[tilespmem:s19], [sflag:$0x1] =	stream.indirect.gather [hbm4b:s5+s13], $0x40, s14, s13, $0xb8;
	[tilespmem:$0xC280] =	vst v63  }
0x36: {  	_ = 	snop  }
0x37: {  	[tilespmem:s20], [sflag:$0x1] =	stream.indirect.gather [hbm4b:s4+s13], $0x40, s15, s13, $0xb8;
	[tilespmem:$0xC280] =	vst v63  }
0x38: {  	_ = 	snop  }
0x39: {  	[tilespmem:s21], [sflag:$0x1] =	stream.indirect.gather [hbm4b:s5+s13], $0x40, s15, s13, $0xb8;
	[tilespmem:$0xC280] =	vst v63  }
0x3a: {  	_ =	swait.ge [sflag:s22], $0x2000  }
0x3b: {  	[sflag:s22] =	ssyncset.done $0x0  }
0x3c: {  	[sflag:s22] =	ssyncadd.s32 $0xFFFFE000  }
0x3d: {  	_ =	swait.ge [sflag:s22], $0x2000  }
0x3e: {  	[sflag:s22] =	ssyncset.done $0x0  }
0x3f: {  	[sflag:s22] =	ssyncadd.s32 $0xFFFFE000  }
0x40: {  	_ =	swait.ge [sflag:s22], $0x2000  }
0x41: {  	[sflag:s22] =	ssyncset.done $0x0  }
0x42: {  	[sflag:s22] =	ssyncadd.s32 $0xFFFFE000  }
0x43: {  	_ =	swait.ge [sflag:s22], $0x2000  }
0x44: {  	[sflag:s22] =	ssyncset.done $0x0  }
0x45: {  	[sflag:s22] =	ssyncadd.s32 $0xFFFFE000  }
0x46: {  	_ =	swait.ge [sflag:s22], $0x2000  }
0x47: {  	[sflag:s22] =	ssyncset.done $0x0  }
0x48: {  	[sflag:s22] =	ssyncadd.s32 $0xFFFFE000  }
0x49: {  	_ =	swait.ge [sflag:s22], $0x2000  }
0x4a: {  	[sflag:s22] =	ssyncset.done $0x0  }
0x4b: {  	s25 =	simm.s32 $0xC200;
	s26 =	simm.s32 $0x0;
	[sflag:s22] =	ssyncadd.s32 $0xFFFFE000  }
.LBB2_2:
0x4c: {  	_ =	sdelay $0x1  }
0x4d: {  	v0 =	vmov s26  }
0x4e: {  	v0 =	vshll.u32 v0, $0x6  }
0x4f: {  	v2 =	vor.u32 v6, v0  }
0x50: {  	v3 =	vor.u32 $0x1, v2;
	_ =	sdelay $0x4  }
0x51: {  	v19 =	vld.idx.msk [tilespmem:v3+s16+$0x0], $0xffff  }
0x52: {  	v7 =	vor.u32 $0x2, v2;
	v20 =	vld.idx.msk [tilespmem:v3+s17+$0x0], $0xffff  }
0x53: {  	v10 =	vld.idx.msk [tilespmem:v3+s18+$0x0], $0xffff  }
0x54: {  	v9 =	vld.idx.msk [tilespmem:v3+s19+$0x0], $0xffff  }
0x55: {  	v13 =	vld.idx.msk [tilespmem:v3+s20+$0x0], $0xffff  }
0x56: {  	v11 =	vld.idx.msk [tilespmem:v3+s21+$0x0], $0xffff  }
0x57: {  	v21 =	vld.idx.msk [tilespmem:v7+s16+$0x0], $0xffff  }
0x58: {  	v12 =	vor.u32 $0x3, v2;
	v24 =	vld.idx.msk [tilespmem:v7+s17+$0x0], $0xffff  }
0x59: {  	v15 =	vld.idx.msk [tilespmem:v7+s18+$0x0], $0xffff  }
0x5a: {  	v14 =	vld.idx.msk [tilespmem:v7+s19+$0x0], $0xffff  }
0x5b: {  	v17 =	vld.idx.msk [tilespmem:v7+s20+$0x0], $0xffff  }
0x5c: {  	v16 =	vld.idx.msk [tilespmem:v7+s21+$0x0], $0xffff  }
0x5d: {  	v33 =	vld.idx.msk [tilespmem:v12+s16+$0x0], $0xffff  }
0x5e: {  	v18 =	vor.u32 $0x4, v2;
	v35 =	vld.idx.msk [tilespmem:v12+s17+$0x0], $0xffff  }
0x5f: {  	v25 =	vld.idx.msk [tilespmem:v12+s18+$0x0], $0xffff  }
0x60: {  	v23 =	vld.idx.msk [tilespmem:v12+s19+$0x0], $0xffff  }
0x61: {  	v29 =	vld.idx.msk [tilespmem:v12+s20+$0x0], $0xffff  }
0x62: {  	v26 =	vld.idx.msk [tilespmem:v12+s21+$0x0], $0xffff  }
0x63: {  	v34 =	vld.idx.msk [tilespmem:v18+s16+$0x0], $0xffff  }
0x64: {  	v59 =	vor.u32 $0x8, v2;
	v37 =	vld.idx.msk [tilespmem:v18+s17+$0x0], $0xffff  }
0x65: {  	v22 =	vld.idx.msk [tilespmem:v18+s18+$0x0], $0xffff  }
0x66: {  	v12 =	vld.idx.msk [tilespmem:v18+s19+$0x0], $0xffff  }
0x67: {  	v32 =	vor.u32 $0x9, v2;
	v31 =	vld.idx.msk [tilespmem:v18+s20+$0x0], $0xffff  }
0x68: {  	v18 =	vld.idx.msk [tilespmem:v18+s21+$0x0], $0xffff  }
0x69: {  	v61 =	vld.idx.msk [tilespmem:v59+s16+$0x0], $0xffff  }
0x6a: {  	v51 =	vld.idx.msk [tilespmem:v59+s17+$0x0], $0xffff  }
0x6b: {  	v55 =	vld.idx.msk [tilespmem:v59+s18+$0x0], $0xffff  }
0x6c: {  	v27 =	vor.u32 $0x5, v2;
	v54 =	vld.idx.msk [tilespmem:v32+s16+$0x0], $0xffff  }
0x6d: {  	v48 =	vld.idx.msk [tilespmem:v59+s19+$0x0], $0xffff  }
0x6e: {  	v47 =	vld.idx.msk [tilespmem:v59+s21+$0x0], $0xffff  }
0x6f: {  	[tilespmem:$0x1F9D0] =	vst v51;
	v51 =	vld.idx.msk [tilespmem:v59+s20+$0x0], $0xffff  }
0x70: {  	v59 =	vld.idx.msk [tilespmem:v32+s17+$0x0], $0xffff  }
0x71: {  	v45 =	vld.idx.msk [tilespmem:v27+s16+$0x0], $0xffff;
	[tilespmem:$0x1F9E0] =	vst v54;
	v54 =	vor.u32 $0xA, v2  }
0x72: {  	v42 =	vld.idx.msk [tilespmem:v27+s17+$0x0], $0xffff  }
0x73: {  	v28 =	vor.u32 $0x6, v2;
	v38 =	vld.idx.msk [tilespmem:v27+s18+$0x0], $0xffff  }
0x74: {  	v36 =	vld.idx.msk [tilespmem:v27+s19+$0x0], $0xffff  }
0x75: {  	v62 =	vld.idx.msk [tilespmem:v27+s20+$0x0], $0xffff;
	[tilespmem:$0x1F9F0] =	vst v59;
	v59 =	vor.u32 $0xB, v2  }
0x76: {  	v0 =	vld.idx.msk [tilespmem:v54+s20+$0x0], $0xffff  }
0x77: {  	v27 =	vld.idx.msk [tilespmem:v27+s21+$0x0], $0xffff  }
0x78: {  	v39 =	vld.idx.msk [tilespmem:v28+s16+$0x0], $0xffff  }
0x79: {  	v40 =	vld.idx.msk [tilespmem:v28+s17+$0x0], $0xffff  }
0x7a: {  	v1 =	vld.idx.msk [tilespmem:v59+s18+$0x0], $0xffff  }
0x7b: {  	[tilespmem:$0x1FA00] =	vst v0;
	v0 =	vld.idx.msk [tilespmem:v59+s16+$0x0], $0xffff  }
0x7c: {  	v56 =	vld.idx.msk [tilespmem:v28+s18+$0x0], $0xffff  }
0x7d: {  	v30 =	vor.u32 $0x7, v2;
	v58 =	vld.idx.msk [tilespmem:v28+s19+$0x0], $0xffff  }
0x7e: {  	v52 =	vld.idx.msk [tilespmem:v28+s20+$0x0], $0xffff  }
0x7f: {  	[tilespmem:$0x1FA30] =	vst v1;
	v1 =	vld.idx.msk [tilespmem:v59+s19+$0x0], $0xffff  }
0x80: {  	[tilespmem:$0x1FA90] =	vst v0;
	v0 =	vld.idx.msk [tilespmem:v59+s17+$0x0], $0xffff  }
0x81: {  	v57 =	vld.idx.msk [tilespmem:v28+s21+$0x0], $0xffff  }
0x82: {  	v41 =	vld.idx.msk [tilespmem:v30+s16+$0x0], $0xffff  }
0x83: {  	v44 =	vld.idx.msk [tilespmem:v30+s17+$0x0], $0xffff  }
0x84: {  	[tilespmem:$0x1FA40] =	vst v1;
	v1 =	vld.idx.msk [tilespmem:v59+s20+$0x0], $0xffff  }
0x85: {  	[tilespmem:$0x1FAC0] =	vst v0;
	v0 =	vor.u32 $0xC, v2;
	v59 =	vld.idx.msk [tilespmem:v59+s21+$0x0], $0xffff  }
0x86: {  	v49 =	vld.idx.msk [tilespmem:v30+s18+$0x0], $0xffff  }
0x87: {  	v53 =	vld.idx.msk [tilespmem:v30+s19+$0x0], $0xffff  }
0x88: {  	v43 =	vld.idx.msk [tilespmem:v30+s20+$0x0], $0xffff  }
0x89: {  	v46 =	vld.idx.msk [tilespmem:v30+s21+$0x0], $0xffff  }
0x8a: {  	[tilespmem:$0x1FA60] =	vst v59;
	v59 =	vld.idx.msk [tilespmem:v0+s16+$0x0], $0xffff  }
0x8b: {  	v30 =	vld.idx.msk [tilespmem:v32+s18+$0x0], $0xffff  }
0x8c: {  	v60 =	vld.idx.msk [tilespmem:v54+s16+$0x0], $0xffff  }
0x8d: {  	v63 =	vld.idx.msk [tilespmem:v54+s17+$0x0], $0xffff  }
0x8e: {  	v28 =	vld.idx.msk [tilespmem:v32+s19+$0x0], $0xffff  }
0x8f: {  	[tilespmem:$0x1FAD0] =	vst v59;
	v59 =	vld.idx.msk [tilespmem:v0+s17+$0x0], $0xffff  }
0x90: {  	v50 =	vld.idx.msk [tilespmem:v32+s20+$0x0], $0xffff  }
0x91: {  	v32 =	vld.idx.msk [tilespmem:v32+s21+$0x0], $0xffff;
	[tilespmem:$0x1FA10] =	vst v60  }
0x92: {  	[tilespmem:$0x1FA20] =	vst v63;
	v63 =	vld.idx.msk [tilespmem:v54+s18+$0x0], $0xffff  }
0x93: {  	v60 =	vld.idx.msk [tilespmem:v54+s19+$0x0], $0xffff;
	[tilespmem:$0x1FA50] =	vst v1  }
0x94: {  	v54 =	vld.idx.msk [tilespmem:v54+s21+$0x0], $0xffff;
	[tilespmem:$0x1FAE0] =	vst v59  }
0x95: {  	v3 =	vld.idx.msk [tilespmem:v0+s18+$0x0], $0xffff  }
0x96: {  	v59 =	vld.idx.msk [tilespmem:v0+s19+$0x0], $0xffff;
	_ =	sdelay $0x4  }
0x97: {  	v1 =	vor.u32 $0xD, v2;
	[tilespmem:$0x1FA80] =	vst v59;
	v59 =	vld.idx.msk [tilespmem:v0+s20+$0x0], $0xffff;
	_ =	sdelay $0x4  }
0x98: {  	[tilespmem:$0x1FAA0] =	vst v59;
	v59 =	vld.idx.msk [tilespmem:v1+s16+$0x0], $0xffff;
	_ =	sdelay $0x4  }
0x99: {  	[tilespmem:$0x1FB30] =	vst v59;
	v59 =	vld.idx.msk [tilespmem:v1+s17+$0x0], $0xffff;
	_ =	sdelay $0x4  }
0x9a: {  	[tilespmem:$0x1FB40] =	vst v59;
	v59 =	vld.idx.msk [tilespmem:v1+s18+$0x0], $0xffff;
	_ =	sdelay $0x3  }
0x9b: {  	v0 =	vld.idx.msk [tilespmem:v0+s21+$0x0], $0xffff  }
0x9c: {  	[tilespmem:$0x1FAF0] =	vst v59;
	v59 =	vld.idx.msk [tilespmem:v1+s19+$0x0], $0xffff;
	_ =	sdelay $0x3  }
0x9d: {  	[tilespmem:$0x1FAB0] =	vst v0  }
0x9e: {  	v0 =	vor.u32 $0xE, v2;
	[tilespmem:$0x1FB00] =	vst v59;
	v59 =	vld.idx.msk [tilespmem:v1+s20+$0x0], $0xffff;
	_ =	sdelay $0x4  }
0x9f: {  	[tilespmem:$0x1FB10] =	vst v59;
	v59 =	vld.idx.msk [tilespmem:v0+s16+$0x0], $0xffff;
	_ =	sdelay $0x4  }
0xa0: {  	[tilespmem:$0x1FB90] =	vst v59;
	v59 =	vld.idx.msk [tilespmem:v0+s17+$0x0], $0xffff;
	_ =	sdelay $0x4  }
0xa1: {  	[tilespmem:$0x1FBC0] =	vst v59;
	v59 =	vld.idx.msk [tilespmem:v0+s18+$0x0], $0xffff;
	_ =	sdelay $0x3  }
0xa2: {  	v1 =	vld.idx.msk [tilespmem:v1+s21+$0x0], $0xffff  }
0xa3: {  	[tilespmem:$0x1FB50] =	vst v59;
	v59 =	vld.idx.msk [tilespmem:v0+s19+$0x0], $0xffff;
	_ =	sdelay $0x3  }
0xa4: {  	[tilespmem:$0x1FB20] =	vst v1  }
0xa5: {  	v1 =	vor.u32 $0xF, v2;
	[tilespmem:$0x1FB60] =	vst v59;
	v59 =	vld.idx.msk [tilespmem:v0+s20+$0x0], $0xffff;
	_ =	sdelay $0x4  }
0xa6: {  	[tilespmem:$0x1FB70] =	vst v59;
	v59 =	vld.idx.msk [tilespmem:v1+s16+$0x0], $0xffff;
	_ =	sdelay $0x4  }
0xa7: {  	[tilespmem:$0x1FBF0] =	vst v59;
	v59 =	vld.idx.msk [tilespmem:v1+s17+$0x0], $0xffff;
	_ =	sdelay $0x4  }
0xa8: {  	[tilespmem:$0x1FC00] =	vst v59;
	v59 =	vld.idx.msk [tilespmem:v1+s18+$0x0], $0xffff;
	_ =	sdelay $0x3  }
0xa9: {  	v0 =	vld.idx.msk [tilespmem:v0+s21+$0x0], $0xffff  }
0xaa: {  	[tilespmem:$0x1FBA0] =	vst v59;
	v59 =	vld.idx.msk [tilespmem:v1+s19+$0x0], $0xffff;
	_ =	sdelay $0x3  }
0xab: {  	[tilespmem:$0x1FB80] =	vst v0  }
0xac: {  	v0 =	vor.u32 $0x10, v2;
	[tilespmem:$0x1FBB0] =	vst v59;
	v59 =	vld.idx.msk [tilespmem:v1+s20+$0x0], $0xffff;
	_ =	sdelay $0x4  }
0xad: {  	[tilespmem:$0x1FBD0] =	vst v59;
	v59 =	vld.idx.msk [tilespmem:v0+s16+$0x0], $0xffff;
	_ =	sdelay $0x4  }
0xae: {  	[tilespmem:$0x1FC70] =	vst v59;
	v59 =	vld.idx.msk [tilespmem:v0+s17+$0x0], $0xffff;
	_ =	sdelay $0x4  }
0xaf: {  	[tilespmem:$0x1FCA0] =	vst v59;
	v59 =	vld.idx.msk [tilespmem:v0+s18+$0x0], $0xffff;
	_ =	sdelay $0x3  }
0xb0: {  	v1 =	vld.idx.msk [tilespmem:v1+s21+$0x0], $0xffff  }
0xb1: {  	[tilespmem:$0x1FC10] =	vst v59;
	v59 =	vld.idx.msk [tilespmem:v0+s19+$0x0], $0xffff;
	_ =	sdelay $0x3  }
0xb2: {  	[tilespmem:$0x1FBE0] =	vst v1  }
0xb3: {  	v1 =	vor.u32 $0x11, v2;
	[tilespmem:$0x1FC20] =	vst v59;
	v59 =	vld.idx.msk [tilespmem:v0+s20+$0x0], $0xffff;
	_ =	sdelay $0x4  }
0xb4: {  	[tilespmem:$0x1FC30] =	vst v59;
	v59 =	vld.idx.msk [tilespmem:v1+s16+$0x0], $0xffff;
	_ =	sdelay $0x4  }
0xb5: {  	[tilespmem:$0x1FCB0] =	vst v59;
	v59 =	vld.idx.msk [tilespmem:v1+s17+$0x0], $0xffff;
	_ =	sdelay $0x4  }
0xb6: {  	[tilespmem:$0x1FCC0] =	vst v59;
	v59 =	vld.idx.msk [tilespmem:v1+s18+$0x0], $0xffff;
	_ =	sdelay $0x4  }
0xb7: {  	[tilespmem:$0x1FC50] =	vst v59;
	v59 =	vld.idx.msk [tilespmem:v1+s19+$0x0], $0xffff;
	_ =	sdelay $0x3  }
0xb8: {  	v0 =	vld.idx.msk [tilespmem:v0+s21+$0x0], $0xffff  }
0xb9: {  	[tilespmem:$0x1FC60] =	vst v59;
	v59 =	vld.idx.msk [tilespmem:v1+s20+$0x0], $0xffff;
	_ =	sdelay $0x3  }
0xba: {  	[tilespmem:$0x1FC40] =	vst v0  }
0xbb: {  	v0 =	vor.u32 $0x12, v2;
	[tilespmem:$0x1FC80] =	vst v59;
	v59 =	vld.idx.msk [tilespmem:v1+s21+$0x0], $0xffff;
	_ =	sdelay $0x4  }
0xbc: {  	[tilespmem:$0x1FC90] =	vst v59;
	v59 =	vld.idx.msk [tilespmem:v0+s16+$0x0], $0xffff;
	_ =	sdelay $0x4  }
0xbd: {  	[tilespmem:$0x1FD10] =	vst v59;
	v59 =	vld.idx.msk [tilespmem:v0+s17+$0x0], $0xffff;
	_ =	sdelay $0x4  }
0xbe: {  	[tilespmem:$0x1FD20] =	vst v59;
	v59 =	vld.idx.msk [tilespmem:v0+s18+$0x0], $0xffff;
	_ =	sdelay $0x4  }
0xbf: {  	[tilespmem:$0x1FCD0] =	vst v59;
	v59 =	vld.idx.msk [tilespmem:v0+s19+$0x0], $0xffff  }
0xc0: {  	v5 =	vld.idx.msk [tilespmem:v2+s18+$0x0], $0xffff  }
0xc1: {  	v4 =	vld.idx.msk [tilespmem:v2+s19+$0x0], $0xffff;
	v1 =	vor.u32 $0x13, v2  }
0xc2: {  	v6 =	vld.idx.msk [tilespmem:v2+s20+$0x0], $0xffff  }
0xc3: {  	[tilespmem:$0x1FA70] =	vst v3;
	v3 =	vld.idx.msk [tilespmem:v2+s21+$0x0], $0xffff  }
0xc4: {  	[tilespmem:$0x1FCE0] =	vst v59;
	v59 =	vld.idx.msk [tilespmem:v0+s20+$0x0], $0xffff  }
0xc5: {  	v0 =	vld.idx.msk [tilespmem:v0+s21+$0x0], $0xffff  }
0xc6: {  	v4 =	vadd.f32 v4, v5;
	v5 =	vld.idx.msk [tilespmem:v1+s16+$0x0], $0xffff  }
0xc7: {  	v7 =	vld.idx.msk [tilespmem:v2+s16+$0x0], $0xffff  }
0xc8: {  	v8 =	vld.idx.msk [tilespmem:v2+s17+$0x0], $0xffff;
	_ =	sdelay $0x1  }
0xc9: {  	[tilespmem:$0x1FD00] =	vst v0;
	v0 =	vadd.f32 v3, v6;
	v6 =	vld.idx.msk [tilespmem:v1+s17+$0x0], $0xffff  }
0xca: {  	[tilespmem:$0x1FD70] =	vst v5  }
0xcb: {  	v4 =	vmul.f32 $7.500000000e-01, v4;
	v5 =	vmul.f32 $2.500000000e-01, v7;
	[tilespmem:$0x1FCF0] =	vst v59;
	v59 =	vadd.f32 v9, v10  }
0xcc: {  	v8 =	vmul.f32 $2.500000000e-01, v8;
	v7 =	vadd.f32 v11, v13;
	v0 =	vmul.f32 $7.500000000e-01, v0  }
0xcd: {  	v4 =	vadd.f32 v4, v5;
	v5 =	vmul.f32 $2.500000000e-01, v19;
	v3 =	vmul.f32 $7.500000000e-01, v59  }
0xce: {  	v7 =	vmul.f32 $7.500000000e-01, v7;
	v0 =	vadd.f32 v0, v8;
	[tilespmem:$0x1FDA0] =	vst v6;
	v6 =	vor.u32 $0x14, v2  }
0xcf: {  	v8 =	vmul.f32 $2.500000000e-01, v20;
	v3 =	vadd.f32 v3, v5;
	v5 =	vadd.f32 v14, v15  }
0xd0: {  	v13 =	vld.idx.msk [tilespmem:v1+s18+$0x0], $0xffff  }
0xd1: {  	v19 =	vld.idx.msk [tilespmem:v1+s19+$0x0], $0xffff;
	v59 =	vadd.f32 v7, v8;
	v7 =	vmul.f32 $2.500000000e-01, v21;
	v5 =	vmul.f32 $7.500000000e-01, v5  }
0xd2: {  	v20 =	vld.idx.msk [tilespmem:v1+s20+$0x0], $0xffff  }
0xd3: {  	v21 =	vadd.f32 v5, v7;
	v5 =	vld.idx.msk [tilespmem:v6+s20+$0x0], $0xffff  }
0xd4: {  	v1 =	vld.idx.msk [tilespmem:v1+s21+$0x0], $0xffff;
	v0 =	vmul.f32 v0, v4;
	v4 =	vadd.f32 v16, v17;
	_ =	sdelay $0x1  }
0xd5: {  	[tilespmem:$0x1FD30] =	vst v13;
	v13 =	vmul.f32 $2.500000000e-01, v24;
	v8 =	vor.u32 $0x15, v2;
	v4 =	vmul.f32 $7.500000000e-01, v4;
	v15 =	vld.idx.msk [tilespmem:v6+s16+$0x0], $0xffff  }
0xd6: {  	[tilespmem:$0x1FD40] =	vst v19;
	v14 =	vld.idx.msk [tilespmem:v6+s17+$0x0], $0xffff  }
0xd7: {  	v4 =	vadd.f32 v4, v13;
	[tilespmem:$0x1FD80] =	vst v5;
	v5 =	vld.idx.msk [tilespmem:v6+s21+$0x0], $0xffff  }
0xd8: {  	v23 =	vadd.f32 v23, v25;
	v0 =	vadd.f32 $0.0e+00, v0;
	[tilespmem:$0x1FD50] =	vst v1;
	v1 =	vmul.f32 v59, v3;
	v19 =	vld.idx.msk [tilespmem:v6+s19+$0x0], $0xffff  }
0xd9: {  	v17 =	vld.idx.msk [tilespmem:v6+s18+$0x0], $0xffff;
	v3 =	vmul.f32 v4, v21;
	v4 =	vadd.f32 v26, v29  }
0xda: {  	v25 =	vmul.f32 $2.500000000e-01, v35;
	v0 =	vadd.f32 v1, v0;
	v1 =	vmul.f32 $7.500000000e-01, v23;
	v23 =	vld.idx.msk [tilespmem:v8+s18+$0x0], $0xffff  }
0xdb: {  	v24 =	vadd.f32 v18, v31;
	v7 =	vor.u32 $0x16, v2;
	v31 =	vld.idx.msk [tilespmem:v8+s20+$0x0], $0xffff;
	v4 =	vmul.f32 $7.500000000e-01, v4  }
0xdc: {  	v26 =	vld.idx.msk [tilespmem:v8+s19+$0x0], $0xffff;
	v6 =	vmul.f32 $2.500000000e-01, v33;
	[tilespmem:$0x1FD90] =	vst v5;
	v5 =	vadd.f32 v12, v22  }
0xdd: {  	v9 =	vmul.f32 $7.500000000e-01, v24;
	v29 =	vmul.f32 $2.500000000e-01, v37;
	[tilespmem:$0x1FD60] =	vst v19;
	v19 =	vld.idx.msk [tilespmem:v8+s16+$0x0], $0xffff;
	v4 =	vadd.f32 v4, v25  }
0xde: {  	v33 =	vld.idx.msk [tilespmem:v8+s21+$0x0], $0xffff;
	v1 =	vadd.f32 v1, v6;
	v6 =	vmul.f32 $2.500000000e-01, v34;
	v5 =	vmul.f32 $7.500000000e-01, v5  }
0xdf: {  	v12 =	vld.idx.msk [tilespmem:v8+s17+$0x0], $0xffff  }
0xe0: {  	v1 =	vmul.f32 v4, v1;
	v4 =	vadd.f32 v9, v29;
	v34 =	vadd.f32 v5, v6;
	v5 =	vld.idx.msk [tilespmem:v7+s16+$0x0], $0xffff  }
0xe1: {  	v8 =	vld.idx.msk [tilespmem:v7+s19+$0x0], $0xffff;
	v6 =	vor.u32 $0x17, v2  }
0xe2: {  	v35 =	vmul.f32 v4, v34;
	v4 =	vld.idx.msk [tilespmem:v7+s18+$0x0], $0xffff;
	_ =	sdelay $0x2  }
0xe3: {  	v18 =	vld [tilespmem:$0x1F9F0];
	[tilespmem:$0x1FE00] =	vst v5;
	v5 =	vadd.f32 v36, v38  }
0xe4: {  	[tilespmem:$0x1FDF0] =	vst v8;
	v8 =	vld.idx.msk [tilespmem:v6+s17+$0x0], $0xffff  }
0xe5: {  	v16 =	vld [tilespmem:$0x1F9D0];
	v36 =	vadd.f32 v27, v62;
	[tilespmem:$0x1FDE0] =	vst v4;
	v4 =	vmul.f32 $2.500000000e-01, v45;
	v5 =	vmul.f32 $7.500000000e-01, v5  }
0xe6: {  	v37 =	vmul.f32 $2.500000000e-01, v42;
	v24 =	vld.idx.msk [tilespmem:v7+s21+$0x0], $0xffff;
	v0 =	vadd.f32 v3, v0  }
0xe7: {  	v25 =	vld.idx.msk [tilespmem:v7+s20+$0x0], $0xffff;
	v3 =	vmul.f32 $7.500000000e-01, v36;
	v4 =	vadd.f32 v5, v4;
	v5 =	vadd.f32 v58, v56  }
0xe8: {  	v29 =	vld.idx.msk [tilespmem:v7+s17+$0x0], $0xffff;
	v0 =	vadd.f32 v1, v0;
	v7 =	vmul.f32 $2.500000000e-01, v39;
	v38 =	vadd.f32 v57, v52  }
0xe9: {  	v42 =	vld.idx.msk [tilespmem:v6+s16+$0x0], $0xffff;
	v1 =	vadd.f32 v3, v37;
	[tilespmem:$0x1FE10] =	vst v8;
	v8 =	vor.u32 $0x18, v2;
	v5 =	vmul.f32 $7.500000000e-01, v5  }
0xea: {  	v40 =	vmul.f32 $2.500000000e-01, v40;
	v52 =	vld.idx.msk [tilespmem:v6+s18+$0x0], $0xffff;
	v3 =	vmul.f32 $7.500000000e-01, v38  }
0xeb: {  	v57 =	vld.idx.msk [tilespmem:v6+s20+$0x0], $0xffff;
	v1 =	vmul.f32 v1, v4;
	v4 =	vadd.f32 v5, v7;
	v5 =	vadd.f32 v46, v43  }
0xec: {  	v39 =	vadd.f32 v53, v49;
	v37 =	vld.idx.msk [tilespmem:v6+s21+$0x0], $0xffff  }
0xed: {  	v49 =	vmul.f32 $2.500000000e-01, v44;
	v3 =	vadd.f32 v3, v40;
	v46 =	vld.idx.msk [tilespmem:v6+s19+$0x0], $0xffff;
	v5 =	vmul.f32 $7.500000000e-01, v5  }
0xee: {  	v9 =	vmul.f32 $7.500000000e-01, v39;
	v7 =	vmul.f32 $2.500000000e-01, v41;
	v56 =	vld.idx.msk [tilespmem:v8+s16+$0x0], $0xffff  }
0xef: {  	v53 =	vmul.f32 v3, v4;
	v6 =	vld.idx.msk [tilespmem:v8+s18+$0x0], $0xffff;
	v4 =	vadd.f32 v5, v49;
	v5 =	vor.u32 $0x19, v2  }
0xf0: {  	v45 =	vld.idx.msk [tilespmem:v8+s17+$0x0], $0xffff  }
0xf1: {  	v58 =	vadd.f32 v9, v7;
	v9 =	vld.idx.msk [tilespmem:v8+s20+$0x0], $0xffff  }
0xf2: {  	v11 =	vld.idx.msk [tilespmem:v8+s21+$0x0], $0xffff  }
0xf3: {  	v62 =	vld.idx.msk [tilespmem:v8+s19+$0x0], $0xffff  }
0xf4: {  	v13 =	vadd.f32 v47, v51;
	[tilespmem:$0x1FE20] =	vst v6;
	v6 =	vld.idx.msk [tilespmem:v5+s16+$0x0], $0xffff  }
0xf5: {  	v10 =	vadd.f32 v48, v55;
	v7 =	vor.u32 $0x1A, v2;
	v48 =	vld.idx.msk [tilespmem:v5+s17+$0x0], $0xffff  }
0xf6: {  	v8 =	vadd.f32 v32, v50;
	v3 =	vmul.f32 $7.500000000e-01, v13;
	[tilespmem:$0x1FE40] =	vst v9;
	v9 =	vmul.f32 $2.500000000e-01, v16;
	v34 =	vld.idx.msk [tilespmem:v5+s18+$0x0], $0xffff  }
0xf7: {  	v0 =	vadd.f32 v35, v0;
	[tilespmem:$0x1FE50] =	vst v11;
	v11 =	vld.idx.msk [tilespmem:v5+s19+$0x0], $0xffff  }
0xf8: {  	v8 =	vmul.f32 $7.500000000e-01, v8;
	[tilespmem:$0x1FE30] =	vst v62;
	v3 =	vadd.f32 v3, v9;
	v9 =	vmul.f32 $2.500000000e-01, v18;
	v62 =	vld.idx.msk [tilespmem:v5+s20+$0x0], $0xffff  }
0xf9: {  	v0 =	vadd.f32 v1, v0;
	v35 =	vld.idx.msk [tilespmem:v5+s21+$0x0], $0xffff  }
0xfa: {  	v1 =	vmul.f32 $7.500000000e-01, v10;
	v21 =	vadd.f32 v8, v9;
	v8 =	vld.idx.msk [tilespmem:v7+s16+$0x0], $0xffff;
	[tilespmem:$0x1FE70] =	vst v6;
	v6 =	vmul.f32 $2.500000000e-01, v61  }
0xfb: {  	v5 =	vld [tilespmem:$0x1FA00]  }
0xfc: {  	v1 =	vadd.f32 v1, v6;
	v6 =	vld [tilespmem:$0x1F9E0]  }
0xfd: {  	v27 =	vld [tilespmem:$0x1FA20];
	_ =	sdelay $0x1  }
0xfe: {  	v59 =	vmul.f32 v4, v58;
	v4 =	vadd.f32 v28, v30;
	[tilespmem:$0x1FE80] =	vst v8;
	v8 =	vld [tilespmem:$0x1FA10];
	_ =	sdelay $0x1  }
0xff: {  	v4 =	vmul.f32 $7.500000000e-01, v4;
	v5 =	vadd.f32 v54, v5;
	v6 =	vmul.f32 $2.500000000e-01, v6  }
0x100: {  	v10 =	vmul.f32 $2.500000000e-01, v27  }
0x101: {  	v5 =	vmul.f32 $7.500000000e-01, v5;
	v4 =	vadd.f32 v4, v6;
	v6 =	vadd.f32 v60, v63  }
0x102: {  	[tilespmem:$0x1FDC0] =	vst v31;
	v31 =	vld [tilespmem:$0x1FA30];
	v8 =	vmul.f32 $2.500000000e-01, v8  }
0x103: {  	v6 =	vmul.f32 $7.500000000e-01, v6;
	v28 =	vmul.f32 v21, v4;
	v4 =	vadd.f32 v5, v10;
	v5 =	vld [tilespmem:$0x1FA40]  }
0x104: {  	v0 =	vadd.f32 v53, v0  }
0x105: {  	v30 =	vadd.f32 v6, v8  }
0x106: {  	v0 =	vadd.f32 v59, v0;
	v1 =	vmul.f32 v3, v1  }
0x107: {  	v3 =	vmul.f32 v4, v30;
	v4 =	vld [tilespmem:$0x1FA50]  }
0x108: {  	v0 =	vadd.f32 v1, v0;
	v1 =	vadd.f32 v5, v31;
	v5 =	vld [tilespmem:$0x1FA60];
	_ =	sdelay $0x3  }
0x109: {  	v6 =	vld [tilespmem:$0x1FA80]  }
0x10a: {  	[tilespmem:$0x1FDB0] =	vst v26;
	v26 =	vor.u32 $0x1B, v2;
	v4 =	vadd.f32 v5, v4;
	v5 =	vld [tilespmem:$0x1FA70];
	_ =	sdelay $0x4  }
0x10b: {  	v5 =	vadd.f32 v6, v5;
	v6 =	vld.idx.msk [tilespmem:v26+s16+$0x0], $0xffff;
	_ =	sdelay $0x2  }
0x10c: {  	v22 =	vld.idx.msk [tilespmem:v7+s17+$0x0], $0xffff  }
0x10d: {  	v16 =	vld.idx.msk [tilespmem:v7+s19+$0x0], $0xffff  }
0x10e: {  	[tilespmem:$0x1FEB0] =	vst v6;
	v6 =	vld [tilespmem:$0x1FA90]  }
0x10f: {  	v58 =	vld.idx.msk [tilespmem:v7+s20+$0x0], $0xffff  }
0x110: {  	v13 =	vld.idx.msk [tilespmem:v7+s21+$0x0], $0xffff  }
0x111: {  	v63 =	vld.idx.msk [tilespmem:v7+s18+$0x0], $0xffff  }
0x112: {  	v7 =	vld.idx.msk [tilespmem:v26+s17+$0x0], $0xffff  }
0x113: {  	v1 =	vmul.f32 $7.500000000e-01, v1;
	v6 =	vmul.f32 $2.500000000e-01, v6;
	_ =	sdelay $0x1  }
0x114: {  	v1 =	vadd.f32 v1, v6;
	v6 =	vld [tilespmem:$0x1FAD0];
	_ =	sdelay $0x1  }
0x115: {  	[tilespmem:$0x1FEC0] =	vst v7;
	v7 =	vor.u32 $0x1C, v2;
	_ =	sdelay $0x1  }
0x116: {  	[tilespmem:$0x1FDD0] =	vst v33;
	v33 =	vld [tilespmem:$0x1FAC0]  }
0x117: {  	v32 =	vld [tilespmem:$0x1FAB0];
	v5 =	vmul.f32 $7.500000000e-01, v5;
	v6 =	vmul.f32 $2.500000000e-01, v6  }
0x118: {  	v8 =	vld [tilespmem:$0x1FAA0]  }
0x119: {  	v39 =	vadd.f32 v5, v6;
	v5 =	vld.idx.msk [tilespmem:v7+s16+$0x0], $0xffff;
	_ =	sdelay $0x1  }
0x11a: {  	v38 =	vld [tilespmem:$0x1FAE0];
	_ =	sdelay $0x1  }
0x11b: {  	v6 =	vld [tilespmem:$0x1FB00]  }
0x11c: {  	v10 =	vmul.f32 $2.500000000e-01, v33;
	v8 =	vadd.f32 v32, v8;
	v4 =	vmul.f32 $7.500000000e-01, v4;
	[tilespmem:$0x1FED0] =	vst v5;
	v5 =	vld [tilespmem:$0x1FAF0]  }
0x11d: {  	v44 =	vld [tilespmem:$0x1FB70]  }
0x11e: {  	v41 =	vld [tilespmem:$0x1FB10];
	v8 =	vmul.f32 $7.500000000e-01, v8;
	v4 =	vadd.f32 v4, v10;
	v10 =	vmul.f32 $2.500000000e-01, v38  }
0x11f: {  	v43 =	vld [tilespmem:$0x1FB40]  }
0x120: {  	v60 =	vld.idx.msk [tilespmem:v7+s19+$0x0], $0xffff;
	v1 =	vmul.f32 v4, v1;
	v4 =	vadd.f32 v8, v10  }
0x121: {  	v5 =	vadd.f32 v6, v5;
	v6 =	vld.idx.msk [tilespmem:v7+s17+$0x0], $0xffff  }
0x122: {  	v40 =	vmul.f32 v4, v39;
	v4 =	vld [tilespmem:$0x1FB20]  }
0x123: {  	v54 =	vld.idx.msk [tilespmem:v7+s20+$0x0], $0xffff  }
0x124: {  	v27 =	vld.idx.msk [tilespmem:v7+s21+$0x0], $0xffff  }
0x125: {  	v0 =	vadd.f32 v28, v0;
	v38 =	vld.idx.msk [tilespmem:v7+s18+$0x0], $0xffff  }
0x126: {  	v7 =	vld [tilespmem:$0x1FB80];
	[tilespmem:$0x1FEE0] =	vst v6;
	v6 =	vor.u32 $0x1D, v2  }
0x127: {  	v0 =	vadd.f32 v3, v0;
	v3 =	vadd.f32 v4, v41;
	v4 =	vld [tilespmem:$0x1FB30];
	_ =	sdelay $0x1  }
0x128: {  	v0 =	vadd.f32 v1, v0;
	v1 =	vmul.f32 $2.500000000e-01, v43;
	v3 =	vmul.f32 $7.500000000e-01, v3;
	_ =	sdelay $0x1  }
0x129: {  	v1 =	vadd.f32 v3, v1;
	v3 =	vadd.f32 v7, v44;
	v7 =	vld.idx.msk [tilespmem:v6+s16+$0x0], $0xffff  }
0x12a: {  	v4 =	vmul.f32 $2.500000000e-01, v4;
	v5 =	vmul.f32 $7.500000000e-01, v5  }
0x12b: {  	v8 =	vld [tilespmem:$0x1FB60]  }
0x12c: {  	v4 =	vadd.f32 v5, v4;
	v5 =	vld [tilespmem:$0x1FB50];
	_ =	sdelay $0x1  }
0x12d: {  	[tilespmem:$0x1FEF0] =	vst v7;
	v7 =	vld [tilespmem:$0x1FB90];
	_ =	sdelay $0x2  }
0x12e: {  	v47 =	vld [tilespmem:$0x1FBA0];
	v5 =	vadd.f32 v8, v5  }
0x12f: {  	v51 =	vld [tilespmem:$0x1FC00]  }
0x130: {  	v36 =	vld.idx.msk [tilespmem:v26+s18+$0x0], $0xffff;
	v5 =	vmul.f32 $7.500000000e-01, v5;
	v7 =	vmul.f32 $2.500000000e-01, v7  }
0x131: {  	v50 =	vld [tilespmem:$0x1FBC0]  }
0x132: {  	v1 =	vmul.f32 v1, v4;
	v4 =	vadd.f32 v5, v7;
	v5 =	vld [tilespmem:$0x1FBD0]  }
0x133: {  	v7 =	vld [tilespmem:$0x1FBE0]  }
0x134: {  	v53 =	vld.idx.msk [tilespmem:v26+s21+$0x0], $0xffff  }
0x135: {  	v49 =	vld [tilespmem:$0x1FBB0]  }
0x136: {  	v8 =	vld.idx.msk [tilespmem:v6+s17+$0x0], $0xffff  }
0x137: {  	[tilespmem:$0x1FE60] =	vst v56;
	v56 =	vld.idx.msk [tilespmem:v26+s20+$0x0], $0xffff  }
0x138: {  	v5 =	vadd.f32 v7, v5;
	v7 =	vld [tilespmem:$0x1FBF0]  }
0x139: {  	v59 =	vld.idx.msk [tilespmem:v26+s19+$0x0], $0xffff  }
0x13a: {  	v18 =	vld [tilespmem:$0x1FC10];
	v9 =	vadd.f32 v49, v47;
	[tilespmem:$0x1FE90] =	vst v22;
	v10 =	vmul.f32 $2.500000000e-01, v50;
	v3 =	vmul.f32 $7.500000000e-01, v3  }
0x13b: {  	v22 =	vld [tilespmem:$0x1FC30];
	[tilespmem:$0x1FF00] =	vst v8;
	v8 =	vor.u32 $0x1E, v2  }
0x13c: {  	v9 =	vmul.f32 $7.500000000e-01, v9;
	v21 =	vld [tilespmem:$0x1FC20];
	v3 =	vadd.f32 v3, v10;
	v10 =	vmul.f32 $2.500000000e-01, v51  }
0x13d: {  	v30 =	vld [tilespmem:$0x1FC90];
	v5 =	vmul.f32 $7.500000000e-01, v5;
	v7 =	vmul.f32 $2.500000000e-01, v7  }
0x13e: {  	v44 =	vld.idx.msk [tilespmem:v6+s18+$0x0], $0xffff  }
0x13f: {  	v28 =	vld.idx.msk [tilespmem:v6+s19+$0x0], $0xffff;
	v55 =	vmul.f32 v3, v4;
	v4 =	vadd.f32 v5, v10;
	v9 =	vadd.f32 v9, v7  }
0x140: {  	v5 =	vld.idx.msk [tilespmem:v8+s17+$0x0], $0xffff  }
0x141: {  	v10 =	vmul.f32 v4, v9;
	v4 =	vld [tilespmem:$0x1FC40]  }
0x142: {  	v33 =	vld.idx.msk [tilespmem:v6+s20+$0x0], $0xffff  }
0x143: {  	v50 =	vld.idx.msk [tilespmem:v6+s21+$0x0], $0xffff  }
0x144: {  	v6 =	vld [tilespmem:$0x1FC60]  }
0x145: {  	v61 =	vld.idx.msk [tilespmem:v8+s16+$0x0], $0xffff  }
0x146: {  	v0 =	vadd.f32 v40, v0;
	[tilespmem:$0x1FF20] =	vst v5;
	v5 =	vor.u32 $0x1F, v2;
	v3 =	vadd.f32 v4, v22;
	v4 =	vld [tilespmem:$0x1FC50]  }
0x147: {  	[tilespmem:$0x1FEA0] =	vst v36;
	v36 =	vld.idx.msk [tilespmem:v8+s18+$0x0], $0xffff  }
0x148: {  	v0 =	vadd.f32 v1, v0;
	v39 =	vld.idx.msk [tilespmem:v8+s20+$0x0], $0xffff  }
0x149: {  	v26 =	vld.idx.msk [tilespmem:v8+s21+$0x0], $0xffff  }
0x14a: {  	v0 =	vadd.f32 v55, v0;
	v55 =	vld.idx.msk [tilespmem:v8+s19+$0x0], $0xffff  }
0x14b: {  	v4 =	vadd.f32 v6, v4;
	v6 =	vld.idx.msk [tilespmem:v5+s16+$0x0], $0xffff  }
0x14c: {  	v8 =	vld [tilespmem:$0x1FC80]  }
0x14d: {  	v31 =	vld [tilespmem:$0x1FCA0]  }
0x14e: {  	v32 =	vld [tilespmem:$0x1FCC0]  }
0x14f: {  	v49 =	vld.idx.msk [tilespmem:v5+s17+$0x0], $0xffff  }
0x150: {  	[tilespmem:$0x1FF30] =	vst v6;
	v6 =	vld [tilespmem:$0x1FC70]  }
0x151: {  	v8 =	vadd.f32 v30, v8;
	v30 =	vld.idx.msk [tilespmem:v5+s18+$0x0], $0xffff  }
0x152: {  	v1 =	vadd.f32 v21, v18;
	v9 =	vmul.f32 $2.500000000e-01, v31;
	v21 =	vld.idx.msk [tilespmem:v5+s19+$0x0], $0xffff;
	v3 =	vmul.f32 $7.500000000e-01, v3  }
0x153: {  	v22 =	vld.idx.msk [tilespmem:v5+s20+$0x0], $0xffff  }
0x154: {  	v8 =	vmul.f32 $7.500000000e-01, v8;
	v18 =	vld.idx.msk [tilespmem:v5+s21+$0x0], $0xffff;
	v3 =	vadd.f32 v3, v9;
	v9 =	vmul.f32 $2.500000000e-01, v32  }
0x155: {  	v1 =	vmul.f32 $7.500000000e-01, v1;
	v5 =	vld [tilespmem:$0x1FCF0];
	v6 =	vmul.f32 $2.500000000e-01, v6  }
0x156: {  	v7 =	vor.u32 $0x20, v2;
	v41 =	vadd.f32 v8, v9;
	v8 =	vld [tilespmem:$0x1FD00]  }
0x157: {  	v1 =	vadd.f32 v1, v6;
	v6 =	vld [tilespmem:$0x1FCB0];
	_ =	sdelay $0x1  }
0x158: {  	v47 =	vld [tilespmem:$0x1FD20]  }
0x159: {  	v40 =	vld [tilespmem:$0x1FCE0]  }
0x15a: {  	v5 =	vadd.f32 v8, v5;
	v8 =	vld.idx.msk [tilespmem:v7+s16+$0x0], $0xffff  }
0x15b: {  	v43 =	vld.idx.msk [tilespmem:v7+s17+$0x0], $0xffff;
	v4 =	vmul.f32 $7.500000000e-01, v4;
	v6 =	vmul.f32 $2.500000000e-01, v6  }
0x15c: {  	v51 =	vld.idx.msk [tilespmem:v7+s18+$0x0], $0xffff  }
0x15d: {  	v4 =	vadd.f32 v4, v6;
	v6 =	vld [tilespmem:$0x1FCD0];
	_ =	sdelay $0x1  }
0x15e: {  	[tilespmem:$0x1FF50] =	vst v8;
	v8 =	vld [tilespmem:$0x1FD10]  }
0x15f: {  	v0 =	vadd.f32 v10, v0;
	v10 =	vmul.f32 $2.500000000e-01, v47;
	v47 =	vld.idx.msk [tilespmem:v7+s20+$0x0], $0xffff  }
0x160: {  	[tilespmem:$0x1FF60] =	vst v43;
	v43 =	vld [tilespmem:$0x1FD90];
	v9 =	vor.u32 $0x21, v2  }
0x161: {  	[tilespmem:$0x1FF40] =	vst v51;
	v51 =	vld [tilespmem:$0x1FDA0];
	v5 =	vmul.f32 $7.500000000e-01, v5;
	v6 =	vadd.f32 v40, v6  }
0x162: {  	[tilespmem:$0x1FF10] =	vst v61;
	v61 =	vmul.f32 v41, v4;
	v41 =	vld [tilespmem:$0x1FD30]  }
0x163: {  	v8 =	vmul.f32 $2.500000000e-01, v8;
	v4 =	vadd.f32 v5, v10;
	v5 =	vld [tilespmem:$0x1FD40];
	v6 =	vmul.f32 $7.500000000e-01, v6  }
0x164: {  	v32 =	vld.idx.msk [tilespmem:v7+s19+$0x0], $0xffff  }
0x165: {  	v31 =	vadd.f32 v6, v8;
	v6 =	vld.idx.msk [tilespmem:v9+s16+$0x0], $0xffff  }
0x166: {  	v1 =	vmul.f32 v3, v1;
	v40 =	vld.idx.msk [tilespmem:v7+s21+$0x0], $0xffff  }
0x167: {  	v7 =	vld.idx.msk [tilespmem:v9+s17+$0x0], $0xffff  }
0x168: {  	v0 =	vadd.f32 v1, v0;
	v1 =	vadd.f32 v5, v41;
	v5 =	vld [tilespmem:$0x1FD60]  }
0x169: {  	v3 =	vmul.f32 v4, v31;
	v4 =	vld [tilespmem:$0x1FD50]  }
0x16a: {  	[tilespmem:$0x1FF70] =	vst v6;
	v6 =	vld [tilespmem:$0x1FD70]  }
0x16b: {  	v8 =	vld [tilespmem:$0x1FD80];
	_ =	sdelay $0x2  }
0x16c: {  	v10 =	vmul.f32 $2.500000000e-01, v51;
	v5 =	vadd.f32 v5, v17  }
0x16d: {  	v1 =	vmul.f32 $7.500000000e-01, v1;
	v31 =	vld.idx.msk [tilespmem:v9+s20+$0x0], $0xffff;
	v4 =	vadd.f32 v4, v20;
	v6 =	vmul.f32 $2.500000000e-01, v6  }
0x16e: {  	[tilespmem:$0x1FF80] =	vst v7;
	v7 =	vor.u32 $0x22, v2;
	v17 =	vld.idx.msk [tilespmem:v9+s21+$0x0], $0xffff;
	v8 =	vadd.f32 v43, v8;
	v5 =	vmul.f32 $7.500000000e-01, v5  }
0x16f: {  	v20 =	vld.idx.msk [tilespmem:v9+s18+$0x0], $0xffff;
	v4 =	vmul.f32 $7.500000000e-01, v4;
	v1 =	vadd.f32 v1, v6;
	v6 =	vmul.f32 $2.500000000e-01, v15  }
0x170: {  	v0 =	vadd.f32 v61, v0;
	v61 =	vmul.f32 $2.500000000e-01, v14;
	v15 =	vld.idx.msk [tilespmem:v9+s19+$0x0], $0xffff  }
0x171: {  	v8 =	vmul.f32 $7.500000000e-01, v8;
	v4 =	vadd.f32 v4, v10;
	v9 =	vadd.f32 v5, v6;
	v5 =	vld [tilespmem:$0x1FDB0];
	_ =	sdelay $0x1  }
0x172: {  	v1 =	vmul.f32 v4, v1;
	v4 =	vadd.f32 v8, v61;
	v6 =	vld.idx.msk [tilespmem:v7+s17+$0x0], $0xffff  }
0x173: {  	v51 =	vld [tilespmem:$0x1FDE0]  }
0x174: {  	v10 =	vmul.f32 v4, v9;
	v4 =	vld [tilespmem:$0x1FDD0]  }
0x175: {  	v0 =	vadd.f32 v3, v0;
	v5 =	vadd.f32 v5, v23;
	v23 =	vld [tilespmem:$0x1FDC0]  }
0x176: {  	v41 =	vld.idx.msk [tilespmem:v7+s16+$0x0], $0xffff  }
0x177: {  	v14 =	vld.idx.msk [tilespmem:v7+s19+$0x0], $0xffff;
	v0 =	vadd.f32 v1, v0;
	[tilespmem:$0x1FF90] =	vst v6;
	v6 =	vor.u32 $0x23, v2  }
0x178: {  	v43 =	vmul.f32 $2.500000000e-01, v12;
	v12 =	vld.idx.msk [tilespmem:v7+s21+$0x0], $0xffff  }
0x179: {  	v8 =	vadd.f32 v10, v0;
	v10 =	vld [tilespmem:$0x1FE00]  }
0x17a: {  	v3 =	vadd.f32 v4, v23;
	v23 =	vld.idx.msk [tilespmem:v7+s18+$0x0], $0xffff  }
0x17b: {  	v5 =	vmul.f32 $7.500000000e-01, v5;
	v4 =	vmul.f32 $2.500000000e-01, v19;
	v19 =	vld.idx.msk [tilespmem:v7+s20+$0x0], $0xffff  }
0x17c: {  	v9 =	vld.idx.msk [tilespmem:v6+s16+$0x0], $0xffff  }
0x17d: {  	v0 =	vor.u32 $0x24, v2;
	v4 =	vadd.f32 v5, v4;
	v5 =	vld [tilespmem:$0x1FDF0]  }
0x17e: {  	v61 =	vadd.f32 v24, v25;
	v24 =	vld.idx.msk [tilespmem:v6+s17+$0x0], $0xffff  }
0x17f: {  	v25 =	vadd.f32 v46, v52;
	v52 =	vld.idx.msk [tilespmem:v6+s18+$0x0], $0xffff;
	v3 =	vmul.f32 $7.500000000e-01, v3  }
0x180: {  	v7 =	vmul.f32 $2.500000000e-01, v10;
	v10 =	vld.idx.msk [tilespmem:v6+s21+$0x0], $0xffff  }
0x181: {  	v1 =	vadd.f32 v3, v43;
	v43 =	vld [tilespmem:$0x1FE10]  }
0x182: {  	v3 =	vmul.f32 $7.500000000e-01, v61;
	v61 =	vld.idx.msk [tilespmem:v0+s16+$0x0], $0xffff;
	v5 =	vadd.f32 v5, v51  }
0x183: {  	v29 =	vmul.f32 $2.500000000e-01, v29;
	[tilespmem:$0x1FFB0] =	vst v24;
	v24 =	vld [tilespmem:$0x1FE20]  }
0x184: {  	[tilespmem:$0x1FFA0] =	vst v9;
	v9 =	vmul.f32 $7.500000000e-01, v25;
	v25 =	vld [tilespmem:$0x1FE40];
	v5 =	vmul.f32 $7.500000000e-01, v5  }
0x185: {  	v3 =	vadd.f32 v3, v29;
	v29 =	vld.idx.msk [tilespmem:v0+s21+$0x0], $0xffff  }
0x186: {  	v1 =	vmul.f32 v1, v4;
	v51 =	vld.idx.msk [tilespmem:v6+s20+$0x0], $0xffff;
	v4 =	vadd.f32 v5, v7;
	v5 =	vadd.f32 v37, v57  }
0x187: {  	v46 =	vmul.f32 $2.500000000e-01, v43;
	v43 =	vld.idx.msk [tilespmem:v0+s20+$0x0], $0xffff  }
0x188: {  	v57 =	vld.idx.msk [tilespmem:v6+s19+$0x0], $0xffff;
	v7 =	vmul.f32 $2.500000000e-01, v42;
	v5 =	vmul.f32 $7.500000000e-01, v5  }
0x189: {  	v6 =	vadd.f32 v1, v8;
	v1 =	vor.u32 $0x25, v2;
	v42 =	vld.idx.msk [tilespmem:v0+s18+$0x0], $0xffff  }
0x18a: {  	v37 =	vld [tilespmem:$0x1FE50];
	v3 =	vmul.f32 v3, v4;
	v4 =	vadd.f32 v9, v7;
	v5 =	vadd.f32 v5, v46  }
0x18b: {  	v9 =	vld.idx.msk [tilespmem:v0+s17+$0x0], $0xffff  }
0x18c: {  	v5 =	vmul.f32 v5, v4;
	v4 =	vld [tilespmem:$0x1FE30]  }
0x18d: {  	v3 =	vadd.f32 v3, v6;
	v6 =	vadd.f32 v11, v34;
	v11 =	vld [tilespmem:$0x1FE60]  }
0x18e: {  	v46 =	vld.idx.msk [tilespmem:v1+s16+$0x0], $0xffff  }
0x18f: {  	v62 =	vadd.f32 v35, v62;
	v35 =	vld.idx.msk [tilespmem:v1+s19+$0x0], $0xffff  }
0x190: {  	v34 =	vor.u32 $0x26, v2;
	[tilespmem:$0x1FFC0] =	vst v9;
	v9 =	vld.idx.msk [tilespmem:v0+s19+$0x0], $0xffff;
	v8 =	vadd.f32 v5, v3  }
0x191: {  	v5 =	vadd.f32 v4, v24;
	v4 =	vadd.f32 v37, v25;
	v24 =	vld.idx.msk [tilespmem:v1+s17+$0x0], $0xffff  }
0x192: {  	v0 =	vmul.f32 $2.500000000e-01, v11;
	v11 =	vmul.f32 $7.500000000e-01, v62;
	v37 =	vld [tilespmem:$0x1FE70]  }
0x193: {  	v62 =	vld.idx.msk [tilespmem:v1+s20+$0x0], $0xffff;
	v25 =	vmul.f32 $2.500000000e-01, v45;
	v4 =	vmul.f32 $7.500000000e-01, v4  }
0x194: {  	[tilespmem:$0x1FFD0] =	vst v46;
	v46 =	vmul.f32 $7.500000000e-01, v6;
	v45 =	vld.idx.msk [tilespmem:v1+s18+$0x0], $0xffff  }
0x195: {  	v5 =	vmul.f32 $7.500000000e-01, v5;
	v6 =	vadd.f32 v4, v25;
	v4 =	vmul.f32 $2.500000000e-01, v48;
	v48 =	vld.idx.msk [tilespmem:v34+s17+$0x0], $0xffff  }
0x196: {  	[tilespmem:$0x1FFE0] =	vst v24;
	v24 =	vld [tilespmem:$0x1FE90]  }
0x197: {  	v7 =	vadd.f32 v5, v0;
	v5 =	vmul.f32 $2.500000000e-01, v37;
	v37 =	vld [tilespmem:$0x1FEA0]  }
0x198: {  	v3 =	vadd.f32 v11, v4;
	v4 =	vadd.f32 v13, v58;
	v58 =	vld.idx.msk [tilespmem:v34+s18+$0x0], $0xffff  }
0x199: {  	v13 =	vld.idx.msk [tilespmem:v34+s19+$0x0], $0xffff  }
0x19a: {  	v11 =	vld [tilespmem:$0x1FEB0]  }
0x19b: {  	v0 =	vadd.f32 v46, v5;
	v5 =	vadd.f32 v16, v63;
	v63 =	vld.idx.msk [tilespmem:v1+s21+$0x0], $0xffff  }
0x19c: {  	v16 =	vmul.f32 v6, v7;
	v6 =	vld [tilespmem:$0x1FE80]  }
0x19d: {  	v46 =	vld.idx.msk [tilespmem:v34+s16+$0x0], $0xffff;
	v7 =	vor.u32 $0x27, v2  }
0x19e: {  	v25 =	vmul.f32 $2.500000000e-01, v24;
	v24 =	vld.idx.msk [tilespmem:v34+s21+$0x0], $0xffff  }
0x19f: {  	v4 =	vmul.f32 $7.500000000e-01, v4;
	v1 =	vadd.f32 v16, v8;
	v16 =	vmul.f32 $2.500000000e-01, v11;
	v11 =	vld [tilespmem:$0x1FED0]  }
0x1a0: {  	v5 =	vmul.f32 $7.500000000e-01, v5;
	v8 =	vadd.f32 v59, v37;
	v59 =	vld [tilespmem:$0x1FEC0]  }
0x1a1: {  	v0 =	vmul.f32 v3, v0;
	v6 =	vmul.f32 $2.500000000e-01, v6;
	v4 =	vadd.f32 v4, v25;
	v25 =	vld.idx.msk [tilespmem:v34+s20+$0x0], $0xffff  }
0x1a2: {  	v34 =	vld.idx.msk [tilespmem:v7+s16+$0x0], $0xffff;
	v8 =	vmul.f32 $7.500000000e-01, v8  }
0x1a3: {  	v3 =	vadd.f32 v0, v1;
	v37 =	vld.idx.msk [tilespmem:v7+s17+$0x0], $0xffff;
	v6 =	vadd.f32 v5, v6  }
0x1a4: {  	v0 =	vor.u32 $0x28, v2;
	v8 =	vadd.f32 v8, v16;
	v16 =	vmul.f32 $2.500000000e-01, v11;
	v11 =	vld [tilespmem:$0x1FEE0]  }
0x1a5: {  	v27 =	vadd.f32 v27, v54;
	v54 =	vld.idx.msk [tilespmem:v7+s18+$0x0], $0xffff;
	v4 =	vmul.f32 v4, v6;
	v6 =	vadd.f32 v53, v56  }
0x1a6: {  	v5 =	vld [tilespmem:$0x1FEF0]  }
0x1a7: {  	v38 =	vadd.f32 v60, v38;
	v60 =	vmul.f32 $2.500000000e-01, v59;
	v59 =	vld.idx.msk [tilespmem:v7+s20+$0x0], $0xffff;
	v6 =	vmul.f32 $7.500000000e-01, v6  }
0x1a8: {  	v27 =	vmul.f32 $7.500000000e-01, v27;
	v56 =	vld.idx.msk [tilespmem:v7+s19+$0x0], $0xffff  }
0x1a9: {  	v38 =	vmul.f32 $7.500000000e-01, v38;
	v53 =	vld.idx.msk [tilespmem:v0+s16+$0x0], $0xffff;
	v6 =	vadd.f32 v6, v60;
	v1 =	vmul.f32 $2.500000000e-01, v11  }
0x1aa: {  	v3 =	vadd.f32 v4, v3;
	v60 =	vld.idx.msk [tilespmem:v7+s21+$0x0], $0xffff  }
0x1ab: {  	v11 =	vld [tilespmem:$0x1FF10];
	v4 =	vmul.f32 v6, v8;
	v6 =	vadd.f32 v38, v16;
	v1 =	vadd.f32 v27, v1  }
0x1ac: {  	v16 =	vld [tilespmem:$0x1FF00]  }
0x1ad: {  	v1 =	vmul.f32 v1, v6;
	v6 =	vmul.f32 $2.500000000e-01, v5;
	v5 =	vld [tilespmem:$0x1FF20]  }
0x1ae: {  	v7 =	vadd.f32 v28, v44;
	v38 =	vld.idx.msk [tilespmem:v0+s20+$0x0], $0xffff  }
0x1af: {  	v8 =	vor.u32 $0x29, v2;
	v27 =	vld.idx.msk [tilespmem:v0+s17+$0x0], $0xffff;
	v3 =	vadd.f32 v4, v3;
	v4 =	vadd.f32 v50, v33  }
0x1b0: {  	v7 =	vmul.f32 $7.500000000e-01, v7;
	v33 =	vld.idx.msk [tilespmem:v0+s18+$0x0], $0xffff  }
0x1b1: {  	v21 =	vadd.f32 v21, v30;
	v50 =	vld.idx.msk [tilespmem:v0+s19+$0x0], $0xffff;
	v4 =	vmul.f32 $7.500000000e-01, v4;
	v28 =	vmul.f32 $2.500000000e-01, v16  }
0x1b2: {  	v6 =	vadd.f32 v7, v6;
	v7 =	vadd.f32 v55, v36;
	v16 =	vmul.f32 $2.500000000e-01, v5;
	v5 =	vld [tilespmem:$0x1FF30]  }
0x1b3: {  	v44 =	vadd.f32 v1, v3;
	v36 =	vld.idx.msk [tilespmem:v0+s21+$0x0], $0xffff;
	v55 =	vadd.f32 v26, v39;
	v1 =	vor.u32 $0x2A, v2  }
0x1b4: {  	v26 =	vld.idx.msk [tilespmem:v8+s17+$0x0], $0xffff;
	v0 =	vadd.f32 v4, v28;
	v4 =	vmul.f32 $2.500000000e-01, v11;
	v7 =	vmul.f32 $7.500000000e-01, v7  }
0x1b5: {  	v30 =	vld.idx.msk [tilespmem:v8+s18+$0x0], $0xffff;
	v3 =	vmul.f32 $7.500000000e-01, v55;
	v11 =	vadd.f32 v18, v22  }
0x1b6: {  	v39 =	vmul.f32 $2.500000000e-01, v49;
	v28 =	vld.idx.msk [tilespmem:v8+s16+$0x0], $0xffff;
	v22 =	vmul.f32 $7.500000000e-01, v21;
	v4 =	vadd.f32 v7, v4  }
0x1b7: {  	v55 =	vld.idx.msk [tilespmem:v8+s19+$0x0], $0xffff;
	v3 =	vadd.f32 v3, v16;
	v16 =	vmul.f32 $7.500000000e-01, v11;
	v7 =	vmul.f32 $2.500000000e-01, v5  }
0x1b8: {  	v6 =	vmul.f32 v0, v6;
	v21 =	vld.idx.msk [tilespmem:v1+s16+$0x0], $0xffff  }
0x1b9: {  	v3 =	vmul.f32 v3, v4;
	v4 =	vadd.f32 v22, v7;
	v7 =	vadd.f32 v16, v39;
	v16 =	vld [tilespmem:$0x1FF40]  }
0x1ba: {  	v49 =	vld.idx.msk [tilespmem:v1+s17+$0x0], $0xffff;
	v6 =	vadd.f32 v6, v44  }
0x1bb: {  	v44 =	vld.idx.msk [tilespmem:v1+s19+$0x0], $0xffff  }
0x1bc: {  	v3 =	vadd.f32 v3, v6;
	v22 =	vld.idx.msk [tilespmem:v1+s18+$0x0], $0xffff;
	v4 =	vmul.f32 v7, v4  }
0x1bd: {  	v39 =	vld.idx.msk [tilespmem:v1+s20+$0x0], $0xffff  }
0x1be: {  	v5 =	vadd.f32 v4, v3;
	v4 =	vadd.f32 v32, v16;
	v32 =	vld.idx.msk [tilespmem:v1+s21+$0x0], $0xffff  }
0x1bf: {  	v1 =	vadd.f32 v40, v47;
	v40 =	vld [tilespmem:$0x1FF60]  }
0x1c0: {  	v18 =	vld.idx.msk [tilespmem:v8+s20+$0x0], $0xffff  }
0x1c1: {  	v11 =	vld.idx.msk [tilespmem:v8+s21+$0x0], $0xffff;
	v8 =	vor.u32 $0x2B, v2  }
0x1c2: {  	v16 =	vld [tilespmem:$0x1FF50]  }
0x1c3: {  	v57 =	vadd.f32 v57, v52;
	v52 =	vld [tilespmem:$0x1FFB0]  }
0x1c4: {  	v47 =	vmul.f32 $2.500000000e-01, v40;
	v40 =	vld [tilespmem:$0x1FF70]  }
0x1c5: {  	v63 =	vadd.f32 v63, v62;
	v62 =	vld [tilespmem:$0x1FFE0]  }
0x1c6: {  	v0 =	vor.u32 $0x2C, v2;
	v6 =	vadd.f32 v15, v20;
	v20 =	vld.idx.msk [tilespmem:v8+s16+$0x0], $0xffff;
	v1 =	vmul.f32 $7.500000000e-01, v1  }
0x1c7: {  	v15 =	vadd.f32 v17, v31;
	v17 =	vld.idx.msk [tilespmem:v8+s18+$0x0], $0xffff;
	v4 =	vmul.f32 $7.500000000e-01, v4;
	v7 =	vmul.f32 $2.500000000e-01, v16  }
0x1c8: {  	v1 =	vadd.f32 v1, v47;
	v47 =	vld [tilespmem:$0x1FF80]  }
0x1c9: {  	v31 =	vld.idx.msk [tilespmem:v8+s20+$0x0], $0xffff;
	v6 =	vmul.f32 $7.500000000e-01, v6;
	v4 =	vadd.f32 v4, v7;
	v7 =	vmul.f32 $2.500000000e-01, v40  }
0x1ca: {  	v16 =	vld.idx.msk [tilespmem:v8+s17+$0x0], $0xffff  }
0x1cb: {  	v6 =	vadd.f32 v6, v7;
	v7 =	vadd.f32 v14, v23;
	v23 =	vld [tilespmem:$0x1FF90]  }
0x1cc: {  	v1 =	vmul.f32 v1, v4;
	v4 =	vadd.f32 v12, v19;
	v12 =	vld.idx.msk [tilespmem:v0+s16+$0x0], $0xffff  }
0x1cd: {  	v15 =	vmul.f32 $7.500000000e-01, v15;
	v40 =	vld.idx.msk [tilespmem:v8+s19+$0x0], $0xffff;
	v3 =	vmul.f32 $2.500000000e-01, v47  }
0x1ce: {  	v47 =	vld.idx.msk [tilespmem:v8+s21+$0x0], $0xffff;
	v8 =	vmul.f32 $2.500000000e-01, v41;
	v41 =	vor.u32 $0x2D, v2  }
0x1cf: {  	v4 =	vmul.f32 $7.500000000e-01, v4;
	v14 =	vld.idx.msk [tilespmem:v0+s18+$0x0], $0xffff;
	v3 =	vadd.f32 v15, v3  }
0x1d0: {  	v7 =	vmul.f32 $7.500000000e-01, v7;
	v15 =	vld.idx.msk [tilespmem:v0+s17+$0x0], $0xffff;
	v19 =	vmul.f32 $2.500000000e-01, v23  }
0x1d1: {  	v1 =	vadd.f32 v1, v5;
	v3 =	vmul.f32 v3, v6;
	v6 =	vld [tilespmem:$0x1FFA0]  }
0x1d2: {  	v5 =	vadd.f32 v7, v8;
	v23 =	vld.idx.msk [tilespmem:v0+s19+$0x0], $0xffff;
	v4 =	vadd.f32 v4, v19  }
0x1d3: {  	v8 =	vld.idx.msk [tilespmem:v41+s17+$0x0], $0xffff  }
0x1d4: {  	v7 =	vadd.f32 v9, v42;
	v9 =	vld.idx.msk [tilespmem:v41+s18+$0x0], $0xffff;
	v4 =	vmul.f32 v4, v5;
	v5 =	vadd.f32 v10, v51  }
0x1d5: {  	v29 =	vadd.f32 v29, v43;
	v43 =	vld.idx.msk [tilespmem:v41+s19+$0x0], $0xffff;
	v1 =	vadd.f32 v3, v1;
	v3 =	vmul.f32 $7.500000000e-01, v57  }
0x1d6: {  	v57 =	vmul.f32 $2.500000000e-01, v52;
	v52 =	vld.idx.msk [tilespmem:v41+s20+$0x0], $0xffff;
	v5 =	vmul.f32 $7.500000000e-01, v5  }
0x1d7: {  	v42 =	vor.u32 $0x2E, v2;
	v19 =	vld.idx.msk [tilespmem:v0+s20+$0x0], $0xffff  }
0x1d8: {  	v6 =	vmul.f32 $2.500000000e-01, v6;
	v5 =	vadd.f32 v5, v57;
	v57 =	vld [tilespmem:$0x1FFC0]  }
0x1d9: {  	v0 =	vld.idx.msk [tilespmem:v0+s21+$0x0], $0xffff  }
0x1da: {  	v29 =	vmul.f32 $7.500000000e-01, v29;
	v24 =	vadd.f32 v24, v25;
	v10 =	vld.idx.msk [tilespmem:v41+s16+$0x0], $0xffff;
	v3 =	vadd.f32 v3, v6  }
0x1db: {  	v41 =	vld.idx.msk [tilespmem:v41+s21+$0x0], $0xffff;
	v6 =	vmul.f32 $2.500000000e-01, v61;
	v61 =	vadd.f32 v35, v45;
	v35 =	vor.u32 $0x2F, v2  }
0x1dc: {  	v48 =	vmul.f32 $2.500000000e-01, v48;
	v24 =	vmul.f32 $7.500000000e-01, v24;
	v25 =	vld.idx.msk [tilespmem:v42+s20+$0x0], $0xffff  }
0x1dd: {  	v7 =	vmul.f32 $7.500000000e-01, v7;
	v51 =	vmul.f32 $2.500000000e-01, v57;
	v57 =	vld [tilespmem:$0x1FFD0]  }
0x1de: {  	v24 =	vadd.f32 v24, v48;
	v1 =	vadd.f32 v4, v1;
	v4 =	vld.idx.msk [tilespmem:v42+s17+$0x0], $0xffff;
	v3 =	vmul.f32 v5, v3  }
0x1df: {  	v5 =	vadd.f32 v7, v6;
	v6 =	vld.idx.msk [tilespmem:v42+s16+$0x0], $0xffff;
	v7 =	vadd.f32 v29, v51  }
0x1e0: {  	v9 =	vadd.f32 v43, v9;
	v48 =	vld.idx.msk [tilespmem:v35+s19+$0x0], $0xffff;
	v1 =	vadd.f32 v3, v1;
	v3 =	vmul.f32 $7.500000000e-01, v63  }
0x1e1: {  	v29 =	vmul.f32 $7.500000000e-01, v61;
	v61 =	vadd.f32 v13, v58;
	v13 =	vld.idx.msk [tilespmem:v42+s19+$0x0], $0xffff;
	v5 =	vmul.f32 v7, v5  }
0x1e2: {  	v43 =	vor.u32 $0x35, v2;
	v7 =	vld.idx.msk [tilespmem:v42+s18+$0x0], $0xffff;
	v45 =	vmul.f32 $2.500000000e-01, v57;
	v57 =	vmul.f32 $2.500000000e-01, v62  }
0x1e3: {  	v63 =	vmul.f32 $2.500000000e-01, v46;
	v46 =	vld.idx.msk [tilespmem:v35+s18+$0x0], $0xffff  }
0x1e4: {  	v42 =	vld.idx.msk [tilespmem:v42+s21+$0x0], $0xffff;
	v29 =	vadd.f32 v29, v45;
	v62 =	vadd.f32 v3, v57  }
0x1e5: {  	v34 =	vmul.f32 $2.500000000e-01, v34;
	v5 =	vadd.f32 v5, v1;
	v1 =	vld.idx.msk [tilespmem:v35+s17+$0x0], $0xffff;
	v57 =	vor.u32 $0x30, v2  }
0x1e6: {  	v61 =	vmul.f32 $7.500000000e-01, v61;
	v3 =	vld.idx.msk [tilespmem:v35+s16+$0x0], $0xffff;
	v29 =	vmul.f32 v62, v29  }
0x1e7: {  	v37 =	vmul.f32 $2.500000000e-01, v37;
	v60 =	vadd.f32 v60, v59;
	v7 =	vadd.f32 v13, v7;
	v13 =	vld.idx.msk [tilespmem:v43+s16+$0x0], $0xffff  }
0x1e8: {  	v27 =	vmul.f32 $2.500000000e-01, v27;
	v45 =	vadd.f32 v61, v63;
	v5 =	vadd.f32 v29, v5;
	v29 =	vld.idx.msk [tilespmem:v35+s20+$0x0], $0xffff  }
0x1e9: {  	v26 =	vmul.f32 $2.500000000e-01, v26;
	v63 =	vadd.f32 v56, v54;
	v61 =	vor.u32 $0x31, v2;
	v35 =	vld.idx.msk [tilespmem:v35+s21+$0x0], $0xffff  }
0x1ea: {  	v36 =	vadd.f32 v36, v38;
	v54 =	vmul.f32 $7.500000000e-01, v60;
	v24 =	vmul.f32 v24, v45;
	v38 =	vld.idx.msk [tilespmem:v57+s18+$0x0], $0xffff  }
0x1eb: {  	v45 =	vmul.f32 $7.500000000e-01, v63;
	v62 =	vmul.f32 $2.500000000e-01, v53;
	v53 =	vld.idx.msk [tilespmem:v57+s19+$0x0], $0xffff  }
0x1ec: {  	v36 =	vmul.f32 $7.500000000e-01, v36;
	v30 =	vadd.f32 v55, v30;
	v37 =	vadd.f32 v54, v37;
	v54 =	vld.idx.msk [tilespmem:v57+s20+$0x0], $0xffff  }
0x1ed: {  	v28 =	vmul.f32 $2.500000000e-01, v28;
	v11 =	vadd.f32 v11, v18;
	v34 =	vadd.f32 v45, v34;
	v45 =	vld.idx.msk [tilespmem:v57+s21+$0x0], $0xffff  }
0x1ee: {  	v27 =	vadd.f32 v36, v27;
	v17 =	vadd.f32 v40, v17;
	v56 =	vor.u32 $0x33, v2;
	v18 =	vld.idx.msk [tilespmem:v61+s16+$0x0], $0xffff  }
0x1ef: {  	v30 =	vmul.f32 $7.500000000e-01, v30;
	v11 =	vmul.f32 $7.500000000e-01, v11;
	v31 =	vadd.f32 v47, v31;
	v36 =	vld.idx.msk [tilespmem:v61+s17+$0x0], $0xffff  }
0x1f0: {  	v20 =	vmul.f32 $2.500000000e-01, v20;
	v17 =	vmul.f32 $7.500000000e-01, v17;
	v55 =	vld.idx.msk [tilespmem:v61+s18+$0x0], $0xffff  }
0x1f1: {  	v11 =	vadd.f32 v11, v26;
	v16 =	vmul.f32 $2.500000000e-01, v16;
	v31 =	vmul.f32 $7.500000000e-01, v31;
	v26 =	vld.idx.msk [tilespmem:v61+s20+$0x0], $0xffff  }
0x1f2: {  	v28 =	vadd.f32 v30, v28;
	v17 =	vadd.f32 v17, v20;
	v30 =	vld.idx.msk [tilespmem:v61+s21+$0x0], $0xffff  }
0x1f3: {  	v16 =	vadd.f32 v31, v16;
	v14 =	vadd.f32 v23, v14;
	v20 =	vld.idx.msk [tilespmem:v56+s16+$0x0], $0xffff  }
0x1f4: {  	v33 =	vadd.f32 v50, v33;
	v12 =	vmul.f32 $2.500000000e-01, v12;
	v23 =	vld.idx.msk [tilespmem:v56+s17+$0x0], $0xffff  }
0x1f5: {  	v16 =	vmul.f32 v16, v17;
	v14 =	vmul.f32 $7.500000000e-01, v14;
	v17 =	vld.idx.msk [tilespmem:v56+s18+$0x0], $0xffff  }
0x1f6: {  	v33 =	vmul.f32 $7.500000000e-01, v33;
	v31 =	vld.idx.msk [tilespmem:v56+s20+$0x0], $0xffff  }
0x1f7: {  	v12 =	vadd.f32 v14, v12;
	v63 =	vor.u32 $0x32, v2;
	v14 =	vld.idx.msk [tilespmem:v56+s21+$0x0], $0xffff  }
0x1f8: {  	v33 =	vadd.f32 v33, v62;
	v58 =	vadd.f32 v24, v5;
	v24 =	vld.idx.msk [tilespmem:v57+s16+$0x0], $0xffff  }
0x1f9: {  	v5 =	vld.idx.msk [tilespmem:v57+s17+$0x0], $0xffff  }
0x1fa: {  	v27 =	vmul.f32 v27, v33;
	v33 =	vld.idx.msk [tilespmem:v61+s19+$0x0], $0xffff  }
0x1fb: {  	v34 =	vmul.f32 v37, v34;
	v37 =	vadd.f32 v41, v52;
	v52 =	vld.idx.msk [tilespmem:v43+s19+$0x0], $0xffff  }
0x1fc: {  	v0 =	vadd.f32 v0, v19;
	v51 =	vadd.f32 v32, v39;
	v32 =	vld.idx.msk [tilespmem:v63+s16+$0x0], $0xffff  }
0x1fd: {  	v62 =	vor.u32 $0x34, v2;
	v59 =	vld.idx.msk [tilespmem:v63+s19+$0x0], $0xffff  }
0x1fe: {  	v15 =	vmul.f32 $2.500000000e-01, v15;
	v0 =	vmul.f32 $7.500000000e-01, v0;
	v60 =	vld.idx.msk [tilespmem:v63+s20+$0x0], $0xffff  }
0x1ff: {  	v21 =	vmul.f32 $2.500000000e-01, v21;
	v22 =	vadd.f32 v44, v22;
	v9 =	vmul.f32 $7.500000000e-01, v9;
	v61 =	vld.idx.msk [tilespmem:v63+s21+$0x0], $0xffff  }
0x200: {  	v10 =	vmul.f32 $2.500000000e-01, v10;
	v0 =	vadd.f32 v0, v15;
	v34 =	vadd.f32 v34, v58;
	v58 =	vld.idx.msk [tilespmem:v63+s18+$0x0], $0xffff  }
0x201: {  	v22 =	vmul.f32 $7.500000000e-01, v22;
	v41 =	vmul.f32 $7.500000000e-01, v37;
	v37 =	vld.idx.msk [tilespmem:v43+s21+$0x0], $0xffff  }
0x202: {  	v11 =	vmul.f32 v11, v28;
	v9 =	vadd.f32 v9, v10;
	v0 =	vmul.f32 v0, v12;
	v10 =	vld.idx.msk [tilespmem:v62+s18+$0x0], $0xffff  }
0x203: {  	v21 =	vadd.f32 v22, v21;
	v6 =	vmul.f32 $2.500000000e-01, v6;
	v28 =	vmul.f32 $7.500000000e-01, v51;
	v12 =	vld.idx.msk [tilespmem:v62+s19+$0x0], $0xffff  }
0x204: {  	v50 =	vadd.f32 v48, v46;
	v51 =	vor.u32 $0x36, v2;
	v7 =	vmul.f32 $7.500000000e-01, v7;
	v47 =	vld.idx.msk [tilespmem:v62+s20+$0x0], $0xffff  }
0x205: {  	v48 =	vor.u32 $0x3A, v2;
	v3 =	vmul.f32 $2.500000000e-01, v3;
	v57 =	vmul.f32 $2.500000000e-01, v49;
	v49 =	vld.idx.msk [tilespmem:v62+s21+$0x0], $0xffff  }
0x206: {  	v6 =	vadd.f32 v7, v6;
	v7 =	vmul.f32 $7.500000000e-01, v50;
	v29 =	vadd.f32 v35, v29;
	v35 =	vld.idx.msk [tilespmem:v43+s18+$0x0], $0xffff  }
0x207: {  	v28 =	vadd.f32 v28, v57;
	v57 =	vor.u32 $0x38, v2;
	v27 =	vadd.f32 v27, v34;
	v34 =	vld.idx.msk [tilespmem:v63+s17+$0x0], $0xffff  }
0x208: {  	v8 =	vmul.f32 $2.500000000e-01, v8;
	v3 =	vadd.f32 v7, v3;
	v63 =	vld.idx.msk [tilespmem:v56+s19+$0x0], $0xffff  }
0x209: {  	v21 =	vmul.f32 v28, v21;
	v7 =	vadd.f32 v53, v38;
	v38 =	vld.idx.msk [tilespmem:v51+s17+$0x0], $0xffff;
	v11 =	vadd.f32 v11, v27  }
0x20a: {  	v8 =	vadd.f32 v41, v8;
	v41 =	vld.idx.msk [tilespmem:v51+s18+$0x0], $0xffff  }
0x20b: {  	v56 =	vadd.f32 v33, v55;
	v55 =	vld.idx.msk [tilespmem:v48+s17+$0x0], $0xffff;
	v11 =	vadd.f32 v21, v11  }
0x20c: {  	v22 =	vadd.f32 v59, v58;
	v58 =	vmul.f32 $2.500000000e-01, v36;
	v19 =	vld.idx.msk [tilespmem:v57+s17+$0x0], $0xffff  }
0x20d: {  	v36 =	vld.idx.msk [tilespmem:v57+s18+$0x0], $0xffff;
	v17 =	vadd.f32 v63, v17;
	v63 =	vor.u32 $0x39, v2;
	v11 =	vadd.f32 v16, v11  }
0x20e: {  	v40 =	vld.idx.msk [tilespmem:v57+s19+$0x0], $0xffff  }
0x20f: {  	v8 =	vmul.f32 v8, v9;
	v21 =	vld.idx.msk [tilespmem:v62+s16+$0x0], $0xffff;
	v0 =	vadd.f32 v0, v11  }
0x210: {  	v16 =	vld.idx.msk [tilespmem:v62+s17+$0x0], $0xffff  }
0x211: {  	v0 =	vadd.f32 v8, v0;
	v8 =	vadd.f32 v42, v25;
	v25 =	vld.idx.msk [tilespmem:v43+s17+$0x0], $0xffff  }
0x212: {  	v46 =	vld.idx.msk [tilespmem:v63+s16+$0x0], $0xffff  }
0x213: {  	v4 =	vmul.f32 $2.500000000e-01, v4;
	v9 =	vadd.f32 v49, v47;
	v47 =	vld.idx.msk [tilespmem:v63+s17+$0x0], $0xffff;
	v8 =	vmul.f32 $7.500000000e-01, v8  }
0x214: {  	v49 =	vld.idx.msk [tilespmem:v63+s18+$0x0], $0xffff  }
0x215: {  	v50 =	vld.idx.msk [tilespmem:v63+s19+$0x0], $0xffff;
	v4 =	vadd.f32 v8, v4  }
0x216: {  	v1 =	vmul.f32 $2.500000000e-01, v1;
	v24 =	vmul.f32 $2.500000000e-01, v24;
	v53 =	vld.idx.msk [tilespmem:v63+s21+$0x0], $0xffff  }
0x217: {  	v42 =	vmul.f32 $2.500000000e-01, v23;
	v23 =	vld.idx.msk [tilespmem:v48+s21+$0x0], $0xffff;
	v4 =	vmul.f32 v4, v6;
	v6 =	vadd.f32 v45, v54  }
0x218: {  	v5 =	vmul.f32 $2.500000000e-01, v5;
	v8 =	vmul.f32 $7.500000000e-01, v29;
	v29 =	vld.idx.msk [tilespmem:v43+s20+$0x0], $0xffff  }
0x219: {  	v7 =	vmul.f32 $7.500000000e-01, v7;
	v43 =	vld.idx.msk [tilespmem:v57+s20+$0x0], $0xffff;
	v6 =	vmul.f32 $7.500000000e-01, v6  }
0x21a: {  	v1 =	vadd.f32 v8, v1;
	v8 =	vld.idx.msk [tilespmem:v51+s16+$0x0], $0xffff;
	v0 =	vadd.f32 v4, v0  }
0x21b: {  	v54 =	vor.u32 $0x37, v2;
	v45 =	vld.idx.msk [tilespmem:v57+s21+$0x0], $0xffff;
	v4 =	vadd.f32 v7, v24;
	v5 =	vadd.f32 v6, v5  }
0x21c: {  	v1 =	vmul.f32 v1, v3;
	v3 =	vld.idx.msk [tilespmem:v51+s19+$0x0], $0xffff  }
0x21d: {  	v18 =	vmul.f32 $2.500000000e-01, v18;
	v7 =	vld.idx.msk [tilespmem:v51+s21+$0x0], $0xffff;
	v4 =	vmul.f32 v5, v4;
	v5 =	vadd.f32 v30, v26  }
0x21e: {  	v39 =	vmul.f32 $2.500000000e-01, v20;
	v27 =	vadd.f32 v61, v60;
	v59 =	vmul.f32 $2.500000000e-01, v32;
	v6 =	vld.idx.msk [tilespmem:v51+s20+$0x0], $0xffff  }
0x21f: {  	v0 =	vadd.f32 v1, v0;
	v1 =	vmul.f32 $7.500000000e-01, v56;
	v51 =	vld.idx.msk [tilespmem:v63+s20+$0x0], $0xffff;
	v5 =	vmul.f32 $7.500000000e-01, v5  }
0x220: {  	v27 =	vmul.f32 $7.500000000e-01, v27;
	v10 =	vadd.f32 v12, v10;
	v60 =	vmul.f32 $2.500000000e-01, v34;
	v24 =	vld.idx.msk [tilespmem:v54+s16+$0x0], $0xffff  }
0x221: {  	v22 =	vmul.f32 $7.500000000e-01, v22;
	v33 =	vld.idx.msk [tilespmem:v54+s18+$0x0], $0xffff;
	v1 =	vadd.f32 v1, v18;
	v5 =	vadd.f32 v5, v58  }
0x222: {  	v10 =	vmul.f32 $7.500000000e-01, v10;
	v9 =	vmul.f32 $7.500000000e-01, v9;
	v62 =	vadd.f32 v27, v60;
	v32 =	vld.idx.msk [tilespmem:v54+s19+$0x0], $0xffff  }
0x223: {  	v56 =	vor.u32 $0x3B, v2;
	v61 =	vld.idx.msk [tilespmem:v54+s20+$0x0], $0xffff;
	v1 =	vmul.f32 v5, v1;
	v5 =	vadd.f32 v22, v59  }
0x224: {  	v52 =	vadd.f32 v52, v35;
	v17 =	vmul.f32 $7.500000000e-01, v17;
	v44 =	vmul.f32 $2.500000000e-01, v21;
	v26 =	vld.idx.msk [tilespmem:v54+s17+$0x0], $0xffff  }
0x225: {  	v0 =	vadd.f32 v4, v0;
	v4 =	vld.idx.msk [tilespmem:v54+s21+$0x0], $0xffff;
	v30 =	vmul.f32 v62, v5;
	v5 =	vadd.f32 v14, v31  }
0x226: {  	v17 =	vadd.f32 v17, v39;
	v16 =	vmul.f32 $2.500000000e-01, v16;
	v3 =	vadd.f32 v3, v41;
	v54 =	vld.idx.msk [tilespmem:v48+s16+$0x0], $0xffff  }
0x227: {  	v10 =	vadd.f32 v10, v44;
	v6 =	vadd.f32 v7, v6;
	v7 =	vld.idx.msk [tilespmem:v48+s18+$0x0], $0xffff;
	v5 =	vmul.f32 $7.500000000e-01, v5  }
0x228: {  	v9 =	vadd.f32 v9, v16;
	v8 =	vmul.f32 $2.500000000e-01, v8;
	v3 =	vmul.f32 $7.500000000e-01, v3;
	v60 =	vld.idx.msk [tilespmem:v56+s16+$0x0], $0xffff  }
0x229: {  	v44 =	vor.u32 $0x3E, v2;
	v63 =	vld.idx.msk [tilespmem:v56+s18+$0x0], $0xffff;
	v0 =	vadd.f32 v1, v0;
	v5 =	vadd.f32 v5, v42  }
0x22a: {  	v3 =	vadd.f32 v3, v8;
	v8 =	vadd.f32 v32, v33;
	v33 =	vld.idx.msk [tilespmem:v56+s21+$0x0], $0xffff  }
0x22b: {  	v58 =	vmul.f32 $2.500000000e-01, v38;
	v22 =	vld.idx.msk [tilespmem:v57+s16+$0x0], $0xffff;
	v0 =	vadd.f32 v30, v0;
	v5 =	vmul.f32 v5, v17  }
0x22c: {  	v24 =	vmul.f32 $2.500000000e-01, v24;
	v6 =	vmul.f32 $7.500000000e-01, v6;
	v57 =	vld.idx.msk [tilespmem:v48+s19+$0x0], $0xffff;
	v62 =	vor.u32 $0x3C, v2  }
0x22d: {  	v59 =	vld.idx.msk [tilespmem:v48+s20+$0x0], $0xffff;
	v48 =	vmul.f32 $2.500000000e-01, v55;
	v0 =	vadd.f32 v5, v0;
	v5 =	vmul.f32 v9, v10  }
0x22e: {  	v55 =	vld.idx.msk [tilespmem:v44+s19+$0x0], $0xffff;
	v6 =	vadd.f32 v6, v58;
	v4 =	vadd.f32 v4, v61;
	v8 =	vmul.f32 $7.500000000e-01, v8  }
0x22f: {  	v13 =	vmul.f32 $2.500000000e-01, v13;
	v61 =	vld.idx.msk [tilespmem:v56+s17+$0x0], $0xffff;
	v0 =	vadd.f32 v5, v0;
	v5 =	vadd.f32 v37, v29  }
0x230: {  	v25 =	vmul.f32 $2.500000000e-01, v25;
	v3 =	vmul.f32 v6, v3;
	v6 =	vadd.f32 v8, v24;
	v8 =	vld.idx.msk [tilespmem:v56+s20+$0x0], $0xffff  }
0x231: {  	v35 =	vld.idx.msk [tilespmem:v62+s16+$0x0], $0xffff;
	v10 =	vmul.f32 $7.500000000e-01, v52;
	v5 =	vmul.f32 $7.500000000e-01, v5  }
0x232: {  	v26 =	vmul.f32 $2.500000000e-01, v26;
	v32 =	vadd.f32 v40, v36;
	v4 =	vmul.f32 $7.500000000e-01, v4;
	v36 =	vld.idx.msk [tilespmem:v62+s17+$0x0], $0xffff  }
0x233: {  	v38 =	vld.idx.msk [tilespmem:v62+s18+$0x0], $0xffff;
	v10 =	vadd.f32 v10, v13;
	v5 =	vadd.f32 v5, v25  }
0x234: {  	v4 =	vadd.f32 v4, v26;
	v40 =	vld.idx.msk [tilespmem:v62+s19+$0x0], $0xffff;
	v37 =	vor.u32 $0x3D, v2  }
0x235: {  	v19 =	vmul.f32 $2.500000000e-01, v19;
	v16 =	vadd.f32 v50, v49;
	v41 =	vld.idx.msk [tilespmem:v62+s20+$0x0], $0xffff;
	v5 =	vmul.f32 v5, v10  }
0x236: {  	v39 =	vmul.f32 $2.500000000e-01, v46;
	v4 =	vmul.f32 v4, v6;
	v6 =	vadd.f32 v45, v43;
	v52 =	vld.idx.msk [tilespmem:v44+s16+$0x0], $0xffff  }
0x237: {  	v16 =	vmul.f32 $7.500000000e-01, v16;
	v9 =	vadd.f32 v53, v51;
	v53 =	vld.idx.msk [tilespmem:v44+s17+$0x0], $0xffff;
	v0 =	vadd.f32 v5, v0  }
0x238: {  	v46 =	vmul.f32 $2.500000000e-01, v54;
	v34 =	vmul.f32 $2.500000000e-01, v22;
	v7 =	vadd.f32 v57, v7;
	v13 =	vld.idx.msk [tilespmem:v44+s21+$0x0], $0xffff  }
0x239: {  	v6 =	vmul.f32 $7.500000000e-01, v6;
	v42 =	vld.idx.msk [tilespmem:v37+s16+$0x0], $0xffff;
	v0 =	vadd.f32 v3, v0;
	v3 =	vmul.f32 $7.500000000e-01, v32  }
0x23a: {  	v45 =	vadd.f32 v23, v59;
	v7 =	vmul.f32 $7.500000000e-01, v7;
	v8 =	vadd.f32 v33, v8;
	v5 =	vld.idx.msk [tilespmem:v56+s19+$0x0], $0xffff  }
0x23b: {  	v1 =	vmul.f32 $2.500000000e-01, v47;
	v6 =	vadd.f32 v6, v19;
	v49 =	vld.idx.msk [tilespmem:v37+s20+$0x0], $0xffff;
	v3 =	vadd.f32 v3, v34  }
0x23c: {  	v7 =	vadd.f32 v7, v46;
	v9 =	vmul.f32 $7.500000000e-01, v9;
	v2 =	vor.u32 $0x3F, v2;
	v50 =	vld.idx.msk [tilespmem:v37+s21+$0x0], $0xffff  }
0x23d: {  	v51 =	vmul.f32 $2.500000000e-01, v61;
	v0 =	vadd.f32 v4, v0;
	v4 =	vld.idx.msk [tilespmem:v62+s21+$0x0], $0xffff;
	v3 =	vmul.f32 v6, v3  }
0x23e: {  	v8 =	vmul.f32 $7.500000000e-01, v8;
	v1 =	vadd.f32 v9, v1;
	v43 =	vld.idx.msk [tilespmem:v37+s17+$0x0], $0xffff;
	v6 =	vadd.f32 v16, v39  }
0x23f: {  	v47 =	vld.idx.msk [tilespmem:v37+s19+$0x0], $0xffff;
	v5 =	vadd.f32 v5, v63;
	v0 =	vadd.f32 v3, v0;
	v3 =	vmul.f32 $7.500000000e-01, v45  }
0x240: {  	v54 =	vadd.f32 v40, v38;
	v57 =	vmul.f32 $2.500000000e-01, v36;
	v1 =	vmul.f32 v1, v6;
	v6 =	vld.idx.msk [tilespmem:v37+s18+$0x0], $0xffff  }
0x241: {  	v58 =	vld.idx.msk [tilespmem:v2+s18+$0x0], $0xffff;
	v10 =	vmul.f32 $2.500000000e-01, v60;
	v5 =	vmul.f32 $7.500000000e-01, v5;
	v3 =	vadd.f32 v3, v48  }
0x242: {  	v61 =	vld.idx.msk [tilespmem:v2+s21+$0x0], $0xffff;
	v12 =	vadd.f32 v50, v49;
	v9 =	vmul.f32 $2.500000000e-01, v42;
	v4 =	vadd.f32 v4, v41  }
0x243: {  	v5 =	vadd.f32 v5, v10;
	v3 =	vmul.f32 v3, v7;
	v7 =	vadd.f32 v8, v51;
	v8 =	vld.idx.msk [tilespmem:v44+s18+$0x0], $0xffff  }
0x244: {  	v60 =	vld.idx.msk [tilespmem:v2+s20+$0x0], $0xffff;
	v10 =	vmul.f32 $7.500000000e-01, v54;
	v0 =	vadd.f32 v1, v0;
	v4 =	vmul.f32 $7.500000000e-01, v4  }
0x245: {  	v6 =	vadd.f32 v47, v6;
	v56 =	vmul.f32 v7, v5;
	v5 =	vld.idx.msk [tilespmem:v44+s20+$0x0], $0xffff;
	v7 =	vmul.f32 $2.500000000e-01, v35  }
0x246: {  	v59 =	vld.idx.msk [tilespmem:v2+s19+$0x0], $0xffff;
	v11 =	vmul.f32 $2.500000000e-01, v43;
	v12 =	vmul.f32 $7.500000000e-01, v12;
	v0 =	vadd.f32 v3, v0  }
0x247: {  	v62 =	vld.idx.msk [tilespmem:v2+s16+$0x0], $0xffff;
	v4 =	vadd.f32 v4, v57;
	v6 =	vmul.f32 $7.500000000e-01, v6;
	v7 =	vadd.f32 v10, v7  }
0x248: {  	v2 =	vld.idx.msk [tilespmem:v2+s17+$0x0], $0xffff;
	v0 =	vadd.f32 v56, v0;
	v8 =	vadd.f32 v55, v8  }
0x249: {  	v6 =	vadd.f32 v6, v9;
	v4 =	vmul.f32 v4, v7;
	v7 =	vadd.f32 v12, v11  }
0x24a: {  	v3 =	vadd.f32 v61, v60;
	v5 =	vadd.f32 v13, v5;
	v8 =	vmul.f32 $7.500000000e-01, v8  }
0x24b: {  	v0 =	vadd.f32 v4, v0;
	v4 =	vmul.f32 v7, v6;
	v7 =	vmul.f32 $2.500000000e-01, v52  }
0x24c: {  	v1 =	vmul.f32 $2.500000000e-01, v53;
	v6 =	vadd.f32 v59, v58;
	v5 =	vmul.f32 $7.500000000e-01, v5  }
0x24d: {  	v2 =	vmul.f32 $2.500000000e-01, v2;
	v3 =	vmul.f32 $7.500000000e-01, v3;
	v7 =	vadd.f32 v8, v7  }
0x24e: {  	v8 =	vmul.f32 $2.500000000e-01, v62;
	v6 =	vmul.f32 $7.500000000e-01, v6;
	v1 =	vadd.f32 v5, v1  }
0x24f: {  	v2 =	vadd.f32 v3, v2  }
0x250: {  	v0 =	vadd.f32 v4, v0;
	v4 =	vadd.f32 v6, v8;
	v1 =	vmul.f32 v1, v7  }
0x251: {  	p0 =	sne.s32 s26, $0x70  }
.Ltmp0:
0x252: {  	v63 =	vmul.f32 v2, v4;
	v0 =	vadd.f32 v1, v0;
	(pc) =	sbr.rel @p0 .LBB2_2-.Ltmp0, $3  }
0x253: {  	_ = 	snop  }
0x254: {  	v0 =	vadd.f32 v63, v0;
	_ =	sdelay $0x1  }
0x255: {  	s26 =	sadd.s32 $0x10, s26;
	v6 =	vld [tilespmem:$0x1FFF0];
	[tilespmem:s25+$0x0] =	vst v0;
	s25 =	sadd.s32 $0x10, s25  }
0x256: {  	s24 =	sadd.s32 $0x1, s24  }
0x257: {  	p0 =	sne.s32 s24, s11  }
.Ltmp1:
0x258: {  	_ = 	snop;
	(pc) =	sbr.rel @p0 .LBB2_1-.Ltmp1, $4  }
0x259: {  	[hbm4b:s10+s1] =	stream.linear.scatter [tilespmem:s23], [sflag:$0x2], $0x80, $0x38;
	[tilespmem:$0xC280] =	vst v63  }
0x25a: {  	_ =	swait.ge [sflag:s12], $0x80  }
0x25b: {  	[sflag:s12] =	ssyncset.done $0x0  }
0x25c: {  	[sflag:s12] =	ssyncadd.s32 $0xFFFFFF80  }
0x25d: {  	_ =	sfence.sel $0x180000  }
0x25e: {  	[bflag:$0x0] =	sbarrier.arrive $0xFFFF  }
0x25f: {  	p0 =	sne.s32 s2, $0x0;
	_ =	strace $0x9000004A  }
0x260: {  	s0 =	sadd.s32 @!p0 $0x100000, s0;
	[bflag:$0x2] =	sbarrier.arrive $0xFFFF  }
0x261: {  	[sflag:s0] =	ssyncadd.tile.s32 @!p0 $0x1;
	_ =	shalt  }
.Lfunc_end2:
_tile_overlayer_lowered:
.L_overlay_start_2:
0x262: {  	(tag) =	ssettag $0x2  }
0x263: {  	s0 =	rddreg [dreg:$0x0];
	s2 =	stileid.u32  }
0x264: {  	s1 =	rddreg [dreg:$0x1];
	p0 =	sne.s32 s2, $0x0  }
0x265: {  	s3 =	rddreg [dreg:$0x2];
	[bflag:$0x3] =	sbarrier.arrive $0xFFFF;
	s2 =	simm.s32 @!p0 $0x1C02  }
0x266: {  	[timem:s3], [sflag:s2] =	dma.local @!p0 [hbm:s0], s1  }
0x267: {  	s0 =	simm.s32 @!p0 $0x2  }
0x268: {  	_ =	swait.ge @!p0 [sflag:s0], s1  }
0x269: {  	s1 =	ssub.s32 @!p0 $0x0, s1;
	[sflag:s0] =	ssyncset.done @!p0 $0x0  }
0x26a: {  	[sflag:s0] =	ssyncadd.s32 @!p0 s1  }
0x26b: {  	[bflag:$0x3] =	sbarrier.arrive $0xFFFF  }
0x26c: {  	_ =	shalt  }

</sc_bundles>
